<compile_context>
chip_gen: v7x
topology: tpu7x:2x2x1
jax: 0.10.2.dev20260603
libtpu: 0.0.44.dev20260713+nightly
codegen_flags: <defaults>
</compile_context>

<pallas_src>
import functools

import jax
import jax.numpy as jnp
from jax import lax
from jax.experimental import pallas as pl
from jax.experimental.pallas import tpu as pltpu
from jax.experimental.pallas import tpu_sc as plsc

B, S, F = 4096, 200, 27
N_CAT, E = 1000, 32
OUT_F = E + (F - 1)
L = 16
NC, NS = 2, 16
NW = NC * NS
RU = 8
QB = B // 4
UNITS = S // RU
GPB = RU * QB // L
GU = 4
NREM = (F - 1) * UNITS * 4
RPB = 3
EXP_BIAS = 0x4B000000


def _build_sc_call():
    mesh = plsc.VectorSubcoreMesh(core_axis_name="c", subcore_axis_name="s")

    @functools.partial(
        pl.kernel,
        mesh=mesh,
        compiler_params=pltpu.CompilerParams(needs_layout_passes=False),
        out_type=jax.ShapeDtypeStruct((OUT_F, S, B), jnp.float32),
        scratch_types=[
            pltpu.VMEM((E * N_CAT,), jnp.float32),
            [pltpu.VMEM((RU, QB), jnp.float32)] * 2,
            [[pltpu.VMEM((RU, QB), jnp.float32)] * 4] * 2,
            [pltpu.VMEM((RU, QB), jnp.float32)] * 2,
            pltpu.SemaphoreType.DMA,
            [pltpu.SemaphoreType.DMA] * 2,
            [pltpu.SemaphoreType.DMA] * 2,
            [pltpu.SemaphoreType.DMA] * 2,
            [pltpu.SemaphoreType.DMA] * 2,
        ],
    )
    def sc_fn(in_hbm, tab_hbm, out_hbm, tab_v, xs, outs, rems,
              sem_t, sem_x, sem_o, sem_rl, sem_rs):
        wid = lax.axis_index("s") * NC + lax.axis_index("c")
        a4 = (wid // 4) * 4
        lh = (wid % 4) * QB
        dks = [a4 * N_CAT - EXP_BIAS + i * N_CAT for i in range(4)]
        rem0 = wid * NREM // NW
        nrem = (wid + 1) * NREM // NW - rem0

        def x_slice(u):
            return in_hbm.at[0, pl.ds(pl.multiple_of(u * RU, RU), RU),
                             pl.ds(pl.multiple_of(lh, QB), QB)]

        def out_slice(d_off, u):
            return out_hbm.at[a4 + d_off,
                              pl.ds(pl.multiple_of(u * RU, RU), RU),
                              pl.ds(pl.multiple_of(lh, QB), QB)]

        def rem_slices(j):
            k = rem0 + j
            p = 1 + k // (4 * UNITS)
            q = k % (4 * UNITS)
            s0 = pl.multiple_of((q // 4) * RU, RU)
            lo = pl.multiple_of((q % 4) * QB, QB)
            return (in_hbm.at[p, pl.ds(s0, RU), pl.ds(lo, QB)],
                    out_hbm.at[p + E - 1, pl.ds(s0, RU), pl.ds(lo, QB)])

        def wait_load(buf, sem):
            pltpu.make_async_copy(x_slice(0), buf, sem).wait()

        def drain_store(buf, sem):
            pltpu.make_async_copy(buf, out_slice(0, 0), sem).wait()

        def rem_load(j, rb):
            src, _ = rem_slices(j)
            pltpu.async_copy(src, rems[rb], sem_rl[rb])

        def rem_step(j, rb):
            wait_load(rems[rb], sem_rl[rb])
            _, dst = rem_slices(j)
            pltpu.async_copy(rems[rb], dst, sem_rs[rb])
            @pl.when(j >= 1)
            def _():
                drain_store(rems[rb ^ 1], sem_rs[rb ^ 1])
            rem_load(j + 1, rb ^ 1)

        def compute4(x_b, o_bufs):
            @plsc.parallel_loop(0, GPB, 1, unroll=GU)
            def _body(g):
                r = g // (QB // L)
                l0 = pl.multiple_of((g % (QB // L)) * L, L)
                x = x_b[r, pl.ds(l0, L)]
                t = x * 255.0 + 8388608.0
                bits = plsc.bitcast(t, jnp.int32)
                for o, dk in zip(o_bufs, dks):
                    o[r, pl.ds(l0, L)] = plsc.load_gather(tab_v, [bits + dk])

        pltpu.async_copy(tab_hbm, tab_v, sem_t)
        pltpu.async_copy(x_slice(0), xs[0], sem_x[0])
        pltpu.async_copy(x_slice(1), xs[1], sem_x[1])
        rem_load(jnp.int32(0), 0)
        pltpu.make_async_copy(tab_hbm, tab_v, sem_t).wait()

        def emb_unit(u, sub):
            wait_load(xs[sub], sem_x[sub])

            @pl.when(u >= 2)
            def _():
                for o in outs[sub]:
                    drain_store(o, sem_o[sub])
            compute4(xs[sub], outs[sub])
            for d_off, o in enumerate(outs[sub]):
                pltpu.async_copy(o, out_slice(d_off, u), sem_o[sub])

            @pl.when(u + 2 < UNITS)
            def _():
                pltpu.async_copy(x_slice(u + 2), xs[sub], sem_x[sub])

        def step(p, carry):
            for sub in (0, 1):
                u = 2 * p + sub
                emb_unit(u, sub)
                for t in range(RPB):
                    rem_step(RPB * u + t, (sub + t) % 2)
            return carry

        lax.fori_loop(0, (UNITS - 1) // 2, step, 0)
        emb_unit(UNITS - 1, 0)
        for t in range(RPB):
            rem_step(RPB * (UNITS - 1) + t, t % 2)
        for j in range(RPB * UNITS, RPB * UNITS + 7):
            rb = j % 2

            @pl.when(j < nrem)
            def _(j=j, rb=rb):
                wait_load(rems[rb], sem_rl[rb])
                _, dst = rem_slices(j)
                pltpu.async_copy(rems[rb], dst, sem_rs[rb])

            @pl.when(j + 1 < nrem)
            def _(j=j, rb=rb):
                drain_store(rems[rb ^ 1], sem_rs[rb ^ 1])
                rem_load(j + 1, rb ^ 1)
        for o in outs[0]:
            drain_store(o, sem_o[0])
        for o in outs[1]:
            drain_store(o, sem_o[1])
        drain_store(rems[0], sem_rs[0])
        drain_store(rems[1], sem_rs[1])

    return sc_fn


_sc_call = _build_sc_call()


def kernel(inputs, table):
    in_pm = inputs.transpose(2, 1, 0)
    tab_dm = table.transpose(1, 0).reshape(E * N_CAT)
    out_pm = _sc_call(in_pm, tab_dm)
    return out_pm.transpose(2, 1, 0)

# --- scband reference (transcript-rebuilt; emitter-appended) ---
"""Pipeline reference for scband-embed-and-concat-layer-47253230190812 (READ-ONLY COPY).

The authoritative reference and input builder live on the scoring server;
editing this copy changes nothing except your own understanding.
"""

import jax, jax.numpy as jnp
import numpy as np

NUM_CATEGORIES = 1000
EMBED_DIM = 32
BATCH = 4096
SEQ = 200
NFEAT = 27

def setup_inputs(seed: int = 0) -> dict:
    key = jax.random.key(seed)
    k1, k2 = jax.random.split(key)
    inputs = jax.random.uniform(k1, (BATCH, SEQ, NFEAT), dtype=jnp.float32)
    # learned embedding table (Keras Embedding default uniform init)
    table = jax.random.uniform(k2, (NUM_CATEGORIES, EMBED_DIM), dtype=jnp.float32, minval=-0.05, maxval=0.05)
    return {"inputs": inputs, "table": table}

def reference(inputs, table):
    # first feature -> integer index via round(x * 255)
    first_feature = inputs[:, :, 0]
    idx = jnp.round(first_feature * 255.0).astype(jnp.int32)
    # embedding lookup (gather)
    embedded = jnp.take(table, idx, axis=0)  # [B, S, EMBED_DIM]
    remaining = inputs[:, :, 1:]             # [B, S, NFEAT-1]
    return jnp.concatenate([embedded, remaining], axis=-1)

if __name__ == "__main__":
    import jax
    _d = setup_inputs()
    print(jax.jit(kernel)(*tuple(_d.values())))

</pallas_src>

<mosaic_0001>
#map = affine_map<(d0, d1) -> (0, 0, 0)>
#map1 = affine_map<(d0, d1) -> (0)>
module attributes {stable_mosaic.version = 14 : i64} {
  func.func @sc_fn(%arg0: i32, %arg1: i32, %arg2: memref<27x200x4096xf32, #tpu.memory_space<hbm>>, %arg3: memref<32000xf32, #tpu.memory_space<hbm>>, %arg4: memref<58x200x4096xf32, #tpu.memory_space<hbm>>, %arg5: memref<32000xf32, #tpu.memory_space<vmem>>, %arg6: memref<8x1024xf32, #tpu.memory_space<vmem>>, %arg7: memref<8x1024xf32, #tpu.memory_space<vmem>>, %arg8: memref<8x1024xf32, #tpu.memory_space<vmem>>, %arg9: memref<8x1024xf32, #tpu.memory_space<vmem>>, %arg10: memref<8x1024xf32, #tpu.memory_space<vmem>>, %arg11: memref<8x1024xf32, #tpu.memory_space<vmem>>, %arg12: memref<8x1024xf32, #tpu.memory_space<vmem>>, %arg13: memref<8x1024xf32, #tpu.memory_space<vmem>>, %arg14: memref<8x1024xf32, #tpu.memory_space<vmem>>, %arg15: memref<8x1024xf32, #tpu.memory_space<vmem>>, %arg16: memref<8x1024xf32, #tpu.memory_space<vmem>>, %arg17: memref<8x1024xf32, #tpu.memory_space<vmem>>, %arg18: memref<!tpu.dma_semaphore, #tpu.memory_space<semaphore_mem>>, %arg19: memref<!tpu.dma_semaphore, #tpu.memory_space<semaphore_mem>>, %arg20: memref<!tpu.dma_semaphore, #tpu.memory_space<semaphore_mem>>, %arg21: memref<!tpu.dma_semaphore, #tpu.memory_space<semaphore_mem>>, %arg22: memref<!tpu.dma_semaphore, #tpu.memory_space<semaphore_mem>>, %arg23: memref<!tpu.dma_semaphore, #tpu.memory_space<semaphore_mem>>, %arg24: memref<!tpu.dma_semaphore, #tpu.memory_space<semaphore_mem>>, %arg25: memref<!tpu.dma_semaphore, #tpu.memory_space<semaphore_mem>>, %arg26: memref<!tpu.dma_semaphore, #tpu.memory_space<semaphore_mem>>) attributes {dimension_semantics = [#tpu.dimension_semantics<core_parallel>, #tpu.dimension_semantics<subcore_parallel>], iteration_bounds = array<i64: 2, 16>, scalar_prefetch = 0 : i64, scratch_operands = 22 : i64, tpu.core_type = #tpu.core_type<sc_vector_subcore>, window_params = [{transform_indices = #map}, {transform_indices = #map1}, {transform_indices = #map}]} {
    %mul3A = arith.constant 2 : i32
    %mul3A_0 = arith.muli %arg1, %mul3A : i32
    %add3A = arith.addi %mul3A_0, %arg0 : i32
    %jit3A = arith.constant 4 : i32
    %div3A = arith.divsi %add3A, %jit3A : i32
    %sign3A = arith.constant 0 : i32
    %sign3A_1 = arith.cmpi sgt, %add3A, %sign3A : i32
    %sign3A_2 = arith.extui %sign3A_1 : i1 to i32
    %sign3A_3 = arith.constant 0 : i32
    %sign3A_4 = arith.cmpi slt, %add3A, %sign3A_3 : i32
    %sign3A_5 = arith.extui %sign3A_4 : i1 to i32
    %sign3A_6 = arith.subi %sign3A_2, %sign3A_5 : i32
    %sign3A_7 = arith.constant 0 : i32
    %sign3A_8 = arith.cmpi sgt, %jit3A, %sign3A_7 : i32
    %sign3A_9 = arith.extui %sign3A_8 : i1 to i32
    %sign3A_10 = arith.constant 0 : i32
    %sign3A_11 = arith.cmpi slt, %jit3A, %sign3A_10 : i32
    %sign3A_12 = arith.extui %sign3A_11 : i1 to i32
    %sign3A_13 = arith.subi %sign3A_9, %sign3A_12 : i32
    %ne3A = arith.cmpi ne, %sign3A_6, %sign3A_13 : i32
    %rem3A = arith.remsi %add3A, %jit3A : i32
    %ne3A_14 = arith.constant 0 : i32
    %ne3A_15 = arith.cmpi ne, %rem3A, %ne3A_14 : i32
    %and3A = arith.andi %ne3A, %ne3A_15 : i1
    %sub3A = arith.constant 1 : i32
    %sub3A_16 = arith.subi %div3A, %sub3A : i32
    %select_n3A = arith.select %and3A, %sub3A_16, %div3A : i32
    %mul3A_17 = arith.constant 4 : i32
    %mul3A_18 = arith.muli %select_n3A, %mul3A_17 : i32
    %jit3A_19 = arith.constant 4 : i32
    %eq3A = arith.constant 0 : i32
    %eq3A_20 = arith.cmpi eq, %jit3A_19, %eq3A : i32
    %jit3A_21 = arith.constant 1 : i32
    %select_n3A_22 = arith.select %eq3A_20, %jit3A_21, %jit3A_19 : i32
    %rem3A_23 = arith.remsi %add3A, %select_n3A_22 : i32
    %ne3A_24 = arith.constant 0 : i32
    %ne3A_25 = arith.cmpi ne, %rem3A_23, %ne3A_24 : i32
    %lt3A = arith.constant 0 : i32
    %lt3A_26 = arith.cmpi slt, %rem3A_23, %lt3A : i32
    %lt3A_27 = arith.constant 0 : i32
    %lt3A_28 = arith.cmpi slt, %select_n3A_22, %lt3A_27 : i32
    %ne3A_29 = arith.xori %lt3A_26, %lt3A_28 : i1
    %and3A_30 = arith.andi %ne3A_29, %ne3A_25 : i1
    %add3A_31 = arith.addi %rem3A_23, %select_n3A_22 : i32
    %select_n3A_32 = arith.select %and3A_30, %add3A_31, %rem3A_23 : i32
    %mul3A_33 = arith.constant 1024 : i32
    %mul3A_34 = arith.muli %select_n3A_32, %mul3A_33 : i32
    %mul3A_35 = arith.constant 1000 : i32
    %mul3A_36 = arith.muli %mul3A_18, %mul3A_35 : i32
    %sub3A_37 = arith.constant 1258291200 : i32
    %sub3A_38 = arith.subi %mul3A_36, %sub3A_37 : i32
    %add3A_39 = arith.constant 0 : i32
    %add3A_40 = arith.addi %sub3A_38, %add3A_39 : i32
    %mul3A_41 = arith.constant 1000 : i32
    %mul3A_42 = arith.muli %mul3A_18, %mul3A_41 : i32
    %sub3A_43 = arith.constant 1258291200 : i32
    %sub3A_44 = arith.subi %mul3A_42, %sub3A_43 : i32
    %add3A_45 = arith.constant 1000 : i32
    %add3A_46 = arith.addi %sub3A_44, %add3A_45 : i32
    %mul3A_47 = arith.constant 1000 : i32
    %mul3A_48 = arith.muli %mul3A_18, %mul3A_47 : i32
    %sub3A_49 = arith.constant 1258291200 : i32
    %sub3A_50 = arith.subi %mul3A_48, %sub3A_49 : i32
    %add3A_51 = arith.constant 2000 : i32
    %add3A_52 = arith.addi %sub3A_50, %add3A_51 : i32
    %mul3A_53 = arith.constant 1000 : i32
    %mul3A_54 = arith.muli %mul3A_18, %mul3A_53 : i32
    %sub3A_55 = arith.constant 1258291200 : i32
    %sub3A_56 = arith.subi %mul3A_54, %sub3A_55 : i32
    %add3A_57 = arith.constant 3000 : i32
    %add3A_58 = arith.addi %sub3A_56, %add3A_57 : i32
    %mul3A_59 = arith.constant 2600 : i32
    %mul3A_60 = arith.muli %add3A, %mul3A_59 : i32
    %jit3A_61 = arith.constant 32 : i32
    %div3A_62 = arith.divsi %mul3A_60, %jit3A_61 : i32
    %sign3A_63 = arith.constant 0 : i32
    %sign3A_64 = arith.cmpi sgt, %mul3A_60, %sign3A_63 : i32
    %sign3A_65 = arith.extui %sign3A_64 : i1 to i32
    %sign3A_66 = arith.constant 0 : i32
    %sign3A_67 = arith.cmpi slt, %mul3A_60, %sign3A_66 : i32
    %sign3A_68 = arith.extui %sign3A_67 : i1 to i32
    %sign3A_69 = arith.subi %sign3A_65, %sign3A_68 : i32
    %sign3A_70 = arith.constant 0 : i32
    %sign3A_71 = arith.cmpi sgt, %jit3A_61, %sign3A_70 : i32
    %sign3A_72 = arith.extui %sign3A_71 : i1 to i32
    %sign3A_73 = arith.constant 0 : i32
    %sign3A_74 = arith.cmpi slt, %jit3A_61, %sign3A_73 : i32
    %sign3A_75 = arith.extui %sign3A_74 : i1 to i32
    %sign3A_76 = arith.subi %sign3A_72, %sign3A_75 : i32
    %ne3A_77 = arith.cmpi ne, %sign3A_69, %sign3A_76 : i32
    %rem3A_78 = arith.remsi %mul3A_60, %jit3A_61 : i32
    %ne3A_79 = arith.constant 0 : i32
    %ne3A_80 = arith.cmpi ne, %rem3A_78, %ne3A_79 : i32
    %and3A_81 = arith.andi %ne3A_77, %ne3A_80 : i1
    %sub3A_82 = arith.constant 1 : i32
    %sub3A_83 = arith.subi %div3A_62, %sub3A_82 : i32
    %select_n3A_84 = arith.select %and3A_81, %sub3A_83, %div3A_62 : i32
    %add3A_85 = arith.constant 1 : i32
    %add3A_86 = arith.addi %add3A, %add3A_85 : i32
    %mul3A_87 = arith.constant 2600 : i32
    %mul3A_88 = arith.muli %add3A_86, %mul3A_87 : i32
    %jit3A_89 = arith.constant 32 : i32
    %div3A_90 = arith.divsi %mul3A_88, %jit3A_89 : i32
    %sign3A_91 = arith.constant 0 : i32
    %sign3A_92 = arith.cmpi sgt, %mul3A_88, %sign3A_91 : i32
    %sign3A_93 = arith.extui %sign3A_92 : i1 to i32
    %sign3A_94 = arith.constant 0 : i32
    %sign3A_95 = arith.cmpi slt, %mul3A_88, %sign3A_94 : i32
    %sign3A_96 = arith.extui %sign3A_95 : i1 to i32
    %sign3A_97 = arith.subi %sign3A_93, %sign3A_96 : i32
    %sign3A_98 = arith.constant 0 : i32
    %sign3A_99 = arith.cmpi sgt, %jit3A_89, %sign3A_98 : i32
    %sign3A_100 = arith.extui %sign3A_99 : i1 to i32
    %sign3A_101 = arith.constant 0 : i32
    %sign3A_102 = arith.cmpi slt, %jit3A_89, %sign3A_101 : i32
    %sign3A_103 = arith.extui %sign3A_102 : i1 to i32
    %sign3A_104 = arith.subi %sign3A_100, %sign3A_103 : i32
    %ne3A_105 = arith.cmpi ne, %sign3A_97, %sign3A_104 : i32
    %rem3A_106 = arith.remsi %mul3A_88, %jit3A_89 : i32
    %ne3A_107 = arith.constant 0 : i32
    %ne3A_108 = arith.cmpi ne, %rem3A_106, %ne3A_107 : i32
    %and3A_109 = arith.andi %ne3A_105, %ne3A_108 : i1
    %sub3A_110 = arith.constant 1 : i32
    %sub3A_111 = arith.subi %div3A_90, %sub3A_110 : i32
    %select_n3A_112 = arith.select %and3A_109, %sub3A_111, %div3A_90 : i32
    %sub3A_113 = arith.subi %select_n3A_112, %select_n3A_84 : i32
    tpu.enqueue_dma source(%arg3 : memref<32000xf32, #tpu.memory_space<hbm>>) target(%arg5 : memref<32000xf32, #tpu.memory_space<vmem>>) target_semaphore(%arg18 : memref<!tpu.dma_semaphore, #tpu.memory_space<semaphore_mem>>)
    %multiple_of3A = arith.constant 0 : i32
    %multiple_of3A_114 = tpu.assume_multiple %multiple_of3A, 8 : i32
    %multiple_of3A_115 = tpu.assume_multiple %mul3A_34, 1024 : i32
    %dma_start3A = arith.constant 0 : i32
    %dma_start3A_116 = tpu.memref_slice %arg2[%dma_start3A, %multiple_of3A_114, %multiple_of3A_115] : memref<27x200x4096xf32, #tpu.memory_space<hbm>> -> memref<1x8x1024xf32, #tpu.memory_space<hbm>>
    %dma_start3A_117 = tpu.memref_squeeze %dma_start3A_116 : memref<1x8x1024xf32, #tpu.memory_space<hbm>> -> memref<8x1024xf32, #tpu.memory_space<hbm>>
    %dma_start3A_118 = tpu.memref_slice %arg2[%dma_start3A, %multiple_of3A_114, %multiple_of3A_115] : memref<27x200x4096xf32, #tpu.memory_space<hbm>> -> memref<1x8x1024xf32, #tpu.memory_space<hbm>>
    %dma_start3A_119 = tpu.memref_squeeze %dma_start3A_118 : memref<1x8x1024xf32, #tpu.memory_space<hbm>> -> memref<8x1024xf32, #tpu.memory_space<hbm>>
    tpu.enqueue_dma source(%dma_start3A_119 : memref<8x1024xf32, #tpu.memory_space<hbm>>) target(%arg6 : memref<8x1024xf32, #tpu.memory_space<vmem>>) target_semaphore(%arg19 : memref<!tpu.dma_semaphore, #tpu.memory_space<semaphore_mem>>)
    %multiple_of3A_120 = arith.constant 8 : i32
    %multiple_of3A_121 = tpu.assume_multiple %multiple_of3A_120, 8 : i32
    %multiple_of3A_122 = tpu.assume_multiple %mul3A_34, 1024 : i32
    %dma_start3A_123 = arith.constant 0 : i32
    %dma_start3A_124 = tpu.memref_slice %arg2[%dma_start3A_123, %multiple_of3A_121, %multiple_of3A_122] : memref<27x200x4096xf32, #tpu.memory_space<hbm>> -> memref<1x8x1024xf32, #tpu.memory_space<hbm>>
    %dma_start3A_125 = tpu.memref_squeeze %dma_start3A_124 : memref<1x8x1024xf32, #tpu.memory_space<hbm>> -> memref<8x1024xf32, #tpu.memory_space<hbm>>
    %dma_start3A_126 = tpu.memref_slice %arg2[%dma_start3A_123, %multiple_of3A_121, %multiple_of3A_122] : memref<27x200x4096xf32, #tpu.memory_space<hbm>> -> memref<1x8x1024xf32, #tpu.memory_space<hbm>>
    %dma_start3A_127 = tpu.memref_squeeze %dma_start3A_126 : memref<1x8x1024xf32, #tpu.memory_space<hbm>> -> memref<8x1024xf32, #tpu.memory_space<hbm>>
    tpu.enqueue_dma source(%dma_start3A_127 : memref<8x1024xf32, #tpu.memory_space<hbm>>) target(%arg7 : memref<8x1024xf32, #tpu.memory_space<vmem>>) target_semaphore(%arg20 : memref<!tpu.dma_semaphore, #tpu.memory_space<semaphore_mem>>)
    %add3A_128 = arith.constant 0 : i32
    %add3A_129 = arith.addi %select_n3A_84, %add3A_128 : i32
    %jit3A_130 = arith.constant 100 : i32
    %div3A_131 = arith.divsi %add3A_129, %jit3A_130 : i32
    %sign3A_132 = arith.constant 0 : i32
    %sign3A_133 = arith.cmpi sgt, %add3A_129, %sign3A_132 : i32
    %sign3A_134 = arith.extui %sign3A_133 : i1 to i32
    %sign3A_135 = arith.constant 0 : i32
    %sign3A_136 = arith.cmpi slt, %add3A_129, %sign3A_135 : i32
    %sign3A_137 = arith.extui %sign3A_136 : i1 to i32
    %sign3A_138 = arith.subi %sign3A_134, %sign3A_137 : i32
    %sign3A_139 = arith.constant 0 : i32
    %sign3A_140 = arith.cmpi sgt, %jit3A_130, %sign3A_139 : i32
    %sign3A_141 = arith.extui %sign3A_140 : i1 to i32
    %sign3A_142 = arith.constant 0 : i32
    %sign3A_143 = arith.cmpi slt, %jit3A_130, %sign3A_142 : i32
    %sign3A_144 = arith.extui %sign3A_143 : i1 to i32
    %sign3A_145 = arith.subi %sign3A_141, %sign3A_144 : i32
    %ne3A_146 = arith.cmpi ne, %sign3A_138, %sign3A_145 : i32
    %rem3A_147 = arith.remsi %add3A_129, %jit3A_130 : i32
    %ne3A_148 = arith.constant 0 : i32
    %ne3A_149 = arith.cmpi ne, %rem3A_147, %ne3A_148 : i32
    %and3A_150 = arith.andi %ne3A_146, %ne3A_149 : i1
    %sub3A_151 = arith.constant 1 : i32
    %sub3A_152 = arith.subi %div3A_131, %sub3A_151 : i32
    %select_n3A_153 = arith.select %and3A_150, %sub3A_152, %div3A_131 : i32
    %add3A_154 = arith.constant 1 : i32
    %add3A_155 = arith.addi %add3A_154, %select_n3A_153 : i32
    %jit3A_156 = arith.constant 100 : i32
    %eq3A_157 = arith.constant 0 : i32
    %eq3A_158 = arith.cmpi eq, %jit3A_156, %eq3A_157 : i32
    %jit3A_159 = arith.constant 1 : i32
    %select_n3A_160 = arith.select %eq3A_158, %jit3A_159, %jit3A_156 : i32
    %rem3A_161 = arith.remsi %add3A_129, %select_n3A_160 : i32
    %ne3A_162 = arith.constant 0 : i32
    %ne3A_163 = arith.cmpi ne, %rem3A_161, %ne3A_162 : i32
    %lt3A_164 = arith.constant 0 : i32
    %lt3A_165 = arith.cmpi slt, %rem3A_161, %lt3A_164 : i32
    %lt3A_166 = arith.constant 0 : i32
    %lt3A_167 = arith.cmpi slt, %select_n3A_160, %lt3A_166 : i32
    %ne3A_168 = arith.xori %lt3A_165, %lt3A_167 : i1
    %and3A_169 = arith.andi %ne3A_168, %ne3A_163 : i1
    %add3A_170 = arith.addi %rem3A_161, %select_n3A_160 : i32
    %select_n3A_171 = arith.select %and3A_169, %add3A_170, %rem3A_161 : i32
    %jit3A_172 = arith.constant 4 : i32
    %div3A_173 = arith.divsi %select_n3A_171, %jit3A_172 : i32
    %sign3A_174 = arith.constant 0 : i32
    %sign3A_175 = arith.cmpi sgt, %select_n3A_171, %sign3A_174 : i32
    %sign3A_176 = arith.extui %sign3A_175 : i1 to i32
    %sign3A_177 = arith.constant 0 : i32
    %sign3A_178 = arith.cmpi slt, %select_n3A_171, %sign3A_177 : i32
    %sign3A_179 = arith.extui %sign3A_178 : i1 to i32
    %sign3A_180 = arith.subi %sign3A_176, %sign3A_179 : i32
    %sign3A_181 = arith.constant 0 : i32
    %sign3A_182 = arith.cmpi sgt, %jit3A_172, %sign3A_181 : i32
    %sign3A_183 = arith.extui %sign3A_182 : i1 to i32
    %sign3A_184 = arith.constant 0 : i32
    %sign3A_185 = arith.cmpi slt, %jit3A_172, %sign3A_184 : i32
    %sign3A_186 = arith.extui %sign3A_185 : i1 to i32
    %sign3A_187 = arith.subi %sign3A_183, %sign3A_186 : i32
    %ne3A_188 = arith.cmpi ne, %sign3A_180, %sign3A_187 : i32
    %rem3A_189 = arith.remsi %select_n3A_171, %jit3A_172 : i32
    %ne3A_190 = arith.constant 0 : i32
    %ne3A_191 = arith.cmpi ne, %rem3A_189, %ne3A_190 : i32
    %and3A_192 = arith.andi %ne3A_188, %ne3A_191 : i1
    %sub3A_193 = arith.constant 1 : i32
    %sub3A_194 = arith.subi %div3A_173, %sub3A_193 : i32
    %select_n3A_195 = arith.select %and3A_192, %sub3A_194, %div3A_173 : i32
    %mul3A_196 = arith.constant 8 : i32
    %mul3A_197 = arith.muli %select_n3A_195, %mul3A_196 : i32
    %multiple_of3A_198 = tpu.assume_multiple %mul3A_197, 8 : i32
    %jit3A_199 = arith.constant 4 : i32
    %eq3A_200 = arith.constant 0 : i32
    %eq3A_201 = arith.cmpi eq, %jit3A_199, %eq3A_200 : i32
    %jit3A_202 = arith.constant 1 : i32
    %select_n3A_203 = arith.select %eq3A_201, %jit3A_202, %jit3A_199 : i32
    %rem3A_204 = arith.remsi %select_n3A_171, %select_n3A_203 : i32
    %ne3A_205 = arith.constant 0 : i32
    %ne3A_206 = arith.cmpi ne, %rem3A_204, %ne3A_205 : i32
    %lt3A_207 = arith.constant 0 : i32
    %lt3A_208 = arith.cmpi slt, %rem3A_204, %lt3A_207 : i32
    %lt3A_209 = arith.constant 0 : i32
    %lt3A_210 = arith.cmpi slt, %select_n3A_203, %lt3A_209 : i32
    %ne3A_211 = arith.xori %lt3A_208, %lt3A_210 : i1
    %and3A_212 = arith.andi %ne3A_211, %ne3A_206 : i1
    %add3A_213 = arith.addi %rem3A_204, %select_n3A_203 : i32
    %select_n3A_214 = arith.select %and3A_212, %add3A_213, %rem3A_204 : i32
    %mul3A_215 = arith.constant 1024 : i32
    %mul3A_216 = arith.muli %select_n3A_214, %mul3A_215 : i32
    %multiple_of3A_217 = tpu.assume_multiple %mul3A_216, 1024 : i32
    %add3A_218 = arith.constant 32 : i32
    %add3A_219 = arith.addi %add3A_155, %add3A_218 : i32
    %sub3A_220 = arith.constant 1 : i32
    %sub3A_221 = arith.subi %add3A_219, %sub3A_220 : i32
    %dma_start3A_222 = tpu.memref_slice %arg2[%add3A_155, %multiple_of3A_198, %multiple_of3A_217] : memref<27x200x4096xf32, #tpu.memory_space<hbm>> -> memref<1x8x1024xf32, #tpu.memory_space<hbm>>
    %dma_start3A_223 = tpu.memref_squeeze %dma_start3A_222 : memref<1x8x1024xf32, #tpu.memory_space<hbm>> -> memref<8x1024xf32, #tpu.memory_space<hbm>>
    %dma_start3A_224 = tpu.memref_slice %arg2[%add3A_155, %multiple_of3A_198, %multiple_of3A_217] : memref<27x200x4096xf32, #tpu.memory_space<hbm>> -> memref<1x8x1024xf32, #tpu.memory_space<hbm>>
    %dma_start3A_225 = tpu.memref_squeeze %dma_start3A_224 : memref<1x8x1024xf32, #tpu.memory_space<hbm>> -> memref<8x1024xf32, #tpu.memory_space<hbm>>
    tpu.enqueue_dma source(%dma_start3A_225 : memref<8x1024xf32, #tpu.memory_space<hbm>>) target(%arg16 : memref<8x1024xf32, #tpu.memory_space<vmem>>) target_semaphore(%arg23 : memref<!tpu.dma_semaphore, #tpu.memory_space<semaphore_mem>>)
    tpu.wait_dma2 semaphore(%arg18 : memref<!tpu.dma_semaphore, #tpu.memory_space<semaphore_mem>>) src(%arg3 : memref<32000xf32, #tpu.memory_space<hbm>>) dst(%arg5 : memref<32000xf32, #tpu.memory_space<vmem>>)
    %scan3A = arith.constant 0 : i32
    %scan3A_226 = arith.constant 0 : i32
    %scan3A_227 = arith.constant 12 : i32
    %scan3A_228 = arith.addi %scan3A_226, %scan3A_227 : i32
    %scan3A_229 = arith.constant 1 : i32
    scf.for %scan3A_1108 = %scan3A_226 to %scan3A_228 step %scan3A_229  : i32 {
      %mul3A_1109 = arith.constant 2 : i32
      %mul3A_1110 = arith.muli %mul3A_1109, %scan3A_1108 : i32
      %add3A_1111 = arith.constant 0 : i32
      %add3A_1112 = arith.addi %mul3A_1110, %add3A_1111 : i32
      %multiple_of3A_1113 = arith.constant 0 : i32
      %multiple_of3A_1114 = tpu.assume_multiple %multiple_of3A_1113, 8 : i32
      %multiple_of3A_1115 = tpu.assume_multiple %mul3A_34, 1024 : i32
      %dma_wait3A_1116 = arith.constant 0 : i32
      %dma_wait3A_1117 = tpu.memref_slice %arg2[%dma_wait3A_1116, %multiple_of3A_1114, %multiple_of3A_1115] : memref<27x200x4096xf32, #tpu.memory_space<hbm>> -> memref<1x8x1024xf32, #tpu.memory_space<hbm>>
      %dma_wait3A_1118 = tpu.memref_squeeze %dma_wait3A_1117 : memref<1x8x1024xf32, #tpu.memory_space<hbm>> -> memref<8x1024xf32, #tpu.memory_space<hbm>>
      %dma_wait3A_1119 = tpu.memref_slice %arg2[%dma_wait3A_1116, %multiple_of3A_1114, %multiple_of3A_1115] : memref<27x200x4096xf32, #tpu.memory_space<hbm>> -> memref<1x8x1024xf32, #tpu.memory_space<hbm>>
      %dma_wait3A_1120 = tpu.memref_squeeze %dma_wait3A_1119 : memref<1x8x1024xf32, #tpu.memory_space<hbm>> -> memref<8x1024xf32, #tpu.memory_space<hbm>>
      tpu.wait_dma2 semaphore(%arg19 : memref<!tpu.dma_semaphore, #tpu.memory_space<semaphore_mem>>) src(%dma_wait3A_1120 : memref<8x1024xf32, #tpu.memory_space<hbm>>) dst(%arg6 : memref<8x1024xf32, #tpu.memory_space<vmem>>)
      %ge3A = arith.constant 2 : i32
      %ge3A_1121 = arith.cmpi sge, %add3A_1112, %ge3A : i32
      %convert_element_type3A_1122 = arith.extui %ge3A_1121 : i1 to i32
      %cond3A_1123 = arith.constant 0 : i32
      %cond3A_1124 = arith.cmpi ne, %convert_element_type3A_1122, %cond3A_1123 : i32
      scf.if %cond3A_1124 {
        %add3A_2520 = arith.constant 0 : i32
        %add3A_2521 = arith.addi %mul3A_18, %add3A_2520 : i32
        %multiple_of3A_2522 = arith.constant 0 : i32
        %multiple_of3A_2523 = tpu.assume_multiple %multiple_of3A_2522, 8 : i32
        %multiple_of3A_2524 = tpu.assume_multiple %mul3A_34, 1024 : i32
        %dma_wait3A_2525 = tpu.memref_slice %arg4[%add3A_2521, %multiple_of3A_2523, %multiple_of3A_2524] : memref<58x200x4096xf32, #tpu.memory_space<hbm>> -> memref<1x8x1024xf32, #tpu.memory_space<hbm>>
        %dma_wait3A_2526 = tpu.memref_squeeze %dma_wait3A_2525 : memref<1x8x1024xf32, #tpu.memory_space<hbm>> -> memref<8x1024xf32, #tpu.memory_space<hbm>>
        %dma_wait3A_2527 = tpu.memref_slice %arg4[%add3A_2521, %multiple_of3A_2523, %multiple_of3A_2524] : memref<58x200x4096xf32, #tpu.memory_space<hbm>> -> memref<1x8x1024xf32, #tpu.memory_space<hbm>>
        %dma_wait3A_2528 = tpu.memref_squeeze %dma_wait3A_2527 : memref<1x8x1024xf32, #tpu.memory_space<hbm>> -> memref<8x1024xf32, #tpu.memory_space<hbm>>
        tpu.wait_dma2 semaphore(%arg21 : memref<!tpu.dma_semaphore, #tpu.memory_space<semaphore_mem>>) src(%arg8 : memref<8x1024xf32, #tpu.memory_space<vmem>>) dst(%dma_wait3A_2528 : memref<8x1024xf32, #tpu.memory_space<hbm>>)
        %add3A_2529 = arith.constant 0 : i32
        %add3A_2530 = arith.addi %mul3A_18, %add3A_2529 : i32
        %multiple_of3A_2531 = arith.constant 0 : i32
        %multiple_of3A_2532 = tpu.assume_multiple %multiple_of3A_2531, 8 : i32
        %multiple_of3A_2533 = tpu.assume_multiple %mul3A_34, 1024 : i32
        %dma_wait3A_2534 = tpu.memref_slice %arg4[%add3A_2530, %multiple_of3A_2532, %multiple_of3A_2533] : memref<58x200x4096xf32, #tpu.memory_space<hbm>> -> memref<1x8x1024xf32, #tpu.memory_space<hbm>>
        %dma_wait3A_2535 = tpu.memref_squeeze %dma_wait3A_2534 : memref<1x8x1024xf32, #tpu.memory_space<hbm>> -> memref<8x1024xf32, #tpu.memory_space<hbm>>
        %dma_wait3A_2536 = tpu.memref_slice %arg4[%add3A_2530, %multiple_of3A_2532, %multiple_of3A_2533] : memref<58x200x4096xf32, #tpu.memory_space<hbm>> -> memref<1x8x1024xf32, #tpu.memory_space<hbm>>
        %dma_wait3A_2537 = tpu.memref_squeeze %dma_wait3A_2536 : memref<1x8x1024xf32, #tpu.memory_space<hbm>> -> memref<8x1024xf32, #tpu.memory_space<hbm>>
        tpu.wait_dma2 semaphore(%arg21 : memref<!tpu.dma_semaphore, #tpu.memory_space<semaphore_mem>>) src(%arg9 : memref<8x1024xf32, #tpu.memory_space<vmem>>) dst(%dma_wait3A_2537 : memref<8x1024xf32, #tpu.memory_space<hbm>>)
        %add3A_2538 = arith.constant 0 : i32
        %add3A_2539 = arith.addi %mul3A_18, %add3A_2538 : i32
        %multiple_of3A_2540 = arith.constant 0 : i32
        %multiple_of3A_2541 = tpu.assume_multiple %multiple_of3A_2540, 8 : i32
        %multiple_of3A_2542 = tpu.assume_multiple %mul3A_34, 1024 : i32
        %dma_wait3A_2543 = tpu.memref_slice %arg4[%add3A_2539, %multiple_of3A_2541, %multiple_of3A_2542] : memref<58x200x4096xf32, #tpu.memory_space<hbm>> -> memref<1x8x1024xf32, #tpu.memory_space<hbm>>
        %dma_wait3A_2544 = tpu.memref_squeeze %dma_wait3A_2543 : memref<1x8x1024xf32, #tpu.memory_space<hbm>> -> memref<8x1024xf32, #tpu.memory_space<hbm>>
        %dma_wait3A_2545 = tpu.memref_slice %arg4[%add3A_2539, %multiple_of3A_2541, %multiple_of3A_2542] : memref<58x200x4096xf32, #tpu.memory_space<hbm>> -> memref<1x8x1024xf32, #tpu.memory_space<hbm>>
        %dma_wait3A_2546 = tpu.memref_squeeze %dma_wait3A_2545 : memref<1x8x1024xf32, #tpu.memory_space<hbm>> -> memref<8x1024xf32, #tpu.memory_space<hbm>>
        tpu.wait_dma2 semaphore(%arg21 : memref<!tpu.dma_semaphore, #tpu.memory_space<semaphore_mem>>) src(%arg10 : memref<8x1024xf32, #tpu.memory_space<vmem>>) dst(%dma_wait3A_2546 : memref<8x1024xf32, #tpu.memory_space<hbm>>)
        %add3A_2547 = arith.constant 0 : i32
        %add3A_2548 = arith.addi %mul3A_18, %add3A_2547 : i32
        %multiple_of3A_2549 = arith.constant 0 : i32
        %multiple_of3A_2550 = tpu.assume_multiple %multiple_of3A_2549, 8 : i32
        %multiple_of3A_2551 = tpu.assume_multiple %mul3A_34, 1024 : i32
        %dma_wait3A_2552 = tpu.memref_slice %arg4[%add3A_2548, %multiple_of3A_2550, %multiple_of3A_2551] : memref<58x200x4096xf32, #tpu.memory_space<hbm>> -> memref<1x8x1024xf32, #tpu.memory_space<hbm>>
        %dma_wait3A_2553 = tpu.memref_squeeze %dma_wait3A_2552 : memref<1x8x1024xf32, #tpu.memory_space<hbm>> -> memref<8x1024xf32, #tpu.memory_space<hbm>>
        %dma_wait3A_2554 = tpu.memref_slice %arg4[%add3A_2548, %multiple_of3A_2550, %multiple_of3A_2551] : memref<58x200x4096xf32, #tpu.memory_space<hbm>> -> memref<1x8x1024xf32, #tpu.memory_space<hbm>>
        %dma_wait3A_2555 = tpu.memref_squeeze %dma_wait3A_2554 : memref<1x8x1024xf32, #tpu.memory_space<hbm>> -> memref<8x1024xf32, #tpu.memory_space<hbm>>
        tpu.wait_dma2 semaphore(%arg21 : memref<!tpu.dma_semaphore, #tpu.memory_space<semaphore_mem>>) src(%arg11 : memref<8x1024xf32, #tpu.memory_space<vmem>>) dst(%dma_wait3A_2555 : memref<8x1024xf32, #tpu.memory_space<hbm>>)
      } else {
      }
      %parallel_loop3A_1125 = arith.constant 0 : i32
      %parallel_loop3A_1126 = arith.constant 512 : i32
      %parallel_loop3A_1127 = arith.constant 1 : i32
      scf.for %parallel_loop3A_2520 = %parallel_loop3A_1125 to %parallel_loop3A_1126 step %parallel_loop3A_1127  : i32 {
        %parallel_loop3A_2521 = arith.constant 64 : i32
        %parallel_loop3A_2522 = arith.divsi %parallel_loop3A_2520, %parallel_loop3A_2521 : i32
        %parallel_loop3A_2523 = arith.constant 0 : i32
        %parallel_loop3A_2524 = arith.cmpi sgt, %parallel_loop3A_2520, %parallel_loop3A_2523 : i32
        %parallel_loop3A_2525 = arith.extui %parallel_loop3A_2524 : i1 to i32
        %parallel_loop3A_2526 = arith.constant 0 : i32
        %parallel_loop3A_2527 = arith.cmpi slt, %parallel_loop3A_2520, %parallel_loop3A_2526 : i32
        %parallel_loop3A_2528 = arith.extui %parallel_loop3A_2527 : i1 to i32
        %parallel_loop3A_2529 = arith.subi %parallel_loop3A_2525, %parallel_loop3A_2528 : i32
        %parallel_loop3A_2530 = arith.constant 0 : i32
        %parallel_loop3A_2531 = arith.cmpi sgt, %parallel_loop3A_2521, %parallel_loop3A_2530 : i32
        %parallel_loop3A_2532 = arith.extui %parallel_loop3A_2531 : i1 to i32
        %parallel_loop3A_2533 = arith.constant 0 : i32
        %parallel_loop3A_2534 = arith.cmpi slt, %parallel_loop3A_2521, %parallel_loop3A_2533 : i32
        %parallel_loop3A_2535 = arith.extui %parallel_loop3A_2534 : i1 to i32
        %parallel_loop3A_2536 = arith.subi %parallel_loop3A_2532, %parallel_loop3A_2535 : i32
        %parallel_loop3A_2537 = arith.cmpi ne, %parallel_loop3A_2529, %parallel_loop3A_2536 : i32
        %parallel_loop3A_2538 = arith.remsi %parallel_loop3A_2520, %parallel_loop3A_2521 : i32
        %parallel_loop3A_2539 = arith.constant 0 : i32
        %parallel_loop3A_2540 = arith.cmpi ne, %parallel_loop3A_2538, %parallel_loop3A_2539 : i32
        %parallel_loop3A_2541 = arith.andi %parallel_loop3A_2537, %parallel_loop3A_2540 : i1
        %parallel_loop3A_2542 = arith.constant 1 : i32
        %parallel_loop3A_2543 = arith.subi %parallel_loop3A_2522, %parallel_loop3A_2542 : i32
        %parallel_loop3A_2544 = arith.select %parallel_loop3A_2541, %parallel_loop3A_2543, %parallel_loop3A_2522 : i32
        %parallel_loop3A_2545 = arith.constant 64 : i32
        %parallel_loop3A_2546 = arith.constant 0 : i32
        %parallel_loop3A_2547 = arith.cmpi eq, %parallel_loop3A_2545, %parallel_loop3A_2546 : i32
        %parallel_loop3A_2548 = arith.constant 1 : i32
        %parallel_loop3A_2549 = arith.select %parallel_loop3A_2547, %parallel_loop3A_2548, %parallel_loop3A_2545 : i32
        %parallel_loop3A_2550 = arith.remsi %parallel_loop3A_2520, %parallel_loop3A_2549 : i32
        %parallel_loop3A_2551 = arith.constant 0 : i32
        %parallel_loop3A_2552 = arith.cmpi ne, %parallel_loop3A_2550, %parallel_loop3A_2551 : i32
        %parallel_loop3A_2553 = arith.constant 0 : i32
        %parallel_loop3A_2554 = arith.cmpi slt, %parallel_loop3A_2550, %parallel_loop3A_2553 : i32
        %parallel_loop3A_2555 = arith.constant 0 : i32
        %parallel_loop3A_2556 = arith.cmpi slt, %parallel_loop3A_2549, %parallel_loop3A_2555 : i32
        %parallel_loop3A_2557 = arith.xori %parallel_loop3A_2554, %parallel_loop3A_2556 : i1
        %parallel_loop3A_2558 = arith.andi %parallel_loop3A_2557, %parallel_loop3A_2552 : i1
        %parallel_loop3A_2559 = arith.addi %parallel_loop3A_2550, %parallel_loop3A_2549 : i32
        %parallel_loop3A_2560 = arith.select %parallel_loop3A_2558, %parallel_loop3A_2559, %parallel_loop3A_2550 : i32
        %parallel_loop3A_2561 = arith.constant 16 : i32
        %parallel_loop3A_2562 = arith.muli %parallel_loop3A_2560, %parallel_loop3A_2561 : i32
        %parallel_loop3A_2563 = tpu.assume_multiple %parallel_loop3A_2562, 16 : i32
        %parallel_loop3A_2564 = arith.index_cast %parallel_loop3A_2544 : i32 to index
        %parallel_loop3A_2565 = arith.index_cast %parallel_loop3A_2563 : i32 to index
        %parallel_loop3A_2566 = tpu.vector_load %arg6[%parallel_loop3A_2564, %parallel_loop3A_2565] {strides = array<i32>} : memref<8x1024xf32, #tpu.memory_space<vmem>>, vector<16xf32>,
        %parallel_loop3A_2567 = arith.constant 2.550000e+02 : f32
        %parallel_loop3A_2568 = vector.broadcast %parallel_loop3A_2567 : f32 to vector<16xf32>
        %parallel_loop3A_2569 = arith.mulf %parallel_loop3A_2566, %parallel_loop3A_2568 : vector<16xf32>
        %parallel_loop3A_2570 = arith.constant 0x4B000000 : f32
        %parallel_loop3A_2571 = vector.broadcast %parallel_loop3A_2570 : f32 to vector<16xf32>
        %parallel_loop3A_2572 = arith.addf %parallel_loop3A_2569, %parallel_loop3A_2571 : vector<16xf32>
        %parallel_loop3A_2573 = vector.bitcast %parallel_loop3A_2572 : vector<16xf32> to vector<16xi32>
        %parallel_loop3A_2574 = vector.broadcast %add3A_40 : i32 to vector<16xi32>
        %parallel_loop3A_2575 = arith.addi %parallel_loop3A_2573, %parallel_loop3A_2574 : vector<16xi32>
        %parallel_loop3A_2576 = tpu.vector_load_idx %arg5[%parallel_loop3A_2575] : memref<32000xf32, #tpu.memory_space<vmem>>[vector<16xi32>], vector<16xf32>,
        %parallel_loop3A_2577 = arith.index_cast %parallel_loop3A_2544 : i32 to index
        %parallel_loop3A_2578 = arith.index_cast %parallel_loop3A_2563 : i32 to index
        %parallel_loop3A_2579 = tpu.vector_load %arg8[%parallel_loop3A_2577, %parallel_loop3A_2578] {strides = array<i32>} : memref<8x1024xf32, #tpu.memory_space<vmem>>, vector<16xf32>,
        tpu.vector_store %arg8[%parallel_loop3A_2577, %parallel_loop3A_2578], %parallel_loop3A_2576 {strides = array<i32>} : memref<8x1024xf32, #tpu.memory_space<vmem>>, vector<16xf32>,
        %parallel_loop3A_2580 = vector.broadcast %add3A_46 : i32 to vector<16xi32>
        %parallel_loop3A_2581 = arith.addi %parallel_loop3A_2573, %parallel_loop3A_2580 : vector<16xi32>
        %parallel_loop3A_2582 = tpu.vector_load_idx %arg5[%parallel_loop3A_2581] : memref<32000xf32, #tpu.memory_space<vmem>>[vector<16xi32>], vector<16xf32>,
        %parallel_loop3A_2583 = arith.index_cast %parallel_loop3A_2544 : i32 to index
        %parallel_loop3A_2584 = arith.index_cast %parallel_loop3A_2563 : i32 to index
        %parallel_loop3A_2585 = tpu.vector_load %arg9[%parallel_loop3A_2583, %parallel_loop3A_2584] {strides = array<i32>} : memref<8x1024xf32, #tpu.memory_space<vmem>>, vector<16xf32>,
        tpu.vector_store %arg9[%parallel_loop3A_2583, %parallel_loop3A_2584], %parallel_loop3A_2582 {strides = array<i32>} : memref<8x1024xf32, #tpu.memory_space<vmem>>, vector<16xf32>,
        %parallel_loop3A_2586 = vector.broadcast %add3A_52 : i32 to vector<16xi32>
        %parallel_loop3A_2587 = arith.addi %parallel_loop3A_2573, %parallel_loop3A_2586 : vector<16xi32>
        %parallel_loop3A_2588 = tpu.vector_load_idx %arg5[%parallel_loop3A_2587] : memref<32000xf32, #tpu.memory_space<vmem>>[vector<16xi32>], vector<16xf32>,
        %parallel_loop3A_2589 = arith.index_cast %parallel_loop3A_2544 : i32 to index
        %parallel_loop3A_2590 = arith.index_cast %parallel_loop3A_2563 : i32 to index
        %parallel_loop3A_2591 = tpu.vector_load %arg10[%parallel_loop3A_2589, %parallel_loop3A_2590] {strides = array<i32>} : memref<8x1024xf32, #tpu.memory_space<vmem>>, vector<16xf32>,
        tpu.vector_store %arg10[%parallel_loop3A_2589, %parallel_loop3A_2590], %parallel_loop3A_2588 {strides = array<i32>} : memref<8x1024xf32, #tpu.memory_space<vmem>>, vector<16xf32>,
        %parallel_loop3A_2592 = vector.broadcast %add3A_58 : i32 to vector<16xi32>
        %parallel_loop3A_2593 = arith.addi %parallel_loop3A_2573, %parallel_loop3A_2592 : vector<16xi32>
        %parallel_loop3A_2594 = tpu.vector_load_idx %arg5[%parallel_loop3A_2593] : memref<32000xf32, #tpu.memory_space<vmem>>[vector<16xi32>], vector<16xf32>,
        %parallel_loop3A_2595 = arith.index_cast %parallel_loop3A_2544 : i32 to index
        %parallel_loop3A_2596 = arith.index_cast %parallel_loop3A_2563 : i32 to index
        %parallel_loop3A_2597 = tpu.vector_load %arg11[%parallel_loop3A_2595, %parallel_loop3A_2596] {strides = array<i32>} : memref<8x1024xf32, #tpu.memory_space<vmem>>, vector<16xf32>,
        tpu.vector_store %arg11[%parallel_loop3A_2595, %parallel_loop3A_2596], %parallel_loop3A_2594 {strides = array<i32>} : memref<8x1024xf32, #tpu.memory_space<vmem>>, vector<16xf32>,
      } {sc.loop_unroll_factor = 4 : i64, sc.parallel_access}
      %add3A_1128 = arith.constant 0 : i32
      %add3A_1129 = arith.addi %mul3A_18, %add3A_1128 : i32
      %mul3A_1130 = arith.constant 8 : i32
      %mul3A_1131 = arith.muli %add3A_1112, %mul3A_1130 : i32
      %multiple_of3A_1132 = tpu.assume_multiple %mul3A_1131, 8 : i32
      %multiple_of3A_1133 = tpu.assume_multiple %mul3A_34, 1024 : i32
      %dma_start3A_1134 = tpu.memref_slice %arg4[%add3A_1129, %multiple_of3A_1132, %multiple_of3A_1133] : memref<58x200x4096xf32, #tpu.memory_space<hbm>> -> memref<1x8x1024xf32, #tpu.memory_space<hbm>>
      %dma_start3A_1135 = tpu.memref_squeeze %dma_start3A_1134 : memref<1x8x1024xf32, #tpu.memory_space<hbm>> -> memref<8x1024xf32, #tpu.memory_space<hbm>>
      %dma_start3A_1136 = tpu.memref_slice %arg4[%add3A_1129, %multiple_of3A_1132, %multiple_of3A_1133] : memref<58x200x4096xf32, #tpu.memory_space<hbm>> -> memref<1x8x1024xf32, #tpu.memory_space<hbm>>
      %dma_start3A_1137 = tpu.memref_squeeze %dma_start3A_1136 : memref<1x8x1024xf32, #tpu.memory_space<hbm>> -> memref<8x1024xf32, #tpu.memory_space<hbm>>
      tpu.enqueue_dma source(%arg8 : memref<8x1024xf32, #tpu.memory_space<vmem>>) target(%dma_start3A_1137 : memref<8x1024xf32, #tpu.memory_space<hbm>>) target_semaphore(%arg21 : memref<!tpu.dma_semaphore, #tpu.memory_space<semaphore_mem>>)
      %add3A_1138 = arith.constant 1 : i32
      %add3A_1139 = arith.addi %mul3A_18, %add3A_1138 : i32
      %mul3A_1140 = arith.constant 8 : i32
      %mul3A_1141 = arith.muli %add3A_1112, %mul3A_1140 : i32
      %multiple_of3A_1142 = tpu.assume_multiple %mul3A_1141, 8 : i32
      %multiple_of3A_1143 = tpu.assume_multiple %mul3A_34, 1024 : i32
      %dma_start3A_1144 = tpu.memref_slice %arg4[%add3A_1139, %multiple_of3A_1142, %multiple_of3A_1143] : memref<58x200x4096xf32, #tpu.memory_space<hbm>> -> memref<1x8x1024xf32, #tpu.memory_space<hbm>>
      %dma_start3A_1145 = tpu.memref_squeeze %dma_start3A_1144 : memref<1x8x1024xf32, #tpu.memory_space<hbm>> -> memref<8x1024xf32, #tpu.memory_space<hbm>>
      %dma_start3A_1146 = tpu.memref_slice %arg4[%add3A_1139, %multiple_of3A_1142, %multiple_of3A_1143] : memref<58x200x4096xf32, #tpu.memory_space<hbm>> -> memref<1x8x1024xf32, #tpu.memory_space<hbm>>
      %dma_start3A_1147 = tpu.memref_squeeze %dma_start3A_1146 : memref<1x8x1024xf32, #tpu.memory_space<hbm>> -> memref<8x1024xf32, #tpu.memory_space<hbm>>
      tpu.enqueue_dma source(%arg9 : memref<8x1024xf32, #tpu.memory_space<vmem>>) target(%dma_start3A_1147 : memref<8x1024xf32, #tpu.memory_space<hbm>>) target_semaphore(%arg21 : memref<!tpu.dma_semaphore, #tpu.memory_space<semaphore_mem>>)
      %add3A_1148 = arith.constant 2 : i32
      %add3A_1149 = arith.addi %mul3A_18, %add3A_1148 : i32
      %mul3A_1150 = arith.constant 8 : i32
      %mul3A_1151 = arith.muli %add3A_1112, %mul3A_1150 : i32
      %multiple_of3A_1152 = tpu.assume_multiple %mul3A_1151, 8 : i32
      %multiple_of3A_1153 = tpu.assume_multiple %mul3A_34, 1024 : i32
      %dma_start3A_1154 = tpu.memref_slice %arg4[%add3A_1149, %multiple_of3A_1152, %multiple_of3A_1153] : memref<58x200x4096xf32, #tpu.memory_space<hbm>> -> memref<1x8x1024xf32, #tpu.memory_space<hbm>>
      %dma_start3A_1155 = tpu.memref_squeeze %dma_start3A_1154 : memref<1x8x1024xf32, #tpu.memory_space<hbm>> -> memref<8x1024xf32, #tpu.memory_space<hbm>>
      %dma_start3A_1156 = tpu.memref_slice %arg4[%add3A_1149, %multiple_of3A_1152, %multiple_of3A_1153] : memref<58x200x4096xf32, #tpu.memory_space<hbm>> -> memref<1x8x1024xf32, #tpu.memory_space<hbm>>
      %dma_start3A_1157 = tpu.memref_squeeze %dma_start3A_1156 : memref<1x8x1024xf32, #tpu.memory_space<hbm>> -> memref<8x1024xf32, #tpu.memory_space<hbm>>
      tpu.enqueue_dma source(%arg10 : memref<8x1024xf32, #tpu.memory_space<vmem>>) target(%dma_start3A_1157 : memref<8x1024xf32, #tpu.memory_space<hbm>>) target_semaphore(%arg21 : memref<!tpu.dma_semaphore, #tpu.memory_space<semaphore_mem>>)
      %add3A_1158 = arith.constant 3 : i32
      %add3A_1159 = arith.addi %mul3A_18, %add3A_1158 : i32
      %mul3A_1160 = arith.constant 8 : i32
      %mul3A_1161 = arith.muli %add3A_1112, %mul3A_1160 : i32
      %multiple_of3A_1162 = tpu.assume_multiple %mul3A_1161, 8 : i32
      %multiple_of3A_1163 = tpu.assume_multiple %mul3A_34, 1024 : i32
      %dma_start3A_1164 = tpu.memref_slice %arg4[%add3A_1159, %multiple_of3A_1162, %multiple_of3A_1163] : memref<58x200x4096xf32, #tpu.memory_space<hbm>> -> memref<1x8x1024xf32, #tpu.memory_space<hbm>>
      %dma_start3A_1165 = tpu.memref_squeeze %dma_start3A_1164 : memref<1x8x1024xf32, #tpu.memory_space<hbm>> -> memref<8x1024xf32, #tpu.memory_space<hbm>>
      %dma_start3A_1166 = tpu.memref_slice %arg4[%add3A_1159, %multiple_of3A_1162, %multiple_of3A_1163] : memref<58x200x4096xf32, #tpu.memory_space<hbm>> -> memref<1x8x1024xf32, #tpu.memory_space<hbm>>
      %dma_start3A_1167 = tpu.memref_squeeze %dma_start3A_1166 : memref<1x8x1024xf32, #tpu.memory_space<hbm>> -> memref<8x1024xf32, #tpu.memory_space<hbm>>
      tpu.enqueue_dma source(%arg11 : memref<8x1024xf32, #tpu.memory_space<vmem>>) target(%dma_start3A_1167 : memref<8x1024xf32, #tpu.memory_space<hbm>>) target_semaphore(%arg21 : memref<!tpu.dma_semaphore, #tpu.memory_space<semaphore_mem>>)
      %add3A_1168 = arith.constant 2 : i32
      %add3A_1169 = arith.addi %add3A_1112, %add3A_1168 : i32
      %lt3A_1170 = arith.constant 25 : i32
      %lt3A_1171 = arith.cmpi slt, %add3A_1169, %lt3A_1170 : i32
      %convert_element_type3A_1172 = arith.extui %lt3A_1171 : i1 to i32
      %cond3A_1173 = arith.constant 0 : i32
      %cond3A_1174 = arith.cmpi ne, %convert_element_type3A_1172, %cond3A_1173 : i32
      scf.if %cond3A_1174 {
        %add3A_2520 = arith.constant 2 : i32
        %add3A_2521 = arith.addi %add3A_1112, %add3A_2520 : i32
        %mul3A_2522 = arith.constant 8 : i32
        %mul3A_2523 = arith.muli %add3A_2521, %mul3A_2522 : i32
        %multiple_of3A_2524 = tpu.assume_multiple %mul3A_2523, 8 : i32
        %multiple_of3A_2525 = tpu.assume_multiple %mul3A_34, 1024 : i32
        %dma_start3A_2526 = arith.constant 0 : i32
        %dma_start3A_2527 = tpu.memref_slice %arg2[%dma_start3A_2526, %multiple_of3A_2524, %multiple_of3A_2525] : memref<27x200x4096xf32, #tpu.memory_space<hbm>> -> memref<1x8x1024xf32, #tpu.memory_space<hbm>>
        %dma_start3A_2528 = tpu.memref_squeeze %dma_start3A_2527 : memref<1x8x1024xf32, #tpu.memory_space<hbm>> -> memref<8x1024xf32, #tpu.memory_space<hbm>>
        %dma_start3A_2529 = tpu.memref_slice %arg2[%dma_start3A_2526, %multiple_of3A_2524, %multiple_of3A_2525] : memref<27x200x4096xf32, #tpu.memory_space<hbm>> -> memref<1x8x1024xf32, #tpu.memory_space<hbm>>
        %dma_start3A_2530 = tpu.memref_squeeze %dma_start3A_2529 : memref<1x8x1024xf32, #tpu.memory_space<hbm>> -> memref<8x1024xf32, #tpu.memory_space<hbm>>
        tpu.enqueue_dma source(%dma_start3A_2530 : memref<8x1024xf32, #tpu.memory_space<hbm>>) target(%arg6 : memref<8x1024xf32, #tpu.memory_space<vmem>>) target_semaphore(%arg19 : memref<!tpu.dma_semaphore, #tpu.memory_space<semaphore_mem>>)
      } else {
      }
      %mul3A_1175 = arith.constant 3 : i32
      %mul3A_1176 = arith.muli %mul3A_1175, %add3A_1112 : i32
      %add3A_1177 = arith.constant 0 : i32
      %add3A_1178 = arith.addi %mul3A_1176, %add3A_1177 : i32
      %multiple_of3A_1179 = arith.constant 0 : i32
      %multiple_of3A_1180 = tpu.assume_multiple %multiple_of3A_1179, 8 : i32
      %multiple_of3A_1181 = tpu.assume_multiple %mul3A_34, 1024 : i32
      %dma_wait3A_1182 = arith.constant 0 : i32
      %dma_wait3A_1183 = tpu.memref_slice %arg2[%dma_wait3A_1182, %multiple_of3A_1180, %multiple_of3A_1181] : memref<27x200x4096xf32, #tpu.memory_space<hbm>> -> memref<1x8x1024xf32, #tpu.memory_space<hbm>>
      %dma_wait3A_1184 = tpu.memref_squeeze %dma_wait3A_1183 : memref<1x8x1024xf32, #tpu.memory_space<hbm>> -> memref<8x1024xf32, #tpu.memory_space<hbm>>
      %dma_wait3A_1185 = tpu.memref_slice %arg2[%dma_wait3A_1182, %multiple_of3A_1180, %multiple_of3A_1181] : memref<27x200x4096xf32, #tpu.memory_space<hbm>> -> memref<1x8x1024xf32, #tpu.memory_space<hbm>>
      %dma_wait3A_1186 = tpu.memref_squeeze %dma_wait3A_1185 : memref<1x8x1024xf32, #tpu.memory_space<hbm>> -> memref<8x1024xf32, #tpu.memory_space<hbm>>
      tpu.wait_dma2 semaphore(%arg23 : memref<!tpu.dma_semaphore, #tpu.memory_space<semaphore_mem>>) src(%dma_wait3A_1186 : memref<8x1024xf32, #tpu.memory_space<hbm>>) dst(%arg16 : memref<8x1024xf32, #tpu.memory_space<vmem>>)
      %add3A_1187 = arith.addi %select_n3A_84, %add3A_1178 : i32
      %jit3A_1188 = arith.constant 100 : i32
      %div3A_1189 = arith.divsi %add3A_1187, %jit3A_1188 : i32
      %sign3A_1190 = arith.constant 0 : i32
      %sign3A_1191 = arith.cmpi sgt, %add3A_1187, %sign3A_1190 : i32
      %sign3A_1192 = arith.extui %sign3A_1191 : i1 to i32
      %sign3A_1193 = arith.constant 0 : i32
      %sign3A_1194 = arith.cmpi slt, %add3A_1187, %sign3A_1193 : i32
      %sign3A_1195 = arith.extui %sign3A_1194 : i1 to i32
      %sign3A_1196 = arith.subi %sign3A_1192, %sign3A_1195 : i32
      %sign3A_1197 = arith.constant 0 : i32
      %sign3A_1198 = arith.cmpi sgt, %jit3A_1188, %sign3A_1197 : i32
      %sign3A_1199 = arith.extui %sign3A_1198 : i1 to i32
      %sign3A_1200 = arith.constant 0 : i32
      %sign3A_1201 = arith.cmpi slt, %jit3A_1188, %sign3A_1200 : i32
      %sign3A_1202 = arith.extui %sign3A_1201 : i1 to i32
      %sign3A_1203 = arith.subi %sign3A_1199, %sign3A_1202 : i32
      %ne3A_1204 = arith.cmpi ne, %sign3A_1196, %sign3A_1203 : i32
      %rem3A_1205 = arith.remsi %add3A_1187, %jit3A_1188 : i32
      %ne3A_1206 = arith.constant 0 : i32
      %ne3A_1207 = arith.cmpi ne, %rem3A_1205, %ne3A_1206 : i32
      %and3A_1208 = arith.andi %ne3A_1204, %ne3A_1207 : i1
      %sub3A_1209 = arith.constant 1 : i32
      %sub3A_1210 = arith.subi %div3A_1189, %sub3A_1209 : i32
      %select_n3A_1211 = arith.select %and3A_1208, %sub3A_1210, %div3A_1189 : i32
      %add3A_1212 = arith.constant 1 : i32
      %add3A_1213 = arith.addi %add3A_1212, %select_n3A_1211 : i32
      %jit3A_1214 = arith.constant 100 : i32
      %eq3A_1215 = arith.constant 0 : i32
      %eq3A_1216 = arith.cmpi eq, %jit3A_1214, %eq3A_1215 : i32
      %jit3A_1217 = arith.constant 1 : i32
      %select_n3A_1218 = arith.select %eq3A_1216, %jit3A_1217, %jit3A_1214 : i32
      %rem3A_1219 = arith.remsi %add3A_1187, %select_n3A_1218 : i32
      %ne3A_1220 = arith.constant 0 : i32
      %ne3A_1221 = arith.cmpi ne, %rem3A_1219, %ne3A_1220 : i32
      %lt3A_1222 = arith.constant 0 : i32
      %lt3A_1223 = arith.cmpi slt, %rem3A_1219, %lt3A_1222 : i32
      %lt3A_1224 = arith.constant 0 : i32
      %lt3A_1225 = arith.cmpi slt, %select_n3A_1218, %lt3A_1224 : i32
      %ne3A_1226 = arith.xori %lt3A_1223, %lt3A_1225 : i1
      %and3A_1227 = arith.andi %ne3A_1226, %ne3A_1221 : i1
      %add3A_1228 = arith.addi %rem3A_1219, %select_n3A_1218 : i32
      %select_n3A_1229 = arith.select %and3A_1227, %add3A_1228, %rem3A_1219 : i32
      %jit3A_1230 = arith.constant 4 : i32
      %div3A_1231 = arith.divsi %select_n3A_1229, %jit3A_1230 : i32
      %sign3A_1232 = arith.constant 0 : i32
      %sign3A_1233 = arith.cmpi sgt, %select_n3A_1229, %sign3A_1232 : i32
      %sign3A_1234 = arith.extui %sign3A_1233 : i1 to i32
      %sign3A_1235 = arith.constant 0 : i32
      %sign3A_1236 = arith.cmpi slt, %select_n3A_1229, %sign3A_1235 : i32
      %sign3A_1237 = arith.extui %sign3A_1236 : i1 to i32
      %sign3A_1238 = arith.subi %sign3A_1234, %sign3A_1237 : i32
      %sign3A_1239 = arith.constant 0 : i32
      %sign3A_1240 = arith.cmpi sgt, %jit3A_1230, %sign3A_1239 : i32
      %sign3A_1241 = arith.extui %sign3A_1240 : i1 to i32
      %sign3A_1242 = arith.constant 0 : i32
      %sign3A_1243 = arith.cmpi slt, %jit3A_1230, %sign3A_1242 : i32
      %sign3A_1244 = arith.extui %sign3A_1243 : i1 to i32
      %sign3A_1245 = arith.subi %sign3A_1241, %sign3A_1244 : i32
      %ne3A_1246 = arith.cmpi ne, %sign3A_1238, %sign3A_1245 : i32
      %rem3A_1247 = arith.remsi %select_n3A_1229, %jit3A_1230 : i32
      %ne3A_1248 = arith.constant 0 : i32
      %ne3A_1249 = arith.cmpi ne, %rem3A_1247, %ne3A_1248 : i32
      %and3A_1250 = arith.andi %ne3A_1246, %ne3A_1249 : i1
      %sub3A_1251 = arith.constant 1 : i32
      %sub3A_1252 = arith.subi %div3A_1231, %sub3A_1251 : i32
      %select_n3A_1253 = arith.select %and3A_1250, %sub3A_1252, %div3A_1231 : i32
      %mul3A_1254 = arith.constant 8 : i32
      %mul3A_1255 = arith.muli %select_n3A_1253, %mul3A_1254 : i32
      %multiple_of3A_1256 = tpu.assume_multiple %mul3A_1255, 8 : i32
      %jit3A_1257 = arith.constant 4 : i32
      %eq3A_1258 = arith.constant 0 : i32
      %eq3A_1259 = arith.cmpi eq, %jit3A_1257, %eq3A_1258 : i32
      %jit3A_1260 = arith.constant 1 : i32
      %select_n3A_1261 = arith.select %eq3A_1259, %jit3A_1260, %jit3A_1257 : i32
      %rem3A_1262 = arith.remsi %select_n3A_1229, %select_n3A_1261 : i32
      %ne3A_1263 = arith.constant 0 : i32
      %ne3A_1264 = arith.cmpi ne, %rem3A_1262, %ne3A_1263 : i32
      %lt3A_1265 = arith.constant 0 : i32
      %lt3A_1266 = arith.cmpi slt, %rem3A_1262, %lt3A_1265 : i32
      %lt3A_1267 = arith.constant 0 : i32
      %lt3A_1268 = arith.cmpi slt, %select_n3A_1261, %lt3A_1267 : i32
      %ne3A_1269 = arith.xori %lt3A_1266, %lt3A_1268 : i1
      %and3A_1270 = arith.andi %ne3A_1269, %ne3A_1264 : i1
      %add3A_1271 = arith.addi %rem3A_1262, %select_n3A_1261 : i32
      %select_n3A_1272 = arith.select %and3A_1270, %add3A_1271, %rem3A_1262 : i32
      %mul3A_1273 = arith.constant 1024 : i32
      %mul3A_1274 = arith.muli %select_n3A_1272, %mul3A_1273 : i32
      %multiple_of3A_1275 = tpu.assume_multiple %mul3A_1274, 1024 : i32
      %add3A_1276 = arith.constant 32 : i32
      %add3A_1277 = arith.addi %add3A_1213, %add3A_1276 : i32
      %sub3A_1278 = arith.constant 1 : i32
      %sub3A_1279 = arith.subi %add3A_1277, %sub3A_1278 : i32
      %dma_start3A_1280 = tpu.memref_slice %arg4[%sub3A_1279, %multiple_of3A_1256, %multiple_of3A_1275] : memref<58x200x4096xf32, #tpu.memory_space<hbm>> -> memref<1x8x1024xf32, #tpu.memory_space<hbm>>
      %dma_start3A_1281 = tpu.memref_squeeze %dma_start3A_1280 : memref<1x8x1024xf32, #tpu.memory_space<hbm>> -> memref<8x1024xf32, #tpu.memory_space<hbm>>
      %dma_start3A_1282 = tpu.memref_slice %arg4[%sub3A_1279, %multiple_of3A_1256, %multiple_of3A_1275] : memref<58x200x4096xf32, #tpu.memory_space<hbm>> -> memref<1x8x1024xf32, #tpu.memory_space<hbm>>
      %dma_start3A_1283 = tpu.memref_squeeze %dma_start3A_1282 : memref<1x8x1024xf32, #tpu.memory_space<hbm>> -> memref<8x1024xf32, #tpu.memory_space<hbm>>
      tpu.enqueue_dma source(%arg16 : memref<8x1024xf32, #tpu.memory_space<vmem>>) target(%dma_start3A_1283 : memref<8x1024xf32, #tpu.memory_space<hbm>>) target_semaphore(%arg25 : memref<!tpu.dma_semaphore, #tpu.memory_space<semaphore_mem>>)
      %ge3A_1284 = arith.constant 1 : i32
      %ge3A_1285 = arith.cmpi sge, %add3A_1178, %ge3A_1284 : i32
      %convert_element_type3A_1286 = arith.extui %ge3A_1285 : i1 to i32
      %cond3A_1287 = arith.constant 0 : i32
      %cond3A_1288 = arith.cmpi ne, %convert_element_type3A_1286, %cond3A_1287 : i32
      scf.if %cond3A_1288 {
        %add3A_2520 = arith.constant 0 : i32
        %add3A_2521 = arith.addi %mul3A_18, %add3A_2520 : i32
        %multiple_of3A_2522 = arith.constant 0 : i32
        %multiple_of3A_2523 = tpu.assume_multiple %multiple_of3A_2522, 8 : i32
        %multiple_of3A_2524 = tpu.assume_multiple %mul3A_34, 1024 : i32
        %dma_wait3A_2525 = tpu.memref_slice %arg4[%add3A_2521, %multiple_of3A_2523, %multiple_of3A_2524] : memref<58x200x4096xf32, #tpu.memory_space<hbm>> -> memref<1x8x1024xf32, #tpu.memory_space<hbm>>
        %dma_wait3A_2526 = tpu.memref_squeeze %dma_wait3A_2525 : memref<1x8x1024xf32, #tpu.memory_space<hbm>> -> memref<8x1024xf32, #tpu.memory_space<hbm>>
        %dma_wait3A_2527 = tpu.memref_slice %arg4[%add3A_2521, %multiple_of3A_2523, %multiple_of3A_2524] : memref<58x200x4096xf32, #tpu.memory_space<hbm>> -> memref<1x8x1024xf32, #tpu.memory_space<hbm>>
        %dma_wait3A_2528 = tpu.memref_squeeze %dma_wait3A_2527 : memref<1x8x1024xf32, #tpu.memory_space<hbm>> -> memref<8x1024xf32, #tpu.memory_space<hbm>>
        tpu.wait_dma2 semaphore(%arg26 : memref<!tpu.dma_semaphore, #tpu.memory_space<semaphore_mem>>) src(%arg17 : memref<8x1024xf32, #tpu.memory_space<vmem>>) dst(%dma_wait3A_2528 : memref<8x1024xf32, #tpu.memory_space<hbm>>)
      } else {
      }
      %add3A_1289 = arith.constant 1 : i32
      %add3A_1290 = arith.addi %add3A_1178, %add3A_1289 : i32
      %add3A_1291 = arith.addi %select_n3A_84, %add3A_1290 : i32
      %jit3A_1292 = arith.constant 100 : i32
      %div3A_1293 = arith.divsi %add3A_1291, %jit3A_1292 : i32
      %sign3A_1294 = arith.constant 0 : i32
      %sign3A_1295 = arith.cmpi sgt, %add3A_1291, %sign3A_1294 : i32
      %sign3A_1296 = arith.extui %sign3A_1295 : i1 to i32
      %sign3A_1297 = arith.constant 0 : i32
      %sign3A_1298 = arith.cmpi slt, %add3A_1291, %sign3A_1297 : i32
      %sign3A_1299 = arith.extui %sign3A_1298 : i1 to i32
      %sign3A_1300 = arith.subi %sign3A_1296, %sign3A_1299 : i32
      %sign3A_1301 = arith.constant 0 : i32
      %sign3A_1302 = arith.cmpi sgt, %jit3A_1292, %sign3A_1301 : i32
      %sign3A_1303 = arith.extui %sign3A_1302 : i1 to i32
      %sign3A_1304 = arith.constant 0 : i32
      %sign3A_1305 = arith.cmpi slt, %jit3A_1292, %sign3A_1304 : i32
      %sign3A_1306 = arith.extui %sign3A_1305 : i1 to i32
      %sign3A_1307 = arith.subi %sign3A_1303, %sign3A_1306 : i32
      %ne3A_1308 = arith.cmpi ne, %sign3A_1300, %sign3A_1307 : i32
      %rem3A_1309 = arith.remsi %add3A_1291, %jit3A_1292 : i32
      %ne3A_1310 = arith.constant 0 : i32
      %ne3A_1311 = arith.cmpi ne, %rem3A_1309, %ne3A_1310 : i32
      %and3A_1312 = arith.andi %ne3A_1308, %ne3A_1311 : i1
      %sub3A_1313 = arith.constant 1 : i32
      %sub3A_1314 = arith.subi %div3A_1293, %sub3A_1313 : i32
      %select_n3A_1315 = arith.select %and3A_1312, %sub3A_1314, %div3A_1293 : i32
      %add3A_1316 = arith.constant 1 : i32
      %add3A_1317 = arith.addi %add3A_1316, %select_n3A_1315 : i32
      %jit3A_1318 = arith.constant 100 : i32
      %eq3A_1319 = arith.constant 0 : i32
      %eq3A_1320 = arith.cmpi eq, %jit3A_1318, %eq3A_1319 : i32
      %jit3A_1321 = arith.constant 1 : i32
      %select_n3A_1322 = arith.select %eq3A_1320, %jit3A_1321, %jit3A_1318 : i32
      %rem3A_1323 = arith.remsi %add3A_1291, %select_n3A_1322 : i32
      %ne3A_1324 = arith.constant 0 : i32
      %ne3A_1325 = arith.cmpi ne, %rem3A_1323, %ne3A_1324 : i32
      %lt3A_1326 = arith.constant 0 : i32
      %lt3A_1327 = arith.cmpi slt, %rem3A_1323, %lt3A_1326 : i32
      %lt3A_1328 = arith.constant 0 : i32
      %lt3A_1329 = arith.cmpi slt, %select_n3A_1322, %lt3A_1328 : i32
      %ne3A_1330 = arith.xori %lt3A_1327, %lt3A_1329 : i1
      %and3A_1331 = arith.andi %ne3A_1330, %ne3A_1325 : i1
      %add3A_1332 = arith.addi %rem3A_1323, %select_n3A_1322 : i32
      %select_n3A_1333 = arith.select %and3A_1331, %add3A_1332, %rem3A_1323 : i32
      %jit3A_1334 = arith.constant 4 : i32
      %div3A_1335 = arith.divsi %select_n3A_1333, %jit3A_1334 : i32
      %sign3A_1336 = arith.constant 0 : i32
      %sign3A_1337 = arith.cmpi sgt, %select_n3A_1333, %sign3A_1336 : i32
      %sign3A_1338 = arith.extui %sign3A_1337 : i1 to i32
      %sign3A_1339 = arith.constant 0 : i32
      %sign3A_1340 = arith.cmpi slt, %select_n3A_1333, %sign3A_1339 : i32
      %sign3A_1341 = arith.extui %sign3A_1340 : i1 to i32
      %sign3A_1342 = arith.subi %sign3A_1338, %sign3A_1341 : i32
      %sign3A_1343 = arith.constant 0 : i32
      %sign3A_1344 = arith.cmpi sgt, %jit3A_1334, %sign3A_1343 : i32
      %sign3A_1345 = arith.extui %sign3A_1344 : i1 to i32
      %sign3A_1346 = arith.constant 0 : i32
      %sign3A_1347 = arith.cmpi slt, %jit3A_1334, %sign3A_1346 : i32
      %sign3A_1348 = arith.extui %sign3A_1347 : i1 to i32
      %sign3A_1349 = arith.subi %sign3A_1345, %sign3A_1348 : i32
      %ne3A_1350 = arith.cmpi ne, %sign3A_1342, %sign3A_1349 : i32
      %rem3A_1351 = arith.remsi %select_n3A_1333, %jit3A_1334 : i32
      %ne3A_1352 = arith.constant 0 : i32
      %ne3A_1353 = arith.cmpi ne, %rem3A_1351, %ne3A_1352 : i32
      %and3A_1354 = arith.andi %ne3A_1350, %ne3A_1353 : i1
      %sub3A_1355 = arith.constant 1 : i32
      %sub3A_1356 = arith.subi %div3A_1335, %sub3A_1355 : i32
      %select_n3A_1357 = arith.select %and3A_1354, %sub3A_1356, %div3A_1335 : i32
      %mul3A_1358 = arith.constant 8 : i32
      %mul3A_1359 = arith.muli %select_n3A_1357, %mul3A_1358 : i32
      %multiple_of3A_1360 = tpu.assume_multiple %mul3A_1359, 8 : i32
      %jit3A_1361 = arith.constant 4 : i32
      %eq3A_1362 = arith.constant 0 : i32
      %eq3A_1363 = arith.cmpi eq, %jit3A_1361, %eq3A_1362 : i32
      %jit3A_1364 = arith.constant 1 : i32
      %select_n3A_1365 = arith.select %eq3A_1363, %jit3A_1364, %jit3A_1361 : i32
      %rem3A_1366 = arith.remsi %select_n3A_1333, %select_n3A_1365 : i32
      %ne3A_1367 = arith.constant 0 : i32
      %ne3A_1368 = arith.cmpi ne, %rem3A_1366, %ne3A_1367 : i32
      %lt3A_1369 = arith.constant 0 : i32
      %lt3A_1370 = arith.cmpi slt, %rem3A_1366, %lt3A_1369 : i32
      %lt3A_1371 = arith.constant 0 : i32
      %lt3A_1372 = arith.cmpi slt, %select_n3A_1365, %lt3A_1371 : i32
      %ne3A_1373 = arith.xori %lt3A_1370, %lt3A_1372 : i1
      %and3A_1374 = arith.andi %ne3A_1373, %ne3A_1368 : i1
      %add3A_1375 = arith.addi %rem3A_1366, %select_n3A_1365 : i32
      %select_n3A_1376 = arith.select %and3A_1374, %add3A_1375, %rem3A_1366 : i32
      %mul3A_1377 = arith.constant 1024 : i32
      %mul3A_1378 = arith.muli %select_n3A_1376, %mul3A_1377 : i32
      %multiple_of3A_1379 = tpu.assume_multiple %mul3A_1378, 1024 : i32
      %add3A_1380 = arith.constant 32 : i32
      %add3A_1381 = arith.addi %add3A_1317, %add3A_1380 : i32
      %sub3A_1382 = arith.constant 1 : i32
      %sub3A_1383 = arith.subi %add3A_1381, %sub3A_1382 : i32
      %dma_start3A_1384 = tpu.memref_slice %arg2[%add3A_1317, %multiple_of3A_1360, %multiple_of3A_1379] : memref<27x200x4096xf32, #tpu.memory_space<hbm>> -> memref<1x8x1024xf32, #tpu.memory_space<hbm>>
      %dma_start3A_1385 = tpu.memref_squeeze %dma_start3A_1384 : memref<1x8x1024xf32, #tpu.memory_space<hbm>> -> memref<8x1024xf32, #tpu.memory_space<hbm>>
      %dma_start3A_1386 = tpu.memref_slice %arg2[%add3A_1317, %multiple_of3A_1360, %multiple_of3A_1379] : memref<27x200x4096xf32, #tpu.memory_space<hbm>> -> memref<1x8x1024xf32, #tpu.memory_space<hbm>>
      %dma_start3A_1387 = tpu.memref_squeeze %dma_start3A_1386 : memref<1x8x1024xf32, #tpu.memory_space<hbm>> -> memref<8x1024xf32, #tpu.memory_space<hbm>>
      tpu.enqueue_dma source(%dma_start3A_1387 : memref<8x1024xf32, #tpu.memory_space<hbm>>) target(%arg17 : memref<8x1024xf32, #tpu.memory_space<vmem>>) target_semaphore(%arg24 : memref<!tpu.dma_semaphore, #tpu.memory_space<semaphore_mem>>)
      %mul3A_1388 = arith.constant 3 : i32
      %mul3A_1389 = arith.muli %mul3A_1388, %add3A_1112 : i32
      %add3A_1390 = arith.constant 1 : i32
      %add3A_1391 = arith.addi %mul3A_1389, %add3A_1390 : i32
      %multiple_of3A_1392 = arith.constant 0 : i32
      %multiple_of3A_1393 = tpu.assume_multiple %multiple_of3A_1392, 8 : i32
      %multiple_of3A_1394 = tpu.assume_multiple %mul3A_34, 1024 : i32
      %dma_wait3A_1395 = arith.constant 0 : i32
      %dma_wait3A_1396 = tpu.memref_slice %arg2[%dma_wait3A_1395, %multiple_of3A_1393, %multiple_of3A_1394] : memref<27x200x4096xf32, #tpu.memory_space<hbm>> -> memref<1x8x1024xf32, #tpu.memory_space<hbm>>
      %dma_wait3A_1397 = tpu.memref_squeeze %dma_wait3A_1396 : memref<1x8x1024xf32, #tpu.memory_space<hbm>> -> memref<8x1024xf32, #tpu.memory_space<hbm>>
      %dma_wait3A_1398 = tpu.memref_slice %arg2[%dma_wait3A_1395, %multiple_of3A_1393, %multiple_of3A_1394] : memref<27x200x4096xf32, #tpu.memory_space<hbm>> -> memref<1x8x1024xf32, #tpu.memory_space<hbm>>
      %dma_wait3A_1399 = tpu.memref_squeeze %dma_wait3A_1398 : memref<1x8x1024xf32, #tpu.memory_space<hbm>> -> memref<8x1024xf32, #tpu.memory_space<hbm>>
      tpu.wait_dma2 semaphore(%arg24 : memref<!tpu.dma_semaphore, #tpu.memory_space<semaphore_mem>>) src(%dma_wait3A_1399 : memref<8x1024xf32, #tpu.memory_space<hbm>>) dst(%arg17 : memref<8x1024xf32, #tpu.memory_space<vmem>>)
      %add3A_1400 = arith.addi %select_n3A_84, %add3A_1391 : i32
      %jit3A_1401 = arith.constant 100 : i32
      %div3A_1402 = arith.divsi %add3A_1400, %jit3A_1401 : i32
      %sign3A_1403 = arith.constant 0 : i32
      %sign3A_1404 = arith.cmpi sgt, %add3A_1400, %sign3A_1403 : i32
      %sign3A_1405 = arith.extui %sign3A_1404 : i1 to i32
      %sign3A_1406 = arith.constant 0 : i32
      %sign3A_1407 = arith.cmpi slt, %add3A_1400, %sign3A_1406 : i32
      %sign3A_1408 = arith.extui %sign3A_1407 : i1 to i32
      %sign3A_1409 = arith.subi %sign3A_1405, %sign3A_1408 : i32
      %sign3A_1410 = arith.constant 0 : i32
      %sign3A_1411 = arith.cmpi sgt, %jit3A_1401, %sign3A_1410 : i32
      %sign3A_1412 = arith.extui %sign3A_1411 : i1 to i32
      %sign3A_1413 = arith.constant 0 : i32
      %sign3A_1414 = arith.cmpi slt, %jit3A_1401, %sign3A_1413 : i32
      %sign3A_1415 = arith.extui %sign3A_1414 : i1 to i32
      %sign3A_1416 = arith.subi %sign3A_1412, %sign3A_1415 : i32
      %ne3A_1417 = arith.cmpi ne, %sign3A_1409, %sign3A_1416 : i32
      %rem3A_1418 = arith.remsi %add3A_1400, %jit3A_1401 : i32
      %ne3A_1419 = arith.constant 0 : i32
      %ne3A_1420 = arith.cmpi ne, %rem3A_1418, %ne3A_1419 : i32
      %and3A_1421 = arith.andi %ne3A_1417, %ne3A_1420 : i1
      %sub3A_1422 = arith.constant 1 : i32
      %sub3A_1423 = arith.subi %div3A_1402, %sub3A_1422 : i32
      %select_n3A_1424 = arith.select %and3A_1421, %sub3A_1423, %div3A_1402 : i32
      %add3A_1425 = arith.constant 1 : i32
      %add3A_1426 = arith.addi %add3A_1425, %select_n3A_1424 : i32
      %jit3A_1427 = arith.constant 100 : i32
      %eq3A_1428 = arith.constant 0 : i32
      %eq3A_1429 = arith.cmpi eq, %jit3A_1427, %eq3A_1428 : i32
      %jit3A_1430 = arith.constant 1 : i32
      %select_n3A_1431 = arith.select %eq3A_1429, %jit3A_1430, %jit3A_1427 : i32
      %rem3A_1432 = arith.remsi %add3A_1400, %select_n3A_1431 : i32
      %ne3A_1433 = arith.constant 0 : i32
      %ne3A_1434 = arith.cmpi ne, %rem3A_1432, %ne3A_1433 : i32
      %lt3A_1435 = arith.constant 0 : i32
      %lt3A_1436 = arith.cmpi slt, %rem3A_1432, %lt3A_1435 : i32
      %lt3A_1437 = arith.constant 0 : i32
      %lt3A_1438 = arith.cmpi slt, %select_n3A_1431, %lt3A_1437 : i32
      %ne3A_1439 = arith.xori %lt3A_1436, %lt3A_1438 : i1
      %and3A_1440 = arith.andi %ne3A_1439, %ne3A_1434 : i1
      %add3A_1441 = arith.addi %rem3A_1432, %select_n3A_1431 : i32
      %select_n3A_1442 = arith.select %and3A_1440, %add3A_1441, %rem3A_1432 : i32
      %jit3A_1443 = arith.constant 4 : i32
      %div3A_1444 = arith.divsi %select_n3A_1442, %jit3A_1443 : i32
      %sign3A_1445 = arith.constant 0 : i32
      %sign3A_1446 = arith.cmpi sgt, %select_n3A_1442, %sign3A_1445 : i32
      %sign3A_1447 = arith.extui %sign3A_1446 : i1 to i32
      %sign3A_1448 = arith.constant 0 : i32
      %sign3A_1449 = arith.cmpi slt, %select_n3A_1442, %sign3A_1448 : i32
      %sign3A_1450 = arith.extui %sign3A_1449 : i1 to i32
      %sign3A_1451 = arith.subi %sign3A_1447, %sign3A_1450 : i32
      %sign3A_1452 = arith.constant 0 : i32
      %sign3A_1453 = arith.cmpi sgt, %jit3A_1443, %sign3A_1452 : i32
      %sign3A_1454 = arith.extui %sign3A_1453 : i1 to i32
      %sign3A_1455 = arith.constant 0 : i32
      %sign3A_1456 = arith.cmpi slt, %jit3A_1443, %sign3A_1455 : i32
      %sign3A_1457 = arith.extui %sign3A_1456 : i1 to i32
      %sign3A_1458 = arith.subi %sign3A_1454, %sign3A_1457 : i32
      %ne3A_1459 = arith.cmpi ne, %sign3A_1451, %sign3A_1458 : i32
      %rem3A_1460 = arith.remsi %select_n3A_1442, %jit3A_1443 : i32
      %ne3A_1461 = arith.constant 0 : i32
      %ne3A_1462 = arith.cmpi ne, %rem3A_1460, %ne3A_1461 : i32
      %and3A_1463 = arith.andi %ne3A_1459, %ne3A_1462 : i1
      %sub3A_1464 = arith.constant 1 : i32
      %sub3A_1465 = arith.subi %div3A_1444, %sub3A_1464 : i32
      %select_n3A_1466 = arith.select %and3A_1463, %sub3A_1465, %div3A_1444 : i32
      %mul3A_1467 = arith.constant 8 : i32
      %mul3A_1468 = arith.muli %select_n3A_1466, %mul3A_1467 : i32
      %multiple_of3A_1469 = tpu.assume_multiple %mul3A_1468, 8 : i32
      %jit3A_1470 = arith.constant 4 : i32
      %eq3A_1471 = arith.constant 0 : i32
      %eq3A_1472 = arith.cmpi eq, %jit3A_1470, %eq3A_1471 : i32
      %jit3A_1473 = arith.constant 1 : i32
      %select_n3A_1474 = arith.select %eq3A_1472, %jit3A_1473, %jit3A_1470 : i32
      %rem3A_1475 = arith.remsi %select_n3A_1442, %select_n3A_1474 : i32
      %ne3A_1476 = arith.constant 0 : i32
      %ne3A_1477 = arith.cmpi ne, %rem3A_1475, %ne3A_1476 : i32
      %lt3A_1478 = arith.constant 0 : i32
      %lt3A_1479 = arith.cmpi slt, %rem3A_1475, %lt3A_1478 : i32
      %lt3A_1480 = arith.constant 0 : i32
      %lt3A_1481 = arith.cmpi slt, %select_n3A_1474, %lt3A_1480 : i32
      %ne3A_1482 = arith.xori %lt3A_1479, %lt3A_1481 : i1
      %and3A_1483 = arith.andi %ne3A_1482, %ne3A_1477 : i1
      %add3A_1484 = arith.addi %rem3A_1475, %select_n3A_1474 : i32
      %select_n3A_1485 = arith.select %and3A_1483, %add3A_1484, %rem3A_1475 : i32
      %mul3A_1486 = arith.constant 1024 : i32
      %mul3A_1487 = arith.muli %select_n3A_1485, %mul3A_1486 : i32
      %multiple_of3A_1488 = tpu.assume_multiple %mul3A_1487, 1024 : i32
      %add3A_1489 = arith.constant 32 : i32
      %add3A_1490 = arith.addi %add3A_1426, %add3A_1489 : i32
      %sub3A_1491 = arith.constant 1 : i32
      %sub3A_1492 = arith.subi %add3A_1490, %sub3A_1491 : i32
      %dma_start3A_1493 = tpu.memref_slice %arg4[%sub3A_1492, %multiple_of3A_1469, %multiple_of3A_1488] : memref<58x200x4096xf32, #tpu.memory_space<hbm>> -> memref<1x8x1024xf32, #tpu.memory_space<hbm>>
      %dma_start3A_1494 = tpu.memref_squeeze %dma_start3A_1493 : memref<1x8x1024xf32, #tpu.memory_space<hbm>> -> memref<8x1024xf32, #tpu.memory_space<hbm>>
      %dma_start3A_1495 = tpu.memref_slice %arg4[%sub3A_1492, %multiple_of3A_1469, %multiple_of3A_1488] : memref<58x200x4096xf32, #tpu.memory_space<hbm>> -> memref<1x8x1024xf32, #tpu.memory_space<hbm>>
      %dma_start3A_1496 = tpu.memref_squeeze %dma_start3A_1495 : memref<1x8x1024xf32, #tpu.memory_space<hbm>> -> memref<8x1024xf32, #tpu.memory_space<hbm>>
      tpu.enqueue_dma source(%arg17 : memref<8x1024xf32, #tpu.memory_space<vmem>>) target(%dma_start3A_1496 : memref<8x1024xf32, #tpu.memory_space<hbm>>) target_semaphore(%arg26 : memref<!tpu.dma_semaphore, #tpu.memory_space<semaphore_mem>>)
      %ge3A_1497 = arith.constant 1 : i32
      %ge3A_1498 = arith.cmpi sge, %add3A_1391, %ge3A_1497 : i32
      %convert_element_type3A_1499 = arith.extui %ge3A_1498 : i1 to i32
      %cond3A_1500 = arith.constant 0 : i32
      %cond3A_1501 = arith.cmpi ne, %convert_element_type3A_1499, %cond3A_1500 : i32
      scf.if %cond3A_1501 {
        %add3A_2520 = arith.constant 0 : i32
        %add3A_2521 = arith.addi %mul3A_18, %add3A_2520 : i32
        %multiple_of3A_2522 = arith.constant 0 : i32
        %multiple_of3A_2523 = tpu.assume_multiple %multiple_of3A_2522, 8 : i32
        %multiple_of3A_2524 = tpu.assume_multiple %mul3A_34, 1024 : i32
        %dma_wait3A_2525 = tpu.memref_slice %arg4[%add3A_2521, %multiple_of3A_2523, %multiple_of3A_2524] : memref<58x200x4096xf32, #tpu.memory_space<hbm>> -> memref<1x8x1024xf32, #tpu.memory_space<hbm>>
        %dma_wait3A_2526 = tpu.memref_squeeze %dma_wait3A_2525 : memref<1x8x1024xf32, #tpu.memory_space<hbm>> -> memref<8x1024xf32, #tpu.memory_space<hbm>>
        %dma_wait3A_2527 = tpu.memref_slice %arg4[%add3A_2521, %multiple_of3A_2523, %multiple_of3A_2524] : memref<58x200x4096xf32, #tpu.memory_space<hbm>> -> memref<1x8x1024xf32, #tpu.memory_space<hbm>>
        %dma_wait3A_2528 = tpu.memref_squeeze %dma_wait3A_2527 : memref<1x8x1024xf32, #tpu.memory_space<hbm>> -> memref<8x1024xf32, #tpu.memory_space<hbm>>
        tpu.wait_dma2 semaphore(%arg25 : memref<!tpu.dma_semaphore, #tpu.memory_space<semaphore_mem>>) src(%arg16 : memref<8x1024xf32, #tpu.memory_space<vmem>>) dst(%dma_wait3A_2528 : memref<8x1024xf32, #tpu.memory_space<hbm>>)
      } else {
      }
      %add3A_1502 = arith.constant 1 : i32
      %add3A_1503 = arith.addi %add3A_1391, %add3A_1502 : i32
      %add3A_1504 = arith.addi %select_n3A_84, %add3A_1503 : i32
      %jit3A_1505 = arith.constant 100 : i32
      %div3A_1506 = arith.divsi %add3A_1504, %jit3A_1505 : i32
      %sign3A_1507 = arith.constant 0 : i32
      %sign3A_1508 = arith.cmpi sgt, %add3A_1504, %sign3A_1507 : i32
      %sign3A_1509 = arith.extui %sign3A_1508 : i1 to i32
      %sign3A_1510 = arith.constant 0 : i32
      %sign3A_1511 = arith.cmpi slt, %add3A_1504, %sign3A_1510 : i32
      %sign3A_1512 = arith.extui %sign3A_1511 : i1 to i32
      %sign3A_1513 = arith.subi %sign3A_1509, %sign3A_1512 : i32
      %sign3A_1514 = arith.constant 0 : i32
      %sign3A_1515 = arith.cmpi sgt, %jit3A_1505, %sign3A_1514 : i32
      %sign3A_1516 = arith.extui %sign3A_1515 : i1 to i32
      %sign3A_1517 = arith.constant 0 : i32
      %sign3A_1518 = arith.cmpi slt, %jit3A_1505, %sign3A_1517 : i32
      %sign3A_1519 = arith.extui %sign3A_1518 : i1 to i32
      %sign3A_1520 = arith.subi %sign3A_1516, %sign3A_1519 : i32
      %ne3A_1521 = arith.cmpi ne, %sign3A_1513, %sign3A_1520 : i32
      %rem3A_1522 = arith.remsi %add3A_1504, %jit3A_1505 : i32
      %ne3A_1523 = arith.constant 0 : i32
      %ne3A_1524 = arith.cmpi ne, %rem3A_1522, %ne3A_1523 : i32
      %and3A_1525 = arith.andi %ne3A_1521, %ne3A_1524 : i1
      %sub3A_1526 = arith.constant 1 : i32
      %sub3A_1527 = arith.subi %div3A_1506, %sub3A_1526 : i32
      %select_n3A_1528 = arith.select %and3A_1525, %sub3A_1527, %div3A_1506 : i32
      %add3A_1529 = arith.constant 1 : i32
      %add3A_1530 = arith.addi %add3A_1529, %select_n3A_1528 : i32
      %jit3A_1531 = arith.constant 100 : i32
      %eq3A_1532 = arith.constant 0 : i32
      %eq3A_1533 = arith.cmpi eq, %jit3A_1531, %eq3A_1532 : i32
      %jit3A_1534 = arith.constant 1 : i32
      %select_n3A_1535 = arith.select %eq3A_1533, %jit3A_1534, %jit3A_1531 : i32
      %rem3A_1536 = arith.remsi %add3A_1504, %select_n3A_1535 : i32
      %ne3A_1537 = arith.constant 0 : i32
      %ne3A_1538 = arith.cmpi ne, %rem3A_1536, %ne3A_1537 : i32
      %lt3A_1539 = arith.constant 0 : i32
      %lt3A_1540 = arith.cmpi slt, %rem3A_1536, %lt3A_1539 : i32
      %lt3A_1541 = arith.constant 0 : i32
      %lt3A_1542 = arith.cmpi slt, %select_n3A_1535, %lt3A_1541 : i32
      %ne3A_1543 = arith.xori %lt3A_1540, %lt3A_1542 : i1
      %and3A_1544 = arith.andi %ne3A_1543, %ne3A_1538 : i1
      %add3A_1545 = arith.addi %rem3A_1536, %select_n3A_1535 : i32
      %select_n3A_1546 = arith.select %and3A_1544, %add3A_1545, %rem3A_1536 : i32
      %jit3A_1547 = arith.constant 4 : i32
      %div3A_1548 = arith.divsi %select_n3A_1546, %jit3A_1547 : i32
      %sign3A_1549 = arith.constant 0 : i32
      %sign3A_1550 = arith.cmpi sgt, %select_n3A_1546, %sign3A_1549 : i32
      %sign3A_1551 = arith.extui %sign3A_1550 : i1 to i32
      %sign3A_1552 = arith.constant 0 : i32
      %sign3A_1553 = arith.cmpi slt, %select_n3A_1546, %sign3A_1552 : i32
      %sign3A_1554 = arith.extui %sign3A_1553 : i1 to i32
      %sign3A_1555 = arith.subi %sign3A_1551, %sign3A_1554 : i32
      %sign3A_1556 = arith.constant 0 : i32
      %sign3A_1557 = arith.cmpi sgt, %jit3A_1547, %sign3A_1556 : i32
      %sign3A_1558 = arith.extui %sign3A_1557 : i1 to i32
      %sign3A_1559 = arith.constant 0 : i32
      %sign3A_1560 = arith.cmpi slt, %jit3A_1547, %sign3A_1559 : i32
      %sign3A_1561 = arith.extui %sign3A_1560 : i1 to i32
      %sign3A_1562 = arith.subi %sign3A_1558, %sign3A_1561 : i32
      %ne3A_1563 = arith.cmpi ne, %sign3A_1555, %sign3A_1562 : i32
      %rem3A_1564 = arith.remsi %select_n3A_1546, %jit3A_1547 : i32
      %ne3A_1565 = arith.constant 0 : i32
      %ne3A_1566 = arith.cmpi ne, %rem3A_1564, %ne3A_1565 : i32
      %and3A_1567 = arith.andi %ne3A_1563, %ne3A_1566 : i1
      %sub3A_1568 = arith.constant 1 : i32
      %sub3A_1569 = arith.subi %div3A_1548, %sub3A_1568 : i32
      %select_n3A_1570 = arith.select %and3A_1567, %sub3A_1569, %div3A_1548 : i32
      %mul3A_1571 = arith.constant 8 : i32
      %mul3A_1572 = arith.muli %select_n3A_1570, %mul3A_1571 : i32
      %multiple_of3A_1573 = tpu.assume_multiple %mul3A_1572, 8 : i32
      %jit3A_1574 = arith.constant 4 : i32
      %eq3A_1575 = arith.constant 0 : i32
      %eq3A_1576 = arith.cmpi eq, %jit3A_1574, %eq3A_1575 : i32
      %jit3A_1577 = arith.constant 1 : i32
      %select_n3A_1578 = arith.select %eq3A_1576, %jit3A_1577, %jit3A_1574 : i32
      %rem3A_1579 = arith.remsi %select_n3A_1546, %select_n3A_1578 : i32
      %ne3A_1580 = arith.constant 0 : i32
      %ne3A_1581 = arith.cmpi ne, %rem3A_1579, %ne3A_1580 : i32
      %lt3A_1582 = arith.constant 0 : i32
      %lt3A_1583 = arith.cmpi slt, %rem3A_1579, %lt3A_1582 : i32
      %lt3A_1584 = arith.constant 0 : i32
      %lt3A_1585 = arith.cmpi slt, %select_n3A_1578, %lt3A_1584 : i32
      %ne3A_1586 = arith.xori %lt3A_1583, %lt3A_1585 : i1
      %and3A_1587 = arith.andi %ne3A_1586, %ne3A_1581 : i1
      %add3A_1588 = arith.addi %rem3A_1579, %select_n3A_1578 : i32
      %select_n3A_1589 = arith.select %and3A_1587, %add3A_1588, %rem3A_1579 : i32
      %mul3A_1590 = arith.constant 1024 : i32
      %mul3A_1591 = arith.muli %select_n3A_1589, %mul3A_1590 : i32
      %multiple_of3A_1592 = tpu.assume_multiple %mul3A_1591, 1024 : i32
      %add3A_1593 = arith.constant 32 : i32
      %add3A_1594 = arith.addi %add3A_1530, %add3A_1593 : i32
      %sub3A_1595 = arith.constant 1 : i32
      %sub3A_1596 = arith.subi %add3A_1594, %sub3A_1595 : i32
      %dma_start3A_1597 = tpu.memref_slice %arg2[%add3A_1530, %multiple_of3A_1573, %multiple_of3A_1592] : memref<27x200x4096xf32, #tpu.memory_space<hbm>> -> memref<1x8x1024xf32, #tpu.memory_space<hbm>>
      %dma_start3A_1598 = tpu.memref_squeeze %dma_start3A_1597 : memref<1x8x1024xf32, #tpu.memory_space<hbm>> -> memref<8x1024xf32, #tpu.memory_space<hbm>>
      %dma_start3A_1599 = tpu.memref_slice %arg2[%add3A_1530, %multiple_of3A_1573, %multiple_of3A_1592] : memref<27x200x4096xf32, #tpu.memory_space<hbm>> -> memref<1x8x1024xf32, #tpu.memory_space<hbm>>
      %dma_start3A_1600 = tpu.memref_squeeze %dma_start3A_1599 : memref<1x8x1024xf32, #tpu.memory_space<hbm>> -> memref<8x1024xf32, #tpu.memory_space<hbm>>
      tpu.enqueue_dma source(%dma_start3A_1600 : memref<8x1024xf32, #tpu.memory_space<hbm>>) target(%arg16 : memref<8x1024xf32, #tpu.memory_space<vmem>>) target_semaphore(%arg23 : memref<!tpu.dma_semaphore, #tpu.memory_space<semaphore_mem>>)
      %mul3A_1601 = arith.constant 3 : i32
      %mul3A_1602 = arith.muli %mul3A_1601, %add3A_1112 : i32
      %add3A_1603 = arith.constant 2 : i32
      %add3A_1604 = arith.addi %mul3A_1602, %add3A_1603 : i32
      %multiple_of3A_1605 = arith.constant 0 : i32
      %multiple_of3A_1606 = tpu.assume_multiple %multiple_of3A_1605, 8 : i32
      %multiple_of3A_1607 = tpu.assume_multiple %mul3A_34, 1024 : i32
      %dma_wait3A_1608 = arith.constant 0 : i32
      %dma_wait3A_1609 = tpu.memref_slice %arg2[%dma_wait3A_1608, %multiple_of3A_1606, %multiple_of3A_1607] : memref<27x200x4096xf32, #tpu.memory_space<hbm>> -> memref<1x8x1024xf32, #tpu.memory_space<hbm>>
      %dma_wait3A_1610 = tpu.memref_squeeze %dma_wait3A_1609 : memref<1x8x1024xf32, #tpu.memory_space<hbm>> -> memref<8x1024xf32, #tpu.memory_space<hbm>>
      %dma_wait3A_1611 = tpu.memref_slice %arg2[%dma_wait3A_1608, %multiple_of3A_1606, %multiple_of3A_1607] : memref<27x200x4096xf32, #tpu.memory_space<hbm>> -> memref<1x8x1024xf32, #tpu.memory_space<hbm>>
      %dma_wait3A_1612 = tpu.memref_squeeze %dma_wait3A_1611 : memref<1x8x1024xf32, #tpu.memory_space<hbm>> -> memref<8x1024xf32, #tpu.memory_space<hbm>>
      tpu.wait_dma2 semaphore(%arg23 : memref<!tpu.dma_semaphore, #tpu.memory_space<semaphore_mem>>) src(%dma_wait3A_1612 : memref<8x1024xf32, #tpu.memory_space<hbm>>) dst(%arg16 : memref<8x1024xf32, #tpu.memory_space<vmem>>)
      %add3A_1613 = arith.addi %select_n3A_84, %add3A_1604 : i32
      %jit3A_1614 = arith.constant 100 : i32
      %div3A_1615 = arith.divsi %add3A_1613, %jit3A_1614 : i32
      %sign3A_1616 = arith.constant 0 : i32
      %sign3A_1617 = arith.cmpi sgt, %add3A_1613, %sign3A_1616 : i32
      %sign3A_1618 = arith.extui %sign3A_1617 : i1 to i32
      %sign3A_1619 = arith.constant 0 : i32
      %sign3A_1620 = arith.cmpi slt, %add3A_1613, %sign3A_1619 : i32
      %sign3A_1621 = arith.extui %sign3A_1620 : i1 to i32
      %sign3A_1622 = arith.subi %sign3A_1618, %sign3A_1621 : i32
      %sign3A_1623 = arith.constant 0 : i32
      %sign3A_1624 = arith.cmpi sgt, %jit3A_1614, %sign3A_1623 : i32
      %sign3A_1625 = arith.extui %sign3A_1624 : i1 to i32
      %sign3A_1626 = arith.constant 0 : i32
      %sign3A_1627 = arith.cmpi slt, %jit3A_1614, %sign3A_1626 : i32
      %sign3A_1628 = arith.extui %sign3A_1627 : i1 to i32
      %sign3A_1629 = arith.subi %sign3A_1625, %sign3A_1628 : i32
      %ne3A_1630 = arith.cmpi ne, %sign3A_1622, %sign3A_1629 : i32
      %rem3A_1631 = arith.remsi %add3A_1613, %jit3A_1614 : i32
      %ne3A_1632 = arith.constant 0 : i32
      %ne3A_1633 = arith.cmpi ne, %rem3A_1631, %ne3A_1632 : i32
      %and3A_1634 = arith.andi %ne3A_1630, %ne3A_1633 : i1
      %sub3A_1635 = arith.constant 1 : i32
      %sub3A_1636 = arith.subi %div3A_1615, %sub3A_1635 : i32
      %select_n3A_1637 = arith.select %and3A_1634, %sub3A_1636, %div3A_1615 : i32
      %add3A_1638 = arith.constant 1 : i32
      %add3A_1639 = arith.addi %add3A_1638, %select_n3A_1637 : i32
      %jit3A_1640 = arith.constant 100 : i32
      %eq3A_1641 = arith.constant 0 : i32
      %eq3A_1642 = arith.cmpi eq, %jit3A_1640, %eq3A_1641 : i32
      %jit3A_1643 = arith.constant 1 : i32
      %select_n3A_1644 = arith.select %eq3A_1642, %jit3A_1643, %jit3A_1640 : i32
      %rem3A_1645 = arith.remsi %add3A_1613, %select_n3A_1644 : i32
      %ne3A_1646 = arith.constant 0 : i32
      %ne3A_1647 = arith.cmpi ne, %rem3A_1645, %ne3A_1646 : i32
      %lt3A_1648 = arith.constant 0 : i32
      %lt3A_1649 = arith.cmpi slt, %rem3A_1645, %lt3A_1648 : i32
      %lt3A_1650 = arith.constant 0 : i32
      %lt3A_1651 = arith.cmpi slt, %select_n3A_1644, %lt3A_1650 : i32
      %ne3A_1652 = arith.xori %lt3A_1649, %lt3A_1651 : i1
      %and3A_1653 = arith.andi %ne3A_1652, %ne3A_1647 : i1
      %add3A_1654 = arith.addi %rem3A_1645, %select_n3A_1644 : i32
      %select_n3A_1655 = arith.select %and3A_1653, %add3A_1654, %rem3A_1645 : i32
      %jit3A_1656 = arith.constant 4 : i32
      %div3A_1657 = arith.divsi %select_n3A_1655, %jit3A_1656 : i32
      %sign3A_1658 = arith.constant 0 : i32
      %sign3A_1659 = arith.cmpi sgt, %select_n3A_1655, %sign3A_1658 : i32
      %sign3A_1660 = arith.extui %sign3A_1659 : i1 to i32
      %sign3A_1661 = arith.constant 0 : i32
      %sign3A_1662 = arith.cmpi slt, %select_n3A_1655, %sign3A_1661 : i32
      %sign3A_1663 = arith.extui %sign3A_1662 : i1 to i32
      %sign3A_1664 = arith.subi %sign3A_1660, %sign3A_1663 : i32
      %sign3A_1665 = arith.constant 0 : i32
      %sign3A_1666 = arith.cmpi sgt, %jit3A_1656, %sign3A_1665 : i32
      %sign3A_1667 = arith.extui %sign3A_1666 : i1 to i32
      %sign3A_1668 = arith.constant 0 : i32
      %sign3A_1669 = arith.cmpi slt, %jit3A_1656, %sign3A_1668 : i32
      %sign3A_1670 = arith.extui %sign3A_1669 : i1 to i32
      %sign3A_1671 = arith.subi %sign3A_1667, %sign3A_1670 : i32
      %ne3A_1672 = arith.cmpi ne, %sign3A_1664, %sign3A_1671 : i32
      %rem3A_1673 = arith.remsi %select_n3A_1655, %jit3A_1656 : i32
      %ne3A_1674 = arith.constant 0 : i32
      %ne3A_1675 = arith.cmpi ne, %rem3A_1673, %ne3A_1674 : i32
      %and3A_1676 = arith.andi %ne3A_1672, %ne3A_1675 : i1
      %sub3A_1677 = arith.constant 1 : i32
      %sub3A_1678 = arith.subi %div3A_1657, %sub3A_1677 : i32
      %select_n3A_1679 = arith.select %and3A_1676, %sub3A_1678, %div3A_1657 : i32
      %mul3A_1680 = arith.constant 8 : i32
      %mul3A_1681 = arith.muli %select_n3A_1679, %mul3A_1680 : i32
      %multiple_of3A_1682 = tpu.assume_multiple %mul3A_1681, 8 : i32
      %jit3A_1683 = arith.constant 4 : i32
      %eq3A_1684 = arith.constant 0 : i32
      %eq3A_1685 = arith.cmpi eq, %jit3A_1683, %eq3A_1684 : i32
      %jit3A_1686 = arith.constant 1 : i32
      %select_n3A_1687 = arith.select %eq3A_1685, %jit3A_1686, %jit3A_1683 : i32
      %rem3A_1688 = arith.remsi %select_n3A_1655, %select_n3A_1687 : i32
      %ne3A_1689 = arith.constant 0 : i32
      %ne3A_1690 = arith.cmpi ne, %rem3A_1688, %ne3A_1689 : i32
      %lt3A_1691 = arith.constant 0 : i32
      %lt3A_1692 = arith.cmpi slt, %rem3A_1688, %lt3A_1691 : i32
      %lt3A_1693 = arith.constant 0 : i32
      %lt3A_1694 = arith.cmpi slt, %select_n3A_1687, %lt3A_1693 : i32
      %ne3A_1695 = arith.xori %lt3A_1692, %lt3A_1694 : i1
      %and3A_1696 = arith.andi %ne3A_1695, %ne3A_1690 : i1
      %add3A_1697 = arith.addi %rem3A_1688, %select_n3A_1687 : i32
      %select_n3A_1698 = arith.select %and3A_1696, %add3A_1697, %rem3A_1688 : i32
      %mul3A_1699 = arith.constant 1024 : i32
      %mul3A_1700 = arith.muli %select_n3A_1698, %mul3A_1699 : i32
      %multiple_of3A_1701 = tpu.assume_multiple %mul3A_1700, 1024 : i32
      %add3A_1702 = arith.constant 32 : i32
      %add3A_1703 = arith.addi %add3A_1639, %add3A_1702 : i32
      %sub3A_1704 = arith.constant 1 : i32
      %sub3A_1705 = arith.subi %add3A_1703, %sub3A_1704 : i32
      %dma_start3A_1706 = tpu.memref_slice %arg4[%sub3A_1705, %multiple_of3A_1682, %multiple_of3A_1701] : memref<58x200x4096xf32, #tpu.memory_space<hbm>> -> memref<1x8x1024xf32, #tpu.memory_space<hbm>>
      %dma_start3A_1707 = tpu.memref_squeeze %dma_start3A_1706 : memref<1x8x1024xf32, #tpu.memory_space<hbm>> -> memref<8x1024xf32, #tpu.memory_space<hbm>>
      %dma_start3A_1708 = tpu.memref_slice %arg4[%sub3A_1705, %multiple_of3A_1682, %multiple_of3A_1701] : memref<58x200x4096xf32, #tpu.memory_space<hbm>> -> memref<1x8x1024xf32, #tpu.memory_space<hbm>>
      %dma_start3A_1709 = tpu.memref_squeeze %dma_start3A_1708 : memref<1x8x1024xf32, #tpu.memory_space<hbm>> -> memref<8x1024xf32, #tpu.memory_space<hbm>>
      tpu.enqueue_dma source(%arg16 : memref<8x1024xf32, #tpu.memory_space<vmem>>) target(%dma_start3A_1709 : memref<8x1024xf32, #tpu.memory_space<hbm>>) target_semaphore(%arg25 : memref<!tpu.dma_semaphore, #tpu.memory_space<semaphore_mem>>)
      %ge3A_1710 = arith.constant 1 : i32
      %ge3A_1711 = arith.cmpi sge, %add3A_1604, %ge3A_1710 : i32
      %convert_element_type3A_1712 = arith.extui %ge3A_1711 : i1 to i32
      %cond3A_1713 = arith.constant 0 : i32
      %cond3A_1714 = arith.cmpi ne, %convert_element_type3A_1712, %cond3A_1713 : i32
      scf.if %cond3A_1714 {
        %add3A_2520 = arith.constant 0 : i32
        %add3A_2521 = arith.addi %mul3A_18, %add3A_2520 : i32
        %multiple_of3A_2522 = arith.constant 0 : i32
        %multiple_of3A_2523 = tpu.assume_multiple %multiple_of3A_2522, 8 : i32
        %multiple_of3A_2524 = tpu.assume_multiple %mul3A_34, 1024 : i32
        %dma_wait3A_2525 = tpu.memref_slice %arg4[%add3A_2521, %multiple_of3A_2523, %multiple_of3A_2524] : memref<58x200x4096xf32, #tpu.memory_space<hbm>> -> memref<1x8x1024xf32, #tpu.memory_space<hbm>>
        %dma_wait3A_2526 = tpu.memref_squeeze %dma_wait3A_2525 : memref<1x8x1024xf32, #tpu.memory_space<hbm>> -> memref<8x1024xf32, #tpu.memory_space<hbm>>
        %dma_wait3A_2527 = tpu.memref_slice %arg4[%add3A_2521, %multiple_of3A_2523, %multiple_of3A_2524] : memref<58x200x4096xf32, #tpu.memory_space<hbm>> -> memref<1x8x1024xf32, #tpu.memory_space<hbm>>
        %dma_wait3A_2528 = tpu.memref_squeeze %dma_wait3A_2527 : memref<1x8x1024xf32, #tpu.memory_space<hbm>> -> memref<8x1024xf32, #tpu.memory_space<hbm>>
        tpu.wait_dma2 semaphore(%arg26 : memref<!tpu.dma_semaphore, #tpu.memory_space<semaphore_mem>>) src(%arg17 : memref<8x1024xf32, #tpu.memory_space<vmem>>) dst(%dma_wait3A_2528 : memref<8x1024xf32, #tpu.memory_space<hbm>>)
      } else {
      }
      %add3A_1715 = arith.constant 1 : i32
      %add3A_1716 = arith.addi %add3A_1604, %add3A_1715 : i32
      %add3A_1717 = arith.addi %select_n3A_84, %add3A_1716 : i32
      %jit3A_1718 = arith.constant 100 : i32
      %div3A_1719 = arith.divsi %add3A_1717, %jit3A_1718 : i32
      %sign3A_1720 = arith.constant 0 : i32
      %sign3A_1721 = arith.cmpi sgt, %add3A_1717, %sign3A_1720 : i32
      %sign3A_1722 = arith.extui %sign3A_1721 : i1 to i32
      %sign3A_1723 = arith.constant 0 : i32
      %sign3A_1724 = arith.cmpi slt, %add3A_1717, %sign3A_1723 : i32
      %sign3A_1725 = arith.extui %sign3A_1724 : i1 to i32
      %sign3A_1726 = arith.subi %sign3A_1722, %sign3A_1725 : i32
      %sign3A_1727 = arith.constant 0 : i32
      %sign3A_1728 = arith.cmpi sgt, %jit3A_1718, %sign3A_1727 : i32
      %sign3A_1729 = arith.extui %sign3A_1728 : i1 to i32
      %sign3A_1730 = arith.constant 0 : i32
      %sign3A_1731 = arith.cmpi slt, %jit3A_1718, %sign3A_1730 : i32
      %sign3A_1732 = arith.extui %sign3A_1731 : i1 to i32
      %sign3A_1733 = arith.subi %sign3A_1729, %sign3A_1732 : i32
      %ne3A_1734 = arith.cmpi ne, %sign3A_1726, %sign3A_1733 : i32
      %rem3A_1735 = arith.remsi %add3A_1717, %jit3A_1718 : i32
      %ne3A_1736 = arith.constant 0 : i32
      %ne3A_1737 = arith.cmpi ne, %rem3A_1735, %ne3A_1736 : i32
      %and3A_1738 = arith.andi %ne3A_1734, %ne3A_1737 : i1
      %sub3A_1739 = arith.constant 1 : i32
      %sub3A_1740 = arith.subi %div3A_1719, %sub3A_1739 : i32
      %select_n3A_1741 = arith.select %and3A_1738, %sub3A_1740, %div3A_1719 : i32
      %add3A_1742 = arith.constant 1 : i32
      %add3A_1743 = arith.addi %add3A_1742, %select_n3A_1741 : i32
      %jit3A_1744 = arith.constant 100 : i32
      %eq3A_1745 = arith.constant 0 : i32
      %eq3A_1746 = arith.cmpi eq, %jit3A_1744, %eq3A_1745 : i32
      %jit3A_1747 = arith.constant 1 : i32
      %select_n3A_1748 = arith.select %eq3A_1746, %jit3A_1747, %jit3A_1744 : i32
      %rem3A_1749 = arith.remsi %add3A_1717, %select_n3A_1748 : i32
      %ne3A_1750 = arith.constant 0 : i32
      %ne3A_1751 = arith.cmpi ne, %rem3A_1749, %ne3A_1750 : i32
      %lt3A_1752 = arith.constant 0 : i32
      %lt3A_1753 = arith.cmpi slt, %rem3A_1749, %lt3A_1752 : i32
      %lt3A_1754 = arith.constant 0 : i32
      %lt3A_1755 = arith.cmpi slt, %select_n3A_1748, %lt3A_1754 : i32
      %ne3A_1756 = arith.xori %lt3A_1753, %lt3A_1755 : i1
      %and3A_1757 = arith.andi %ne3A_1756, %ne3A_1751 : i1
      %add3A_1758 = arith.addi %rem3A_1749, %select_n3A_1748 : i32
      %select_n3A_1759 = arith.select %and3A_1757, %add3A_1758, %rem3A_1749 : i32
      %jit3A_1760 = arith.constant 4 : i32
      %div3A_1761 = arith.divsi %select_n3A_1759, %jit3A_1760 : i32
      %sign3A_1762 = arith.constant 0 : i32
      %sign3A_1763 = arith.cmpi sgt, %select_n3A_1759, %sign3A_1762 : i32
      %sign3A_1764 = arith.extui %sign3A_1763 : i1 to i32
      %sign3A_1765 = arith.constant 0 : i32
      %sign3A_1766 = arith.cmpi slt, %select_n3A_1759, %sign3A_1765 : i32
      %sign3A_1767 = arith.extui %sign3A_1766 : i1 to i32
      %sign3A_1768 = arith.subi %sign3A_1764, %sign3A_1767 : i32
      %sign3A_1769 = arith.constant 0 : i32
      %sign3A_1770 = arith.cmpi sgt, %jit3A_1760, %sign3A_1769 : i32
      %sign3A_1771 = arith.extui %sign3A_1770 : i1 to i32
      %sign3A_1772 = arith.constant 0 : i32
      %sign3A_1773 = arith.cmpi slt, %jit3A_1760, %sign3A_1772 : i32
      %sign3A_1774 = arith.extui %sign3A_1773 : i1 to i32
      %sign3A_1775 = arith.subi %sign3A_1771, %sign3A_1774 : i32
      %ne3A_1776 = arith.cmpi ne, %sign3A_1768, %sign3A_1775 : i32
      %rem3A_1777 = arith.remsi %select_n3A_1759, %jit3A_1760 : i32
      %ne3A_1778 = arith.constant 0 : i32
      %ne3A_1779 = arith.cmpi ne, %rem3A_1777, %ne3A_1778 : i32
      %and3A_1780 = arith.andi %ne3A_1776, %ne3A_1779 : i1
      %sub3A_1781 = arith.constant 1 : i32
      %sub3A_1782 = arith.subi %div3A_1761, %sub3A_1781 : i32
      %select_n3A_1783 = arith.select %and3A_1780, %sub3A_1782, %div3A_1761 : i32
      %mul3A_1784 = arith.constant 8 : i32
      %mul3A_1785 = arith.muli %select_n3A_1783, %mul3A_1784 : i32
      %multiple_of3A_1786 = tpu.assume_multiple %mul3A_1785, 8 : i32
      %jit3A_1787 = arith.constant 4 : i32
      %eq3A_1788 = arith.constant 0 : i32
      %eq3A_1789 = arith.cmpi eq, %jit3A_1787, %eq3A_1788 : i32
      %jit3A_1790 = arith.constant 1 : i32
      %select_n3A_1791 = arith.select %eq3A_1789, %jit3A_1790, %jit3A_1787 : i32
      %rem3A_1792 = arith.remsi %select_n3A_1759, %select_n3A_1791 : i32
      %ne3A_1793 = arith.constant 0 : i32
      %ne3A_1794 = arith.cmpi ne, %rem3A_1792, %ne3A_1793 : i32
      %lt3A_1795 = arith.constant 0 : i32
      %lt3A_1796 = arith.cmpi slt, %rem3A_1792, %lt3A_1795 : i32
      %lt3A_1797 = arith.constant 0 : i32
      %lt3A_1798 = arith.cmpi slt, %select_n3A_1791, %lt3A_1797 : i32
      %ne3A_1799 = arith.xori %lt3A_1796, %lt3A_1798 : i1
      %and3A_1800 = arith.andi %ne3A_1799, %ne3A_1794 : i1
      %add3A_1801 = arith.addi %rem3A_1792, %select_n3A_1791 : i32
      %select_n3A_1802 = arith.select %and3A_1800, %add3A_1801, %rem3A_1792 : i32
      %mul3A_1803 = arith.constant 1024 : i32
      %mul3A_1804 = arith.muli %select_n3A_1802, %mul3A_1803 : i32
      %multiple_of3A_1805 = tpu.assume_multiple %mul3A_1804, 1024 : i32
      %add3A_1806 = arith.constant 32 : i32
      %add3A_1807 = arith.addi %add3A_1743, %add3A_1806 : i32
      %sub3A_1808 = arith.constant 1 : i32
      %sub3A_1809 = arith.subi %add3A_1807, %sub3A_1808 : i32
      %dma_start3A_1810 = tpu.memref_slice %arg2[%add3A_1743, %multiple_of3A_1786, %multiple_of3A_1805] : memref<27x200x4096xf32, #tpu.memory_space<hbm>> -> memref<1x8x1024xf32, #tpu.memory_space<hbm>>
      %dma_start3A_1811 = tpu.memref_squeeze %dma_start3A_1810 : memref<1x8x1024xf32, #tpu.memory_space<hbm>> -> memref<8x1024xf32, #tpu.memory_space<hbm>>
      %dma_start3A_1812 = tpu.memref_slice %arg2[%add3A_1743, %multiple_of3A_1786, %multiple_of3A_1805] : memref<27x200x4096xf32, #tpu.memory_space<hbm>> -> memref<1x8x1024xf32, #tpu.memory_space<hbm>>
      %dma_start3A_1813 = tpu.memref_squeeze %dma_start3A_1812 : memref<1x8x1024xf32, #tpu.memory_space<hbm>> -> memref<8x1024xf32, #tpu.memory_space<hbm>>
      tpu.enqueue_dma source(%dma_start3A_1813 : memref<8x1024xf32, #tpu.memory_space<hbm>>) target(%arg17 : memref<8x1024xf32, #tpu.memory_space<vmem>>) target_semaphore(%arg24 : memref<!tpu.dma_semaphore, #tpu.memory_space<semaphore_mem>>)
      %mul3A_1814 = arith.constant 2 : i32
      %mul3A_1815 = arith.muli %mul3A_1814, %scan3A_1108 : i32
      %add3A_1816 = arith.constant 1 : i32
      %add3A_1817 = arith.addi %mul3A_1815, %add3A_1816 : i32
      %multiple_of3A_1818 = arith.constant 0 : i32
      %multiple_of3A_1819 = tpu.assume_multiple %multiple_of3A_1818, 8 : i32
      %multiple_of3A_1820 = tpu.assume_multiple %mul3A_34, 1024 : i32
      %dma_wait3A_1821 = arith.constant 0 : i32
      %dma_wait3A_1822 = tpu.memref_slice %arg2[%dma_wait3A_1821, %multiple_of3A_1819, %multiple_of3A_1820] : memref<27x200x4096xf32, #tpu.memory_space<hbm>> -> memref<1x8x1024xf32, #tpu.memory_space<hbm>>
      %dma_wait3A_1823 = tpu.memref_squeeze %dma_wait3A_1822 : memref<1x8x1024xf32, #tpu.memory_space<hbm>> -> memref<8x1024xf32, #tpu.memory_space<hbm>>
      %dma_wait3A_1824 = tpu.memref_slice %arg2[%dma_wait3A_1821, %multiple_of3A_1819, %multiple_of3A_1820] : memref<27x200x4096xf32, #tpu.memory_space<hbm>> -> memref<1x8x1024xf32, #tpu.memory_space<hbm>>
      %dma_wait3A_1825 = tpu.memref_squeeze %dma_wait3A_1824 : memref<1x8x1024xf32, #tpu.memory_space<hbm>> -> memref<8x1024xf32, #tpu.memory_space<hbm>>
      tpu.wait_dma2 semaphore(%arg20 : memref<!tpu.dma_semaphore, #tpu.memory_space<semaphore_mem>>) src(%dma_wait3A_1825 : memref<8x1024xf32, #tpu.memory_space<hbm>>) dst(%arg7 : memref<8x1024xf32, #tpu.memory_space<vmem>>)
      %ge3A_1826 = arith.constant 2 : i32
      %ge3A_1827 = arith.cmpi sge, %add3A_1817, %ge3A_1826 : i32
      %convert_element_type3A_1828 = arith.extui %ge3A_1827 : i1 to i32
      %cond3A_1829 = arith.constant 0 : i32
      %cond3A_1830 = arith.cmpi ne, %convert_element_type3A_1828, %cond3A_1829 : i32
      scf.if %cond3A_1830 {
        %add3A_2520 = arith.constant 0 : i32
        %add3A_2521 = arith.addi %mul3A_18, %add3A_2520 : i32
        %multiple_of3A_2522 = arith.constant 0 : i32
        %multiple_of3A_2523 = tpu.assume_multiple %multiple_of3A_2522, 8 : i32
        %multiple_of3A_2524 = tpu.assume_multiple %mul3A_34, 1024 : i32
        %dma_wait3A_2525 = tpu.memref_slice %arg4[%add3A_2521, %multiple_of3A_2523, %multiple_of3A_2524] : memref<58x200x4096xf32, #tpu.memory_space<hbm>> -> memref<1x8x1024xf32, #tpu.memory_space<hbm>>
        %dma_wait3A_2526 = tpu.memref_squeeze %dma_wait3A_2525 : memref<1x8x1024xf32, #tpu.memory_space<hbm>> -> memref<8x1024xf32, #tpu.memory_space<hbm>>
        %dma_wait3A_2527 = tpu.memref_slice %arg4[%add3A_2521, %multiple_of3A_2523, %multiple_of3A_2524] : memref<58x200x4096xf32, #tpu.memory_space<hbm>> -> memref<1x8x1024xf32, #tpu.memory_space<hbm>>
        %dma_wait3A_2528 = tpu.memref_squeeze %dma_wait3A_2527 : memref<1x8x1024xf32, #tpu.memory_space<hbm>> -> memref<8x1024xf32, #tpu.memory_space<hbm>>
        tpu.wait_dma2 semaphore(%arg22 : memref<!tpu.dma_semaphore, #tpu.memory_space<semaphore_mem>>) src(%arg12 : memref<8x1024xf32, #tpu.memory_space<vmem>>) dst(%dma_wait3A_2528 : memref<8x1024xf32, #tpu.memory_space<hbm>>)
        %add3A_2529 = arith.constant 0 : i32
        %add3A_2530 = arith.addi %mul3A_18, %add3A_2529 : i32
        %multiple_of3A_2531 = arith.constant 0 : i32
        %multiple_of3A_2532 = tpu.assume_multiple %multiple_of3A_2531, 8 : i32
        %multiple_of3A_2533 = tpu.assume_multiple %mul3A_34, 1024 : i32
        %dma_wait3A_2534 = tpu.memref_slice %arg4[%add3A_2530, %multiple_of3A_2532, %multiple_of3A_2533] : memref<58x200x4096xf32, #tpu.memory_space<hbm>> -> memref<1x8x1024xf32, #tpu.memory_space<hbm>>
        %dma_wait3A_2535 = tpu.memref_squeeze %dma_wait3A_2534 : memref<1x8x1024xf32, #tpu.memory_space<hbm>> -> memref<8x1024xf32, #tpu.memory_space<hbm>>
        %dma_wait3A_2536 = tpu.memref_slice %arg4[%add3A_2530, %multiple_of3A_2532, %multiple_of3A_2533] : memref<58x200x4096xf32, #tpu.memory_space<hbm>> -> memref<1x8x1024xf32, #tpu.memory_space<hbm>>
        %dma_wait3A_2537 = tpu.memref_squeeze %dma_wait3A_2536 : memref<1x8x1024xf32, #tpu.memory_space<hbm>> -> memref<8x1024xf32, #tpu.memory_space<hbm>>
        tpu.wait_dma2 semaphore(%arg22 : memref<!tpu.dma_semaphore, #tpu.memory_space<semaphore_mem>>) src(%arg13 : memref<8x1024xf32, #tpu.memory_space<vmem>>) dst(%dma_wait3A_2537 : memref<8x1024xf32, #tpu.memory_space<hbm>>)
        %add3A_2538 = arith.constant 0 : i32
        %add3A_2539 = arith.addi %mul3A_18, %add3A_2538 : i32
        %multiple_of3A_2540 = arith.constant 0 : i32
        %multiple_of3A_2541 = tpu.assume_multiple %multiple_of3A_2540, 8 : i32
        %multiple_of3A_2542 = tpu.assume_multiple %mul3A_34, 1024 : i32
        %dma_wait3A_2543 = tpu.memref_slice %arg4[%add3A_2539, %multiple_of3A_2541, %multiple_of3A_2542] : memref<58x200x4096xf32, #tpu.memory_space<hbm>> -> memref<1x8x1024xf32, #tpu.memory_space<hbm>>
        %dma_wait3A_2544 = tpu.memref_squeeze %dma_wait3A_2543 : memref<1x8x1024xf32, #tpu.memory_space<hbm>> -> memref<8x1024xf32, #tpu.memory_space<hbm>>
        %dma_wait3A_2545 = tpu.memref_slice %arg4[%add3A_2539, %multiple_of3A_2541, %multiple_of3A_2542] : memref<58x200x4096xf32, #tpu.memory_space<hbm>> -> memref<1x8x1024xf32, #tpu.memory_space<hbm>>
        %dma_wait3A_2546 = tpu.memref_squeeze %dma_wait3A_2545 : memref<1x8x1024xf32, #tpu.memory_space<hbm>> -> memref<8x1024xf32, #tpu.memory_space<hbm>>
        tpu.wait_dma2 semaphore(%arg22 : memref<!tpu.dma_semaphore, #tpu.memory_space<semaphore_mem>>) src(%arg14 : memref<8x1024xf32, #tpu.memory_space<vmem>>) dst(%dma_wait3A_2546 : memref<8x1024xf32, #tpu.memory_space<hbm>>)
        %add3A_2547 = arith.constant 0 : i32
        %add3A_2548 = arith.addi %mul3A_18, %add3A_2547 : i32
        %multiple_of3A_2549 = arith.constant 0 : i32
        %multiple_of3A_2550 = tpu.assume_multiple %multiple_of3A_2549, 8 : i32
        %multiple_of3A_2551 = tpu.assume_multiple %mul3A_34, 1024 : i32
        %dma_wait3A_2552 = tpu.memref_slice %arg4[%add3A_2548, %multiple_of3A_2550, %multiple_of3A_2551] : memref<58x200x4096xf32, #tpu.memory_space<hbm>> -> memref<1x8x1024xf32, #tpu.memory_space<hbm>>
        %dma_wait3A_2553 = tpu.memref_squeeze %dma_wait3A_2552 : memref<1x8x1024xf32, #tpu.memory_space<hbm>> -> memref<8x1024xf32, #tpu.memory_space<hbm>>
        %dma_wait3A_2554 = tpu.memref_slice %arg4[%add3A_2548, %multiple_of3A_2550, %multiple_of3A_2551] : memref<58x200x4096xf32, #tpu.memory_space<hbm>> -> memref<1x8x1024xf32, #tpu.memory_space<hbm>>
        %dma_wait3A_2555 = tpu.memref_squeeze %dma_wait3A_2554 : memref<1x8x1024xf32, #tpu.memory_space<hbm>> -> memref<8x1024xf32, #tpu.memory_space<hbm>>
        tpu.wait_dma2 semaphore(%arg22 : memref<!tpu.dma_semaphore, #tpu.memory_space<semaphore_mem>>) src(%arg15 : memref<8x1024xf32, #tpu.memory_space<vmem>>) dst(%dma_wait3A_2555 : memref<8x1024xf32, #tpu.memory_space<hbm>>)
      } else {
      }
      %parallel_loop3A_1831 = arith.constant 0 : i32
      %parallel_loop3A_1832 = arith.constant 512 : i32
      %parallel_loop3A_1833 = arith.constant 1 : i32
      scf.for %parallel_loop3A_2520 = %parallel_loop3A_1831 to %parallel_loop3A_1832 step %parallel_loop3A_1833  : i32 {
        %parallel_loop3A_2521 = arith.constant 64 : i32
        %parallel_loop3A_2522 = arith.divsi %parallel_loop3A_2520, %parallel_loop3A_2521 : i32
        %parallel_loop3A_2523 = arith.constant 0 : i32
        %parallel_loop3A_2524 = arith.cmpi sgt, %parallel_loop3A_2520, %parallel_loop3A_2523 : i32
        %parallel_loop3A_2525 = arith.extui %parallel_loop3A_2524 : i1 to i32
        %parallel_loop3A_2526 = arith.constant 0 : i32
        %parallel_loop3A_2527 = arith.cmpi slt, %parallel_loop3A_2520, %parallel_loop3A_2526 : i32
        %parallel_loop3A_2528 = arith.extui %parallel_loop3A_2527 : i1 to i32
        %parallel_loop3A_2529 = arith.subi %parallel_loop3A_2525, %parallel_loop3A_2528 : i32
        %parallel_loop3A_2530 = arith.constant 0 : i32
        %parallel_loop3A_2531 = arith.cmpi sgt, %parallel_loop3A_2521, %parallel_loop3A_2530 : i32
        %parallel_loop3A_2532 = arith.extui %parallel_loop3A_2531 : i1 to i32
        %parallel_loop3A_2533 = arith.constant 0 : i32
        %parallel_loop3A_2534 = arith.cmpi slt, %parallel_loop3A_2521, %parallel_loop3A_2533 : i32
        %parallel_loop3A_2535 = arith.extui %parallel_loop3A_2534 : i1 to i32
        %parallel_loop3A_2536 = arith.subi %parallel_loop3A_2532, %parallel_loop3A_2535 : i32
        %parallel_loop3A_2537 = arith.cmpi ne, %parallel_loop3A_2529, %parallel_loop3A_2536 : i32
        %parallel_loop3A_2538 = arith.remsi %parallel_loop3A_2520, %parallel_loop3A_2521 : i32
        %parallel_loop3A_2539 = arith.constant 0 : i32
        %parallel_loop3A_2540 = arith.cmpi ne, %parallel_loop3A_2538, %parallel_loop3A_2539 : i32
        %parallel_loop3A_2541 = arith.andi %parallel_loop3A_2537, %parallel_loop3A_2540 : i1
        %parallel_loop3A_2542 = arith.constant 1 : i32
        %parallel_loop3A_2543 = arith.subi %parallel_loop3A_2522, %parallel_loop3A_2542 : i32
        %parallel_loop3A_2544 = arith.select %parallel_loop3A_2541, %parallel_loop3A_2543, %parallel_loop3A_2522 : i32
        %parallel_loop3A_2545 = arith.constant 64 : i32
        %parallel_loop3A_2546 = arith.constant 0 : i32
        %parallel_loop3A_2547 = arith.cmpi eq, %parallel_loop3A_2545, %parallel_loop3A_2546 : i32
        %parallel_loop3A_2548 = arith.constant 1 : i32
        %parallel_loop3A_2549 = arith.select %parallel_loop3A_2547, %parallel_loop3A_2548, %parallel_loop3A_2545 : i32
        %parallel_loop3A_2550 = arith.remsi %parallel_loop3A_2520, %parallel_loop3A_2549 : i32
        %parallel_loop3A_2551 = arith.constant 0 : i32
        %parallel_loop3A_2552 = arith.cmpi ne, %parallel_loop3A_2550, %parallel_loop3A_2551 : i32
        %parallel_loop3A_2553 = arith.constant 0 : i32
        %parallel_loop3A_2554 = arith.cmpi slt, %parallel_loop3A_2550, %parallel_loop3A_2553 : i32
        %parallel_loop3A_2555 = arith.constant 0 : i32
        %parallel_loop3A_2556 = arith.cmpi slt, %parallel_loop3A_2549, %parallel_loop3A_2555 : i32
        %parallel_loop3A_2557 = arith.xori %parallel_loop3A_2554, %parallel_loop3A_2556 : i1
        %parallel_loop3A_2558 = arith.andi %parallel_loop3A_2557, %parallel_loop3A_2552 : i1
        %parallel_loop3A_2559 = arith.addi %parallel_loop3A_2550, %parallel_loop3A_2549 : i32
        %parallel_loop3A_2560 = arith.select %parallel_loop3A_2558, %parallel_loop3A_2559, %parallel_loop3A_2550 : i32
        %parallel_loop3A_2561 = arith.constant 16 : i32
        %parallel_loop3A_2562 = arith.muli %parallel_loop3A_2560, %parallel_loop3A_2561 : i32
        %parallel_loop3A_2563 = tpu.assume_multiple %parallel_loop3A_2562, 16 : i32
        %parallel_loop3A_2564 = arith.index_cast %parallel_loop3A_2544 : i32 to index
        %parallel_loop3A_2565 = arith.index_cast %parallel_loop3A_2563 : i32 to index
        %parallel_loop3A_2566 = tpu.vector_load %arg7[%parallel_loop3A_2564, %parallel_loop3A_2565] {strides = array<i32>} : memref<8x1024xf32, #tpu.memory_space<vmem>>, vector<16xf32>,
        %parallel_loop3A_2567 = arith.constant 2.550000e+02 : f32
        %parallel_loop3A_2568 = vector.broadcast %parallel_loop3A_2567 : f32 to vector<16xf32>
        %parallel_loop3A_2569 = arith.mulf %parallel_loop3A_2566, %parallel_loop3A_2568 : vector<16xf32>
        %parallel_loop3A_2570 = arith.constant 0x4B000000 : f32
        %parallel_loop3A_2571 = vector.broadcast %parallel_loop3A_2570 : f32 to vector<16xf32>
        %parallel_loop3A_2572 = arith.addf %parallel_loop3A_2569, %parallel_loop3A_2571 : vector<16xf32>
        %parallel_loop3A_2573 = vector.bitcast %parallel_loop3A_2572 : vector<16xf32> to vector<16xi32>
        %parallel_loop3A_2574 = vector.broadcast %add3A_40 : i32 to vector<16xi32>
        %parallel_loop3A_2575 = arith.addi %parallel_loop3A_2573, %parallel_loop3A_2574 : vector<16xi32>
        %parallel_loop3A_2576 = tpu.vector_load_idx %arg5[%parallel_loop3A_2575] : memref<32000xf32, #tpu.memory_space<vmem>>[vector<16xi32>], vector<16xf32>,
        %parallel_loop3A_2577 = arith.index_cast %parallel_loop3A_2544 : i32 to index
        %parallel_loop3A_2578 = arith.index_cast %parallel_loop3A_2563 : i32 to index
        %parallel_loop3A_2579 = tpu.vector_load %arg12[%parallel_loop3A_2577, %parallel_loop3A_2578] {strides = array<i32>} : memref<8x1024xf32, #tpu.memory_space<vmem>>, vector<16xf32>,
        tpu.vector_store %arg12[%parallel_loop3A_2577, %parallel_loop3A_2578], %parallel_loop3A_2576 {strides = array<i32>} : memref<8x1024xf32, #tpu.memory_space<vmem>>, vector<16xf32>,
        %parallel_loop3A_2580 = vector.broadcast %add3A_46 : i32 to vector<16xi32>
        %parallel_loop3A_2581 = arith.addi %parallel_loop3A_2573, %parallel_loop3A_2580 : vector<16xi32>
        %parallel_loop3A_2582 = tpu.vector_load_idx %arg5[%parallel_loop3A_2581] : memref<32000xf32, #tpu.memory_space<vmem>>[vector<16xi32>], vector<16xf32>,
        %parallel_loop3A_2583 = arith.index_cast %parallel_loop3A_2544 : i32 to index
        %parallel_loop3A_2584 = arith.index_cast %parallel_loop3A_2563 : i32 to index
        %parallel_loop3A_2585 = tpu.vector_load %arg13[%parallel_loop3A_2583, %parallel_loop3A_2584] {strides = array<i32>} : memref<8x1024xf32, #tpu.memory_space<vmem>>, vector<16xf32>,
        tpu.vector_store %arg13[%parallel_loop3A_2583, %parallel_loop3A_2584], %parallel_loop3A_2582 {strides = array<i32>} : memref<8x1024xf32, #tpu.memory_space<vmem>>, vector<16xf32>,
        %parallel_loop3A_2586 = vector.broadcast %add3A_52 : i32 to vector<16xi32>
        %parallel_loop3A_2587 = arith.addi %parallel_loop3A_2573, %parallel_loop3A_2586 : vector<16xi32>
        %parallel_loop3A_2588 = tpu.vector_load_idx %arg5[%parallel_loop3A_2587] : memref<32000xf32, #tpu.memory_space<vmem>>[vector<16xi32>], vector<16xf32>,
        %parallel_loop3A_2589 = arith.index_cast %parallel_loop3A_2544 : i32 to index
        %parallel_loop3A_2590 = arith.index_cast %parallel_loop3A_2563 : i32 to index
        %parallel_loop3A_2591 = tpu.vector_load %arg14[%parallel_loop3A_2589, %parallel_loop3A_2590] {strides = array<i32>} : memref<8x1024xf32, #tpu.memory_space<vmem>>, vector<16xf32>,
        tpu.vector_store %arg14[%parallel_loop3A_2589, %parallel_loop3A_2590], %parallel_loop3A_2588 {strides = array<i32>} : memref<8x1024xf32, #tpu.memory_space<vmem>>, vector<16xf32>,
        %parallel_loop3A_2592 = vector.broadcast %add3A_58 : i32 to vector<16xi32>
        %parallel_loop3A_2593 = arith.addi %parallel_loop3A_2573, %parallel_loop3A_2592 : vector<16xi32>
        %parallel_loop3A_2594 = tpu.vector_load_idx %arg5[%parallel_loop3A_2593] : memref<32000xf32, #tpu.memory_space<vmem>>[vector<16xi32>], vector<16xf32>,
        %parallel_loop3A_2595 = arith.index_cast %parallel_loop3A_2544 : i32 to index
        %parallel_loop3A_2596 = arith.index_cast %parallel_loop3A_2563 : i32 to index
        %parallel_loop3A_2597 = tpu.vector_load %arg15[%parallel_loop3A_2595, %parallel_loop3A_2596] {strides = array<i32>} : memref<8x1024xf32, #tpu.memory_space<vmem>>, vector<16xf32>,
        tpu.vector_store %arg15[%parallel_loop3A_2595, %parallel_loop3A_2596], %parallel_loop3A_2594 {strides = array<i32>} : memref<8x1024xf32, #tpu.memory_space<vmem>>, vector<16xf32>,
      } {sc.loop_unroll_factor = 4 : i64, sc.parallel_access}
      %add3A_1834 = arith.constant 0 : i32
      %add3A_1835 = arith.addi %mul3A_18, %add3A_1834 : i32
      %mul3A_1836 = arith.constant 8 : i32
      %mul3A_1837 = arith.muli %add3A_1817, %mul3A_1836 : i32
      %multiple_of3A_1838 = tpu.assume_multiple %mul3A_1837, 8 : i32
      %multiple_of3A_1839 = tpu.assume_multiple %mul3A_34, 1024 : i32
      %dma_start3A_1840 = tpu.memref_slice %arg4[%add3A_1835, %multiple_of3A_1838, %multiple_of3A_1839] : memref<58x200x4096xf32, #tpu.memory_space<hbm>> -> memref<1x8x1024xf32, #tpu.memory_space<hbm>>
      %dma_start3A_1841 = tpu.memref_squeeze %dma_start3A_1840 : memref<1x8x1024xf32, #tpu.memory_space<hbm>> -> memref<8x1024xf32, #tpu.memory_space<hbm>>
      %dma_start3A_1842 = tpu.memref_slice %arg4[%add3A_1835, %multiple_of3A_1838, %multiple_of3A_1839] : memref<58x200x4096xf32, #tpu.memory_space<hbm>> -> memref<1x8x1024xf32, #tpu.memory_space<hbm>>
      %dma_start3A_1843 = tpu.memref_squeeze %dma_start3A_1842 : memref<1x8x1024xf32, #tpu.memory_space<hbm>> -> memref<8x1024xf32, #tpu.memory_space<hbm>>
      tpu.enqueue_dma source(%arg12 : memref<8x1024xf32, #tpu.memory_space<vmem>>) target(%dma_start3A_1843 : memref<8x1024xf32, #tpu.memory_space<hbm>>) target_semaphore(%arg22 : memref<!tpu.dma_semaphore, #tpu.memory_space<semaphore_mem>>)
      %add3A_1844 = arith.constant 1 : i32
      %add3A_1845 = arith.addi %mul3A_18, %add3A_1844 : i32
      %mul3A_1846 = arith.constant 8 : i32
      %mul3A_1847 = arith.muli %add3A_1817, %mul3A_1846 : i32
      %multiple_of3A_1848 = tpu.assume_multiple %mul3A_1847, 8 : i32
      %multiple_of3A_1849 = tpu.assume_multiple %mul3A_34, 1024 : i32
      %dma_start3A_1850 = tpu.memref_slice %arg4[%add3A_1845, %multiple_of3A_1848, %multiple_of3A_1849] : memref<58x200x4096xf32, #tpu.memory_space<hbm>> -> memref<1x8x1024xf32, #tpu.memory_space<hbm>>
      %dma_start3A_1851 = tpu.memref_squeeze %dma_start3A_1850 : memref<1x8x1024xf32, #tpu.memory_space<hbm>> -> memref<8x1024xf32, #tpu.memory_space<hbm>>
      %dma_start3A_1852 = tpu.memref_slice %arg4[%add3A_1845, %multiple_of3A_1848, %multiple_of3A_1849] : memref<58x200x4096xf32, #tpu.memory_space<hbm>> -> memref<1x8x1024xf32, #tpu.memory_space<hbm>>
      %dma_start3A_1853 = tpu.memref_squeeze %dma_start3A_1852 : memref<1x8x1024xf32, #tpu.memory_space<hbm>> -> memref<8x1024xf32, #tpu.memory_space<hbm>>
      tpu.enqueue_dma source(%arg13 : memref<8x1024xf32, #tpu.memory_space<vmem>>) target(%dma_start3A_1853 : memref<8x1024xf32, #tpu.memory_space<hbm>>) target_semaphore(%arg22 : memref<!tpu.dma_semaphore, #tpu.memory_space<semaphore_mem>>)
      %add3A_1854 = arith.constant 2 : i32
      %add3A_1855 = arith.addi %mul3A_18, %add3A_1854 : i32
      %mul3A_1856 = arith.constant 8 : i32
      %mul3A_1857 = arith.muli %add3A_1817, %mul3A_1856 : i32
      %multiple_of3A_1858 = tpu.assume_multiple %mul3A_1857, 8 : i32
      %multiple_of3A_1859 = tpu.assume_multiple %mul3A_34, 1024 : i32
      %dma_start3A_1860 = tpu.memref_slice %arg4[%add3A_1855, %multiple_of3A_1858, %multiple_of3A_1859] : memref<58x200x4096xf32, #tpu.memory_space<hbm>> -> memref<1x8x1024xf32, #tpu.memory_space<hbm>>
      %dma_start3A_1861 = tpu.memref_squeeze %dma_start3A_1860 : memref<1x8x1024xf32, #tpu.memory_space<hbm>> -> memref<8x1024xf32, #tpu.memory_space<hbm>>
      %dma_start3A_1862 = tpu.memref_slice %arg4[%add3A_1855, %multiple_of3A_1858, %multiple_of3A_1859] : memref<58x200x4096xf32, #tpu.memory_space<hbm>> -> memref<1x8x1024xf32, #tpu.memory_space<hbm>>
      %dma_start3A_1863 = tpu.memref_squeeze %dma_start3A_1862 : memref<1x8x1024xf32, #tpu.memory_space<hbm>> -> memref<8x1024xf32, #tpu.memory_space<hbm>>
      tpu.enqueue_dma source(%arg14 : memref<8x1024xf32, #tpu.memory_space<vmem>>) target(%dma_start3A_1863 : memref<8x1024xf32, #tpu.memory_space<hbm>>) target_semaphore(%arg22 : memref<!tpu.dma_semaphore, #tpu.memory_space<semaphore_mem>>)
      %add3A_1864 = arith.constant 3 : i32
      %add3A_1865 = arith.addi %mul3A_18, %add3A_1864 : i32
      %mul3A_1866 = arith.constant 8 : i32
      %mul3A_1867 = arith.muli %add3A_1817, %mul3A_1866 : i32
      %multiple_of3A_1868 = tpu.assume_multiple %mul3A_1867, 8 : i32
      %multiple_of3A_1869 = tpu.assume_multiple %mul3A_34, 1024 : i32
      %dma_start3A_1870 = tpu.memref_slice %arg4[%add3A_1865, %multiple_of3A_1868, %multiple_of3A_1869] : memref<58x200x4096xf32, #tpu.memory_space<hbm>> -> memref<1x8x1024xf32, #tpu.memory_space<hbm>>
      %dma_start3A_1871 = tpu.memref_squeeze %dma_start3A_1870 : memref<1x8x1024xf32, #tpu.memory_space<hbm>> -> memref<8x1024xf32, #tpu.memory_space<hbm>>
      %dma_start3A_1872 = tpu.memref_slice %arg4[%add3A_1865, %multiple_of3A_1868, %multiple_of3A_1869] : memref<58x200x4096xf32, #tpu.memory_space<hbm>> -> memref<1x8x1024xf32, #tpu.memory_space<hbm>>
      %dma_start3A_1873 = tpu.memref_squeeze %dma_start3A_1872 : memref<1x8x1024xf32, #tpu.memory_space<hbm>> -> memref<8x1024xf32, #tpu.memory_space<hbm>>
      tpu.enqueue_dma source(%arg15 : memref<8x1024xf32, #tpu.memory_space<vmem>>) target(%dma_start3A_1873 : memref<8x1024xf32, #tpu.memory_space<hbm>>) target_semaphore(%arg22 : memref<!tpu.dma_semaphore, #tpu.memory_space<semaphore_mem>>)
      %add3A_1874 = arith.constant 2 : i32
      %add3A_1875 = arith.addi %add3A_1817, %add3A_1874 : i32
      %lt3A_1876 = arith.constant 25 : i32
      %lt3A_1877 = arith.cmpi slt, %add3A_1875, %lt3A_1876 : i32
      %convert_element_type3A_1878 = arith.extui %lt3A_1877 : i1 to i32
      %cond3A_1879 = arith.constant 0 : i32
      %cond3A_1880 = arith.cmpi ne, %convert_element_type3A_1878, %cond3A_1879 : i32
      scf.if %cond3A_1880 {
        %add3A_2520 = arith.constant 2 : i32
        %add3A_2521 = arith.addi %add3A_1817, %add3A_2520 : i32
        %mul3A_2522 = arith.constant 8 : i32
        %mul3A_2523 = arith.muli %add3A_2521, %mul3A_2522 : i32
        %multiple_of3A_2524 = tpu.assume_multiple %mul3A_2523, 8 : i32
        %multiple_of3A_2525 = tpu.assume_multiple %mul3A_34, 1024 : i32
        %dma_start3A_2526 = arith.constant 0 : i32
        %dma_start3A_2527 = tpu.memref_slice %arg2[%dma_start3A_2526, %multiple_of3A_2524, %multiple_of3A_2525] : memref<27x200x4096xf32, #tpu.memory_space<hbm>> -> memref<1x8x1024xf32, #tpu.memory_space<hbm>>
        %dma_start3A_2528 = tpu.memref_squeeze %dma_start3A_2527 : memref<1x8x1024xf32, #tpu.memory_space<hbm>> -> memref<8x1024xf32, #tpu.memory_space<hbm>>
        %dma_start3A_2529 = tpu.memref_slice %arg2[%dma_start3A_2526, %multiple_of3A_2524, %multiple_of3A_2525] : memref<27x200x4096xf32, #tpu.memory_space<hbm>> -> memref<1x8x1024xf32, #tpu.memory_space<hbm>>
        %dma_start3A_2530 = tpu.memref_squeeze %dma_start3A_2529 : memref<1x8x1024xf32, #tpu.memory_space<hbm>> -> memref<8x1024xf32, #tpu.memory_space<hbm>>
        tpu.enqueue_dma source(%dma_start3A_2530 : memref<8x1024xf32, #tpu.memory_space<hbm>>) target(%arg7 : memref<8x1024xf32, #tpu.memory_space<vmem>>) target_semaphore(%arg20 : memref<!tpu.dma_semaphore, #tpu.memory_space<semaphore_mem>>)
      } else {
      }
      %mul3A_1881 = arith.constant 3 : i32
      %mul3A_1882 = arith.muli %mul3A_1881, %add3A_1817 : i32
      %add3A_1883 = arith.constant 0 : i32
      %add3A_1884 = arith.addi %mul3A_1882, %add3A_1883 : i32
      %multiple_of3A_1885 = arith.constant 0 : i32
      %multiple_of3A_1886 = tpu.assume_multiple %multiple_of3A_1885, 8 : i32
      %multiple_of3A_1887 = tpu.assume_multiple %mul3A_34, 1024 : i32
      %dma_wait3A_1888 = arith.constant 0 : i32
      %dma_wait3A_1889 = tpu.memref_slice %arg2[%dma_wait3A_1888, %multiple_of3A_1886, %multiple_of3A_1887] : memref<27x200x4096xf32, #tpu.memory_space<hbm>> -> memref<1x8x1024xf32, #tpu.memory_space<hbm>>
      %dma_wait3A_1890 = tpu.memref_squeeze %dma_wait3A_1889 : memref<1x8x1024xf32, #tpu.memory_space<hbm>> -> memref<8x1024xf32, #tpu.memory_space<hbm>>
      %dma_wait3A_1891 = tpu.memref_slice %arg2[%dma_wait3A_1888, %multiple_of3A_1886, %multiple_of3A_1887] : memref<27x200x4096xf32, #tpu.memory_space<hbm>> -> memref<1x8x1024xf32, #tpu.memory_space<hbm>>
      %dma_wait3A_1892 = tpu.memref_squeeze %dma_wait3A_1891 : memref<1x8x1024xf32, #tpu.memory_space<hbm>> -> memref<8x1024xf32, #tpu.memory_space<hbm>>
      tpu.wait_dma2 semaphore(%arg24 : memref<!tpu.dma_semaphore, #tpu.memory_space<semaphore_mem>>) src(%dma_wait3A_1892 : memref<8x1024xf32, #tpu.memory_space<hbm>>) dst(%arg17 : memref<8x1024xf32, #tpu.memory_space<vmem>>)
      %add3A_1893 = arith.addi %select_n3A_84, %add3A_1884 : i32
      %jit3A_1894 = arith.constant 100 : i32
      %div3A_1895 = arith.divsi %add3A_1893, %jit3A_1894 : i32
      %sign3A_1896 = arith.constant 0 : i32
      %sign3A_1897 = arith.cmpi sgt, %add3A_1893, %sign3A_1896 : i32
      %sign3A_1898 = arith.extui %sign3A_1897 : i1 to i32
      %sign3A_1899 = arith.constant 0 : i32
      %sign3A_1900 = arith.cmpi slt, %add3A_1893, %sign3A_1899 : i32
      %sign3A_1901 = arith.extui %sign3A_1900 : i1 to i32
      %sign3A_1902 = arith.subi %sign3A_1898, %sign3A_1901 : i32
      %sign3A_1903 = arith.constant 0 : i32
      %sign3A_1904 = arith.cmpi sgt, %jit3A_1894, %sign3A_1903 : i32
      %sign3A_1905 = arith.extui %sign3A_1904 : i1 to i32
      %sign3A_1906 = arith.constant 0 : i32
      %sign3A_1907 = arith.cmpi slt, %jit3A_1894, %sign3A_1906 : i32
      %sign3A_1908 = arith.extui %sign3A_1907 : i1 to i32
      %sign3A_1909 = arith.subi %sign3A_1905, %sign3A_1908 : i32
      %ne3A_1910 = arith.cmpi ne, %sign3A_1902, %sign3A_1909 : i32
      %rem3A_1911 = arith.remsi %add3A_1893, %jit3A_1894 : i32
      %ne3A_1912 = arith.constant 0 : i32
      %ne3A_1913 = arith.cmpi ne, %rem3A_1911, %ne3A_1912 : i32
      %and3A_1914 = arith.andi %ne3A_1910, %ne3A_1913 : i1
      %sub3A_1915 = arith.constant 1 : i32
      %sub3A_1916 = arith.subi %div3A_1895, %sub3A_1915 : i32
      %select_n3A_1917 = arith.select %and3A_1914, %sub3A_1916, %div3A_1895 : i32
      %add3A_1918 = arith.constant 1 : i32
      %add3A_1919 = arith.addi %add3A_1918, %select_n3A_1917 : i32
      %jit3A_1920 = arith.constant 100 : i32
      %eq3A_1921 = arith.constant 0 : i32
      %eq3A_1922 = arith.cmpi eq, %jit3A_1920, %eq3A_1921 : i32
      %jit3A_1923 = arith.constant 1 : i32
      %select_n3A_1924 = arith.select %eq3A_1922, %jit3A_1923, %jit3A_1920 : i32
      %rem3A_1925 = arith.remsi %add3A_1893, %select_n3A_1924 : i32
      %ne3A_1926 = arith.constant 0 : i32
      %ne3A_1927 = arith.cmpi ne, %rem3A_1925, %ne3A_1926 : i32
      %lt3A_1928 = arith.constant 0 : i32
      %lt3A_1929 = arith.cmpi slt, %rem3A_1925, %lt3A_1928 : i32
      %lt3A_1930 = arith.constant 0 : i32
      %lt3A_1931 = arith.cmpi slt, %select_n3A_1924, %lt3A_1930 : i32
      %ne3A_1932 = arith.xori %lt3A_1929, %lt3A_1931 : i1
      %and3A_1933 = arith.andi %ne3A_1932, %ne3A_1927 : i1
      %add3A_1934 = arith.addi %rem3A_1925, %select_n3A_1924 : i32
      %select_n3A_1935 = arith.select %and3A_1933, %add3A_1934, %rem3A_1925 : i32
      %jit3A_1936 = arith.constant 4 : i32
      %div3A_1937 = arith.divsi %select_n3A_1935, %jit3A_1936 : i32
      %sign3A_1938 = arith.constant 0 : i32
      %sign3A_1939 = arith.cmpi sgt, %select_n3A_1935, %sign3A_1938 : i32
      %sign3A_1940 = arith.extui %sign3A_1939 : i1 to i32
      %sign3A_1941 = arith.constant 0 : i32
      %sign3A_1942 = arith.cmpi slt, %select_n3A_1935, %sign3A_1941 : i32
      %sign3A_1943 = arith.extui %sign3A_1942 : i1 to i32
      %sign3A_1944 = arith.subi %sign3A_1940, %sign3A_1943 : i32
      %sign3A_1945 = arith.constant 0 : i32
      %sign3A_1946 = arith.cmpi sgt, %jit3A_1936, %sign3A_1945 : i32
      %sign3A_1947 = arith.extui %sign3A_1946 : i1 to i32
      %sign3A_1948 = arith.constant 0 : i32
      %sign3A_1949 = arith.cmpi slt, %jit3A_1936, %sign3A_1948 : i32
      %sign3A_1950 = arith.extui %sign3A_1949 : i1 to i32
      %sign3A_1951 = arith.subi %sign3A_1947, %sign3A_1950 : i32
      %ne3A_1952 = arith.cmpi ne, %sign3A_1944, %sign3A_1951 : i32
      %rem3A_1953 = arith.remsi %select_n3A_1935, %jit3A_1936 : i32
      %ne3A_1954 = arith.constant 0 : i32
      %ne3A_1955 = arith.cmpi ne, %rem3A_1953, %ne3A_1954 : i32
      %and3A_1956 = arith.andi %ne3A_1952, %ne3A_1955 : i1
      %sub3A_1957 = arith.constant 1 : i32
      %sub3A_1958 = arith.subi %div3A_1937, %sub3A_1957 : i32
      %select_n3A_1959 = arith.select %and3A_1956, %sub3A_1958, %div3A_1937 : i32
      %mul3A_1960 = arith.constant 8 : i32
      %mul3A_1961 = arith.muli %select_n3A_1959, %mul3A_1960 : i32
      %multiple_of3A_1962 = tpu.assume_multiple %mul3A_1961, 8 : i32
      %jit3A_1963 = arith.constant 4 : i32
      %eq3A_1964 = arith.constant 0 : i32
      %eq3A_1965 = arith.cmpi eq, %jit3A_1963, %eq3A_1964 : i32
      %jit3A_1966 = arith.constant 1 : i32
      %select_n3A_1967 = arith.select %eq3A_1965, %jit3A_1966, %jit3A_1963 : i32
      %rem3A_1968 = arith.remsi %select_n3A_1935, %select_n3A_1967 : i32
      %ne3A_1969 = arith.constant 0 : i32
      %ne3A_1970 = arith.cmpi ne, %rem3A_1968, %ne3A_1969 : i32
      %lt3A_1971 = arith.constant 0 : i32
      %lt3A_1972 = arith.cmpi slt, %rem3A_1968, %lt3A_1971 : i32
      %lt3A_1973 = arith.constant 0 : i32
      %lt3A_1974 = arith.cmpi slt, %select_n3A_1967, %lt3A_1973 : i32
      %ne3A_1975 = arith.xori %lt3A_1972, %lt3A_1974 : i1
      %and3A_1976 = arith.andi %ne3A_1975, %ne3A_1970 : i1
      %add3A_1977 = arith.addi %rem3A_1968, %select_n3A_1967 : i32
      %select_n3A_1978 = arith.select %and3A_1976, %add3A_1977, %rem3A_1968 : i32
      %mul3A_1979 = arith.constant 1024 : i32
      %mul3A_1980 = arith.muli %select_n3A_1978, %mul3A_1979 : i32
      %multiple_of3A_1981 = tpu.assume_multiple %mul3A_1980, 1024 : i32
      %add3A_1982 = arith.constant 32 : i32
      %add3A_1983 = arith.addi %add3A_1919, %add3A_1982 : i32
      %sub3A_1984 = arith.constant 1 : i32
      %sub3A_1985 = arith.subi %add3A_1983, %sub3A_1984 : i32
      %dma_start3A_1986 = tpu.memref_slice %arg4[%sub3A_1985, %multiple_of3A_1962, %multiple_of3A_1981] : memref<58x200x4096xf32, #tpu.memory_space<hbm>> -> memref<1x8x1024xf32, #tpu.memory_space<hbm>>
      %dma_start3A_1987 = tpu.memref_squeeze %dma_start3A_1986 : memref<1x8x1024xf32, #tpu.memory_space<hbm>> -> memref<8x1024xf32, #tpu.memory_space<hbm>>
      %dma_start3A_1988 = tpu.memref_slice %arg4[%sub3A_1985, %multiple_of3A_1962, %multiple_of3A_1981] : memref<58x200x4096xf32, #tpu.memory_space<hbm>> -> memref<1x8x1024xf32, #tpu.memory_space<hbm>>
      %dma_start3A_1989 = tpu.memref_squeeze %dma_start3A_1988 : memref<1x8x1024xf32, #tpu.memory_space<hbm>> -> memref<8x1024xf32, #tpu.memory_space<hbm>>
      tpu.enqueue_dma source(%arg17 : memref<8x1024xf32, #tpu.memory_space<vmem>>) target(%dma_start3A_1989 : memref<8x1024xf32, #tpu.memory_space<hbm>>) target_semaphore(%arg26 : memref<!tpu.dma_semaphore, #tpu.memory_space<semaphore_mem>>)
      %ge3A_1990 = arith.constant 1 : i32
      %ge3A_1991 = arith.cmpi sge, %add3A_1884, %ge3A_1990 : i32
      %convert_element_type3A_1992 = arith.extui %ge3A_1991 : i1 to i32
      %cond3A_1993 = arith.constant 0 : i32
      %cond3A_1994 = arith.cmpi ne, %convert_element_type3A_1992, %cond3A_1993 : i32
      scf.if %cond3A_1994 {
        %add3A_2520 = arith.constant 0 : i32
        %add3A_2521 = arith.addi %mul3A_18, %add3A_2520 : i32
        %multiple_of3A_2522 = arith.constant 0 : i32
        %multiple_of3A_2523 = tpu.assume_multiple %multiple_of3A_2522, 8 : i32
        %multiple_of3A_2524 = tpu.assume_multiple %mul3A_34, 1024 : i32
        %dma_wait3A_2525 = tpu.memref_slice %arg4[%add3A_2521, %multiple_of3A_2523, %multiple_of3A_2524] : memref<58x200x4096xf32, #tpu.memory_space<hbm>> -> memref<1x8x1024xf32, #tpu.memory_space<hbm>>
        %dma_wait3A_2526 = tpu.memref_squeeze %dma_wait3A_2525 : memref<1x8x1024xf32, #tpu.memory_space<hbm>> -> memref<8x1024xf32, #tpu.memory_space<hbm>>
        %dma_wait3A_2527 = tpu.memref_slice %arg4[%add3A_2521, %multiple_of3A_2523, %multiple_of3A_2524] : memref<58x200x4096xf32, #tpu.memory_space<hbm>> -> memref<1x8x1024xf32, #tpu.memory_space<hbm>>
        %dma_wait3A_2528 = tpu.memref_squeeze %dma_wait3A_2527 : memref<1x8x1024xf32, #tpu.memory_space<hbm>> -> memref<8x1024xf32, #tpu.memory_space<hbm>>
        tpu.wait_dma2 semaphore(%arg25 : memref<!tpu.dma_semaphore, #tpu.memory_space<semaphore_mem>>) src(%arg16 : memref<8x1024xf32, #tpu.memory_space<vmem>>) dst(%dma_wait3A_2528 : memref<8x1024xf32, #tpu.memory_space<hbm>>)
      } else {
      }
      %add3A_1995 = arith.constant 1 : i32
      %add3A_1996 = arith.addi %add3A_1884, %add3A_1995 : i32
      %add3A_1997 = arith.addi %select_n3A_84, %add3A_1996 : i32
      %jit3A_1998 = arith.constant 100 : i32
      %div3A_1999 = arith.divsi %add3A_1997, %jit3A_1998 : i32
      %sign3A_2000 = arith.constant 0 : i32
      %sign3A_2001 = arith.cmpi sgt, %add3A_1997, %sign3A_2000 : i32
      %sign3A_2002 = arith.extui %sign3A_2001 : i1 to i32
      %sign3A_2003 = arith.constant 0 : i32
      %sign3A_2004 = arith.cmpi slt, %add3A_1997, %sign3A_2003 : i32
      %sign3A_2005 = arith.extui %sign3A_2004 : i1 to i32
      %sign3A_2006 = arith.subi %sign3A_2002, %sign3A_2005 : i32
      %sign3A_2007 = arith.constant 0 : i32
      %sign3A_2008 = arith.cmpi sgt, %jit3A_1998, %sign3A_2007 : i32
      %sign3A_2009 = arith.extui %sign3A_2008 : i1 to i32
      %sign3A_2010 = arith.constant 0 : i32
      %sign3A_2011 = arith.cmpi slt, %jit3A_1998, %sign3A_2010 : i32
      %sign3A_2012 = arith.extui %sign3A_2011 : i1 to i32
      %sign3A_2013 = arith.subi %sign3A_2009, %sign3A_2012 : i32
      %ne3A_2014 = arith.cmpi ne, %sign3A_2006, %sign3A_2013 : i32
      %rem3A_2015 = arith.remsi %add3A_1997, %jit3A_1998 : i32
      %ne3A_2016 = arith.constant 0 : i32
      %ne3A_2017 = arith.cmpi ne, %rem3A_2015, %ne3A_2016 : i32
      %and3A_2018 = arith.andi %ne3A_2014, %ne3A_2017 : i1
      %sub3A_2019 = arith.constant 1 : i32
      %sub3A_2020 = arith.subi %div3A_1999, %sub3A_2019 : i32
      %select_n3A_2021 = arith.select %and3A_2018, %sub3A_2020, %div3A_1999 : i32
      %add3A_2022 = arith.constant 1 : i32
      %add3A_2023 = arith.addi %add3A_2022, %select_n3A_2021 : i32
      %jit3A_2024 = arith.constant 100 : i32
      %eq3A_2025 = arith.constant 0 : i32
      %eq3A_2026 = arith.cmpi eq, %jit3A_2024, %eq3A_2025 : i32
      %jit3A_2027 = arith.constant 1 : i32
      %select_n3A_2028 = arith.select %eq3A_2026, %jit3A_2027, %jit3A_2024 : i32
      %rem3A_2029 = arith.remsi %add3A_1997, %select_n3A_2028 : i32
      %ne3A_2030 = arith.constant 0 : i32
      %ne3A_2031 = arith.cmpi ne, %rem3A_2029, %ne3A_2030 : i32
      %lt3A_2032 = arith.constant 0 : i32
      %lt3A_2033 = arith.cmpi slt, %rem3A_2029, %lt3A_2032 : i32
      %lt3A_2034 = arith.constant 0 : i32
      %lt3A_2035 = arith.cmpi slt, %select_n3A_2028, %lt3A_2034 : i32
      %ne3A_2036 = arith.xori %lt3A_2033, %lt3A_2035 : i1
      %and3A_2037 = arith.andi %ne3A_2036, %ne3A_2031 : i1
      %add3A_2038 = arith.addi %rem3A_2029, %select_n3A_2028 : i32
      %select_n3A_2039 = arith.select %and3A_2037, %add3A_2038, %rem3A_2029 : i32
      %jit3A_2040 = arith.constant 4 : i32
      %div3A_2041 = arith.divsi %select_n3A_2039, %jit3A_2040 : i32
      %sign3A_2042 = arith.constant 0 : i32
      %sign3A_2043 = arith.cmpi sgt, %select_n3A_2039, %sign3A_2042 : i32
      %sign3A_2044 = arith.extui %sign3A_2043 : i1 to i32
      %sign3A_2045 = arith.constant 0 : i32
      %sign3A_2046 = arith.cmpi slt, %select_n3A_2039, %sign3A_2045 : i32
      %sign3A_2047 = arith.extui %sign3A_2046 : i1 to i32
      %sign3A_2048 = arith.subi %sign3A_2044, %sign3A_2047 : i32
      %sign3A_2049 = arith.constant 0 : i32
      %sign3A_2050 = arith.cmpi sgt, %jit3A_2040, %sign3A_2049 : i32
      %sign3A_2051 = arith.extui %sign3A_2050 : i1 to i32
      %sign3A_2052 = arith.constant 0 : i32
      %sign3A_2053 = arith.cmpi slt, %jit3A_2040, %sign3A_2052 : i32
      %sign3A_2054 = arith.extui %sign3A_2053 : i1 to i32
      %sign3A_2055 = arith.subi %sign3A_2051, %sign3A_2054 : i32
      %ne3A_2056 = arith.cmpi ne, %sign3A_2048, %sign3A_2055 : i32
      %rem3A_2057 = arith.remsi %select_n3A_2039, %jit3A_2040 : i32
      %ne3A_2058 = arith.constant 0 : i32
      %ne3A_2059 = arith.cmpi ne, %rem3A_2057, %ne3A_2058 : i32
      %and3A_2060 = arith.andi %ne3A_2056, %ne3A_2059 : i1
      %sub3A_2061 = arith.constant 1 : i32
      %sub3A_2062 = arith.subi %div3A_2041, %sub3A_2061 : i32
      %select_n3A_2063 = arith.select %and3A_2060, %sub3A_2062, %div3A_2041 : i32
      %mul3A_2064 = arith.constant 8 : i32
      %mul3A_2065 = arith.muli %select_n3A_2063, %mul3A_2064 : i32
      %multiple_of3A_2066 = tpu.assume_multiple %mul3A_2065, 8 : i32
      %jit3A_2067 = arith.constant 4 : i32
      %eq3A_2068 = arith.constant 0 : i32
      %eq3A_2069 = arith.cmpi eq, %jit3A_2067, %eq3A_2068 : i32
      %jit3A_2070 = arith.constant 1 : i32
      %select_n3A_2071 = arith.select %eq3A_2069, %jit3A_2070, %jit3A_2067 : i32
      %rem3A_2072 = arith.remsi %select_n3A_2039, %select_n3A_2071 : i32
      %ne3A_2073 = arith.constant 0 : i32
      %ne3A_2074 = arith.cmpi ne, %rem3A_2072, %ne3A_2073 : i32
      %lt3A_2075 = arith.constant 0 : i32
      %lt3A_2076 = arith.cmpi slt, %rem3A_2072, %lt3A_2075 : i32
      %lt3A_2077 = arith.constant 0 : i32
      %lt3A_2078 = arith.cmpi slt, %select_n3A_2071, %lt3A_2077 : i32
      %ne3A_2079 = arith.xori %lt3A_2076, %lt3A_2078 : i1
      %and3A_2080 = arith.andi %ne3A_2079, %ne3A_2074 : i1
      %add3A_2081 = arith.addi %rem3A_2072, %select_n3A_2071 : i32
      %select_n3A_2082 = arith.select %and3A_2080, %add3A_2081, %rem3A_2072 : i32
      %mul3A_2083 = arith.constant 1024 : i32
      %mul3A_2084 = arith.muli %select_n3A_2082, %mul3A_2083 : i32
      %multiple_of3A_2085 = tpu.assume_multiple %mul3A_2084, 1024 : i32
      %add3A_2086 = arith.constant 32 : i32
      %add3A_2087 = arith.addi %add3A_2023, %add3A_2086 : i32
      %sub3A_2088 = arith.constant 1 : i32
      %sub3A_2089 = arith.subi %add3A_2087, %sub3A_2088 : i32
      %dma_start3A_2090 = tpu.memref_slice %arg2[%add3A_2023, %multiple_of3A_2066, %multiple_of3A_2085] : memref<27x200x4096xf32, #tpu.memory_space<hbm>> -> memref<1x8x1024xf32, #tpu.memory_space<hbm>>
      %dma_start3A_2091 = tpu.memref_squeeze %dma_start3A_2090 : memref<1x8x1024xf32, #tpu.memory_space<hbm>> -> memref<8x1024xf32, #tpu.memory_space<hbm>>
      %dma_start3A_2092 = tpu.memref_slice %arg2[%add3A_2023, %multiple_of3A_2066, %multiple_of3A_2085] : memref<27x200x4096xf32, #tpu.memory_space<hbm>> -> memref<1x8x1024xf32, #tpu.memory_space<hbm>>
      %dma_start3A_2093 = tpu.memref_squeeze %dma_start3A_2092 : memref<1x8x1024xf32, #tpu.memory_space<hbm>> -> memref<8x1024xf32, #tpu.memory_space<hbm>>
      tpu.enqueue_dma source(%dma_start3A_2093 : memref<8x1024xf32, #tpu.memory_space<hbm>>) target(%arg16 : memref<8x1024xf32, #tpu.memory_space<vmem>>) target_semaphore(%arg23 : memref<!tpu.dma_semaphore, #tpu.memory_space<semaphore_mem>>)
      %mul3A_2094 = arith.constant 3 : i32
      %mul3A_2095 = arith.muli %mul3A_2094, %add3A_1817 : i32
      %add3A_2096 = arith.constant 1 : i32
      %add3A_2097 = arith.addi %mul3A_2095, %add3A_2096 : i32
      %multiple_of3A_2098 = arith.constant 0 : i32
      %multiple_of3A_2099 = tpu.assume_multiple %multiple_of3A_2098, 8 : i32
      %multiple_of3A_2100 = tpu.assume_multiple %mul3A_34, 1024 : i32
      %dma_wait3A_2101 = arith.constant 0 : i32
      %dma_wait3A_2102 = tpu.memref_slice %arg2[%dma_wait3A_2101, %multiple_of3A_2099, %multiple_of3A_2100] : memref<27x200x4096xf32, #tpu.memory_space<hbm>> -> memref<1x8x1024xf32, #tpu.memory_space<hbm>>
      %dma_wait3A_2103 = tpu.memref_squeeze %dma_wait3A_2102 : memref<1x8x1024xf32, #tpu.memory_space<hbm>> -> memref<8x1024xf32, #tpu.memory_space<hbm>>
      %dma_wait3A_2104 = tpu.memref_slice %arg2[%dma_wait3A_2101, %multiple_of3A_2099, %multiple_of3A_2100] : memref<27x200x4096xf32, #tpu.memory_space<hbm>> -> memref<1x8x1024xf32, #tpu.memory_space<hbm>>
      %dma_wait3A_2105 = tpu.memref_squeeze %dma_wait3A_2104 : memref<1x8x1024xf32, #tpu.memory_space<hbm>> -> memref<8x1024xf32, #tpu.memory_space<hbm>>
      tpu.wait_dma2 semaphore(%arg23 : memref<!tpu.dma_semaphore, #tpu.memory_space<semaphore_mem>>) src(%dma_wait3A_2105 : memref<8x1024xf32, #tpu.memory_space<hbm>>) dst(%arg16 : memref<8x1024xf32, #tpu.memory_space<vmem>>)
      %add3A_2106 = arith.addi %select_n3A_84, %add3A_2097 : i32
      %jit3A_2107 = arith.constant 100 : i32
      %div3A_2108 = arith.divsi %add3A_2106, %jit3A_2107 : i32
      %sign3A_2109 = arith.constant 0 : i32
      %sign3A_2110 = arith.cmpi sgt, %add3A_2106, %sign3A_2109 : i32
      %sign3A_2111 = arith.extui %sign3A_2110 : i1 to i32
      %sign3A_2112 = arith.constant 0 : i32
      %sign3A_2113 = arith.cmpi slt, %add3A_2106, %sign3A_2112 : i32
      %sign3A_2114 = arith.extui %sign3A_2113 : i1 to i32
      %sign3A_2115 = arith.subi %sign3A_2111, %sign3A_2114 : i32
      %sign3A_2116 = arith.constant 0 : i32
      %sign3A_2117 = arith.cmpi sgt, %jit3A_2107, %sign3A_2116 : i32
      %sign3A_2118 = arith.extui %sign3A_2117 : i1 to i32
      %sign3A_2119 = arith.constant 0 : i32
      %sign3A_2120 = arith.cmpi slt, %jit3A_2107, %sign3A_2119 : i32
      %sign3A_2121 = arith.extui %sign3A_2120 : i1 to i32
      %sign3A_2122 = arith.subi %sign3A_2118, %sign3A_2121 : i32
      %ne3A_2123 = arith.cmpi ne, %sign3A_2115, %sign3A_2122 : i32
      %rem3A_2124 = arith.remsi %add3A_2106, %jit3A_2107 : i32
      %ne3A_2125 = arith.constant 0 : i32
      %ne3A_2126 = arith.cmpi ne, %rem3A_2124, %ne3A_2125 : i32
      %and3A_2127 = arith.andi %ne3A_2123, %ne3A_2126 : i1
      %sub3A_2128 = arith.constant 1 : i32
      %sub3A_2129 = arith.subi %div3A_2108, %sub3A_2128 : i32
      %select_n3A_2130 = arith.select %and3A_2127, %sub3A_2129, %div3A_2108 : i32
      %add3A_2131 = arith.constant 1 : i32
      %add3A_2132 = arith.addi %add3A_2131, %select_n3A_2130 : i32
      %jit3A_2133 = arith.constant 100 : i32
      %eq3A_2134 = arith.constant 0 : i32
      %eq3A_2135 = arith.cmpi eq, %jit3A_2133, %eq3A_2134 : i32
      %jit3A_2136 = arith.constant 1 : i32
      %select_n3A_2137 = arith.select %eq3A_2135, %jit3A_2136, %jit3A_2133 : i32
      %rem3A_2138 = arith.remsi %add3A_2106, %select_n3A_2137 : i32
      %ne3A_2139 = arith.constant 0 : i32
      %ne3A_2140 = arith.cmpi ne, %rem3A_2138, %ne3A_2139 : i32
      %lt3A_2141 = arith.constant 0 : i32
      %lt3A_2142 = arith.cmpi slt, %rem3A_2138, %lt3A_2141 : i32
      %lt3A_2143 = arith.constant 0 : i32
      %lt3A_2144 = arith.cmpi slt, %select_n3A_2137, %lt3A_2143 : i32
      %ne3A_2145 = arith.xori %lt3A_2142, %lt3A_2144 : i1
      %and3A_2146 = arith.andi %ne3A_2145, %ne3A_2140 : i1
      %add3A_2147 = arith.addi %rem3A_2138, %select_n3A_2137 : i32
      %select_n3A_2148 = arith.select %and3A_2146, %add3A_2147, %rem3A_2138 : i32
      %jit3A_2149 = arith.constant 4 : i32
      %div3A_2150 = arith.divsi %select_n3A_2148, %jit3A_2149 : i32
      %sign3A_2151 = arith.constant 0 : i32
      %sign3A_2152 = arith.cmpi sgt, %select_n3A_2148, %sign3A_2151 : i32
      %sign3A_2153 = arith.extui %sign3A_2152 : i1 to i32
      %sign3A_2154 = arith.constant 0 : i32
      %sign3A_2155 = arith.cmpi slt, %select_n3A_2148, %sign3A_2154 : i32
      %sign3A_2156 = arith.extui %sign3A_2155 : i1 to i32
      %sign3A_2157 = arith.subi %sign3A_2153, %sign3A_2156 : i32
      %sign3A_2158 = arith.constant 0 : i32
      %sign3A_2159 = arith.cmpi sgt, %jit3A_2149, %sign3A_2158 : i32
      %sign3A_2160 = arith.extui %sign3A_2159 : i1 to i32
      %sign3A_2161 = arith.constant 0 : i32
      %sign3A_2162 = arith.cmpi slt, %jit3A_2149, %sign3A_2161 : i32
      %sign3A_2163 = arith.extui %sign3A_2162 : i1 to i32
      %sign3A_2164 = arith.subi %sign3A_2160, %sign3A_2163 : i32
      %ne3A_2165 = arith.cmpi ne, %sign3A_2157, %sign3A_2164 : i32
      %rem3A_2166 = arith.remsi %select_n3A_2148, %jit3A_2149 : i32
      %ne3A_2167 = arith.constant 0 : i32
      %ne3A_2168 = arith.cmpi ne, %rem3A_2166, %ne3A_2167 : i32
      %and3A_2169 = arith.andi %ne3A_2165, %ne3A_2168 : i1
      %sub3A_2170 = arith.constant 1 : i32
      %sub3A_2171 = arith.subi %div3A_2150, %sub3A_2170 : i32
      %select_n3A_2172 = arith.select %and3A_2169, %sub3A_2171, %div3A_2150 : i32
      %mul3A_2173 = arith.constant 8 : i32
      %mul3A_2174 = arith.muli %select_n3A_2172, %mul3A_2173 : i32
      %multiple_of3A_2175 = tpu.assume_multiple %mul3A_2174, 8 : i32
      %jit3A_2176 = arith.constant 4 : i32
      %eq3A_2177 = arith.constant 0 : i32
      %eq3A_2178 = arith.cmpi eq, %jit3A_2176, %eq3A_2177 : i32
      %jit3A_2179 = arith.constant 1 : i32
      %select_n3A_2180 = arith.select %eq3A_2178, %jit3A_2179, %jit3A_2176 : i32
      %rem3A_2181 = arith.remsi %select_n3A_2148, %select_n3A_2180 : i32
      %ne3A_2182 = arith.constant 0 : i32
      %ne3A_2183 = arith.cmpi ne, %rem3A_2181, %ne3A_2182 : i32
      %lt3A_2184 = arith.constant 0 : i32
      %lt3A_2185 = arith.cmpi slt, %rem3A_2181, %lt3A_2184 : i32
      %lt3A_2186 = arith.constant 0 : i32
      %lt3A_2187 = arith.cmpi slt, %select_n3A_2180, %lt3A_2186 : i32
      %ne3A_2188 = arith.xori %lt3A_2185, %lt3A_2187 : i1
      %and3A_2189 = arith.andi %ne3A_2188, %ne3A_2183 : i1
      %add3A_2190 = arith.addi %rem3A_2181, %select_n3A_2180 : i32
      %select_n3A_2191 = arith.select %and3A_2189, %add3A_2190, %rem3A_2181 : i32
      %mul3A_2192 = arith.constant 1024 : i32
      %mul3A_2193 = arith.muli %select_n3A_2191, %mul3A_2192 : i32
      %multiple_of3A_2194 = tpu.assume_multiple %mul3A_2193, 1024 : i32
      %add3A_2195 = arith.constant 32 : i32
      %add3A_2196 = arith.addi %add3A_2132, %add3A_2195 : i32
      %sub3A_2197 = arith.constant 1 : i32
      %sub3A_2198 = arith.subi %add3A_2196, %sub3A_2197 : i32
      %dma_start3A_2199 = tpu.memref_slice %arg4[%sub3A_2198, %multiple_of3A_2175, %multiple_of3A_2194] : memref<58x200x4096xf32, #tpu.memory_space<hbm>> -> memref<1x8x1024xf32, #tpu.memory_space<hbm>>
      %dma_start3A_2200 = tpu.memref_squeeze %dma_start3A_2199 : memref<1x8x1024xf32, #tpu.memory_space<hbm>> -> memref<8x1024xf32, #tpu.memory_space<hbm>>
      %dma_start3A_2201 = tpu.memref_slice %arg4[%sub3A_2198, %multiple_of3A_2175, %multiple_of3A_2194] : memref<58x200x4096xf32, #tpu.memory_space<hbm>> -> memref<1x8x1024xf32, #tpu.memory_space<hbm>>
      %dma_start3A_2202 = tpu.memref_squeeze %dma_start3A_2201 : memref<1x8x1024xf32, #tpu.memory_space<hbm>> -> memref<8x1024xf32, #tpu.memory_space<hbm>>
      tpu.enqueue_dma source(%arg16 : memref<8x1024xf32, #tpu.memory_space<vmem>>) target(%dma_start3A_2202 : memref<8x1024xf32, #tpu.memory_space<hbm>>) target_semaphore(%arg25 : memref<!tpu.dma_semaphore, #tpu.memory_space<semaphore_mem>>)
      %ge3A_2203 = arith.constant 1 : i32
      %ge3A_2204 = arith.cmpi sge, %add3A_2097, %ge3A_2203 : i32
      %convert_element_type3A_2205 = arith.extui %ge3A_2204 : i1 to i32
      %cond3A_2206 = arith.constant 0 : i32
      %cond3A_2207 = arith.cmpi ne, %convert_element_type3A_2205, %cond3A_2206 : i32
      scf.if %cond3A_2207 {
        %add3A_2520 = arith.constant 0 : i32
        %add3A_2521 = arith.addi %mul3A_18, %add3A_2520 : i32
        %multiple_of3A_2522 = arith.constant 0 : i32
        %multiple_of3A_2523 = tpu.assume_multiple %multiple_of3A_2522, 8 : i32
        %multiple_of3A_2524 = tpu.assume_multiple %mul3A_34, 1024 : i32
        %dma_wait3A_2525 = tpu.memref_slice %arg4[%add3A_2521, %multiple_of3A_2523, %multiple_of3A_2524] : memref<58x200x4096xf32, #tpu.memory_space<hbm>> -> memref<1x8x1024xf32, #tpu.memory_space<hbm>>
        %dma_wait3A_2526 = tpu.memref_squeeze %dma_wait3A_2525 : memref<1x8x1024xf32, #tpu.memory_space<hbm>> -> memref<8x1024xf32, #tpu.memory_space<hbm>>
        %dma_wait3A_2527 = tpu.memref_slice %arg4[%add3A_2521, %multiple_of3A_2523, %multiple_of3A_2524] : memref<58x200x4096xf32, #tpu.memory_space<hbm>> -> memref<1x8x1024xf32, #tpu.memory_space<hbm>>
        %dma_wait3A_2528 = tpu.memref_squeeze %dma_wait3A_2527 : memref<1x8x1024xf32, #tpu.memory_space<hbm>> -> memref<8x1024xf32, #tpu.memory_space<hbm>>
        tpu.wait_dma2 semaphore(%arg26 : memref<!tpu.dma_semaphore, #tpu.memory_space<semaphore_mem>>) src(%arg17 : memref<8x1024xf32, #tpu.memory_space<vmem>>) dst(%dma_wait3A_2528 : memref<8x1024xf32, #tpu.memory_space<hbm>>)
      } else {
      }
      %add3A_2208 = arith.constant 1 : i32
      %add3A_2209 = arith.addi %add3A_2097, %add3A_2208 : i32
      %add3A_2210 = arith.addi %select_n3A_84, %add3A_2209 : i32
      %jit3A_2211 = arith.constant 100 : i32
      %div3A_2212 = arith.divsi %add3A_2210, %jit3A_2211 : i32
      %sign3A_2213 = arith.constant 0 : i32
      %sign3A_2214 = arith.cmpi sgt, %add3A_2210, %sign3A_2213 : i32
      %sign3A_2215 = arith.extui %sign3A_2214 : i1 to i32
      %sign3A_2216 = arith.constant 0 : i32
      %sign3A_2217 = arith.cmpi slt, %add3A_2210, %sign3A_2216 : i32
      %sign3A_2218 = arith.extui %sign3A_2217 : i1 to i32
      %sign3A_2219 = arith.subi %sign3A_2215, %sign3A_2218 : i32
      %sign3A_2220 = arith.constant 0 : i32
      %sign3A_2221 = arith.cmpi sgt, %jit3A_2211, %sign3A_2220 : i32
      %sign3A_2222 = arith.extui %sign3A_2221 : i1 to i32
      %sign3A_2223 = arith.constant 0 : i32
      %sign3A_2224 = arith.cmpi slt, %jit3A_2211, %sign3A_2223 : i32
      %sign3A_2225 = arith.extui %sign3A_2224 : i1 to i32
      %sign3A_2226 = arith.subi %sign3A_2222, %sign3A_2225 : i32
      %ne3A_2227 = arith.cmpi ne, %sign3A_2219, %sign3A_2226 : i32
      %rem3A_2228 = arith.remsi %add3A_2210, %jit3A_2211 : i32
      %ne3A_2229 = arith.constant 0 : i32
      %ne3A_2230 = arith.cmpi ne, %rem3A_2228, %ne3A_2229 : i32
      %and3A_2231 = arith.andi %ne3A_2227, %ne3A_2230 : i1
      %sub3A_2232 = arith.constant 1 : i32
      %sub3A_2233 = arith.subi %div3A_2212, %sub3A_2232 : i32
      %select_n3A_2234 = arith.select %and3A_2231, %sub3A_2233, %div3A_2212 : i32
      %add3A_2235 = arith.constant 1 : i32
      %add3A_2236 = arith.addi %add3A_2235, %select_n3A_2234 : i32
      %jit3A_2237 = arith.constant 100 : i32
      %eq3A_2238 = arith.constant 0 : i32
      %eq3A_2239 = arith.cmpi eq, %jit3A_2237, %eq3A_2238 : i32
      %jit3A_2240 = arith.constant 1 : i32
      %select_n3A_2241 = arith.select %eq3A_2239, %jit3A_2240, %jit3A_2237 : i32
      %rem3A_2242 = arith.remsi %add3A_2210, %select_n3A_2241 : i32
      %ne3A_2243 = arith.constant 0 : i32
      %ne3A_2244 = arith.cmpi ne, %rem3A_2242, %ne3A_2243 : i32
      %lt3A_2245 = arith.constant 0 : i32
      %lt3A_2246 = arith.cmpi slt, %rem3A_2242, %lt3A_2245 : i32
      %lt3A_2247 = arith.constant 0 : i32
      %lt3A_2248 = arith.cmpi slt, %select_n3A_2241, %lt3A_2247 : i32
      %ne3A_2249 = arith.xori %lt3A_2246, %lt3A_2248 : i1
      %and3A_2250 = arith.andi %ne3A_2249, %ne3A_2244 : i1
      %add3A_2251 = arith.addi %rem3A_2242, %select_n3A_2241 : i32
      %select_n3A_2252 = arith.select %and3A_2250, %add3A_2251, %rem3A_2242 : i32
      %jit3A_2253 = arith.constant 4 : i32
      %div3A_2254 = arith.divsi %select_n3A_2252, %jit3A_2253 : i32
      %sign3A_2255 = arith.constant 0 : i32
      %sign3A_2256 = arith.cmpi sgt, %select_n3A_2252, %sign3A_2255 : i32
      %sign3A_2257 = arith.extui %sign3A_2256 : i1 to i32
      %sign3A_2258 = arith.constant 0 : i32
      %sign3A_2259 = arith.cmpi slt, %select_n3A_2252, %sign3A_2258 : i32
      %sign3A_2260 = arith.extui %sign3A_2259 : i1 to i32
      %sign3A_2261 = arith.subi %sign3A_2257, %sign3A_2260 : i32
      %sign3A_2262 = arith.constant 0 : i32
      %sign3A_2263 = arith.cmpi sgt, %jit3A_2253, %sign3A_2262 : i32
      %sign3A_2264 = arith.extui %sign3A_2263 : i1 to i32
      %sign3A_2265 = arith.constant 0 : i32
      %sign3A_2266 = arith.cmpi slt, %jit3A_2253, %sign3A_2265 : i32
      %sign3A_2267 = arith.extui %sign3A_2266 : i1 to i32
      %sign3A_2268 = arith.subi %sign3A_2264, %sign3A_2267 : i32
      %ne3A_2269 = arith.cmpi ne, %sign3A_2261, %sign3A_2268 : i32
      %rem3A_2270 = arith.remsi %select_n3A_2252, %jit3A_2253 : i32
      %ne3A_2271 = arith.constant 0 : i32
      %ne3A_2272 = arith.cmpi ne, %rem3A_2270, %ne3A_2271 : i32
      %and3A_2273 = arith.andi %ne3A_2269, %ne3A_2272 : i1
      %sub3A_2274 = arith.constant 1 : i32
      %sub3A_2275 = arith.subi %div3A_2254, %sub3A_2274 : i32
      %select_n3A_2276 = arith.select %and3A_2273, %sub3A_2275, %div3A_2254 : i32
      %mul3A_2277 = arith.constant 8 : i32
      %mul3A_2278 = arith.muli %select_n3A_2276, %mul3A_2277 : i32
      %multiple_of3A_2279 = tpu.assume_multiple %mul3A_2278, 8 : i32
      %jit3A_2280 = arith.constant 4 : i32
      %eq3A_2281 = arith.constant 0 : i32
      %eq3A_2282 = arith.cmpi eq, %jit3A_2280, %eq3A_2281 : i32
      %jit3A_2283 = arith.constant 1 : i32
      %select_n3A_2284 = arith.select %eq3A_2282, %jit3A_2283, %jit3A_2280 : i32
      %rem3A_2285 = arith.remsi %select_n3A_2252, %select_n3A_2284 : i32
      %ne3A_2286 = arith.constant 0 : i32
      %ne3A_2287 = arith.cmpi ne, %rem3A_2285, %ne3A_2286 : i32
      %lt3A_2288 = arith.constant 0 : i32
      %lt3A_2289 = arith.cmpi slt, %rem3A_2285, %lt3A_2288 : i32
      %lt3A_2290 = arith.constant 0 : i32
      %lt3A_2291 = arith.cmpi slt, %select_n3A_2284, %lt3A_2290 : i32
      %ne3A_2292 = arith.xori %lt3A_2289, %lt3A_2291 : i1
      %and3A_2293 = arith.andi %ne3A_2292, %ne3A_2287 : i1
      %add3A_2294 = arith.addi %rem3A_2285, %select_n3A_2284 : i32
      %select_n3A_2295 = arith.select %and3A_2293, %add3A_2294, %rem3A_2285 : i32
      %mul3A_2296 = arith.constant 1024 : i32
      %mul3A_2297 = arith.muli %select_n3A_2295, %mul3A_2296 : i32
      %multiple_of3A_2298 = tpu.assume_multiple %mul3A_2297, 1024 : i32
      %add3A_2299 = arith.constant 32 : i32
      %add3A_2300 = arith.addi %add3A_2236, %add3A_2299 : i32
      %sub3A_2301 = arith.constant 1 : i32
      %sub3A_2302 = arith.subi %add3A_2300, %sub3A_2301 : i32
      %dma_start3A_2303 = tpu.memref_slice %arg2[%add3A_2236, %multiple_of3A_2279, %multiple_of3A_2298] : memref<27x200x4096xf32, #tpu.memory_space<hbm>> -> memref<1x8x1024xf32, #tpu.memory_space<hbm>>
      %dma_start3A_2304 = tpu.memref_squeeze %dma_start3A_2303 : memref<1x8x1024xf32, #tpu.memory_space<hbm>> -> memref<8x1024xf32, #tpu.memory_space<hbm>>
      %dma_start3A_2305 = tpu.memref_slice %arg2[%add3A_2236, %multiple_of3A_2279, %multiple_of3A_2298] : memref<27x200x4096xf32, #tpu.memory_space<hbm>> -> memref<1x8x1024xf32, #tpu.memory_space<hbm>>
      %dma_start3A_2306 = tpu.memref_squeeze %dma_start3A_2305 : memref<1x8x1024xf32, #tpu.memory_space<hbm>> -> memref<8x1024xf32, #tpu.memory_space<hbm>>
      tpu.enqueue_dma source(%dma_start3A_2306 : memref<8x1024xf32, #tpu.memory_space<hbm>>) target(%arg17 : memref<8x1024xf32, #tpu.memory_space<vmem>>) target_semaphore(%arg24 : memref<!tpu.dma_semaphore, #tpu.memory_space<semaphore_mem>>)
      %mul3A_2307 = arith.constant 3 : i32
      %mul3A_2308 = arith.muli %mul3A_2307, %add3A_1817 : i32
      %add3A_2309 = arith.constant 2 : i32
      %add3A_2310 = arith.addi %mul3A_2308, %add3A_2309 : i32
      %multiple_of3A_2311 = arith.constant 0 : i32
      %multiple_of3A_2312 = tpu.assume_multiple %multiple_of3A_2311, 8 : i32
      %multiple_of3A_2313 = tpu.assume_multiple %mul3A_34, 1024 : i32
      %dma_wait3A_2314 = arith.constant 0 : i32
      %dma_wait3A_2315 = tpu.memref_slice %arg2[%dma_wait3A_2314, %multiple_of3A_2312, %multiple_of3A_2313] : memref<27x200x4096xf32, #tpu.memory_space<hbm>> -> memref<1x8x1024xf32, #tpu.memory_space<hbm>>
      %dma_wait3A_2316 = tpu.memref_squeeze %dma_wait3A_2315 : memref<1x8x1024xf32, #tpu.memory_space<hbm>> -> memref<8x1024xf32, #tpu.memory_space<hbm>>
      %dma_wait3A_2317 = tpu.memref_slice %arg2[%dma_wait3A_2314, %multiple_of3A_2312, %multiple_of3A_2313] : memref<27x200x4096xf32, #tpu.memory_space<hbm>> -> memref<1x8x1024xf32, #tpu.memory_space<hbm>>
      %dma_wait3A_2318 = tpu.memref_squeeze %dma_wait3A_2317 : memref<1x8x1024xf32, #tpu.memory_space<hbm>> -> memref<8x1024xf32, #tpu.memory_space<hbm>>
      tpu.wait_dma2 semaphore(%arg24 : memref<!tpu.dma_semaphore, #tpu.memory_space<semaphore_mem>>) src(%dma_wait3A_2318 : memref<8x1024xf32, #tpu.memory_space<hbm>>) dst(%arg17 : memref<8x1024xf32, #tpu.memory_space<vmem>>)
      %add3A_2319 = arith.addi %select_n3A_84, %add3A_2310 : i32
      %jit3A_2320 = arith.constant 100 : i32
      %div3A_2321 = arith.divsi %add3A_2319, %jit3A_2320 : i32
      %sign3A_2322 = arith.constant 0 : i32
      %sign3A_2323 = arith.cmpi sgt, %add3A_2319, %sign3A_2322 : i32
      %sign3A_2324 = arith.extui %sign3A_2323 : i1 to i32
      %sign3A_2325 = arith.constant 0 : i32
      %sign3A_2326 = arith.cmpi slt, %add3A_2319, %sign3A_2325 : i32
      %sign3A_2327 = arith.extui %sign3A_2326 : i1 to i32
      %sign3A_2328 = arith.subi %sign3A_2324, %sign3A_2327 : i32
      %sign3A_2329 = arith.constant 0 : i32
      %sign3A_2330 = arith.cmpi sgt, %jit3A_2320, %sign3A_2329 : i32
      %sign3A_2331 = arith.extui %sign3A_2330 : i1 to i32
      %sign3A_2332 = arith.constant 0 : i32
      %sign3A_2333 = arith.cmpi slt, %jit3A_2320, %sign3A_2332 : i32
      %sign3A_2334 = arith.extui %sign3A_2333 : i1 to i32
      %sign3A_2335 = arith.subi %sign3A_2331, %sign3A_2334 : i32
      %ne3A_2336 = arith.cmpi ne, %sign3A_2328, %sign3A_2335 : i32
      %rem3A_2337 = arith.remsi %add3A_2319, %jit3A_2320 : i32
      %ne3A_2338 = arith.constant 0 : i32
      %ne3A_2339 = arith.cmpi ne, %rem3A_2337, %ne3A_2338 : i32
      %and3A_2340 = arith.andi %ne3A_2336, %ne3A_2339 : i1
      %sub3A_2341 = arith.constant 1 : i32
      %sub3A_2342 = arith.subi %div3A_2321, %sub3A_2341 : i32
      %select_n3A_2343 = arith.select %and3A_2340, %sub3A_2342, %div3A_2321 : i32
      %add3A_2344 = arith.constant 1 : i32
      %add3A_2345 = arith.addi %add3A_2344, %select_n3A_2343 : i32
      %jit3A_2346 = arith.constant 100 : i32
      %eq3A_2347 = arith.constant 0 : i32
      %eq3A_2348 = arith.cmpi eq, %jit3A_2346, %eq3A_2347 : i32
      %jit3A_2349 = arith.constant 1 : i32
      %select_n3A_2350 = arith.select %eq3A_2348, %jit3A_2349, %jit3A_2346 : i32
      %rem3A_2351 = arith.remsi %add3A_2319, %select_n3A_2350 : i32
      %ne3A_2352 = arith.constant 0 : i32
      %ne3A_2353 = arith.cmpi ne, %rem3A_2351, %ne3A_2352 : i32
      %lt3A_2354 = arith.constant 0 : i32
      %lt3A_2355 = arith.cmpi slt, %rem3A_2351, %lt3A_2354 : i32
      %lt3A_2356 = arith.constant 0 : i32
      %lt3A_2357 = arith.cmpi slt, %select_n3A_2350, %lt3A_2356 : i32
      %ne3A_2358 = arith.xori %lt3A_2355, %lt3A_2357 : i1
      %and3A_2359 = arith.andi %ne3A_2358, %ne3A_2353 : i1
      %add3A_2360 = arith.addi %rem3A_2351, %select_n3A_2350 : i32
      %select_n3A_2361 = arith.select %and3A_2359, %add3A_2360, %rem3A_2351 : i32
      %jit3A_2362 = arith.constant 4 : i32
      %div3A_2363 = arith.divsi %select_n3A_2361, %jit3A_2362 : i32
      %sign3A_2364 = arith.constant 0 : i32
      %sign3A_2365 = arith.cmpi sgt, %select_n3A_2361, %sign3A_2364 : i32
      %sign3A_2366 = arith.extui %sign3A_2365 : i1 to i32
      %sign3A_2367 = arith.constant 0 : i32
      %sign3A_2368 = arith.cmpi slt, %select_n3A_2361, %sign3A_2367 : i32
      %sign3A_2369 = arith.extui %sign3A_2368 : i1 to i32
      %sign3A_2370 = arith.subi %sign3A_2366, %sign3A_2369 : i32
      %sign3A_2371 = arith.constant 0 : i32
      %sign3A_2372 = arith.cmpi sgt, %jit3A_2362, %sign3A_2371 : i32
      %sign3A_2373 = arith.extui %sign3A_2372 : i1 to i32
      %sign3A_2374 = arith.constant 0 : i32
      %sign3A_2375 = arith.cmpi slt, %jit3A_2362, %sign3A_2374 : i32
      %sign3A_2376 = arith.extui %sign3A_2375 : i1 to i32
      %sign3A_2377 = arith.subi %sign3A_2373, %sign3A_2376 : i32
      %ne3A_2378 = arith.cmpi ne, %sign3A_2370, %sign3A_2377 : i32
      %rem3A_2379 = arith.remsi %select_n3A_2361, %jit3A_2362 : i32
      %ne3A_2380 = arith.constant 0 : i32
      %ne3A_2381 = arith.cmpi ne, %rem3A_2379, %ne3A_2380 : i32
      %and3A_2382 = arith.andi %ne3A_2378, %ne3A_2381 : i1
      %sub3A_2383 = arith.constant 1 : i32
      %sub3A_2384 = arith.subi %div3A_2363, %sub3A_2383 : i32
      %select_n3A_2385 = arith.select %and3A_2382, %sub3A_2384, %div3A_2363 : i32
      %mul3A_2386 = arith.constant 8 : i32
      %mul3A_2387 = arith.muli %select_n3A_2385, %mul3A_2386 : i32
      %multiple_of3A_2388 = tpu.assume_multiple %mul3A_2387, 8 : i32
      %jit3A_2389 = arith.constant 4 : i32
      %eq3A_2390 = arith.constant 0 : i32
      %eq3A_2391 = arith.cmpi eq, %jit3A_2389, %eq3A_2390 : i32
      %jit3A_2392 = arith.constant 1 : i32
      %select_n3A_2393 = arith.select %eq3A_2391, %jit3A_2392, %jit3A_2389 : i32
      %rem3A_2394 = arith.remsi %select_n3A_2361, %select_n3A_2393 : i32
      %ne3A_2395 = arith.constant 0 : i32
      %ne3A_2396 = arith.cmpi ne, %rem3A_2394, %ne3A_2395 : i32
      %lt3A_2397 = arith.constant 0 : i32
      %lt3A_2398 = arith.cmpi slt, %rem3A_2394, %lt3A_2397 : i32
      %lt3A_2399 = arith.constant 0 : i32
      %lt3A_2400 = arith.cmpi slt, %select_n3A_2393, %lt3A_2399 : i32
      %ne3A_2401 = arith.xori %lt3A_2398, %lt3A_2400 : i1
      %and3A_2402 = arith.andi %ne3A_2401, %ne3A_2396 : i1
      %add3A_2403 = arith.addi %rem3A_2394, %select_n3A_2393 : i32
      %select_n3A_2404 = arith.select %and3A_2402, %add3A_2403, %rem3A_2394 : i32
      %mul3A_2405 = arith.constant 1024 : i32
      %mul3A_2406 = arith.muli %select_n3A_2404, %mul3A_2405 : i32
      %multiple_of3A_2407 = tpu.assume_multiple %mul3A_2406, 1024 : i32
      %add3A_2408 = arith.constant 32 : i32
      %add3A_2409 = arith.addi %add3A_2345, %add3A_2408 : i32
      %sub3A_2410 = arith.constant 1 : i32
      %sub3A_2411 = arith.subi %add3A_2409, %sub3A_2410 : i32
      %dma_start3A_2412 = tpu.memref_slice %arg4[%sub3A_2411, %multiple_of3A_2388, %multiple_of3A_2407] : memref<58x200x4096xf32, #tpu.memory_space<hbm>> -> memref<1x8x1024xf32, #tpu.memory_space<hbm>>
      %dma_start3A_2413 = tpu.memref_squeeze %dma_start3A_2412 : memref<1x8x1024xf32, #tpu.memory_space<hbm>> -> memref<8x1024xf32, #tpu.memory_space<hbm>>
      %dma_start3A_2414 = tpu.memref_slice %arg4[%sub3A_2411, %multiple_of3A_2388, %multiple_of3A_2407] : memref<58x200x4096xf32, #tpu.memory_space<hbm>> -> memref<1x8x1024xf32, #tpu.memory_space<hbm>>
      %dma_start3A_2415 = tpu.memref_squeeze %dma_start3A_2414 : memref<1x8x1024xf32, #tpu.memory_space<hbm>> -> memref<8x1024xf32, #tpu.memory_space<hbm>>
      tpu.enqueue_dma source(%arg17 : memref<8x1024xf32, #tpu.memory_space<vmem>>) target(%dma_start3A_2415 : memref<8x1024xf32, #tpu.memory_space<hbm>>) target_semaphore(%arg26 : memref<!tpu.dma_semaphore, #tpu.memory_space<semaphore_mem>>)
      %ge3A_2416 = arith.constant 1 : i32
      %ge3A_2417 = arith.cmpi sge, %add3A_2310, %ge3A_2416 : i32
      %convert_element_type3A_2418 = arith.extui %ge3A_2417 : i1 to i32
      %cond3A_2419 = arith.constant 0 : i32
      %cond3A_2420 = arith.cmpi ne, %convert_element_type3A_2418, %cond3A_2419 : i32
      scf.if %cond3A_2420 {
        %add3A_2520 = arith.constant 0 : i32
        %add3A_2521 = arith.addi %mul3A_18, %add3A_2520 : i32
        %multiple_of3A_2522 = arith.constant 0 : i32
        %multiple_of3A_2523 = tpu.assume_multiple %multiple_of3A_2522, 8 : i32
        %multiple_of3A_2524 = tpu.assume_multiple %mul3A_34, 1024 : i32
        %dma_wait3A_2525 = tpu.memref_slice %arg4[%add3A_2521, %multiple_of3A_2523, %multiple_of3A_2524] : memref<58x200x4096xf32, #tpu.memory_space<hbm>> -> memref<1x8x1024xf32, #tpu.memory_space<hbm>>
        %dma_wait3A_2526 = tpu.memref_squeeze %dma_wait3A_2525 : memref<1x8x1024xf32, #tpu.memory_space<hbm>> -> memref<8x1024xf32, #tpu.memory_space<hbm>>
        %dma_wait3A_2527 = tpu.memref_slice %arg4[%add3A_2521, %multiple_of3A_2523, %multiple_of3A_2524] : memref<58x200x4096xf32, #tpu.memory_space<hbm>> -> memref<1x8x1024xf32, #tpu.memory_space<hbm>>
        %dma_wait3A_2528 = tpu.memref_squeeze %dma_wait3A_2527 : memref<1x8x1024xf32, #tpu.memory_space<hbm>> -> memref<8x1024xf32, #tpu.memory_space<hbm>>
        tpu.wait_dma2 semaphore(%arg25 : memref<!tpu.dma_semaphore, #tpu.memory_space<semaphore_mem>>) src(%arg16 : memref<8x1024xf32, #tpu.memory_space<vmem>>) dst(%dma_wait3A_2528 : memref<8x1024xf32, #tpu.memory_space<hbm>>)
      } else {
      }
      %add3A_2421 = arith.constant 1 : i32
      %add3A_2422 = arith.addi %add3A_2310, %add3A_2421 : i32
      %add3A_2423 = arith.addi %select_n3A_84, %add3A_2422 : i32
      %jit3A_2424 = arith.constant 100 : i32
      %div3A_2425 = arith.divsi %add3A_2423, %jit3A_2424 : i32
      %sign3A_2426 = arith.constant 0 : i32
      %sign3A_2427 = arith.cmpi sgt, %add3A_2423, %sign3A_2426 : i32
      %sign3A_2428 = arith.extui %sign3A_2427 : i1 to i32
      %sign3A_2429 = arith.constant 0 : i32
      %sign3A_2430 = arith.cmpi slt, %add3A_2423, %sign3A_2429 : i32
      %sign3A_2431 = arith.extui %sign3A_2430 : i1 to i32
      %sign3A_2432 = arith.subi %sign3A_2428, %sign3A_2431 : i32
      %sign3A_2433 = arith.constant 0 : i32
      %sign3A_2434 = arith.cmpi sgt, %jit3A_2424, %sign3A_2433 : i32
      %sign3A_2435 = arith.extui %sign3A_2434 : i1 to i32
      %sign3A_2436 = arith.constant 0 : i32
      %sign3A_2437 = arith.cmpi slt, %jit3A_2424, %sign3A_2436 : i32
      %sign3A_2438 = arith.extui %sign3A_2437 : i1 to i32
      %sign3A_2439 = arith.subi %sign3A_2435, %sign3A_2438 : i32
      %ne3A_2440 = arith.cmpi ne, %sign3A_2432, %sign3A_2439 : i32
      %rem3A_2441 = arith.remsi %add3A_2423, %jit3A_2424 : i32
      %ne3A_2442 = arith.constant 0 : i32
      %ne3A_2443 = arith.cmpi ne, %rem3A_2441, %ne3A_2442 : i32
      %and3A_2444 = arith.andi %ne3A_2440, %ne3A_2443 : i1
      %sub3A_2445 = arith.constant 1 : i32
      %sub3A_2446 = arith.subi %div3A_2425, %sub3A_2445 : i32
      %select_n3A_2447 = arith.select %and3A_2444, %sub3A_2446, %div3A_2425 : i32
      %add3A_2448 = arith.constant 1 : i32
      %add3A_2449 = arith.addi %add3A_2448, %select_n3A_2447 : i32
      %jit3A_2450 = arith.constant 100 : i32
      %eq3A_2451 = arith.constant 0 : i32
      %eq3A_2452 = arith.cmpi eq, %jit3A_2450, %eq3A_2451 : i32
      %jit3A_2453 = arith.constant 1 : i32
      %select_n3A_2454 = arith.select %eq3A_2452, %jit3A_2453, %jit3A_2450 : i32
      %rem3A_2455 = arith.remsi %add3A_2423, %select_n3A_2454 : i32
      %ne3A_2456 = arith.constant 0 : i32
      %ne3A_2457 = arith.cmpi ne, %rem3A_2455, %ne3A_2456 : i32
      %lt3A_2458 = arith.constant 0 : i32
      %lt3A_2459 = arith.cmpi slt, %rem3A_2455, %lt3A_2458 : i32
      %lt3A_2460 = arith.constant 0 : i32
      %lt3A_2461 = arith.cmpi slt, %select_n3A_2454, %lt3A_2460 : i32
      %ne3A_2462 = arith.xori %lt3A_2459, %lt3A_2461 : i1
      %and3A_2463 = arith.andi %ne3A_2462, %ne3A_2457 : i1
      %add3A_2464 = arith.addi %rem3A_2455, %select_n3A_2454 : i32
      %select_n3A_2465 = arith.select %and3A_2463, %add3A_2464, %rem3A_2455 : i32
      %jit3A_2466 = arith.constant 4 : i32
      %div3A_2467 = arith.divsi %select_n3A_2465, %jit3A_2466 : i32
      %sign3A_2468 = arith.constant 0 : i32
      %sign3A_2469 = arith.cmpi sgt, %select_n3A_2465, %sign3A_2468 : i32
      %sign3A_2470 = arith.extui %sign3A_2469 : i1 to i32
      %sign3A_2471 = arith.constant 0 : i32
      %sign3A_2472 = arith.cmpi slt, %select_n3A_2465, %sign3A_2471 : i32
      %sign3A_2473 = arith.extui %sign3A_2472 : i1 to i32
      %sign3A_2474 = arith.subi %sign3A_2470, %sign3A_2473 : i32
      %sign3A_2475 = arith.constant 0 : i32
      %sign3A_2476 = arith.cmpi sgt, %jit3A_2466, %sign3A_2475 : i32
      %sign3A_2477 = arith.extui %sign3A_2476 : i1 to i32
      %sign3A_2478 = arith.constant 0 : i32
      %sign3A_2479 = arith.cmpi slt, %jit3A_2466, %sign3A_2478 : i32
      %sign3A_2480 = arith.extui %sign3A_2479 : i1 to i32
      %sign3A_2481 = arith.subi %sign3A_2477, %sign3A_2480 : i32
      %ne3A_2482 = arith.cmpi ne, %sign3A_2474, %sign3A_2481 : i32
      %rem3A_2483 = arith.remsi %select_n3A_2465, %jit3A_2466 : i32
      %ne3A_2484 = arith.constant 0 : i32
      %ne3A_2485 = arith.cmpi ne, %rem3A_2483, %ne3A_2484 : i32
      %and3A_2486 = arith.andi %ne3A_2482, %ne3A_2485 : i1
      %sub3A_2487 = arith.constant 1 : i32
      %sub3A_2488 = arith.subi %div3A_2467, %sub3A_2487 : i32
      %select_n3A_2489 = arith.select %and3A_2486, %sub3A_2488, %div3A_2467 : i32
      %mul3A_2490 = arith.constant 8 : i32
      %mul3A_2491 = arith.muli %select_n3A_2489, %mul3A_2490 : i32
      %multiple_of3A_2492 = tpu.assume_multiple %mul3A_2491, 8 : i32
      %jit3A_2493 = arith.constant 4 : i32
      %eq3A_2494 = arith.constant 0 : i32
      %eq3A_2495 = arith.cmpi eq, %jit3A_2493, %eq3A_2494 : i32
      %jit3A_2496 = arith.constant 1 : i32
      %select_n3A_2497 = arith.select %eq3A_2495, %jit3A_2496, %jit3A_2493 : i32
      %rem3A_2498 = arith.remsi %select_n3A_2465, %select_n3A_2497 : i32
      %ne3A_2499 = arith.constant 0 : i32
      %ne3A_2500 = arith.cmpi ne, %rem3A_2498, %ne3A_2499 : i32
      %lt3A_2501 = arith.constant 0 : i32
      %lt3A_2502 = arith.cmpi slt, %rem3A_2498, %lt3A_2501 : i32
      %lt3A_2503 = arith.constant 0 : i32
      %lt3A_2504 = arith.cmpi slt, %select_n3A_2497, %lt3A_2503 : i32
      %ne3A_2505 = arith.xori %lt3A_2502, %lt3A_2504 : i1
      %and3A_2506 = arith.andi %ne3A_2505, %ne3A_2500 : i1
      %add3A_2507 = arith.addi %rem3A_2498, %select_n3A_2497 : i32
      %select_n3A_2508 = arith.select %and3A_2506, %add3A_2507, %rem3A_2498 : i32
      %mul3A_2509 = arith.constant 1024 : i32
      %mul3A_2510 = arith.muli %select_n3A_2508, %mul3A_2509 : i32
      %multiple_of3A_2511 = tpu.assume_multiple %mul3A_2510, 1024 : i32
      %add3A_2512 = arith.constant 32 : i32
      %add3A_2513 = arith.addi %add3A_2449, %add3A_2512 : i32
      %sub3A_2514 = arith.constant 1 : i32
      %sub3A_2515 = arith.subi %add3A_2513, %sub3A_2514 : i32
      %dma_start3A_2516 = tpu.memref_slice %arg2[%add3A_2449, %multiple_of3A_2492, %multiple_of3A_2511] : memref<27x200x4096xf32, #tpu.memory_space<hbm>> -> memref<1x8x1024xf32, #tpu.memory_space<hbm>>
      %dma_start3A_2517 = tpu.memref_squeeze %dma_start3A_2516 : memref<1x8x1024xf32, #tpu.memory_space<hbm>> -> memref<8x1024xf32, #tpu.memory_space<hbm>>
      %dma_start3A_2518 = tpu.memref_slice %arg2[%add3A_2449, %multiple_of3A_2492, %multiple_of3A_2511] : memref<27x200x4096xf32, #tpu.memory_space<hbm>> -> memref<1x8x1024xf32, #tpu.memory_space<hbm>>
      %dma_start3A_2519 = tpu.memref_squeeze %dma_start3A_2518 : memref<1x8x1024xf32, #tpu.memory_space<hbm>> -> memref<8x1024xf32, #tpu.memory_space<hbm>>
      tpu.enqueue_dma source(%dma_start3A_2519 : memref<8x1024xf32, #tpu.memory_space<hbm>>) target(%arg16 : memref<8x1024xf32, #tpu.memory_space<vmem>>) target_semaphore(%arg23 : memref<!tpu.dma_semaphore, #tpu.memory_space<semaphore_mem>>)
    }
    %scan3A_230 = arith.constant 12 : i32
    %multiple_of3A_231 = arith.constant 0 : i32
    %multiple_of3A_232 = tpu.assume_multiple %multiple_of3A_231, 8 : i32
    %multiple_of3A_233 = tpu.assume_multiple %mul3A_34, 1024 : i32
    %dma_wait3A = arith.constant 0 : i32
    %dma_wait3A_234 = tpu.memref_slice %arg2[%dma_wait3A, %multiple_of3A_232, %multiple_of3A_233] : memref<27x200x4096xf32, #tpu.memory_space<hbm>> -> memref<1x8x1024xf32, #tpu.memory_space<hbm>>
    %dma_wait3A_235 = tpu.memref_squeeze %dma_wait3A_234 : memref<1x8x1024xf32, #tpu.memory_space<hbm>> -> memref<8x1024xf32, #tpu.memory_space<hbm>>
    %dma_wait3A_236 = tpu.memref_slice %arg2[%dma_wait3A, %multiple_of3A_232, %multiple_of3A_233] : memref<27x200x4096xf32, #tpu.memory_space<hbm>> -> memref<1x8x1024xf32, #tpu.memory_space<hbm>>
    %dma_wait3A_237 = tpu.memref_squeeze %dma_wait3A_236 : memref<1x8x1024xf32, #tpu.memory_space<hbm>> -> memref<8x1024xf32, #tpu.memory_space<hbm>>
    tpu.wait_dma2 semaphore(%arg19 : memref<!tpu.dma_semaphore, #tpu.memory_space<semaphore_mem>>) src(%dma_wait3A_237 : memref<8x1024xf32, #tpu.memory_space<hbm>>) dst(%arg6 : memref<8x1024xf32, #tpu.memory_space<vmem>>)
    %add3A_238 = arith.constant 0 : i32
    %add3A_239 = arith.addi %mul3A_18, %add3A_238 : i32
    %multiple_of3A_240 = arith.constant 0 : i32
    %multiple_of3A_241 = tpu.assume_multiple %multiple_of3A_240, 8 : i32
    %multiple_of3A_242 = tpu.assume_multiple %mul3A_34, 1024 : i32
    %dma_wait3A_243 = tpu.memref_slice %arg4[%add3A_239, %multiple_of3A_241, %multiple_of3A_242] : memref<58x200x4096xf32, #tpu.memory_space<hbm>> -> memref<1x8x1024xf32, #tpu.memory_space<hbm>>
    %dma_wait3A_244 = tpu.memref_squeeze %dma_wait3A_243 : memref<1x8x1024xf32, #tpu.memory_space<hbm>> -> memref<8x1024xf32, #tpu.memory_space<hbm>>
    %dma_wait3A_245 = tpu.memref_slice %arg4[%add3A_239, %multiple_of3A_241, %multiple_of3A_242] : memref<58x200x4096xf32, #tpu.memory_space<hbm>> -> memref<1x8x1024xf32, #tpu.memory_space<hbm>>
    %dma_wait3A_246 = tpu.memref_squeeze %dma_wait3A_245 : memref<1x8x1024xf32, #tpu.memory_space<hbm>> -> memref<8x1024xf32, #tpu.memory_space<hbm>>
    tpu.wait_dma2 semaphore(%arg21 : memref<!tpu.dma_semaphore, #tpu.memory_space<semaphore_mem>>) src(%arg8 : memref<8x1024xf32, #tpu.memory_space<vmem>>) dst(%dma_wait3A_246 : memref<8x1024xf32, #tpu.memory_space<hbm>>)
    %add3A_247 = arith.constant 0 : i32
    %add3A_248 = arith.addi %mul3A_18, %add3A_247 : i32
    %multiple_of3A_249 = arith.constant 0 : i32
    %multiple_of3A_250 = tpu.assume_multiple %multiple_of3A_249, 8 : i32
    %multiple_of3A_251 = tpu.assume_multiple %mul3A_34, 1024 : i32
    %dma_wait3A_252 = tpu.memref_slice %arg4[%add3A_248, %multiple_of3A_250, %multiple_of3A_251] : memref<58x200x4096xf32, #tpu.memory_space<hbm>> -> memref<1x8x1024xf32, #tpu.memory_space<hbm>>
    %dma_wait3A_253 = tpu.memref_squeeze %dma_wait3A_252 : memref<1x8x1024xf32, #tpu.memory_space<hbm>> -> memref<8x1024xf32, #tpu.memory_space<hbm>>
    %dma_wait3A_254 = tpu.memref_slice %arg4[%add3A_248, %multiple_of3A_250, %multiple_of3A_251] : memref<58x200x4096xf32, #tpu.memory_space<hbm>> -> memref<1x8x1024xf32, #tpu.memory_space<hbm>>
    %dma_wait3A_255 = tpu.memref_squeeze %dma_wait3A_254 : memref<1x8x1024xf32, #tpu.memory_space<hbm>> -> memref<8x1024xf32, #tpu.memory_space<hbm>>
    tpu.wait_dma2 semaphore(%arg21 : memref<!tpu.dma_semaphore, #tpu.memory_space<semaphore_mem>>) src(%arg9 : memref<8x1024xf32, #tpu.memory_space<vmem>>) dst(%dma_wait3A_255 : memref<8x1024xf32, #tpu.memory_space<hbm>>)
    %add3A_256 = arith.constant 0 : i32
    %add3A_257 = arith.addi %mul3A_18, %add3A_256 : i32
    %multiple_of3A_258 = arith.constant 0 : i32
    %multiple_of3A_259 = tpu.assume_multiple %multiple_of3A_258, 8 : i32
    %multiple_of3A_260 = tpu.assume_multiple %mul3A_34, 1024 : i32
    %dma_wait3A_261 = tpu.memref_slice %arg4[%add3A_257, %multiple_of3A_259, %multiple_of3A_260] : memref<58x200x4096xf32, #tpu.memory_space<hbm>> -> memref<1x8x1024xf32, #tpu.memory_space<hbm>>
    %dma_wait3A_262 = tpu.memref_squeeze %dma_wait3A_261 : memref<1x8x1024xf32, #tpu.memory_space<hbm>> -> memref<8x1024xf32, #tpu.memory_space<hbm>>
    %dma_wait3A_263 = tpu.memref_slice %arg4[%add3A_257, %multiple_of3A_259, %multiple_of3A_260] : memref<58x200x4096xf32, #tpu.memory_space<hbm>> -> memref<1x8x1024xf32, #tpu.memory_space<hbm>>
    %dma_wait3A_264 = tpu.memref_squeeze %dma_wait3A_263 : memref<1x8x1024xf32, #tpu.memory_space<hbm>> -> memref<8x1024xf32, #tpu.memory_space<hbm>>
    tpu.wait_dma2 semaphore(%arg21 : memref<!tpu.dma_semaphore, #tpu.memory_space<semaphore_mem>>) src(%arg10 : memref<8x1024xf32, #tpu.memory_space<vmem>>) dst(%dma_wait3A_264 : memref<8x1024xf32, #tpu.memory_space<hbm>>)
    %add3A_265 = arith.constant 0 : i32
    %add3A_266 = arith.addi %mul3A_18, %add3A_265 : i32
    %multiple_of3A_267 = arith.constant 0 : i32
    %multiple_of3A_268 = tpu.assume_multiple %multiple_of3A_267, 8 : i32
    %multiple_of3A_269 = tpu.assume_multiple %mul3A_34, 1024 : i32
    %dma_wait3A_270 = tpu.memref_slice %arg4[%add3A_266, %multiple_of3A_268, %multiple_of3A_269] : memref<58x200x4096xf32, #tpu.memory_space<hbm>> -> memref<1x8x1024xf32, #tpu.memory_space<hbm>>
    %dma_wait3A_271 = tpu.memref_squeeze %dma_wait3A_270 : memref<1x8x1024xf32, #tpu.memory_space<hbm>> -> memref<8x1024xf32, #tpu.memory_space<hbm>>
    %dma_wait3A_272 = tpu.memref_slice %arg4[%add3A_266, %multiple_of3A_268, %multiple_of3A_269] : memref<58x200x4096xf32, #tpu.memory_space<hbm>> -> memref<1x8x1024xf32, #tpu.memory_space<hbm>>
    %dma_wait3A_273 = tpu.memref_squeeze %dma_wait3A_272 : memref<1x8x1024xf32, #tpu.memory_space<hbm>> -> memref<8x1024xf32, #tpu.memory_space<hbm>>
    tpu.wait_dma2 semaphore(%arg21 : memref<!tpu.dma_semaphore, #tpu.memory_space<semaphore_mem>>) src(%arg11 : memref<8x1024xf32, #tpu.memory_space<vmem>>) dst(%dma_wait3A_273 : memref<8x1024xf32, #tpu.memory_space<hbm>>)
    %parallel_loop3A = arith.constant 0 : i32
    %parallel_loop3A_274 = arith.constant 512 : i32
    %parallel_loop3A_275 = arith.constant 1 : i32
    scf.for %parallel_loop3A_1108 = %parallel_loop3A to %parallel_loop3A_274 step %parallel_loop3A_275  : i32 {
      %parallel_loop3A_1109 = arith.constant 64 : i32
      %parallel_loop3A_1110 = arith.divsi %parallel_loop3A_1108, %parallel_loop3A_1109 : i32
      %parallel_loop3A_1111 = arith.constant 0 : i32
      %parallel_loop3A_1112 = arith.cmpi sgt, %parallel_loop3A_1108, %parallel_loop3A_1111 : i32
      %parallel_loop3A_1113 = arith.extui %parallel_loop3A_1112 : i1 to i32
      %parallel_loop3A_1114 = arith.constant 0 : i32
      %parallel_loop3A_1115 = arith.cmpi slt, %parallel_loop3A_1108, %parallel_loop3A_1114 : i32
      %parallel_loop3A_1116 = arith.extui %parallel_loop3A_1115 : i1 to i32
      %parallel_loop3A_1117 = arith.subi %parallel_loop3A_1113, %parallel_loop3A_1116 : i32
      %parallel_loop3A_1118 = arith.constant 0 : i32
      %parallel_loop3A_1119 = arith.cmpi sgt, %parallel_loop3A_1109, %parallel_loop3A_1118 : i32
      %parallel_loop3A_1120 = arith.extui %parallel_loop3A_1119 : i1 to i32
      %parallel_loop3A_1121 = arith.constant 0 : i32
      %parallel_loop3A_1122 = arith.cmpi slt, %parallel_loop3A_1109, %parallel_loop3A_1121 : i32
      %parallel_loop3A_1123 = arith.extui %parallel_loop3A_1122 : i1 to i32
      %parallel_loop3A_1124 = arith.subi %parallel_loop3A_1120, %parallel_loop3A_1123 : i32
      %parallel_loop3A_1125 = arith.cmpi ne, %parallel_loop3A_1117, %parallel_loop3A_1124 : i32
      %parallel_loop3A_1126 = arith.remsi %parallel_loop3A_1108, %parallel_loop3A_1109 : i32
      %parallel_loop3A_1127 = arith.constant 0 : i32
      %parallel_loop3A_1128 = arith.cmpi ne, %parallel_loop3A_1126, %parallel_loop3A_1127 : i32
      %parallel_loop3A_1129 = arith.andi %parallel_loop3A_1125, %parallel_loop3A_1128 : i1
      %parallel_loop3A_1130 = arith.constant 1 : i32
      %parallel_loop3A_1131 = arith.subi %parallel_loop3A_1110, %parallel_loop3A_1130 : i32
      %parallel_loop3A_1132 = arith.select %parallel_loop3A_1129, %parallel_loop3A_1131, %parallel_loop3A_1110 : i32
      %parallel_loop3A_1133 = arith.constant 64 : i32
      %parallel_loop3A_1134 = arith.constant 0 : i32
      %parallel_loop3A_1135 = arith.cmpi eq, %parallel_loop3A_1133, %parallel_loop3A_1134 : i32
      %parallel_loop3A_1136 = arith.constant 1 : i32
      %parallel_loop3A_1137 = arith.select %parallel_loop3A_1135, %parallel_loop3A_1136, %parallel_loop3A_1133 : i32
      %parallel_loop3A_1138 = arith.remsi %parallel_loop3A_1108, %parallel_loop3A_1137 : i32
      %parallel_loop3A_1139 = arith.constant 0 : i32
      %parallel_loop3A_1140 = arith.cmpi ne, %parallel_loop3A_1138, %parallel_loop3A_1139 : i32
      %parallel_loop3A_1141 = arith.constant 0 : i32
      %parallel_loop3A_1142 = arith.cmpi slt, %parallel_loop3A_1138, %parallel_loop3A_1141 : i32
      %parallel_loop3A_1143 = arith.constant 0 : i32
      %parallel_loop3A_1144 = arith.cmpi slt, %parallel_loop3A_1137, %parallel_loop3A_1143 : i32
      %parallel_loop3A_1145 = arith.xori %parallel_loop3A_1142, %parallel_loop3A_1144 : i1
      %parallel_loop3A_1146 = arith.andi %parallel_loop3A_1145, %parallel_loop3A_1140 : i1
      %parallel_loop3A_1147 = arith.addi %parallel_loop3A_1138, %parallel_loop3A_1137 : i32
      %parallel_loop3A_1148 = arith.select %parallel_loop3A_1146, %parallel_loop3A_1147, %parallel_loop3A_1138 : i32
      %parallel_loop3A_1149 = arith.constant 16 : i32
      %parallel_loop3A_1150 = arith.muli %parallel_loop3A_1148, %parallel_loop3A_1149 : i32
      %parallel_loop3A_1151 = tpu.assume_multiple %parallel_loop3A_1150, 16 : i32
      %parallel_loop3A_1152 = arith.index_cast %parallel_loop3A_1132 : i32 to index
      %parallel_loop3A_1153 = arith.index_cast %parallel_loop3A_1151 : i32 to index
      %parallel_loop3A_1154 = tpu.vector_load %arg6[%parallel_loop3A_1152, %parallel_loop3A_1153] {strides = array<i32>} : memref<8x1024xf32, #tpu.memory_space<vmem>>, vector<16xf32>,
      %parallel_loop3A_1155 = arith.constant 2.550000e+02 : f32
      %parallel_loop3A_1156 = vector.broadcast %parallel_loop3A_1155 : f32 to vector<16xf32>
      %parallel_loop3A_1157 = arith.mulf %parallel_loop3A_1154, %parallel_loop3A_1156 : vector<16xf32>
      %parallel_loop3A_1158 = arith.constant 0x4B000000 : f32
      %parallel_loop3A_1159 = vector.broadcast %parallel_loop3A_1158 : f32 to vector<16xf32>
      %parallel_loop3A_1160 = arith.addf %parallel_loop3A_1157, %parallel_loop3A_1159 : vector<16xf32>
      %parallel_loop3A_1161 = vector.bitcast %parallel_loop3A_1160 : vector<16xf32> to vector<16xi32>
      %parallel_loop3A_1162 = vector.broadcast %add3A_40 : i32 to vector<16xi32>
      %parallel_loop3A_1163 = arith.addi %parallel_loop3A_1161, %parallel_loop3A_1162 : vector<16xi32>
      %parallel_loop3A_1164 = tpu.vector_load_idx %arg5[%parallel_loop3A_1163] : memref<32000xf32, #tpu.memory_space<vmem>>[vector<16xi32>], vector<16xf32>,
      %parallel_loop3A_1165 = arith.index_cast %parallel_loop3A_1132 : i32 to index
      %parallel_loop3A_1166 = arith.index_cast %parallel_loop3A_1151 : i32 to index
      %parallel_loop3A_1167 = tpu.vector_load %arg8[%parallel_loop3A_1165, %parallel_loop3A_1166] {strides = array<i32>} : memref<8x1024xf32, #tpu.memory_space<vmem>>, vector<16xf32>,
      tpu.vector_store %arg8[%parallel_loop3A_1165, %parallel_loop3A_1166], %parallel_loop3A_1164 {strides = array<i32>} : memref<8x1024xf32, #tpu.memory_space<vmem>>, vector<16xf32>,
      %parallel_loop3A_1168 = vector.broadcast %add3A_46 : i32 to vector<16xi32>
      %parallel_loop3A_1169 = arith.addi %parallel_loop3A_1161, %parallel_loop3A_1168 : vector<16xi32>
      %parallel_loop3A_1170 = tpu.vector_load_idx %arg5[%parallel_loop3A_1169] : memref<32000xf32, #tpu.memory_space<vmem>>[vector<16xi32>], vector<16xf32>,
      %parallel_loop3A_1171 = arith.index_cast %parallel_loop3A_1132 : i32 to index
      %parallel_loop3A_1172 = arith.index_cast %parallel_loop3A_1151 : i32 to index
      %parallel_loop3A_1173 = tpu.vector_load %arg9[%parallel_loop3A_1171, %parallel_loop3A_1172] {strides = array<i32>} : memref<8x1024xf32, #tpu.memory_space<vmem>>, vector<16xf32>,
      tpu.vector_store %arg9[%parallel_loop3A_1171, %parallel_loop3A_1172], %parallel_loop3A_1170 {strides = array<i32>} : memref<8x1024xf32, #tpu.memory_space<vmem>>, vector<16xf32>,
      %parallel_loop3A_1174 = vector.broadcast %add3A_52 : i32 to vector<16xi32>
      %parallel_loop3A_1175 = arith.addi %parallel_loop3A_1161, %parallel_loop3A_1174 : vector<16xi32>
      %parallel_loop3A_1176 = tpu.vector_load_idx %arg5[%parallel_loop3A_1175] : memref<32000xf32, #tpu.memory_space<vmem>>[vector<16xi32>], vector<16xf32>,
      %parallel_loop3A_1177 = arith.index_cast %parallel_loop3A_1132 : i32 to index
      %parallel_loop3A_1178 = arith.index_cast %parallel_loop3A_1151 : i32 to index
      %parallel_loop3A_1179 = tpu.vector_load %arg10[%parallel_loop3A_1177, %parallel_loop3A_1178] {strides = array<i32>} : memref<8x1024xf32, #tpu.memory_space<vmem>>, vector<16xf32>,
      tpu.vector_store %arg10[%parallel_loop3A_1177, %parallel_loop3A_1178], %parallel_loop3A_1176 {strides = array<i32>} : memref<8x1024xf32, #tpu.memory_space<vmem>>, vector<16xf32>,
      %parallel_loop3A_1180 = vector.broadcast %add3A_58 : i32 to vector<16xi32>
      %parallel_loop3A_1181 = arith.addi %parallel_loop3A_1161, %parallel_loop3A_1180 : vector<16xi32>
      %parallel_loop3A_1182 = tpu.vector_load_idx %arg5[%parallel_loop3A_1181] : memref<32000xf32, #tpu.memory_space<vmem>>[vector<16xi32>], vector<16xf32>,
      %parallel_loop3A_1183 = arith.index_cast %parallel_loop3A_1132 : i32 to index
      %parallel_loop3A_1184 = arith.index_cast %parallel_loop3A_1151 : i32 to index
      %parallel_loop3A_1185 = tpu.vector_load %arg11[%parallel_loop3A_1183, %parallel_loop3A_1184] {strides = array<i32>} : memref<8x1024xf32, #tpu.memory_space<vmem>>, vector<16xf32>,
      tpu.vector_store %arg11[%parallel_loop3A_1183, %parallel_loop3A_1184], %parallel_loop3A_1182 {strides = array<i32>} : memref<8x1024xf32, #tpu.memory_space<vmem>>, vector<16xf32>,
    } {sc.loop_unroll_factor = 4 : i64, sc.parallel_access}
    %add3A_276 = arith.constant 0 : i32
    %add3A_277 = arith.addi %mul3A_18, %add3A_276 : i32
    %multiple_of3A_278 = arith.constant 192 : i32
    %multiple_of3A_279 = tpu.assume_multiple %multiple_of3A_278, 8 : i32
    %multiple_of3A_280 = tpu.assume_multiple %mul3A_34, 1024 : i32
    %dma_start3A_281 = tpu.memref_slice %arg4[%add3A_277, %multiple_of3A_279, %multiple_of3A_280] : memref<58x200x4096xf32, #tpu.memory_space<hbm>> -> memref<1x8x1024xf32, #tpu.memory_space<hbm>>
    %dma_start3A_282 = tpu.memref_squeeze %dma_start3A_281 : memref<1x8x1024xf32, #tpu.memory_space<hbm>> -> memref<8x1024xf32, #tpu.memory_space<hbm>>
    %dma_start3A_283 = tpu.memref_slice %arg4[%add3A_277, %multiple_of3A_279, %multiple_of3A_280] : memref<58x200x4096xf32, #tpu.memory_space<hbm>> -> memref<1x8x1024xf32, #tpu.memory_space<hbm>>
    %dma_start3A_284 = tpu.memref_squeeze %dma_start3A_283 : memref<1x8x1024xf32, #tpu.memory_space<hbm>> -> memref<8x1024xf32, #tpu.memory_space<hbm>>
    tpu.enqueue_dma source(%arg8 : memref<8x1024xf32, #tpu.memory_space<vmem>>) target(%dma_start3A_284 : memref<8x1024xf32, #tpu.memory_space<hbm>>) target_semaphore(%arg21 : memref<!tpu.dma_semaphore, #tpu.memory_space<semaphore_mem>>)
    %add3A_285 = arith.constant 1 : i32
    %add3A_286 = arith.addi %mul3A_18, %add3A_285 : i32
    %multiple_of3A_287 = arith.constant 192 : i32
    %multiple_of3A_288 = tpu.assume_multiple %multiple_of3A_287, 8 : i32
    %multiple_of3A_289 = tpu.assume_multiple %mul3A_34, 1024 : i32
    %dma_start3A_290 = tpu.memref_slice %arg4[%add3A_286, %multiple_of3A_288, %multiple_of3A_289] : memref<58x200x4096xf32, #tpu.memory_space<hbm>> -> memref<1x8x1024xf32, #tpu.memory_space<hbm>>
    %dma_start3A_291 = tpu.memref_squeeze %dma_start3A_290 : memref<1x8x1024xf32, #tpu.memory_space<hbm>> -> memref<8x1024xf32, #tpu.memory_space<hbm>>
    %dma_start3A_292 = tpu.memref_slice %arg4[%add3A_286, %multiple_of3A_288, %multiple_of3A_289] : memref<58x200x4096xf32, #tpu.memory_space<hbm>> -> memref<1x8x1024xf32, #tpu.memory_space<hbm>>
    %dma_start3A_293 = tpu.memref_squeeze %dma_start3A_292 : memref<1x8x1024xf32, #tpu.memory_space<hbm>> -> memref<8x1024xf32, #tpu.memory_space<hbm>>
    tpu.enqueue_dma source(%arg9 : memref<8x1024xf32, #tpu.memory_space<vmem>>) target(%dma_start3A_293 : memref<8x1024xf32, #tpu.memory_space<hbm>>) target_semaphore(%arg21 : memref<!tpu.dma_semaphore, #tpu.memory_space<semaphore_mem>>)
    %add3A_294 = arith.constant 2 : i32
    %add3A_295 = arith.addi %mul3A_18, %add3A_294 : i32
    %multiple_of3A_296 = arith.constant 192 : i32
    %multiple_of3A_297 = tpu.assume_multiple %multiple_of3A_296, 8 : i32
    %multiple_of3A_298 = tpu.assume_multiple %mul3A_34, 1024 : i32
    %dma_start3A_299 = tpu.memref_slice %arg4[%add3A_295, %multiple_of3A_297, %multiple_of3A_298] : memref<58x200x4096xf32, #tpu.memory_space<hbm>> -> memref<1x8x1024xf32, #tpu.memory_space<hbm>>
    %dma_start3A_300 = tpu.memref_squeeze %dma_start3A_299 : memref<1x8x1024xf32, #tpu.memory_space<hbm>> -> memref<8x1024xf32, #tpu.memory_space<hbm>>
    %dma_start3A_301 = tpu.memref_slice %arg4[%add3A_295, %multiple_of3A_297, %multiple_of3A_298] : memref<58x200x4096xf32, #tpu.memory_space<hbm>> -> memref<1x8x1024xf32, #tpu.memory_space<hbm>>
    %dma_start3A_302 = tpu.memref_squeeze %dma_start3A_301 : memref<1x8x1024xf32, #tpu.memory_space<hbm>> -> memref<8x1024xf32, #tpu.memory_space<hbm>>
    tpu.enqueue_dma source(%arg10 : memref<8x1024xf32, #tpu.memory_space<vmem>>) target(%dma_start3A_302 : memref<8x1024xf32, #tpu.memory_space<hbm>>) target_semaphore(%arg21 : memref<!tpu.dma_semaphore, #tpu.memory_space<semaphore_mem>>)
    %add3A_303 = arith.constant 3 : i32
    %add3A_304 = arith.addi %mul3A_18, %add3A_303 : i32
    %multiple_of3A_305 = arith.constant 192 : i32
    %multiple_of3A_306 = tpu.assume_multiple %multiple_of3A_305, 8 : i32
    %multiple_of3A_307 = tpu.assume_multiple %mul3A_34, 1024 : i32
    %dma_start3A_308 = tpu.memref_slice %arg4[%add3A_304, %multiple_of3A_306, %multiple_of3A_307] : memref<58x200x4096xf32, #tpu.memory_space<hbm>> -> memref<1x8x1024xf32, #tpu.memory_space<hbm>>
    %dma_start3A_309 = tpu.memref_squeeze %dma_start3A_308 : memref<1x8x1024xf32, #tpu.memory_space<hbm>> -> memref<8x1024xf32, #tpu.memory_space<hbm>>
    %dma_start3A_310 = tpu.memref_slice %arg4[%add3A_304, %multiple_of3A_306, %multiple_of3A_307] : memref<58x200x4096xf32, #tpu.memory_space<hbm>> -> memref<1x8x1024xf32, #tpu.memory_space<hbm>>
    %dma_start3A_311 = tpu.memref_squeeze %dma_start3A_310 : memref<1x8x1024xf32, #tpu.memory_space<hbm>> -> memref<8x1024xf32, #tpu.memory_space<hbm>>
    tpu.enqueue_dma source(%arg11 : memref<8x1024xf32, #tpu.memory_space<vmem>>) target(%dma_start3A_311 : memref<8x1024xf32, #tpu.memory_space<hbm>>) target_semaphore(%arg21 : memref<!tpu.dma_semaphore, #tpu.memory_space<semaphore_mem>>)
    %multiple_of3A_312 = arith.constant 0 : i32
    %multiple_of3A_313 = tpu.assume_multiple %multiple_of3A_312, 8 : i32
    %multiple_of3A_314 = tpu.assume_multiple %mul3A_34, 1024 : i32
    %dma_wait3A_315 = arith.constant 0 : i32
    %dma_wait3A_316 = tpu.memref_slice %arg2[%dma_wait3A_315, %multiple_of3A_313, %multiple_of3A_314] : memref<27x200x4096xf32, #tpu.memory_space<hbm>> -> memref<1x8x1024xf32, #tpu.memory_space<hbm>>
    %dma_wait3A_317 = tpu.memref_squeeze %dma_wait3A_316 : memref<1x8x1024xf32, #tpu.memory_space<hbm>> -> memref<8x1024xf32, #tpu.memory_space<hbm>>
    %dma_wait3A_318 = tpu.memref_slice %arg2[%dma_wait3A_315, %multiple_of3A_313, %multiple_of3A_314] : memref<27x200x4096xf32, #tpu.memory_space<hbm>> -> memref<1x8x1024xf32, #tpu.memory_space<hbm>>
    %dma_wait3A_319 = tpu.memref_squeeze %dma_wait3A_318 : memref<1x8x1024xf32, #tpu.memory_space<hbm>> -> memref<8x1024xf32, #tpu.memory_space<hbm>>
    tpu.wait_dma2 semaphore(%arg23 : memref<!tpu.dma_semaphore, #tpu.memory_space<semaphore_mem>>) src(%dma_wait3A_319 : memref<8x1024xf32, #tpu.memory_space<hbm>>) dst(%arg16 : memref<8x1024xf32, #tpu.memory_space<vmem>>)
    %add3A_320 = arith.constant 72 : i32
    %add3A_321 = arith.addi %select_n3A_84, %add3A_320 : i32
    %jit3A_322 = arith.constant 100 : i32
    %div3A_323 = arith.divsi %add3A_321, %jit3A_322 : i32
    %sign3A_324 = arith.constant 0 : i32
    %sign3A_325 = arith.cmpi sgt, %add3A_321, %sign3A_324 : i32
    %sign3A_326 = arith.extui %sign3A_325 : i1 to i32
    %sign3A_327 = arith.constant 0 : i32
    %sign3A_328 = arith.cmpi slt, %add3A_321, %sign3A_327 : i32
    %sign3A_329 = arith.extui %sign3A_328 : i1 to i32
    %sign3A_330 = arith.subi %sign3A_326, %sign3A_329 : i32
    %sign3A_331 = arith.constant 0 : i32
    %sign3A_332 = arith.cmpi sgt, %jit3A_322, %sign3A_331 : i32
    %sign3A_333 = arith.extui %sign3A_332 : i1 to i32
    %sign3A_334 = arith.constant 0 : i32
    %sign3A_335 = arith.cmpi slt, %jit3A_322, %sign3A_334 : i32
    %sign3A_336 = arith.extui %sign3A_335 : i1 to i32
    %sign3A_337 = arith.subi %sign3A_333, %sign3A_336 : i32
    %ne3A_338 = arith.cmpi ne, %sign3A_330, %sign3A_337 : i32
    %rem3A_339 = arith.remsi %add3A_321, %jit3A_322 : i32
    %ne3A_340 = arith.constant 0 : i32
    %ne3A_341 = arith.cmpi ne, %rem3A_339, %ne3A_340 : i32
    %and3A_342 = arith.andi %ne3A_338, %ne3A_341 : i1
    %sub3A_343 = arith.constant 1 : i32
    %sub3A_344 = arith.subi %div3A_323, %sub3A_343 : i32
    %select_n3A_345 = arith.select %and3A_342, %sub3A_344, %div3A_323 : i32
    %add3A_346 = arith.constant 1 : i32
    %add3A_347 = arith.addi %add3A_346, %select_n3A_345 : i32
    %jit3A_348 = arith.constant 100 : i32
    %eq3A_349 = arith.constant 0 : i32
    %eq3A_350 = arith.cmpi eq, %jit3A_348, %eq3A_349 : i32
    %jit3A_351 = arith.constant 1 : i32
    %select_n3A_352 = arith.select %eq3A_350, %jit3A_351, %jit3A_348 : i32
    %rem3A_353 = arith.remsi %add3A_321, %select_n3A_352 : i32
    %ne3A_354 = arith.constant 0 : i32
    %ne3A_355 = arith.cmpi ne, %rem3A_353, %ne3A_354 : i32
    %lt3A_356 = arith.constant 0 : i32
    %lt3A_357 = arith.cmpi slt, %rem3A_353, %lt3A_356 : i32
    %lt3A_358 = arith.constant 0 : i32
    %lt3A_359 = arith.cmpi slt, %select_n3A_352, %lt3A_358 : i32
    %ne3A_360 = arith.xori %lt3A_357, %lt3A_359 : i1
    %and3A_361 = arith.andi %ne3A_360, %ne3A_355 : i1
    %add3A_362 = arith.addi %rem3A_353, %select_n3A_352 : i32
    %select_n3A_363 = arith.select %and3A_361, %add3A_362, %rem3A_353 : i32
    %jit3A_364 = arith.constant 4 : i32
    %div3A_365 = arith.divsi %select_n3A_363, %jit3A_364 : i32
    %sign3A_366 = arith.constant 0 : i32
    %sign3A_367 = arith.cmpi sgt, %select_n3A_363, %sign3A_366 : i32
    %sign3A_368 = arith.extui %sign3A_367 : i1 to i32
    %sign3A_369 = arith.constant 0 : i32
    %sign3A_370 = arith.cmpi slt, %select_n3A_363, %sign3A_369 : i32
    %sign3A_371 = arith.extui %sign3A_370 : i1 to i32
    %sign3A_372 = arith.subi %sign3A_368, %sign3A_371 : i32
    %sign3A_373 = arith.constant 0 : i32
    %sign3A_374 = arith.cmpi sgt, %jit3A_364, %sign3A_373 : i32
    %sign3A_375 = arith.extui %sign3A_374 : i1 to i32
    %sign3A_376 = arith.constant 0 : i32
    %sign3A_377 = arith.cmpi slt, %jit3A_364, %sign3A_376 : i32
    %sign3A_378 = arith.extui %sign3A_377 : i1 to i32
    %sign3A_379 = arith.subi %sign3A_375, %sign3A_378 : i32
    %ne3A_380 = arith.cmpi ne, %sign3A_372, %sign3A_379 : i32
    %rem3A_381 = arith.remsi %select_n3A_363, %jit3A_364 : i32
    %ne3A_382 = arith.constant 0 : i32
    %ne3A_383 = arith.cmpi ne, %rem3A_381, %ne3A_382 : i32
    %and3A_384 = arith.andi %ne3A_380, %ne3A_383 : i1
    %sub3A_385 = arith.constant 1 : i32
    %sub3A_386 = arith.subi %div3A_365, %sub3A_385 : i32
    %select_n3A_387 = arith.select %and3A_384, %sub3A_386, %div3A_365 : i32
    %mul3A_388 = arith.constant 8 : i32
    %mul3A_389 = arith.muli %select_n3A_387, %mul3A_388 : i32
    %multiple_of3A_390 = tpu.assume_multiple %mul3A_389, 8 : i32
    %jit3A_391 = arith.constant 4 : i32
    %eq3A_392 = arith.constant 0 : i32
    %eq3A_393 = arith.cmpi eq, %jit3A_391, %eq3A_392 : i32
    %jit3A_394 = arith.constant 1 : i32
    %select_n3A_395 = arith.select %eq3A_393, %jit3A_394, %jit3A_391 : i32
    %rem3A_396 = arith.remsi %select_n3A_363, %select_n3A_395 : i32
    %ne3A_397 = arith.constant 0 : i32
    %ne3A_398 = arith.cmpi ne, %rem3A_396, %ne3A_397 : i32
    %lt3A_399 = arith.constant 0 : i32
    %lt3A_400 = arith.cmpi slt, %rem3A_396, %lt3A_399 : i32
    %lt3A_401 = arith.constant 0 : i32
    %lt3A_402 = arith.cmpi slt, %select_n3A_395, %lt3A_401 : i32
    %ne3A_403 = arith.xori %lt3A_400, %lt3A_402 : i1
    %and3A_404 = arith.andi %ne3A_403, %ne3A_398 : i1
    %add3A_405 = arith.addi %rem3A_396, %select_n3A_395 : i32
    %select_n3A_406 = arith.select %and3A_404, %add3A_405, %rem3A_396 : i32
    %mul3A_407 = arith.constant 1024 : i32
    %mul3A_408 = arith.muli %select_n3A_406, %mul3A_407 : i32
    %multiple_of3A_409 = tpu.assume_multiple %mul3A_408, 1024 : i32
    %add3A_410 = arith.constant 32 : i32
    %add3A_411 = arith.addi %add3A_347, %add3A_410 : i32
    %sub3A_412 = arith.constant 1 : i32
    %sub3A_413 = arith.subi %add3A_411, %sub3A_412 : i32
    %dma_start3A_414 = tpu.memref_slice %arg4[%sub3A_413, %multiple_of3A_390, %multiple_of3A_409] : memref<58x200x4096xf32, #tpu.memory_space<hbm>> -> memref<1x8x1024xf32, #tpu.memory_space<hbm>>
    %dma_start3A_415 = tpu.memref_squeeze %dma_start3A_414 : memref<1x8x1024xf32, #tpu.memory_space<hbm>> -> memref<8x1024xf32, #tpu.memory_space<hbm>>
    %dma_start3A_416 = tpu.memref_slice %arg4[%sub3A_413, %multiple_of3A_390, %multiple_of3A_409] : memref<58x200x4096xf32, #tpu.memory_space<hbm>> -> memref<1x8x1024xf32, #tpu.memory_space<hbm>>
    %dma_start3A_417 = tpu.memref_squeeze %dma_start3A_416 : memref<1x8x1024xf32, #tpu.memory_space<hbm>> -> memref<8x1024xf32, #tpu.memory_space<hbm>>
    tpu.enqueue_dma source(%arg16 : memref<8x1024xf32, #tpu.memory_space<vmem>>) target(%dma_start3A_417 : memref<8x1024xf32, #tpu.memory_space<hbm>>) target_semaphore(%arg25 : memref<!tpu.dma_semaphore, #tpu.memory_space<semaphore_mem>>)
    %add3A_418 = arith.constant 0 : i32
    %add3A_419 = arith.addi %mul3A_18, %add3A_418 : i32
    %multiple_of3A_420 = arith.constant 0 : i32
    %multiple_of3A_421 = tpu.assume_multiple %multiple_of3A_420, 8 : i32
    %multiple_of3A_422 = tpu.assume_multiple %mul3A_34, 1024 : i32
    %dma_wait3A_423 = tpu.memref_slice %arg4[%add3A_419, %multiple_of3A_421, %multiple_of3A_422] : memref<58x200x4096xf32, #tpu.memory_space<hbm>> -> memref<1x8x1024xf32, #tpu.memory_space<hbm>>
    %dma_wait3A_424 = tpu.memref_squeeze %dma_wait3A_423 : memref<1x8x1024xf32, #tpu.memory_space<hbm>> -> memref<8x1024xf32, #tpu.memory_space<hbm>>
    %dma_wait3A_425 = tpu.memref_slice %arg4[%add3A_419, %multiple_of3A_421, %multiple_of3A_422] : memref<58x200x4096xf32, #tpu.memory_space<hbm>> -> memref<1x8x1024xf32, #tpu.memory_space<hbm>>
    %dma_wait3A_426 = tpu.memref_squeeze %dma_wait3A_425 : memref<1x8x1024xf32, #tpu.memory_space<hbm>> -> memref<8x1024xf32, #tpu.memory_space<hbm>>
    tpu.wait_dma2 semaphore(%arg26 : memref<!tpu.dma_semaphore, #tpu.memory_space<semaphore_mem>>) src(%arg17 : memref<8x1024xf32, #tpu.memory_space<vmem>>) dst(%dma_wait3A_426 : memref<8x1024xf32, #tpu.memory_space<hbm>>)
    %add3A_427 = arith.constant 73 : i32
    %add3A_428 = arith.addi %select_n3A_84, %add3A_427 : i32
    %jit3A_429 = arith.constant 100 : i32
    %div3A_430 = arith.divsi %add3A_428, %jit3A_429 : i32
    %sign3A_431 = arith.constant 0 : i32
    %sign3A_432 = arith.cmpi sgt, %add3A_428, %sign3A_431 : i32
    %sign3A_433 = arith.extui %sign3A_432 : i1 to i32
    %sign3A_434 = arith.constant 0 : i32
    %sign3A_435 = arith.cmpi slt, %add3A_428, %sign3A_434 : i32
    %sign3A_436 = arith.extui %sign3A_435 : i1 to i32
    %sign3A_437 = arith.subi %sign3A_433, %sign3A_436 : i32
    %sign3A_438 = arith.constant 0 : i32
    %sign3A_439 = arith.cmpi sgt, %jit3A_429, %sign3A_438 : i32
    %sign3A_440 = arith.extui %sign3A_439 : i1 to i32
    %sign3A_441 = arith.constant 0 : i32
    %sign3A_442 = arith.cmpi slt, %jit3A_429, %sign3A_441 : i32
    %sign3A_443 = arith.extui %sign3A_442 : i1 to i32
    %sign3A_444 = arith.subi %sign3A_440, %sign3A_443 : i32
    %ne3A_445 = arith.cmpi ne, %sign3A_437, %sign3A_444 : i32
    %rem3A_446 = arith.remsi %add3A_428, %jit3A_429 : i32
    %ne3A_447 = arith.constant 0 : i32
    %ne3A_448 = arith.cmpi ne, %rem3A_446, %ne3A_447 : i32
    %and3A_449 = arith.andi %ne3A_445, %ne3A_448 : i1
    %sub3A_450 = arith.constant 1 : i32
    %sub3A_451 = arith.subi %div3A_430, %sub3A_450 : i32
    %select_n3A_452 = arith.select %and3A_449, %sub3A_451, %div3A_430 : i32
    %add3A_453 = arith.constant 1 : i32
    %add3A_454 = arith.addi %add3A_453, %select_n3A_452 : i32
    %jit3A_455 = arith.constant 100 : i32
    %eq3A_456 = arith.constant 0 : i32
    %eq3A_457 = arith.cmpi eq, %jit3A_455, %eq3A_456 : i32
    %jit3A_458 = arith.constant 1 : i32
    %select_n3A_459 = arith.select %eq3A_457, %jit3A_458, %jit3A_455 : i32
    %rem3A_460 = arith.remsi %add3A_428, %select_n3A_459 : i32
    %ne3A_461 = arith.constant 0 : i32
    %ne3A_462 = arith.cmpi ne, %rem3A_460, %ne3A_461 : i32
    %lt3A_463 = arith.constant 0 : i32
    %lt3A_464 = arith.cmpi slt, %rem3A_460, %lt3A_463 : i32
    %lt3A_465 = arith.constant 0 : i32
    %lt3A_466 = arith.cmpi slt, %select_n3A_459, %lt3A_465 : i32
    %ne3A_467 = arith.xori %lt3A_464, %lt3A_466 : i1
    %and3A_468 = arith.andi %ne3A_467, %ne3A_462 : i1
    %add3A_469 = arith.addi %rem3A_460, %select_n3A_459 : i32
    %select_n3A_470 = arith.select %and3A_468, %add3A_469, %rem3A_460 : i32
    %jit3A_471 = arith.constant 4 : i32
    %div3A_472 = arith.divsi %select_n3A_470, %jit3A_471 : i32
    %sign3A_473 = arith.constant 0 : i32
    %sign3A_474 = arith.cmpi sgt, %select_n3A_470, %sign3A_473 : i32
    %sign3A_475 = arith.extui %sign3A_474 : i1 to i32
    %sign3A_476 = arith.constant 0 : i32
    %sign3A_477 = arith.cmpi slt, %select_n3A_470, %sign3A_476 : i32
    %sign3A_478 = arith.extui %sign3A_477 : i1 to i32
    %sign3A_479 = arith.subi %sign3A_475, %sign3A_478 : i32
    %sign3A_480 = arith.constant 0 : i32
    %sign3A_481 = arith.cmpi sgt, %jit3A_471, %sign3A_480 : i32
    %sign3A_482 = arith.extui %sign3A_481 : i1 to i32
    %sign3A_483 = arith.constant 0 : i32
    %sign3A_484 = arith.cmpi slt, %jit3A_471, %sign3A_483 : i32
    %sign3A_485 = arith.extui %sign3A_484 : i1 to i32
    %sign3A_486 = arith.subi %sign3A_482, %sign3A_485 : i32
    %ne3A_487 = arith.cmpi ne, %sign3A_479, %sign3A_486 : i32
    %rem3A_488 = arith.remsi %select_n3A_470, %jit3A_471 : i32
    %ne3A_489 = arith.constant 0 : i32
    %ne3A_490 = arith.cmpi ne, %rem3A_488, %ne3A_489 : i32
    %and3A_491 = arith.andi %ne3A_487, %ne3A_490 : i1
    %sub3A_492 = arith.constant 1 : i32
    %sub3A_493 = arith.subi %div3A_472, %sub3A_492 : i32
    %select_n3A_494 = arith.select %and3A_491, %sub3A_493, %div3A_472 : i32
    %mul3A_495 = arith.constant 8 : i32
    %mul3A_496 = arith.muli %select_n3A_494, %mul3A_495 : i32
    %multiple_of3A_497 = tpu.assume_multiple %mul3A_496, 8 : i32
    %jit3A_498 = arith.constant 4 : i32
    %eq3A_499 = arith.constant 0 : i32
    %eq3A_500 = arith.cmpi eq, %jit3A_498, %eq3A_499 : i32
    %jit3A_501 = arith.constant 1 : i32
    %select_n3A_502 = arith.select %eq3A_500, %jit3A_501, %jit3A_498 : i32
    %rem3A_503 = arith.remsi %select_n3A_470, %select_n3A_502 : i32
    %ne3A_504 = arith.constant 0 : i32
    %ne3A_505 = arith.cmpi ne, %rem3A_503, %ne3A_504 : i32
    %lt3A_506 = arith.constant 0 : i32
    %lt3A_507 = arith.cmpi slt, %rem3A_503, %lt3A_506 : i32
    %lt3A_508 = arith.constant 0 : i32
    %lt3A_509 = arith.cmpi slt, %select_n3A_502, %lt3A_508 : i32
    %ne3A_510 = arith.xori %lt3A_507, %lt3A_509 : i1
    %and3A_511 = arith.andi %ne3A_510, %ne3A_505 : i1
    %add3A_512 = arith.addi %rem3A_503, %select_n3A_502 : i32
    %select_n3A_513 = arith.select %and3A_511, %add3A_512, %rem3A_503 : i32
    %mul3A_514 = arith.constant 1024 : i32
    %mul3A_515 = arith.muli %select_n3A_513, %mul3A_514 : i32
    %multiple_of3A_516 = tpu.assume_multiple %mul3A_515, 1024 : i32
    %add3A_517 = arith.constant 32 : i32
    %add3A_518 = arith.addi %add3A_454, %add3A_517 : i32
    %sub3A_519 = arith.constant 1 : i32
    %sub3A_520 = arith.subi %add3A_518, %sub3A_519 : i32
    %dma_start3A_521 = tpu.memref_slice %arg2[%add3A_454, %multiple_of3A_497, %multiple_of3A_516] : memref<27x200x4096xf32, #tpu.memory_space<hbm>> -> memref<1x8x1024xf32, #tpu.memory_space<hbm>>
    %dma_start3A_522 = tpu.memref_squeeze %dma_start3A_521 : memref<1x8x1024xf32, #tpu.memory_space<hbm>> -> memref<8x1024xf32, #tpu.memory_space<hbm>>
    %dma_start3A_523 = tpu.memref_slice %arg2[%add3A_454, %multiple_of3A_497, %multiple_of3A_516] : memref<27x200x4096xf32, #tpu.memory_space<hbm>> -> memref<1x8x1024xf32, #tpu.memory_space<hbm>>
    %dma_start3A_524 = tpu.memref_squeeze %dma_start3A_523 : memref<1x8x1024xf32, #tpu.memory_space<hbm>> -> memref<8x1024xf32, #tpu.memory_space<hbm>>
    tpu.enqueue_dma source(%dma_start3A_524 : memref<8x1024xf32, #tpu.memory_space<hbm>>) target(%arg17 : memref<8x1024xf32, #tpu.memory_space<vmem>>) target_semaphore(%arg24 : memref<!tpu.dma_semaphore, #tpu.memory_space<semaphore_mem>>)
    %multiple_of3A_525 = arith.constant 0 : i32
    %multiple_of3A_526 = tpu.assume_multiple %multiple_of3A_525, 8 : i32
    %multiple_of3A_527 = tpu.assume_multiple %mul3A_34, 1024 : i32
    %dma_wait3A_528 = arith.constant 0 : i32
    %dma_wait3A_529 = tpu.memref_slice %arg2[%dma_wait3A_528, %multiple_of3A_526, %multiple_of3A_527] : memref<27x200x4096xf32, #tpu.memory_space<hbm>> -> memref<1x8x1024xf32, #tpu.memory_space<hbm>>
    %dma_wait3A_530 = tpu.memref_squeeze %dma_wait3A_529 : memref<1x8x1024xf32, #tpu.memory_space<hbm>> -> memref<8x1024xf32, #tpu.memory_space<hbm>>
    %dma_wait3A_531 = tpu.memref_slice %arg2[%dma_wait3A_528, %multiple_of3A_526, %multiple_of3A_527] : memref<27x200x4096xf32, #tpu.memory_space<hbm>> -> memref<1x8x1024xf32, #tpu.memory_space<hbm>>
    %dma_wait3A_532 = tpu.memref_squeeze %dma_wait3A_531 : memref<1x8x1024xf32, #tpu.memory_space<hbm>> -> memref<8x1024xf32, #tpu.memory_space<hbm>>
    tpu.wait_dma2 semaphore(%arg24 : memref<!tpu.dma_semaphore, #tpu.memory_space<semaphore_mem>>) src(%dma_wait3A_532 : memref<8x1024xf32, #tpu.memory_space<hbm>>) dst(%arg17 : memref<8x1024xf32, #tpu.memory_space<vmem>>)
    %add3A_533 = arith.constant 73 : i32
    %add3A_534 = arith.addi %select_n3A_84, %add3A_533 : i32
    %jit3A_535 = arith.constant 100 : i32
    %div3A_536 = arith.divsi %add3A_534, %jit3A_535 : i32
    %sign3A_537 = arith.constant 0 : i32
    %sign3A_538 = arith.cmpi sgt, %add3A_534, %sign3A_537 : i32
    %sign3A_539 = arith.extui %sign3A_538 : i1 to i32
    %sign3A_540 = arith.constant 0 : i32
    %sign3A_541 = arith.cmpi slt, %add3A_534, %sign3A_540 : i32
    %sign3A_542 = arith.extui %sign3A_541 : i1 to i32
    %sign3A_543 = arith.subi %sign3A_539, %sign3A_542 : i32
    %sign3A_544 = arith.constant 0 : i32
    %sign3A_545 = arith.cmpi sgt, %jit3A_535, %sign3A_544 : i32
    %sign3A_546 = arith.extui %sign3A_545 : i1 to i32
    %sign3A_547 = arith.constant 0 : i32
    %sign3A_548 = arith.cmpi slt, %jit3A_535, %sign3A_547 : i32
    %sign3A_549 = arith.extui %sign3A_548 : i1 to i32
    %sign3A_550 = arith.subi %sign3A_546, %sign3A_549 : i32
    %ne3A_551 = arith.cmpi ne, %sign3A_543, %sign3A_550 : i32
    %rem3A_552 = arith.remsi %add3A_534, %jit3A_535 : i32
    %ne3A_553 = arith.constant 0 : i32
    %ne3A_554 = arith.cmpi ne, %rem3A_552, %ne3A_553 : i32
    %and3A_555 = arith.andi %ne3A_551, %ne3A_554 : i1
    %sub3A_556 = arith.constant 1 : i32
    %sub3A_557 = arith.subi %div3A_536, %sub3A_556 : i32
    %select_n3A_558 = arith.select %and3A_555, %sub3A_557, %div3A_536 : i32
    %add3A_559 = arith.constant 1 : i32
    %add3A_560 = arith.addi %add3A_559, %select_n3A_558 : i32
    %jit3A_561 = arith.constant 100 : i32
    %eq3A_562 = arith.constant 0 : i32
    %eq3A_563 = arith.cmpi eq, %jit3A_561, %eq3A_562 : i32
    %jit3A_564 = arith.constant 1 : i32
    %select_n3A_565 = arith.select %eq3A_563, %jit3A_564, %jit3A_561 : i32
    %rem3A_566 = arith.remsi %add3A_534, %select_n3A_565 : i32
    %ne3A_567 = arith.constant 0 : i32
    %ne3A_568 = arith.cmpi ne, %rem3A_566, %ne3A_567 : i32
    %lt3A_569 = arith.constant 0 : i32
    %lt3A_570 = arith.cmpi slt, %rem3A_566, %lt3A_569 : i32
    %lt3A_571 = arith.constant 0 : i32
    %lt3A_572 = arith.cmpi slt, %select_n3A_565, %lt3A_571 : i32
    %ne3A_573 = arith.xori %lt3A_570, %lt3A_572 : i1
    %and3A_574 = arith.andi %ne3A_573, %ne3A_568 : i1
    %add3A_575 = arith.addi %rem3A_566, %select_n3A_565 : i32
    %select_n3A_576 = arith.select %and3A_574, %add3A_575, %rem3A_566 : i32
    %jit3A_577 = arith.constant 4 : i32
    %div3A_578 = arith.divsi %select_n3A_576, %jit3A_577 : i32
    %sign3A_579 = arith.constant 0 : i32
    %sign3A_580 = arith.cmpi sgt, %select_n3A_576, %sign3A_579 : i32
    %sign3A_581 = arith.extui %sign3A_580 : i1 to i32
    %sign3A_582 = arith.constant 0 : i32
    %sign3A_583 = arith.cmpi slt, %select_n3A_576, %sign3A_582 : i32
    %sign3A_584 = arith.extui %sign3A_583 : i1 to i32
    %sign3A_585 = arith.subi %sign3A_581, %sign3A_584 : i32
    %sign3A_586 = arith.constant 0 : i32
    %sign3A_587 = arith.cmpi sgt, %jit3A_577, %sign3A_586 : i32
    %sign3A_588 = arith.extui %sign3A_587 : i1 to i32
    %sign3A_589 = arith.constant 0 : i32
    %sign3A_590 = arith.cmpi slt, %jit3A_577, %sign3A_589 : i32
    %sign3A_591 = arith.extui %sign3A_590 : i1 to i32
    %sign3A_592 = arith.subi %sign3A_588, %sign3A_591 : i32
    %ne3A_593 = arith.cmpi ne, %sign3A_585, %sign3A_592 : i32
    %rem3A_594 = arith.remsi %select_n3A_576, %jit3A_577 : i32
    %ne3A_595 = arith.constant 0 : i32
    %ne3A_596 = arith.cmpi ne, %rem3A_594, %ne3A_595 : i32
    %and3A_597 = arith.andi %ne3A_593, %ne3A_596 : i1
    %sub3A_598 = arith.constant 1 : i32
    %sub3A_599 = arith.subi %div3A_578, %sub3A_598 : i32
    %select_n3A_600 = arith.select %and3A_597, %sub3A_599, %div3A_578 : i32
    %mul3A_601 = arith.constant 8 : i32
    %mul3A_602 = arith.muli %select_n3A_600, %mul3A_601 : i32
    %multiple_of3A_603 = tpu.assume_multiple %mul3A_602, 8 : i32
    %jit3A_604 = arith.constant 4 : i32
    %eq3A_605 = arith.constant 0 : i32
    %eq3A_606 = arith.cmpi eq, %jit3A_604, %eq3A_605 : i32
    %jit3A_607 = arith.constant 1 : i32
    %select_n3A_608 = arith.select %eq3A_606, %jit3A_607, %jit3A_604 : i32
    %rem3A_609 = arith.remsi %select_n3A_576, %select_n3A_608 : i32
    %ne3A_610 = arith.constant 0 : i32
    %ne3A_611 = arith.cmpi ne, %rem3A_609, %ne3A_610 : i32
    %lt3A_612 = arith.constant 0 : i32
    %lt3A_613 = arith.cmpi slt, %rem3A_609, %lt3A_612 : i32
    %lt3A_614 = arith.constant 0 : i32
    %lt3A_615 = arith.cmpi slt, %select_n3A_608, %lt3A_614 : i32
    %ne3A_616 = arith.xori %lt3A_613, %lt3A_615 : i1
    %and3A_617 = arith.andi %ne3A_616, %ne3A_611 : i1
    %add3A_618 = arith.addi %rem3A_609, %select_n3A_608 : i32
    %select_n3A_619 = arith.select %and3A_617, %add3A_618, %rem3A_609 : i32
    %mul3A_620 = arith.constant 1024 : i32
    %mul3A_621 = arith.muli %select_n3A_619, %mul3A_620 : i32
    %multiple_of3A_622 = tpu.assume_multiple %mul3A_621, 1024 : i32
    %add3A_623 = arith.constant 32 : i32
    %add3A_624 = arith.addi %add3A_560, %add3A_623 : i32
    %sub3A_625 = arith.constant 1 : i32
    %sub3A_626 = arith.subi %add3A_624, %sub3A_625 : i32
    %dma_start3A_627 = tpu.memref_slice %arg4[%sub3A_626, %multiple_of3A_603, %multiple_of3A_622] : memref<58x200x4096xf32, #tpu.memory_space<hbm>> -> memref<1x8x1024xf32, #tpu.memory_space<hbm>>
    %dma_start3A_628 = tpu.memref_squeeze %dma_start3A_627 : memref<1x8x1024xf32, #tpu.memory_space<hbm>> -> memref<8x1024xf32, #tpu.memory_space<hbm>>
    %dma_start3A_629 = tpu.memref_slice %arg4[%sub3A_626, %multiple_of3A_603, %multiple_of3A_622] : memref<58x200x4096xf32, #tpu.memory_space<hbm>> -> memref<1x8x1024xf32, #tpu.memory_space<hbm>>
    %dma_start3A_630 = tpu.memref_squeeze %dma_start3A_629 : memref<1x8x1024xf32, #tpu.memory_space<hbm>> -> memref<8x1024xf32, #tpu.memory_space<hbm>>
    tpu.enqueue_dma source(%arg17 : memref<8x1024xf32, #tpu.memory_space<vmem>>) target(%dma_start3A_630 : memref<8x1024xf32, #tpu.memory_space<hbm>>) target_semaphore(%arg26 : memref<!tpu.dma_semaphore, #tpu.memory_space<semaphore_mem>>)
    %add3A_631 = arith.constant 0 : i32
    %add3A_632 = arith.addi %mul3A_18, %add3A_631 : i32
    %multiple_of3A_633 = arith.constant 0 : i32
    %multiple_of3A_634 = tpu.assume_multiple %multiple_of3A_633, 8 : i32
    %multiple_of3A_635 = tpu.assume_multiple %mul3A_34, 1024 : i32
    %dma_wait3A_636 = tpu.memref_slice %arg4[%add3A_632, %multiple_of3A_634, %multiple_of3A_635] : memref<58x200x4096xf32, #tpu.memory_space<hbm>> -> memref<1x8x1024xf32, #tpu.memory_space<hbm>>
    %dma_wait3A_637 = tpu.memref_squeeze %dma_wait3A_636 : memref<1x8x1024xf32, #tpu.memory_space<hbm>> -> memref<8x1024xf32, #tpu.memory_space<hbm>>
    %dma_wait3A_638 = tpu.memref_slice %arg4[%add3A_632, %multiple_of3A_634, %multiple_of3A_635] : memref<58x200x4096xf32, #tpu.memory_space<hbm>> -> memref<1x8x1024xf32, #tpu.memory_space<hbm>>
    %dma_wait3A_639 = tpu.memref_squeeze %dma_wait3A_638 : memref<1x8x1024xf32, #tpu.memory_space<hbm>> -> memref<8x1024xf32, #tpu.memory_space<hbm>>
    tpu.wait_dma2 semaphore(%arg25 : memref<!tpu.dma_semaphore, #tpu.memory_space<semaphore_mem>>) src(%arg16 : memref<8x1024xf32, #tpu.memory_space<vmem>>) dst(%dma_wait3A_639 : memref<8x1024xf32, #tpu.memory_space<hbm>>)
    %add3A_640 = arith.constant 74 : i32
    %add3A_641 = arith.addi %select_n3A_84, %add3A_640 : i32
    %jit3A_642 = arith.constant 100 : i32
    %div3A_643 = arith.divsi %add3A_641, %jit3A_642 : i32
    %sign3A_644 = arith.constant 0 : i32
    %sign3A_645 = arith.cmpi sgt, %add3A_641, %sign3A_644 : i32
    %sign3A_646 = arith.extui %sign3A_645 : i1 to i32
    %sign3A_647 = arith.constant 0 : i32
    %sign3A_648 = arith.cmpi slt, %add3A_641, %sign3A_647 : i32
    %sign3A_649 = arith.extui %sign3A_648 : i1 to i32
    %sign3A_650 = arith.subi %sign3A_646, %sign3A_649 : i32
    %sign3A_651 = arith.constant 0 : i32
    %sign3A_652 = arith.cmpi sgt, %jit3A_642, %sign3A_651 : i32
    %sign3A_653 = arith.extui %sign3A_652 : i1 to i32
    %sign3A_654 = arith.constant 0 : i32
    %sign3A_655 = arith.cmpi slt, %jit3A_642, %sign3A_654 : i32
    %sign3A_656 = arith.extui %sign3A_655 : i1 to i32
    %sign3A_657 = arith.subi %sign3A_653, %sign3A_656 : i32
    %ne3A_658 = arith.cmpi ne, %sign3A_650, %sign3A_657 : i32
    %rem3A_659 = arith.remsi %add3A_641, %jit3A_642 : i32
    %ne3A_660 = arith.constant 0 : i32
    %ne3A_661 = arith.cmpi ne, %rem3A_659, %ne3A_660 : i32
    %and3A_662 = arith.andi %ne3A_658, %ne3A_661 : i1
    %sub3A_663 = arith.constant 1 : i32
    %sub3A_664 = arith.subi %div3A_643, %sub3A_663 : i32
    %select_n3A_665 = arith.select %and3A_662, %sub3A_664, %div3A_643 : i32
    %add3A_666 = arith.constant 1 : i32
    %add3A_667 = arith.addi %add3A_666, %select_n3A_665 : i32
    %jit3A_668 = arith.constant 100 : i32
    %eq3A_669 = arith.constant 0 : i32
    %eq3A_670 = arith.cmpi eq, %jit3A_668, %eq3A_669 : i32
    %jit3A_671 = arith.constant 1 : i32
    %select_n3A_672 = arith.select %eq3A_670, %jit3A_671, %jit3A_668 : i32
    %rem3A_673 = arith.remsi %add3A_641, %select_n3A_672 : i32
    %ne3A_674 = arith.constant 0 : i32
    %ne3A_675 = arith.cmpi ne, %rem3A_673, %ne3A_674 : i32
    %lt3A_676 = arith.constant 0 : i32
    %lt3A_677 = arith.cmpi slt, %rem3A_673, %lt3A_676 : i32
    %lt3A_678 = arith.constant 0 : i32
    %lt3A_679 = arith.cmpi slt, %select_n3A_672, %lt3A_678 : i32
    %ne3A_680 = arith.xori %lt3A_677, %lt3A_679 : i1
    %and3A_681 = arith.andi %ne3A_680, %ne3A_675 : i1
    %add3A_682 = arith.addi %rem3A_673, %select_n3A_672 : i32
    %select_n3A_683 = arith.select %and3A_681, %add3A_682, %rem3A_673 : i32
    %jit3A_684 = arith.constant 4 : i32
    %div3A_685 = arith.divsi %select_n3A_683, %jit3A_684 : i32
    %sign3A_686 = arith.constant 0 : i32
    %sign3A_687 = arith.cmpi sgt, %select_n3A_683, %sign3A_686 : i32
    %sign3A_688 = arith.extui %sign3A_687 : i1 to i32
    %sign3A_689 = arith.constant 0 : i32
    %sign3A_690 = arith.cmpi slt, %select_n3A_683, %sign3A_689 : i32
    %sign3A_691 = arith.extui %sign3A_690 : i1 to i32
    %sign3A_692 = arith.subi %sign3A_688, %sign3A_691 : i32
    %sign3A_693 = arith.constant 0 : i32
    %sign3A_694 = arith.cmpi sgt, %jit3A_684, %sign3A_693 : i32
    %sign3A_695 = arith.extui %sign3A_694 : i1 to i32
    %sign3A_696 = arith.constant 0 : i32
    %sign3A_697 = arith.cmpi slt, %jit3A_684, %sign3A_696 : i32
    %sign3A_698 = arith.extui %sign3A_697 : i1 to i32
    %sign3A_699 = arith.subi %sign3A_695, %sign3A_698 : i32
    %ne3A_700 = arith.cmpi ne, %sign3A_692, %sign3A_699 : i32
    %rem3A_701 = arith.remsi %select_n3A_683, %jit3A_684 : i32
    %ne3A_702 = arith.constant 0 : i32
    %ne3A_703 = arith.cmpi ne, %rem3A_701, %ne3A_702 : i32
    %and3A_704 = arith.andi %ne3A_700, %ne3A_703 : i1
    %sub3A_705 = arith.constant 1 : i32
    %sub3A_706 = arith.subi %div3A_685, %sub3A_705 : i32
    %select_n3A_707 = arith.select %and3A_704, %sub3A_706, %div3A_685 : i32
    %mul3A_708 = arith.constant 8 : i32
    %mul3A_709 = arith.muli %select_n3A_707, %mul3A_708 : i32
    %multiple_of3A_710 = tpu.assume_multiple %mul3A_709, 8 : i32
    %jit3A_711 = arith.constant 4 : i32
    %eq3A_712 = arith.constant 0 : i32
    %eq3A_713 = arith.cmpi eq, %jit3A_711, %eq3A_712 : i32
    %jit3A_714 = arith.constant 1 : i32
    %select_n3A_715 = arith.select %eq3A_713, %jit3A_714, %jit3A_711 : i32
    %rem3A_716 = arith.remsi %select_n3A_683, %select_n3A_715 : i32
    %ne3A_717 = arith.constant 0 : i32
    %ne3A_718 = arith.cmpi ne, %rem3A_716, %ne3A_717 : i32
    %lt3A_719 = arith.constant 0 : i32
    %lt3A_720 = arith.cmpi slt, %rem3A_716, %lt3A_719 : i32
    %lt3A_721 = arith.constant 0 : i32
    %lt3A_722 = arith.cmpi slt, %select_n3A_715, %lt3A_721 : i32
    %ne3A_723 = arith.xori %lt3A_720, %lt3A_722 : i1
    %and3A_724 = arith.andi %ne3A_723, %ne3A_718 : i1
    %add3A_725 = arith.addi %rem3A_716, %select_n3A_715 : i32
    %select_n3A_726 = arith.select %and3A_724, %add3A_725, %rem3A_716 : i32
    %mul3A_727 = arith.constant 1024 : i32
    %mul3A_728 = arith.muli %select_n3A_726, %mul3A_727 : i32
    %multiple_of3A_729 = tpu.assume_multiple %mul3A_728, 1024 : i32
    %add3A_730 = arith.constant 32 : i32
    %add3A_731 = arith.addi %add3A_667, %add3A_730 : i32
    %sub3A_732 = arith.constant 1 : i32
    %sub3A_733 = arith.subi %add3A_731, %sub3A_732 : i32
    %dma_start3A_734 = tpu.memref_slice %arg2[%add3A_667, %multiple_of3A_710, %multiple_of3A_729] : memref<27x200x4096xf32, #tpu.memory_space<hbm>> -> memref<1x8x1024xf32, #tpu.memory_space<hbm>>
    %dma_start3A_735 = tpu.memref_squeeze %dma_start3A_734 : memref<1x8x1024xf32, #tpu.memory_space<hbm>> -> memref<8x1024xf32, #tpu.memory_space<hbm>>
    %dma_start3A_736 = tpu.memref_slice %arg2[%add3A_667, %multiple_of3A_710, %multiple_of3A_729] : memref<27x200x4096xf32, #tpu.memory_space<hbm>> -> memref<1x8x1024xf32, #tpu.memory_space<hbm>>
    %dma_start3A_737 = tpu.memref_squeeze %dma_start3A_736 : memref<1x8x1024xf32, #tpu.memory_space<hbm>> -> memref<8x1024xf32, #tpu.memory_space<hbm>>
    tpu.enqueue_dma source(%dma_start3A_737 : memref<8x1024xf32, #tpu.memory_space<hbm>>) target(%arg16 : memref<8x1024xf32, #tpu.memory_space<vmem>>) target_semaphore(%arg23 : memref<!tpu.dma_semaphore, #tpu.memory_space<semaphore_mem>>)
    %multiple_of3A_738 = arith.constant 0 : i32
    %multiple_of3A_739 = tpu.assume_multiple %multiple_of3A_738, 8 : i32
    %multiple_of3A_740 = tpu.assume_multiple %mul3A_34, 1024 : i32
    %dma_wait3A_741 = arith.constant 0 : i32
    %dma_wait3A_742 = tpu.memref_slice %arg2[%dma_wait3A_741, %multiple_of3A_739, %multiple_of3A_740] : memref<27x200x4096xf32, #tpu.memory_space<hbm>> -> memref<1x8x1024xf32, #tpu.memory_space<hbm>>
    %dma_wait3A_743 = tpu.memref_squeeze %dma_wait3A_742 : memref<1x8x1024xf32, #tpu.memory_space<hbm>> -> memref<8x1024xf32, #tpu.memory_space<hbm>>
    %dma_wait3A_744 = tpu.memref_slice %arg2[%dma_wait3A_741, %multiple_of3A_739, %multiple_of3A_740] : memref<27x200x4096xf32, #tpu.memory_space<hbm>> -> memref<1x8x1024xf32, #tpu.memory_space<hbm>>
    %dma_wait3A_745 = tpu.memref_squeeze %dma_wait3A_744 : memref<1x8x1024xf32, #tpu.memory_space<hbm>> -> memref<8x1024xf32, #tpu.memory_space<hbm>>
    tpu.wait_dma2 semaphore(%arg23 : memref<!tpu.dma_semaphore, #tpu.memory_space<semaphore_mem>>) src(%dma_wait3A_745 : memref<8x1024xf32, #tpu.memory_space<hbm>>) dst(%arg16 : memref<8x1024xf32, #tpu.memory_space<vmem>>)
    %add3A_746 = arith.constant 74 : i32
    %add3A_747 = arith.addi %select_n3A_84, %add3A_746 : i32
    %jit3A_748 = arith.constant 100 : i32
    %div3A_749 = arith.divsi %add3A_747, %jit3A_748 : i32
    %sign3A_750 = arith.constant 0 : i32
    %sign3A_751 = arith.cmpi sgt, %add3A_747, %sign3A_750 : i32
    %sign3A_752 = arith.extui %sign3A_751 : i1 to i32
    %sign3A_753 = arith.constant 0 : i32
    %sign3A_754 = arith.cmpi slt, %add3A_747, %sign3A_753 : i32
    %sign3A_755 = arith.extui %sign3A_754 : i1 to i32
    %sign3A_756 = arith.subi %sign3A_752, %sign3A_755 : i32
    %sign3A_757 = arith.constant 0 : i32
    %sign3A_758 = arith.cmpi sgt, %jit3A_748, %sign3A_757 : i32
    %sign3A_759 = arith.extui %sign3A_758 : i1 to i32
    %sign3A_760 = arith.constant 0 : i32
    %sign3A_761 = arith.cmpi slt, %jit3A_748, %sign3A_760 : i32
    %sign3A_762 = arith.extui %sign3A_761 : i1 to i32
    %sign3A_763 = arith.subi %sign3A_759, %sign3A_762 : i32
    %ne3A_764 = arith.cmpi ne, %sign3A_756, %sign3A_763 : i32
    %rem3A_765 = arith.remsi %add3A_747, %jit3A_748 : i32
    %ne3A_766 = arith.constant 0 : i32
    %ne3A_767 = arith.cmpi ne, %rem3A_765, %ne3A_766 : i32
    %and3A_768 = arith.andi %ne3A_764, %ne3A_767 : i1
    %sub3A_769 = arith.constant 1 : i32
    %sub3A_770 = arith.subi %div3A_749, %sub3A_769 : i32
    %select_n3A_771 = arith.select %and3A_768, %sub3A_770, %div3A_749 : i32
    %add3A_772 = arith.constant 1 : i32
    %add3A_773 = arith.addi %add3A_772, %select_n3A_771 : i32
    %jit3A_774 = arith.constant 100 : i32
    %eq3A_775 = arith.constant 0 : i32
    %eq3A_776 = arith.cmpi eq, %jit3A_774, %eq3A_775 : i32
    %jit3A_777 = arith.constant 1 : i32
    %select_n3A_778 = arith.select %eq3A_776, %jit3A_777, %jit3A_774 : i32
    %rem3A_779 = arith.remsi %add3A_747, %select_n3A_778 : i32
    %ne3A_780 = arith.constant 0 : i32
    %ne3A_781 = arith.cmpi ne, %rem3A_779, %ne3A_780 : i32
    %lt3A_782 = arith.constant 0 : i32
    %lt3A_783 = arith.cmpi slt, %rem3A_779, %lt3A_782 : i32
    %lt3A_784 = arith.constant 0 : i32
    %lt3A_785 = arith.cmpi slt, %select_n3A_778, %lt3A_784 : i32
    %ne3A_786 = arith.xori %lt3A_783, %lt3A_785 : i1
    %and3A_787 = arith.andi %ne3A_786, %ne3A_781 : i1
    %add3A_788 = arith.addi %rem3A_779, %select_n3A_778 : i32
    %select_n3A_789 = arith.select %and3A_787, %add3A_788, %rem3A_779 : i32
    %jit3A_790 = arith.constant 4 : i32
    %div3A_791 = arith.divsi %select_n3A_789, %jit3A_790 : i32
    %sign3A_792 = arith.constant 0 : i32
    %sign3A_793 = arith.cmpi sgt, %select_n3A_789, %sign3A_792 : i32
    %sign3A_794 = arith.extui %sign3A_793 : i1 to i32
    %sign3A_795 = arith.constant 0 : i32
    %sign3A_796 = arith.cmpi slt, %select_n3A_789, %sign3A_795 : i32
    %sign3A_797 = arith.extui %sign3A_796 : i1 to i32
    %sign3A_798 = arith.subi %sign3A_794, %sign3A_797 : i32
    %sign3A_799 = arith.constant 0 : i32
    %sign3A_800 = arith.cmpi sgt, %jit3A_790, %sign3A_799 : i32
    %sign3A_801 = arith.extui %sign3A_800 : i1 to i32
    %sign3A_802 = arith.constant 0 : i32
    %sign3A_803 = arith.cmpi slt, %jit3A_790, %sign3A_802 : i32
    %sign3A_804 = arith.extui %sign3A_803 : i1 to i32
    %sign3A_805 = arith.subi %sign3A_801, %sign3A_804 : i32
    %ne3A_806 = arith.cmpi ne, %sign3A_798, %sign3A_805 : i32
    %rem3A_807 = arith.remsi %select_n3A_789, %jit3A_790 : i32
    %ne3A_808 = arith.constant 0 : i32
    %ne3A_809 = arith.cmpi ne, %rem3A_807, %ne3A_808 : i32
    %and3A_810 = arith.andi %ne3A_806, %ne3A_809 : i1
    %sub3A_811 = arith.constant 1 : i32
    %sub3A_812 = arith.subi %div3A_791, %sub3A_811 : i32
    %select_n3A_813 = arith.select %and3A_810, %sub3A_812, %div3A_791 : i32
    %mul3A_814 = arith.constant 8 : i32
    %mul3A_815 = arith.muli %select_n3A_813, %mul3A_814 : i32
    %multiple_of3A_816 = tpu.assume_multiple %mul3A_815, 8 : i32
    %jit3A_817 = arith.constant 4 : i32
    %eq3A_818 = arith.constant 0 : i32
    %eq3A_819 = arith.cmpi eq, %jit3A_817, %eq3A_818 : i32
    %jit3A_820 = arith.constant 1 : i32
    %select_n3A_821 = arith.select %eq3A_819, %jit3A_820, %jit3A_817 : i32
    %rem3A_822 = arith.remsi %select_n3A_789, %select_n3A_821 : i32
    %ne3A_823 = arith.constant 0 : i32
    %ne3A_824 = arith.cmpi ne, %rem3A_822, %ne3A_823 : i32
    %lt3A_825 = arith.constant 0 : i32
    %lt3A_826 = arith.cmpi slt, %rem3A_822, %lt3A_825 : i32
    %lt3A_827 = arith.constant 0 : i32
    %lt3A_828 = arith.cmpi slt, %select_n3A_821, %lt3A_827 : i32
    %ne3A_829 = arith.xori %lt3A_826, %lt3A_828 : i1
    %and3A_830 = arith.andi %ne3A_829, %ne3A_824 : i1
    %add3A_831 = arith.addi %rem3A_822, %select_n3A_821 : i32
    %select_n3A_832 = arith.select %and3A_830, %add3A_831, %rem3A_822 : i32
    %mul3A_833 = arith.constant 1024 : i32
    %mul3A_834 = arith.muli %select_n3A_832, %mul3A_833 : i32
    %multiple_of3A_835 = tpu.assume_multiple %mul3A_834, 1024 : i32
    %add3A_836 = arith.constant 32 : i32
    %add3A_837 = arith.addi %add3A_773, %add3A_836 : i32
    %sub3A_838 = arith.constant 1 : i32
    %sub3A_839 = arith.subi %add3A_837, %sub3A_838 : i32
    %dma_start3A_840 = tpu.memref_slice %arg4[%sub3A_839, %multiple_of3A_816, %multiple_of3A_835] : memref<58x200x4096xf32, #tpu.memory_space<hbm>> -> memref<1x8x1024xf32, #tpu.memory_space<hbm>>
    %dma_start3A_841 = tpu.memref_squeeze %dma_start3A_840 : memref<1x8x1024xf32, #tpu.memory_space<hbm>> -> memref<8x1024xf32, #tpu.memory_space<hbm>>
    %dma_start3A_842 = tpu.memref_slice %arg4[%sub3A_839, %multiple_of3A_816, %multiple_of3A_835] : memref<58x200x4096xf32, #tpu.memory_space<hbm>> -> memref<1x8x1024xf32, #tpu.memory_space<hbm>>
    %dma_start3A_843 = tpu.memref_squeeze %dma_start3A_842 : memref<1x8x1024xf32, #tpu.memory_space<hbm>> -> memref<8x1024xf32, #tpu.memory_space<hbm>>
    tpu.enqueue_dma source(%arg16 : memref<8x1024xf32, #tpu.memory_space<vmem>>) target(%dma_start3A_843 : memref<8x1024xf32, #tpu.memory_space<hbm>>) target_semaphore(%arg25 : memref<!tpu.dma_semaphore, #tpu.memory_space<semaphore_mem>>)
    %add3A_844 = arith.constant 0 : i32
    %add3A_845 = arith.addi %mul3A_18, %add3A_844 : i32
    %multiple_of3A_846 = arith.constant 0 : i32
    %multiple_of3A_847 = tpu.assume_multiple %multiple_of3A_846, 8 : i32
    %multiple_of3A_848 = tpu.assume_multiple %mul3A_34, 1024 : i32
    %dma_wait3A_849 = tpu.memref_slice %arg4[%add3A_845, %multiple_of3A_847, %multiple_of3A_848] : memref<58x200x4096xf32, #tpu.memory_space<hbm>> -> memref<1x8x1024xf32, #tpu.memory_space<hbm>>
    %dma_wait3A_850 = tpu.memref_squeeze %dma_wait3A_849 : memref<1x8x1024xf32, #tpu.memory_space<hbm>> -> memref<8x1024xf32, #tpu.memory_space<hbm>>
    %dma_wait3A_851 = tpu.memref_slice %arg4[%add3A_845, %multiple_of3A_847, %multiple_of3A_848] : memref<58x200x4096xf32, #tpu.memory_space<hbm>> -> memref<1x8x1024xf32, #tpu.memory_space<hbm>>
    %dma_wait3A_852 = tpu.memref_squeeze %dma_wait3A_851 : memref<1x8x1024xf32, #tpu.memory_space<hbm>> -> memref<8x1024xf32, #tpu.memory_space<hbm>>
    tpu.wait_dma2 semaphore(%arg26 : memref<!tpu.dma_semaphore, #tpu.memory_space<semaphore_mem>>) src(%arg17 : memref<8x1024xf32, #tpu.memory_space<vmem>>) dst(%dma_wait3A_852 : memref<8x1024xf32, #tpu.memory_space<hbm>>)
    %add3A_853 = arith.constant 75 : i32
    %add3A_854 = arith.addi %select_n3A_84, %add3A_853 : i32
    %jit3A_855 = arith.constant 100 : i32
    %div3A_856 = arith.divsi %add3A_854, %jit3A_855 : i32
    %sign3A_857 = arith.constant 0 : i32
    %sign3A_858 = arith.cmpi sgt, %add3A_854, %sign3A_857 : i32
    %sign3A_859 = arith.extui %sign3A_858 : i1 to i32
    %sign3A_860 = arith.constant 0 : i32
    %sign3A_861 = arith.cmpi slt, %add3A_854, %sign3A_860 : i32
    %sign3A_862 = arith.extui %sign3A_861 : i1 to i32
    %sign3A_863 = arith.subi %sign3A_859, %sign3A_862 : i32
    %sign3A_864 = arith.constant 0 : i32
    %sign3A_865 = arith.cmpi sgt, %jit3A_855, %sign3A_864 : i32
    %sign3A_866 = arith.extui %sign3A_865 : i1 to i32
    %sign3A_867 = arith.constant 0 : i32
    %sign3A_868 = arith.cmpi slt, %jit3A_855, %sign3A_867 : i32
    %sign3A_869 = arith.extui %sign3A_868 : i1 to i32
    %sign3A_870 = arith.subi %sign3A_866, %sign3A_869 : i32
    %ne3A_871 = arith.cmpi ne, %sign3A_863, %sign3A_870 : i32
    %rem3A_872 = arith.remsi %add3A_854, %jit3A_855 : i32
    %ne3A_873 = arith.constant 0 : i32
    %ne3A_874 = arith.cmpi ne, %rem3A_872, %ne3A_873 : i32
    %and3A_875 = arith.andi %ne3A_871, %ne3A_874 : i1
    %sub3A_876 = arith.constant 1 : i32
    %sub3A_877 = arith.subi %div3A_856, %sub3A_876 : i32
    %select_n3A_878 = arith.select %and3A_875, %sub3A_877, %div3A_856 : i32
    %add3A_879 = arith.constant 1 : i32
    %add3A_880 = arith.addi %add3A_879, %select_n3A_878 : i32
    %jit3A_881 = arith.constant 100 : i32
    %eq3A_882 = arith.constant 0 : i32
    %eq3A_883 = arith.cmpi eq, %jit3A_881, %eq3A_882 : i32
    %jit3A_884 = arith.constant 1 : i32
    %select_n3A_885 = arith.select %eq3A_883, %jit3A_884, %jit3A_881 : i32
    %rem3A_886 = arith.remsi %add3A_854, %select_n3A_885 : i32
    %ne3A_887 = arith.constant 0 : i32
    %ne3A_888 = arith.cmpi ne, %rem3A_886, %ne3A_887 : i32
    %lt3A_889 = arith.constant 0 : i32
    %lt3A_890 = arith.cmpi slt, %rem3A_886, %lt3A_889 : i32
    %lt3A_891 = arith.constant 0 : i32
    %lt3A_892 = arith.cmpi slt, %select_n3A_885, %lt3A_891 : i32
    %ne3A_893 = arith.xori %lt3A_890, %lt3A_892 : i1
    %and3A_894 = arith.andi %ne3A_893, %ne3A_888 : i1
    %add3A_895 = arith.addi %rem3A_886, %select_n3A_885 : i32
    %select_n3A_896 = arith.select %and3A_894, %add3A_895, %rem3A_886 : i32
    %jit3A_897 = arith.constant 4 : i32
    %div3A_898 = arith.divsi %select_n3A_896, %jit3A_897 : i32
    %sign3A_899 = arith.constant 0 : i32
    %sign3A_900 = arith.cmpi sgt, %select_n3A_896, %sign3A_899 : i32
    %sign3A_901 = arith.extui %sign3A_900 : i1 to i32
    %sign3A_902 = arith.constant 0 : i32
    %sign3A_903 = arith.cmpi slt, %select_n3A_896, %sign3A_902 : i32
    %sign3A_904 = arith.extui %sign3A_903 : i1 to i32
    %sign3A_905 = arith.subi %sign3A_901, %sign3A_904 : i32
    %sign3A_906 = arith.constant 0 : i32
    %sign3A_907 = arith.cmpi sgt, %jit3A_897, %sign3A_906 : i32
    %sign3A_908 = arith.extui %sign3A_907 : i1 to i32
    %sign3A_909 = arith.constant 0 : i32
    %sign3A_910 = arith.cmpi slt, %jit3A_897, %sign3A_909 : i32
    %sign3A_911 = arith.extui %sign3A_910 : i1 to i32
    %sign3A_912 = arith.subi %sign3A_908, %sign3A_911 : i32
    %ne3A_913 = arith.cmpi ne, %sign3A_905, %sign3A_912 : i32
    %rem3A_914 = arith.remsi %select_n3A_896, %jit3A_897 : i32
    %ne3A_915 = arith.constant 0 : i32
    %ne3A_916 = arith.cmpi ne, %rem3A_914, %ne3A_915 : i32
    %and3A_917 = arith.andi %ne3A_913, %ne3A_916 : i1
    %sub3A_918 = arith.constant 1 : i32
    %sub3A_919 = arith.subi %div3A_898, %sub3A_918 : i32
    %select_n3A_920 = arith.select %and3A_917, %sub3A_919, %div3A_898 : i32
    %mul3A_921 = arith.constant 8 : i32
    %mul3A_922 = arith.muli %select_n3A_920, %mul3A_921 : i32
    %multiple_of3A_923 = tpu.assume_multiple %mul3A_922, 8 : i32
    %jit3A_924 = arith.constant 4 : i32
    %eq3A_925 = arith.constant 0 : i32
    %eq3A_926 = arith.cmpi eq, %jit3A_924, %eq3A_925 : i32
    %jit3A_927 = arith.constant 1 : i32
    %select_n3A_928 = arith.select %eq3A_926, %jit3A_927, %jit3A_924 : i32
    %rem3A_929 = arith.remsi %select_n3A_896, %select_n3A_928 : i32
    %ne3A_930 = arith.constant 0 : i32
    %ne3A_931 = arith.cmpi ne, %rem3A_929, %ne3A_930 : i32
    %lt3A_932 = arith.constant 0 : i32
    %lt3A_933 = arith.cmpi slt, %rem3A_929, %lt3A_932 : i32
    %lt3A_934 = arith.constant 0 : i32
    %lt3A_935 = arith.cmpi slt, %select_n3A_928, %lt3A_934 : i32
    %ne3A_936 = arith.xori %lt3A_933, %lt3A_935 : i1
    %and3A_937 = arith.andi %ne3A_936, %ne3A_931 : i1
    %add3A_938 = arith.addi %rem3A_929, %select_n3A_928 : i32
    %select_n3A_939 = arith.select %and3A_937, %add3A_938, %rem3A_929 : i32
    %mul3A_940 = arith.constant 1024 : i32
    %mul3A_941 = arith.muli %select_n3A_939, %mul3A_940 : i32
    %multiple_of3A_942 = tpu.assume_multiple %mul3A_941, 1024 : i32
    %add3A_943 = arith.constant 32 : i32
    %add3A_944 = arith.addi %add3A_880, %add3A_943 : i32
    %sub3A_945 = arith.constant 1 : i32
    %sub3A_946 = arith.subi %add3A_944, %sub3A_945 : i32
    %dma_start3A_947 = tpu.memref_slice %arg2[%add3A_880, %multiple_of3A_923, %multiple_of3A_942] : memref<27x200x4096xf32, #tpu.memory_space<hbm>> -> memref<1x8x1024xf32, #tpu.memory_space<hbm>>
    %dma_start3A_948 = tpu.memref_squeeze %dma_start3A_947 : memref<1x8x1024xf32, #tpu.memory_space<hbm>> -> memref<8x1024xf32, #tpu.memory_space<hbm>>
    %dma_start3A_949 = tpu.memref_slice %arg2[%add3A_880, %multiple_of3A_923, %multiple_of3A_942] : memref<27x200x4096xf32, #tpu.memory_space<hbm>> -> memref<1x8x1024xf32, #tpu.memory_space<hbm>>
    %dma_start3A_950 = tpu.memref_squeeze %dma_start3A_949 : memref<1x8x1024xf32, #tpu.memory_space<hbm>> -> memref<8x1024xf32, #tpu.memory_space<hbm>>
    tpu.enqueue_dma source(%dma_start3A_950 : memref<8x1024xf32, #tpu.memory_space<hbm>>) target(%arg17 : memref<8x1024xf32, #tpu.memory_space<vmem>>) target_semaphore(%arg24 : memref<!tpu.dma_semaphore, #tpu.memory_space<semaphore_mem>>)
    %gt3A = arith.constant 75 : i32
    %gt3A_951 = arith.cmpi sgt, %sub3A_113, %gt3A : i32
    %convert_element_type3A = arith.extui %gt3A_951 : i1 to i32
    %cond3A = arith.constant 0 : i32
    %cond3A_952 = arith.cmpi ne, %convert_element_type3A, %cond3A : i32
    scf.if %cond3A_952 {
      %multiple_of3A_1108 = arith.constant 0 : i32
      %multiple_of3A_1109 = tpu.assume_multiple %multiple_of3A_1108, 8 : i32
      %multiple_of3A_1110 = tpu.assume_multiple %mul3A_34, 1024 : i32
      %dma_wait3A_1111 = arith.constant 0 : i32
      %dma_wait3A_1112 = tpu.memref_slice %arg2[%dma_wait3A_1111, %multiple_of3A_1109, %multiple_of3A_1110] : memref<27x200x4096xf32, #tpu.memory_space<hbm>> -> memref<1x8x1024xf32, #tpu.memory_space<hbm>>
      %dma_wait3A_1113 = tpu.memref_squeeze %dma_wait3A_1112 : memref<1x8x1024xf32, #tpu.memory_space<hbm>> -> memref<8x1024xf32, #tpu.memory_space<hbm>>
      %dma_wait3A_1114 = tpu.memref_slice %arg2[%dma_wait3A_1111, %multiple_of3A_1109, %multiple_of3A_1110] : memref<27x200x4096xf32, #tpu.memory_space<hbm>> -> memref<1x8x1024xf32, #tpu.memory_space<hbm>>
      %dma_wait3A_1115 = tpu.memref_squeeze %dma_wait3A_1114 : memref<1x8x1024xf32, #tpu.memory_space<hbm>> -> memref<8x1024xf32, #tpu.memory_space<hbm>>
      tpu.wait_dma2 semaphore(%arg24 : memref<!tpu.dma_semaphore, #tpu.memory_space<semaphore_mem>>) src(%dma_wait3A_1115 : memref<8x1024xf32, #tpu.memory_space<hbm>>) dst(%arg17 : memref<8x1024xf32, #tpu.memory_space<vmem>>)
      %add3A_1116 = arith.constant 75 : i32
      %add3A_1117 = arith.addi %select_n3A_84, %add3A_1116 : i32
      %jit3A_1118 = arith.constant 100 : i32
      %div3A_1119 = arith.divsi %add3A_1117, %jit3A_1118 : i32
      %sign3A_1120 = arith.constant 0 : i32
      %sign3A_1121 = arith.cmpi sgt, %add3A_1117, %sign3A_1120 : i32
      %sign3A_1122 = arith.extui %sign3A_1121 : i1 to i32
      %sign3A_1123 = arith.constant 0 : i32
      %sign3A_1124 = arith.cmpi slt, %add3A_1117, %sign3A_1123 : i32
      %sign3A_1125 = arith.extui %sign3A_1124 : i1 to i32
      %sign3A_1126 = arith.subi %sign3A_1122, %sign3A_1125 : i32
      %sign3A_1127 = arith.constant 0 : i32
      %sign3A_1128 = arith.cmpi sgt, %jit3A_1118, %sign3A_1127 : i32
      %sign3A_1129 = arith.extui %sign3A_1128 : i1 to i32
      %sign3A_1130 = arith.constant 0 : i32
      %sign3A_1131 = arith.cmpi slt, %jit3A_1118, %sign3A_1130 : i32
      %sign3A_1132 = arith.extui %sign3A_1131 : i1 to i32
      %sign3A_1133 = arith.subi %sign3A_1129, %sign3A_1132 : i32
      %ne3A_1134 = arith.cmpi ne, %sign3A_1126, %sign3A_1133 : i32
      %rem3A_1135 = arith.remsi %add3A_1117, %jit3A_1118 : i32
      %ne3A_1136 = arith.constant 0 : i32
      %ne3A_1137 = arith.cmpi ne, %rem3A_1135, %ne3A_1136 : i32
      %and3A_1138 = arith.andi %ne3A_1134, %ne3A_1137 : i1
      %sub3A_1139 = arith.constant 1 : i32
      %sub3A_1140 = arith.subi %div3A_1119, %sub3A_1139 : i32
      %select_n3A_1141 = arith.select %and3A_1138, %sub3A_1140, %div3A_1119 : i32
      %add3A_1142 = arith.constant 1 : i32
      %add3A_1143 = arith.addi %add3A_1142, %select_n3A_1141 : i32
      %jit3A_1144 = arith.constant 100 : i32
      %eq3A_1145 = arith.constant 0 : i32
      %eq3A_1146 = arith.cmpi eq, %jit3A_1144, %eq3A_1145 : i32
      %jit3A_1147 = arith.constant 1 : i32
      %select_n3A_1148 = arith.select %eq3A_1146, %jit3A_1147, %jit3A_1144 : i32
      %rem3A_1149 = arith.remsi %add3A_1117, %select_n3A_1148 : i32
      %ne3A_1150 = arith.constant 0 : i32
      %ne3A_1151 = arith.cmpi ne, %rem3A_1149, %ne3A_1150 : i32
      %lt3A_1152 = arith.constant 0 : i32
      %lt3A_1153 = arith.cmpi slt, %rem3A_1149, %lt3A_1152 : i32
      %lt3A_1154 = arith.constant 0 : i32
      %lt3A_1155 = arith.cmpi slt, %select_n3A_1148, %lt3A_1154 : i32
      %ne3A_1156 = arith.xori %lt3A_1153, %lt3A_1155 : i1
      %and3A_1157 = arith.andi %ne3A_1156, %ne3A_1151 : i1
      %add3A_1158 = arith.addi %rem3A_1149, %select_n3A_1148 : i32
      %select_n3A_1159 = arith.select %and3A_1157, %add3A_1158, %rem3A_1149 : i32
      %jit3A_1160 = arith.constant 4 : i32
      %div3A_1161 = arith.divsi %select_n3A_1159, %jit3A_1160 : i32
      %sign3A_1162 = arith.constant 0 : i32
      %sign3A_1163 = arith.cmpi sgt, %select_n3A_1159, %sign3A_1162 : i32
      %sign3A_1164 = arith.extui %sign3A_1163 : i1 to i32
      %sign3A_1165 = arith.constant 0 : i32
      %sign3A_1166 = arith.cmpi slt, %select_n3A_1159, %sign3A_1165 : i32
      %sign3A_1167 = arith.extui %sign3A_1166 : i1 to i32
      %sign3A_1168 = arith.subi %sign3A_1164, %sign3A_1167 : i32
      %sign3A_1169 = arith.constant 0 : i32
      %sign3A_1170 = arith.cmpi sgt, %jit3A_1160, %sign3A_1169 : i32
      %sign3A_1171 = arith.extui %sign3A_1170 : i1 to i32
      %sign3A_1172 = arith.constant 0 : i32
      %sign3A_1173 = arith.cmpi slt, %jit3A_1160, %sign3A_1172 : i32
      %sign3A_1174 = arith.extui %sign3A_1173 : i1 to i32
      %sign3A_1175 = arith.subi %sign3A_1171, %sign3A_1174 : i32
      %ne3A_1176 = arith.cmpi ne, %sign3A_1168, %sign3A_1175 : i32
      %rem3A_1177 = arith.remsi %select_n3A_1159, %jit3A_1160 : i32
      %ne3A_1178 = arith.constant 0 : i32
      %ne3A_1179 = arith.cmpi ne, %rem3A_1177, %ne3A_1178 : i32
      %and3A_1180 = arith.andi %ne3A_1176, %ne3A_1179 : i1
      %sub3A_1181 = arith.constant 1 : i32
      %sub3A_1182 = arith.subi %div3A_1161, %sub3A_1181 : i32
      %select_n3A_1183 = arith.select %and3A_1180, %sub3A_1182, %div3A_1161 : i32
      %mul3A_1184 = arith.constant 8 : i32
      %mul3A_1185 = arith.muli %select_n3A_1183, %mul3A_1184 : i32
      %multiple_of3A_1186 = tpu.assume_multiple %mul3A_1185, 8 : i32
      %jit3A_1187 = arith.constant 4 : i32
      %eq3A_1188 = arith.constant 0 : i32
      %eq3A_1189 = arith.cmpi eq, %jit3A_1187, %eq3A_1188 : i32
      %jit3A_1190 = arith.constant 1 : i32
      %select_n3A_1191 = arith.select %eq3A_1189, %jit3A_1190, %jit3A_1187 : i32
      %rem3A_1192 = arith.remsi %select_n3A_1159, %select_n3A_1191 : i32
      %ne3A_1193 = arith.constant 0 : i32
      %ne3A_1194 = arith.cmpi ne, %rem3A_1192, %ne3A_1193 : i32
      %lt3A_1195 = arith.constant 0 : i32
      %lt3A_1196 = arith.cmpi slt, %rem3A_1192, %lt3A_1195 : i32
      %lt3A_1197 = arith.constant 0 : i32
      %lt3A_1198 = arith.cmpi slt, %select_n3A_1191, %lt3A_1197 : i32
      %ne3A_1199 = arith.xori %lt3A_1196, %lt3A_1198 : i1
      %and3A_1200 = arith.andi %ne3A_1199, %ne3A_1194 : i1
      %add3A_1201 = arith.addi %rem3A_1192, %select_n3A_1191 : i32
      %select_n3A_1202 = arith.select %and3A_1200, %add3A_1201, %rem3A_1192 : i32
      %mul3A_1203 = arith.constant 1024 : i32
      %mul3A_1204 = arith.muli %select_n3A_1202, %mul3A_1203 : i32
      %multiple_of3A_1205 = tpu.assume_multiple %mul3A_1204, 1024 : i32
      %add3A_1206 = arith.constant 32 : i32
      %add3A_1207 = arith.addi %add3A_1143, %add3A_1206 : i32
      %sub3A_1208 = arith.constant 1 : i32
      %sub3A_1209 = arith.subi %add3A_1207, %sub3A_1208 : i32
      %dma_start3A_1210 = tpu.memref_slice %arg4[%sub3A_1209, %multiple_of3A_1186, %multiple_of3A_1205] : memref<58x200x4096xf32, #tpu.memory_space<hbm>> -> memref<1x8x1024xf32, #tpu.memory_space<hbm>>
      %dma_start3A_1211 = tpu.memref_squeeze %dma_start3A_1210 : memref<1x8x1024xf32, #tpu.memory_space<hbm>> -> memref<8x1024xf32, #tpu.memory_space<hbm>>
      %dma_start3A_1212 = tpu.memref_slice %arg4[%sub3A_1209, %multiple_of3A_1186, %multiple_of3A_1205] : memref<58x200x4096xf32, #tpu.memory_space<hbm>> -> memref<1x8x1024xf32, #tpu.memory_space<hbm>>
      %dma_start3A_1213 = tpu.memref_squeeze %dma_start3A_1212 : memref<1x8x1024xf32, #tpu.memory_space<hbm>> -> memref<8x1024xf32, #tpu.memory_space<hbm>>
      tpu.enqueue_dma source(%arg17 : memref<8x1024xf32, #tpu.memory_space<vmem>>) target(%dma_start3A_1213 : memref<8x1024xf32, #tpu.memory_space<hbm>>) target_semaphore(%arg26 : memref<!tpu.dma_semaphore, #tpu.memory_space<semaphore_mem>>)
    } else {
    }
    %gt3A_953 = arith.constant 76 : i32
    %gt3A_954 = arith.cmpi sgt, %sub3A_113, %gt3A_953 : i32
    %convert_element_type3A_955 = arith.extui %gt3A_954 : i1 to i32
    %cond3A_956 = arith.constant 0 : i32
    %cond3A_957 = arith.cmpi ne, %convert_element_type3A_955, %cond3A_956 : i32
    scf.if %cond3A_957 {
      %add3A_1108 = arith.constant 0 : i32
      %add3A_1109 = arith.addi %mul3A_18, %add3A_1108 : i32
      %multiple_of3A_1110 = arith.constant 0 : i32
      %multiple_of3A_1111 = tpu.assume_multiple %multiple_of3A_1110, 8 : i32
      %multiple_of3A_1112 = tpu.assume_multiple %mul3A_34, 1024 : i32
      %dma_wait3A_1113 = tpu.memref_slice %arg4[%add3A_1109, %multiple_of3A_1111, %multiple_of3A_1112] : memref<58x200x4096xf32, #tpu.memory_space<hbm>> -> memref<1x8x1024xf32, #tpu.memory_space<hbm>>
      %dma_wait3A_1114 = tpu.memref_squeeze %dma_wait3A_1113 : memref<1x8x1024xf32, #tpu.memory_space<hbm>> -> memref<8x1024xf32, #tpu.memory_space<hbm>>
      %dma_wait3A_1115 = tpu.memref_slice %arg4[%add3A_1109, %multiple_of3A_1111, %multiple_of3A_1112] : memref<58x200x4096xf32, #tpu.memory_space<hbm>> -> memref<1x8x1024xf32, #tpu.memory_space<hbm>>
      %dma_wait3A_1116 = tpu.memref_squeeze %dma_wait3A_1115 : memref<1x8x1024xf32, #tpu.memory_space<hbm>> -> memref<8x1024xf32, #tpu.memory_space<hbm>>
      tpu.wait_dma2 semaphore(%arg25 : memref<!tpu.dma_semaphore, #tpu.memory_space<semaphore_mem>>) src(%arg16 : memref<8x1024xf32, #tpu.memory_space<vmem>>) dst(%dma_wait3A_1116 : memref<8x1024xf32, #tpu.memory_space<hbm>>)
      %add3A_1117 = arith.constant 76 : i32
      %add3A_1118 = arith.addi %select_n3A_84, %add3A_1117 : i32
      %jit3A_1119 = arith.constant 100 : i32
      %div3A_1120 = arith.divsi %add3A_1118, %jit3A_1119 : i32
      %sign3A_1121 = arith.constant 0 : i32
      %sign3A_1122 = arith.cmpi sgt, %add3A_1118, %sign3A_1121 : i32
      %sign3A_1123 = arith.extui %sign3A_1122 : i1 to i32
      %sign3A_1124 = arith.constant 0 : i32
      %sign3A_1125 = arith.cmpi slt, %add3A_1118, %sign3A_1124 : i32
      %sign3A_1126 = arith.extui %sign3A_1125 : i1 to i32
      %sign3A_1127 = arith.subi %sign3A_1123, %sign3A_1126 : i32
      %sign3A_1128 = arith.constant 0 : i32
      %sign3A_1129 = arith.cmpi sgt, %jit3A_1119, %sign3A_1128 : i32
      %sign3A_1130 = arith.extui %sign3A_1129 : i1 to i32
      %sign3A_1131 = arith.constant 0 : i32
      %sign3A_1132 = arith.cmpi slt, %jit3A_1119, %sign3A_1131 : i32
      %sign3A_1133 = arith.extui %sign3A_1132 : i1 to i32
      %sign3A_1134 = arith.subi %sign3A_1130, %sign3A_1133 : i32
      %ne3A_1135 = arith.cmpi ne, %sign3A_1127, %sign3A_1134 : i32
      %rem3A_1136 = arith.remsi %add3A_1118, %jit3A_1119 : i32
      %ne3A_1137 = arith.constant 0 : i32
      %ne3A_1138 = arith.cmpi ne, %rem3A_1136, %ne3A_1137 : i32
      %and3A_1139 = arith.andi %ne3A_1135, %ne3A_1138 : i1
      %sub3A_1140 = arith.constant 1 : i32
      %sub3A_1141 = arith.subi %div3A_1120, %sub3A_1140 : i32
      %select_n3A_1142 = arith.select %and3A_1139, %sub3A_1141, %div3A_1120 : i32
      %add3A_1143 = arith.constant 1 : i32
      %add3A_1144 = arith.addi %add3A_1143, %select_n3A_1142 : i32
      %jit3A_1145 = arith.constant 100 : i32
      %eq3A_1146 = arith.constant 0 : i32
      %eq3A_1147 = arith.cmpi eq, %jit3A_1145, %eq3A_1146 : i32
      %jit3A_1148 = arith.constant 1 : i32
      %select_n3A_1149 = arith.select %eq3A_1147, %jit3A_1148, %jit3A_1145 : i32
      %rem3A_1150 = arith.remsi %add3A_1118, %select_n3A_1149 : i32
      %ne3A_1151 = arith.constant 0 : i32
      %ne3A_1152 = arith.cmpi ne, %rem3A_1150, %ne3A_1151 : i32
      %lt3A_1153 = arith.constant 0 : i32
      %lt3A_1154 = arith.cmpi slt, %rem3A_1150, %lt3A_1153 : i32
      %lt3A_1155 = arith.constant 0 : i32
      %lt3A_1156 = arith.cmpi slt, %select_n3A_1149, %lt3A_1155 : i32
      %ne3A_1157 = arith.xori %lt3A_1154, %lt3A_1156 : i1
      %and3A_1158 = arith.andi %ne3A_1157, %ne3A_1152 : i1
      %add3A_1159 = arith.addi %rem3A_1150, %select_n3A_1149 : i32
      %select_n3A_1160 = arith.select %and3A_1158, %add3A_1159, %rem3A_1150 : i32
      %jit3A_1161 = arith.constant 4 : i32
      %div3A_1162 = arith.divsi %select_n3A_1160, %jit3A_1161 : i32
      %sign3A_1163 = arith.constant 0 : i32
      %sign3A_1164 = arith.cmpi sgt, %select_n3A_1160, %sign3A_1163 : i32
      %sign3A_1165 = arith.extui %sign3A_1164 : i1 to i32
      %sign3A_1166 = arith.constant 0 : i32
      %sign3A_1167 = arith.cmpi slt, %select_n3A_1160, %sign3A_1166 : i32
      %sign3A_1168 = arith.extui %sign3A_1167 : i1 to i32
      %sign3A_1169 = arith.subi %sign3A_1165, %sign3A_1168 : i32
      %sign3A_1170 = arith.constant 0 : i32
      %sign3A_1171 = arith.cmpi sgt, %jit3A_1161, %sign3A_1170 : i32
      %sign3A_1172 = arith.extui %sign3A_1171 : i1 to i32
      %sign3A_1173 = arith.constant 0 : i32
      %sign3A_1174 = arith.cmpi slt, %jit3A_1161, %sign3A_1173 : i32
      %sign3A_1175 = arith.extui %sign3A_1174 : i1 to i32
      %sign3A_1176 = arith.subi %sign3A_1172, %sign3A_1175 : i32
      %ne3A_1177 = arith.cmpi ne, %sign3A_1169, %sign3A_1176 : i32
      %rem3A_1178 = arith.remsi %select_n3A_1160, %jit3A_1161 : i32
      %ne3A_1179 = arith.constant 0 : i32
      %ne3A_1180 = arith.cmpi ne, %rem3A_1178, %ne3A_1179 : i32
      %and3A_1181 = arith.andi %ne3A_1177, %ne3A_1180 : i1
      %sub3A_1182 = arith.constant 1 : i32
      %sub3A_1183 = arith.subi %div3A_1162, %sub3A_1182 : i32
      %select_n3A_1184 = arith.select %and3A_1181, %sub3A_1183, %div3A_1162 : i32
      %mul3A_1185 = arith.constant 8 : i32
      %mul3A_1186 = arith.muli %select_n3A_1184, %mul3A_1185 : i32
      %multiple_of3A_1187 = tpu.assume_multiple %mul3A_1186, 8 : i32
      %jit3A_1188 = arith.constant 4 : i32
      %eq3A_1189 = arith.constant 0 : i32
      %eq3A_1190 = arith.cmpi eq, %jit3A_1188, %eq3A_1189 : i32
      %jit3A_1191 = arith.constant 1 : i32
      %select_n3A_1192 = arith.select %eq3A_1190, %jit3A_1191, %jit3A_1188 : i32
      %rem3A_1193 = arith.remsi %select_n3A_1160, %select_n3A_1192 : i32
      %ne3A_1194 = arith.constant 0 : i32
      %ne3A_1195 = arith.cmpi ne, %rem3A_1193, %ne3A_1194 : i32
      %lt3A_1196 = arith.constant 0 : i32
      %lt3A_1197 = arith.cmpi slt, %rem3A_1193, %lt3A_1196 : i32
      %lt3A_1198 = arith.constant 0 : i32
      %lt3A_1199 = arith.cmpi slt, %select_n3A_1192, %lt3A_1198 : i32
      %ne3A_1200 = arith.xori %lt3A_1197, %lt3A_1199 : i1
      %and3A_1201 = arith.andi %ne3A_1200, %ne3A_1195 : i1
      %add3A_1202 = arith.addi %rem3A_1193, %select_n3A_1192 : i32
      %select_n3A_1203 = arith.select %and3A_1201, %add3A_1202, %rem3A_1193 : i32
      %mul3A_1204 = arith.constant 1024 : i32
      %mul3A_1205 = arith.muli %select_n3A_1203, %mul3A_1204 : i32
      %multiple_of3A_1206 = tpu.assume_multiple %mul3A_1205, 1024 : i32
      %add3A_1207 = arith.constant 32 : i32
      %add3A_1208 = arith.addi %add3A_1144, %add3A_1207 : i32
      %sub3A_1209 = arith.constant 1 : i32
      %sub3A_1210 = arith.subi %add3A_1208, %sub3A_1209 : i32
      %dma_start3A_1211 = tpu.memref_slice %arg2[%add3A_1144, %multiple_of3A_1187, %multiple_of3A_1206] : memref<27x200x4096xf32, #tpu.memory_space<hbm>> -> memref<1x8x1024xf32, #tpu.memory_space<hbm>>
      %dma_start3A_1212 = tpu.memref_squeeze %dma_start3A_1211 : memref<1x8x1024xf32, #tpu.memory_space<hbm>> -> memref<8x1024xf32, #tpu.memory_space<hbm>>
      %dma_start3A_1213 = tpu.memref_slice %arg2[%add3A_1144, %multiple_of3A_1187, %multiple_of3A_1206] : memref<27x200x4096xf32, #tpu.memory_space<hbm>> -> memref<1x8x1024xf32, #tpu.memory_space<hbm>>
      %dma_start3A_1214 = tpu.memref_squeeze %dma_start3A_1213 : memref<1x8x1024xf32, #tpu.memory_space<hbm>> -> memref<8x1024xf32, #tpu.memory_space<hbm>>
      tpu.enqueue_dma source(%dma_start3A_1214 : memref<8x1024xf32, #tpu.memory_space<hbm>>) target(%arg16 : memref<8x1024xf32, #tpu.memory_space<vmem>>) target_semaphore(%arg23 : memref<!tpu.dma_semaphore, #tpu.memory_space<semaphore_mem>>)
    } else {
    }
    %gt3A_958 = arith.constant 76 : i32
    %gt3A_959 = arith.cmpi sgt, %sub3A_113, %gt3A_958 : i32
    %convert_element_type3A_960 = arith.extui %gt3A_959 : i1 to i32
    %cond3A_961 = arith.constant 0 : i32
    %cond3A_962 = arith.cmpi ne, %convert_element_type3A_960, %cond3A_961 : i32
    scf.if %cond3A_962 {
      %multiple_of3A_1108 = arith.constant 0 : i32
      %multiple_of3A_1109 = tpu.assume_multiple %multiple_of3A_1108, 8 : i32
      %multiple_of3A_1110 = tpu.assume_multiple %mul3A_34, 1024 : i32
      %dma_wait3A_1111 = arith.constant 0 : i32
      %dma_wait3A_1112 = tpu.memref_slice %arg2[%dma_wait3A_1111, %multiple_of3A_1109, %multiple_of3A_1110] : memref<27x200x4096xf32, #tpu.memory_space<hbm>> -> memref<1x8x1024xf32, #tpu.memory_space<hbm>>
      %dma_wait3A_1113 = tpu.memref_squeeze %dma_wait3A_1112 : memref<1x8x1024xf32, #tpu.memory_space<hbm>> -> memref<8x1024xf32, #tpu.memory_space<hbm>>
      %dma_wait3A_1114 = tpu.memref_slice %arg2[%dma_wait3A_1111, %multiple_of3A_1109, %multiple_of3A_1110] : memref<27x200x4096xf32, #tpu.memory_space<hbm>> -> memref<1x8x1024xf32, #tpu.memory_space<hbm>>
      %dma_wait3A_1115 = tpu.memref_squeeze %dma_wait3A_1114 : memref<1x8x1024xf32, #tpu.memory_space<hbm>> -> memref<8x1024xf32, #tpu.memory_space<hbm>>
      tpu.wait_dma2 semaphore(%arg23 : memref<!tpu.dma_semaphore, #tpu.memory_space<semaphore_mem>>) src(%dma_wait3A_1115 : memref<8x1024xf32, #tpu.memory_space<hbm>>) dst(%arg16 : memref<8x1024xf32, #tpu.memory_space<vmem>>)
      %add3A_1116 = arith.constant 76 : i32
      %add3A_1117 = arith.addi %select_n3A_84, %add3A_1116 : i32
      %jit3A_1118 = arith.constant 100 : i32
      %div3A_1119 = arith.divsi %add3A_1117, %jit3A_1118 : i32
      %sign3A_1120 = arith.constant 0 : i32
      %sign3A_1121 = arith.cmpi sgt, %add3A_1117, %sign3A_1120 : i32
      %sign3A_1122 = arith.extui %sign3A_1121 : i1 to i32
      %sign3A_1123 = arith.constant 0 : i32
      %sign3A_1124 = arith.cmpi slt, %add3A_1117, %sign3A_1123 : i32
      %sign3A_1125 = arith.extui %sign3A_1124 : i1 to i32
      %sign3A_1126 = arith.subi %sign3A_1122, %sign3A_1125 : i32
      %sign3A_1127 = arith.constant 0 : i32
      %sign3A_1128 = arith.cmpi sgt, %jit3A_1118, %sign3A_1127 : i32
      %sign3A_1129 = arith.extui %sign3A_1128 : i1 to i32
      %sign3A_1130 = arith.constant 0 : i32
      %sign3A_1131 = arith.cmpi slt, %jit3A_1118, %sign3A_1130 : i32
      %sign3A_1132 = arith.extui %sign3A_1131 : i1 to i32
      %sign3A_1133 = arith.subi %sign3A_1129, %sign3A_1132 : i32
      %ne3A_1134 = arith.cmpi ne, %sign3A_1126, %sign3A_1133 : i32
      %rem3A_1135 = arith.remsi %add3A_1117, %jit3A_1118 : i32
      %ne3A_1136 = arith.constant 0 : i32
      %ne3A_1137 = arith.cmpi ne, %rem3A_1135, %ne3A_1136 : i32
      %and3A_1138 = arith.andi %ne3A_1134, %ne3A_1137 : i1
      %sub3A_1139 = arith.constant 1 : i32
      %sub3A_1140 = arith.subi %div3A_1119, %sub3A_1139 : i32
      %select_n3A_1141 = arith.select %and3A_1138, %sub3A_1140, %div3A_1119 : i32
      %add3A_1142 = arith.constant 1 : i32
      %add3A_1143 = arith.addi %add3A_1142, %select_n3A_1141 : i32
      %jit3A_1144 = arith.constant 100 : i32
      %eq3A_1145 = arith.constant 0 : i32
      %eq3A_1146 = arith.cmpi eq, %jit3A_1144, %eq3A_1145 : i32
      %jit3A_1147 = arith.constant 1 : i32
      %select_n3A_1148 = arith.select %eq3A_1146, %jit3A_1147, %jit3A_1144 : i32
      %rem3A_1149 = arith.remsi %add3A_1117, %select_n3A_1148 : i32
      %ne3A_1150 = arith.constant 0 : i32
      %ne3A_1151 = arith.cmpi ne, %rem3A_1149, %ne3A_1150 : i32
      %lt3A_1152 = arith.constant 0 : i32
      %lt3A_1153 = arith.cmpi slt, %rem3A_1149, %lt3A_1152 : i32
      %lt3A_1154 = arith.constant 0 : i32
      %lt3A_1155 = arith.cmpi slt, %select_n3A_1148, %lt3A_1154 : i32
      %ne3A_1156 = arith.xori %lt3A_1153, %lt3A_1155 : i1
      %and3A_1157 = arith.andi %ne3A_1156, %ne3A_1151 : i1
      %add3A_1158 = arith.addi %rem3A_1149, %select_n3A_1148 : i32
      %select_n3A_1159 = arith.select %and3A_1157, %add3A_1158, %rem3A_1149 : i32
      %jit3A_1160 = arith.constant 4 : i32
      %div3A_1161 = arith.divsi %select_n3A_1159, %jit3A_1160 : i32
      %sign3A_1162 = arith.constant 0 : i32
      %sign3A_1163 = arith.cmpi sgt, %select_n3A_1159, %sign3A_1162 : i32
      %sign3A_1164 = arith.extui %sign3A_1163 : i1 to i32
      %sign3A_1165 = arith.constant 0 : i32
      %sign3A_1166 = arith.cmpi slt, %select_n3A_1159, %sign3A_1165 : i32
      %sign3A_1167 = arith.extui %sign3A_1166 : i1 to i32
      %sign3A_1168 = arith.subi %sign3A_1164, %sign3A_1167 : i32
      %sign3A_1169 = arith.constant 0 : i32
      %sign3A_1170 = arith.cmpi sgt, %jit3A_1160, %sign3A_1169 : i32
      %sign3A_1171 = arith.extui %sign3A_1170 : i1 to i32
      %sign3A_1172 = arith.constant 0 : i32
      %sign3A_1173 = arith.cmpi slt, %jit3A_1160, %sign3A_1172 : i32
      %sign3A_1174 = arith.extui %sign3A_1173 : i1 to i32
      %sign3A_1175 = arith.subi %sign3A_1171, %sign3A_1174 : i32
      %ne3A_1176 = arith.cmpi ne, %sign3A_1168, %sign3A_1175 : i32
      %rem3A_1177 = arith.remsi %select_n3A_1159, %jit3A_1160 : i32
      %ne3A_1178 = arith.constant 0 : i32
      %ne3A_1179 = arith.cmpi ne, %rem3A_1177, %ne3A_1178 : i32
      %and3A_1180 = arith.andi %ne3A_1176, %ne3A_1179 : i1
      %sub3A_1181 = arith.constant 1 : i32
      %sub3A_1182 = arith.subi %div3A_1161, %sub3A_1181 : i32
      %select_n3A_1183 = arith.select %and3A_1180, %sub3A_1182, %div3A_1161 : i32
      %mul3A_1184 = arith.constant 8 : i32
      %mul3A_1185 = arith.muli %select_n3A_1183, %mul3A_1184 : i32
      %multiple_of3A_1186 = tpu.assume_multiple %mul3A_1185, 8 : i32
      %jit3A_1187 = arith.constant 4 : i32
      %eq3A_1188 = arith.constant 0 : i32
      %eq3A_1189 = arith.cmpi eq, %jit3A_1187, %eq3A_1188 : i32
      %jit3A_1190 = arith.constant 1 : i32
      %select_n3A_1191 = arith.select %eq3A_1189, %jit3A_1190, %jit3A_1187 : i32
      %rem3A_1192 = arith.remsi %select_n3A_1159, %select_n3A_1191 : i32
      %ne3A_1193 = arith.constant 0 : i32
      %ne3A_1194 = arith.cmpi ne, %rem3A_1192, %ne3A_1193 : i32
      %lt3A_1195 = arith.constant 0 : i32
      %lt3A_1196 = arith.cmpi slt, %rem3A_1192, %lt3A_1195 : i32
      %lt3A_1197 = arith.constant 0 : i32
      %lt3A_1198 = arith.cmpi slt, %select_n3A_1191, %lt3A_1197 : i32
      %ne3A_1199 = arith.xori %lt3A_1196, %lt3A_1198 : i1
      %and3A_1200 = arith.andi %ne3A_1199, %ne3A_1194 : i1
      %add3A_1201 = arith.addi %rem3A_1192, %select_n3A_1191 : i32
      %select_n3A_1202 = arith.select %and3A_1200, %add3A_1201, %rem3A_1192 : i32
      %mul3A_1203 = arith.constant 1024 : i32
      %mul3A_1204 = arith.muli %select_n3A_1202, %mul3A_1203 : i32
      %multiple_of3A_1205 = tpu.assume_multiple %mul3A_1204, 1024 : i32
      %add3A_1206 = arith.constant 32 : i32
      %add3A_1207 = arith.addi %add3A_1143, %add3A_1206 : i32
      %sub3A_1208 = arith.constant 1 : i32
      %sub3A_1209 = arith.subi %add3A_1207, %sub3A_1208 : i32
      %dma_start3A_1210 = tpu.memref_slice %arg4[%sub3A_1209, %multiple_of3A_1186, %multiple_of3A_1205] : memref<58x200x4096xf32, #tpu.memory_space<hbm>> -> memref<1x8x1024xf32, #tpu.memory_space<hbm>>
      %dma_start3A_1211 = tpu.memref_squeeze %dma_start3A_1210 : memref<1x8x1024xf32, #tpu.memory_space<hbm>> -> memref<8x1024xf32, #tpu.memory_space<hbm>>
      %dma_start3A_1212 = tpu.memref_slice %arg4[%sub3A_1209, %multiple_of3A_1186, %multiple_of3A_1205] : memref<58x200x4096xf32, #tpu.memory_space<hbm>> -> memref<1x8x1024xf32, #tpu.memory_space<hbm>>
      %dma_start3A_1213 = tpu.memref_squeeze %dma_start3A_1212 : memref<1x8x1024xf32, #tpu.memory_space<hbm>> -> memref<8x1024xf32, #tpu.memory_space<hbm>>
      tpu.enqueue_dma source(%arg16 : memref<8x1024xf32, #tpu.memory_space<vmem>>) target(%dma_start3A_1213 : memref<8x1024xf32, #tpu.memory_space<hbm>>) target_semaphore(%arg25 : memref<!tpu.dma_semaphore, #tpu.memory_space<semaphore_mem>>)
    } else {
    }
    %gt3A_963 = arith.constant 77 : i32
    %gt3A_964 = arith.cmpi sgt, %sub3A_113, %gt3A_963 : i32
    %convert_element_type3A_965 = arith.extui %gt3A_964 : i1 to i32
    %cond3A_966 = arith.constant 0 : i32
    %cond3A_967 = arith.cmpi ne, %convert_element_type3A_965, %cond3A_966 : i32
    scf.if %cond3A_967 {
      %add3A_1108 = arith.constant 0 : i32
      %add3A_1109 = arith.addi %mul3A_18, %add3A_1108 : i32
      %multiple_of3A_1110 = arith.constant 0 : i32
      %multiple_of3A_1111 = tpu.assume_multiple %multiple_of3A_1110, 8 : i32
      %multiple_of3A_1112 = tpu.assume_multiple %mul3A_34, 1024 : i32
      %dma_wait3A_1113 = tpu.memref_slice %arg4[%add3A_1109, %multiple_of3A_1111, %multiple_of3A_1112] : memref<58x200x4096xf32, #tpu.memory_space<hbm>> -> memref<1x8x1024xf32, #tpu.memory_space<hbm>>
      %dma_wait3A_1114 = tpu.memref_squeeze %dma_wait3A_1113 : memref<1x8x1024xf32, #tpu.memory_space<hbm>> -> memref<8x1024xf32, #tpu.memory_space<hbm>>
      %dma_wait3A_1115 = tpu.memref_slice %arg4[%add3A_1109, %multiple_of3A_1111, %multiple_of3A_1112] : memref<58x200x4096xf32, #tpu.memory_space<hbm>> -> memref<1x8x1024xf32, #tpu.memory_space<hbm>>
      %dma_wait3A_1116 = tpu.memref_squeeze %dma_wait3A_1115 : memref<1x8x1024xf32, #tpu.memory_space<hbm>> -> memref<8x1024xf32, #tpu.memory_space<hbm>>
      tpu.wait_dma2 semaphore(%arg26 : memref<!tpu.dma_semaphore, #tpu.memory_space<semaphore_mem>>) src(%arg17 : memref<8x1024xf32, #tpu.memory_space<vmem>>) dst(%dma_wait3A_1116 : memref<8x1024xf32, #tpu.memory_space<hbm>>)
      %add3A_1117 = arith.constant 77 : i32
      %add3A_1118 = arith.addi %select_n3A_84, %add3A_1117 : i32
      %jit3A_1119 = arith.constant 100 : i32
      %div3A_1120 = arith.divsi %add3A_1118, %jit3A_1119 : i32
      %sign3A_1121 = arith.constant 0 : i32
      %sign3A_1122 = arith.cmpi sgt, %add3A_1118, %sign3A_1121 : i32
      %sign3A_1123 = arith.extui %sign3A_1122 : i1 to i32
      %sign3A_1124 = arith.constant 0 : i32
      %sign3A_1125 = arith.cmpi slt, %add3A_1118, %sign3A_1124 : i32
      %sign3A_1126 = arith.extui %sign3A_1125 : i1 to i32
      %sign3A_1127 = arith.subi %sign3A_1123, %sign3A_1126 : i32
      %sign3A_1128 = arith.constant 0 : i32
      %sign3A_1129 = arith.cmpi sgt, %jit3A_1119, %sign3A_1128 : i32
      %sign3A_1130 = arith.extui %sign3A_1129 : i1 to i32
      %sign3A_1131 = arith.constant 0 : i32
      %sign3A_1132 = arith.cmpi slt, %jit3A_1119, %sign3A_1131 : i32
      %sign3A_1133 = arith.extui %sign3A_1132 : i1 to i32
      %sign3A_1134 = arith.subi %sign3A_1130, %sign3A_1133 : i32
      %ne3A_1135 = arith.cmpi ne, %sign3A_1127, %sign3A_1134 : i32
      %rem3A_1136 = arith.remsi %add3A_1118, %jit3A_1119 : i32
      %ne3A_1137 = arith.constant 0 : i32
      %ne3A_1138 = arith.cmpi ne, %rem3A_1136, %ne3A_1137 : i32
      %and3A_1139 = arith.andi %ne3A_1135, %ne3A_1138 : i1
      %sub3A_1140 = arith.constant 1 : i32
      %sub3A_1141 = arith.subi %div3A_1120, %sub3A_1140 : i32
      %select_n3A_1142 = arith.select %and3A_1139, %sub3A_1141, %div3A_1120 : i32
      %add3A_1143 = arith.constant 1 : i32
      %add3A_1144 = arith.addi %add3A_1143, %select_n3A_1142 : i32
      %jit3A_1145 = arith.constant 100 : i32
      %eq3A_1146 = arith.constant 0 : i32
      %eq3A_1147 = arith.cmpi eq, %jit3A_1145, %eq3A_1146 : i32
      %jit3A_1148 = arith.constant 1 : i32
      %select_n3A_1149 = arith.select %eq3A_1147, %jit3A_1148, %jit3A_1145 : i32
      %rem3A_1150 = arith.remsi %add3A_1118, %select_n3A_1149 : i32
      %ne3A_1151 = arith.constant 0 : i32
      %ne3A_1152 = arith.cmpi ne, %rem3A_1150, %ne3A_1151 : i32
      %lt3A_1153 = arith.constant 0 : i32
      %lt3A_1154 = arith.cmpi slt, %rem3A_1150, %lt3A_1153 : i32
      %lt3A_1155 = arith.constant 0 : i32
      %lt3A_1156 = arith.cmpi slt, %select_n3A_1149, %lt3A_1155 : i32
      %ne3A_1157 = arith.xori %lt3A_1154, %lt3A_1156 : i1
      %and3A_1158 = arith.andi %ne3A_1157, %ne3A_1152 : i1
      %add3A_1159 = arith.addi %rem3A_1150, %select_n3A_1149 : i32
      %select_n3A_1160 = arith.select %and3A_1158, %add3A_1159, %rem3A_1150 : i32
      %jit3A_1161 = arith.constant 4 : i32
      %div3A_1162 = arith.divsi %select_n3A_1160, %jit3A_1161 : i32
      %sign3A_1163 = arith.constant 0 : i32
      %sign3A_1164 = arith.cmpi sgt, %select_n3A_1160, %sign3A_1163 : i32
      %sign3A_1165 = arith.extui %sign3A_1164 : i1 to i32
      %sign3A_1166 = arith.constant 0 : i32
      %sign3A_1167 = arith.cmpi slt, %select_n3A_1160, %sign3A_1166 : i32
      %sign3A_1168 = arith.extui %sign3A_1167 : i1 to i32
      %sign3A_1169 = arith.subi %sign3A_1165, %sign3A_1168 : i32
      %sign3A_1170 = arith.constant 0 : i32
      %sign3A_1171 = arith.cmpi sgt, %jit3A_1161, %sign3A_1170 : i32
      %sign3A_1172 = arith.extui %sign3A_1171 : i1 to i32
      %sign3A_1173 = arith.constant 0 : i32
      %sign3A_1174 = arith.cmpi slt, %jit3A_1161, %sign3A_1173 : i32
      %sign3A_1175 = arith.extui %sign3A_1174 : i1 to i32
      %sign3A_1176 = arith.subi %sign3A_1172, %sign3A_1175 : i32
      %ne3A_1177 = arith.cmpi ne, %sign3A_1169, %sign3A_1176 : i32
      %rem3A_1178 = arith.remsi %select_n3A_1160, %jit3A_1161 : i32
      %ne3A_1179 = arith.constant 0 : i32
      %ne3A_1180 = arith.cmpi ne, %rem3A_1178, %ne3A_1179 : i32
      %and3A_1181 = arith.andi %ne3A_1177, %ne3A_1180 : i1
      %sub3A_1182 = arith.constant 1 : i32
      %sub3A_1183 = arith.subi %div3A_1162, %sub3A_1182 : i32
      %select_n3A_1184 = arith.select %and3A_1181, %sub3A_1183, %div3A_1162 : i32
      %mul3A_1185 = arith.constant 8 : i32
      %mul3A_1186 = arith.muli %select_n3A_1184, %mul3A_1185 : i32
      %multiple_of3A_1187 = tpu.assume_multiple %mul3A_1186, 8 : i32
      %jit3A_1188 = arith.constant 4 : i32
      %eq3A_1189 = arith.constant 0 : i32
      %eq3A_1190 = arith.cmpi eq, %jit3A_1188, %eq3A_1189 : i32
      %jit3A_1191 = arith.constant 1 : i32
      %select_n3A_1192 = arith.select %eq3A_1190, %jit3A_1191, %jit3A_1188 : i32
      %rem3A_1193 = arith.remsi %select_n3A_1160, %select_n3A_1192 : i32
      %ne3A_1194 = arith.constant 0 : i32
      %ne3A_1195 = arith.cmpi ne, %rem3A_1193, %ne3A_1194 : i32
      %lt3A_1196 = arith.constant 0 : i32
      %lt3A_1197 = arith.cmpi slt, %rem3A_1193, %lt3A_1196 : i32
      %lt3A_1198 = arith.constant 0 : i32
      %lt3A_1199 = arith.cmpi slt, %select_n3A_1192, %lt3A_1198 : i32
      %ne3A_1200 = arith.xori %lt3A_1197, %lt3A_1199 : i1
      %and3A_1201 = arith.andi %ne3A_1200, %ne3A_1195 : i1
      %add3A_1202 = arith.addi %rem3A_1193, %select_n3A_1192 : i32
      %select_n3A_1203 = arith.select %and3A_1201, %add3A_1202, %rem3A_1193 : i32
      %mul3A_1204 = arith.constant 1024 : i32
      %mul3A_1205 = arith.muli %select_n3A_1203, %mul3A_1204 : i32
      %multiple_of3A_1206 = tpu.assume_multiple %mul3A_1205, 1024 : i32
      %add3A_1207 = arith.constant 32 : i32
      %add3A_1208 = arith.addi %add3A_1144, %add3A_1207 : i32
      %sub3A_1209 = arith.constant 1 : i32
      %sub3A_1210 = arith.subi %add3A_1208, %sub3A_1209 : i32
      %dma_start3A_1211 = tpu.memref_slice %arg2[%add3A_1144, %multiple_of3A_1187, %multiple_of3A_1206] : memref<27x200x4096xf32, #tpu.memory_space<hbm>> -> memref<1x8x1024xf32, #tpu.memory_space<hbm>>
      %dma_start3A_1212 = tpu.memref_squeeze %dma_start3A_1211 : memref<1x8x1024xf32, #tpu.memory_space<hbm>> -> memref<8x1024xf32, #tpu.memory_space<hbm>>
      %dma_start3A_1213 = tpu.memref_slice %arg2[%add3A_1144, %multiple_of3A_1187, %multiple_of3A_1206] : memref<27x200x4096xf32, #tpu.memory_space<hbm>> -> memref<1x8x1024xf32, #tpu.memory_space<hbm>>
      %dma_start3A_1214 = tpu.memref_squeeze %dma_start3A_1213 : memref<1x8x1024xf32, #tpu.memory_space<hbm>> -> memref<8x1024xf32, #tpu.memory_space<hbm>>
      tpu.enqueue_dma source(%dma_start3A_1214 : memref<8x1024xf32, #tpu.memory_space<hbm>>) target(%arg17 : memref<8x1024xf32, #tpu.memory_space<vmem>>) target_semaphore(%arg24 : memref<!tpu.dma_semaphore, #tpu.memory_space<semaphore_mem>>)
    } else {
    }
    %gt3A_968 = arith.constant 77 : i32
    %gt3A_969 = arith.cmpi sgt, %sub3A_113, %gt3A_968 : i32
    %convert_element_type3A_970 = arith.extui %gt3A_969 : i1 to i32
    %cond3A_971 = arith.constant 0 : i32
    %cond3A_972 = arith.cmpi ne, %convert_element_type3A_970, %cond3A_971 : i32
    scf.if %cond3A_972 {
      %multiple_of3A_1108 = arith.constant 0 : i32
      %multiple_of3A_1109 = tpu.assume_multiple %multiple_of3A_1108, 8 : i32
      %multiple_of3A_1110 = tpu.assume_multiple %mul3A_34, 1024 : i32
      %dma_wait3A_1111 = arith.constant 0 : i32
      %dma_wait3A_1112 = tpu.memref_slice %arg2[%dma_wait3A_1111, %multiple_of3A_1109, %multiple_of3A_1110] : memref<27x200x4096xf32, #tpu.memory_space<hbm>> -> memref<1x8x1024xf32, #tpu.memory_space<hbm>>
      %dma_wait3A_1113 = tpu.memref_squeeze %dma_wait3A_1112 : memref<1x8x1024xf32, #tpu.memory_space<hbm>> -> memref<8x1024xf32, #tpu.memory_space<hbm>>
      %dma_wait3A_1114 = tpu.memref_slice %arg2[%dma_wait3A_1111, %multiple_of3A_1109, %multiple_of3A_1110] : memref<27x200x4096xf32, #tpu.memory_space<hbm>> -> memref<1x8x1024xf32, #tpu.memory_space<hbm>>
      %dma_wait3A_1115 = tpu.memref_squeeze %dma_wait3A_1114 : memref<1x8x1024xf32, #tpu.memory_space<hbm>> -> memref<8x1024xf32, #tpu.memory_space<hbm>>
      tpu.wait_dma2 semaphore(%arg24 : memref<!tpu.dma_semaphore, #tpu.memory_space<semaphore_mem>>) src(%dma_wait3A_1115 : memref<8x1024xf32, #tpu.memory_space<hbm>>) dst(%arg17 : memref<8x1024xf32, #tpu.memory_space<vmem>>)
      %add3A_1116 = arith.constant 77 : i32
      %add3A_1117 = arith.addi %select_n3A_84, %add3A_1116 : i32
      %jit3A_1118 = arith.constant 100 : i32
      %div3A_1119 = arith.divsi %add3A_1117, %jit3A_1118 : i32
      %sign3A_1120 = arith.constant 0 : i32
      %sign3A_1121 = arith.cmpi sgt, %add3A_1117, %sign3A_1120 : i32
      %sign3A_1122 = arith.extui %sign3A_1121 : i1 to i32
      %sign3A_1123 = arith.constant 0 : i32
      %sign3A_1124 = arith.cmpi slt, %add3A_1117, %sign3A_1123 : i32
      %sign3A_1125 = arith.extui %sign3A_1124 : i1 to i32
      %sign3A_1126 = arith.subi %sign3A_1122, %sign3A_1125 : i32
      %sign3A_1127 = arith.constant 0 : i32
      %sign3A_1128 = arith.cmpi sgt, %jit3A_1118, %sign3A_1127 : i32
      %sign3A_1129 = arith.extui %sign3A_1128 : i1 to i32
      %sign3A_1130 = arith.constant 0 : i32
      %sign3A_1131 = arith.cmpi slt, %jit3A_1118, %sign3A_1130 : i32
      %sign3A_1132 = arith.extui %sign3A_1131 : i1 to i32
      %sign3A_1133 = arith.subi %sign3A_1129, %sign3A_1132 : i32
      %ne3A_1134 = arith.cmpi ne, %sign3A_1126, %sign3A_1133 : i32
      %rem3A_1135 = arith.remsi %add3A_1117, %jit3A_1118 : i32
      %ne3A_1136 = arith.constant 0 : i32
      %ne3A_1137 = arith.cmpi ne, %rem3A_1135, %ne3A_1136 : i32
      %and3A_1138 = arith.andi %ne3A_1134, %ne3A_1137 : i1
      %sub3A_1139 = arith.constant 1 : i32
      %sub3A_1140 = arith.subi %div3A_1119, %sub3A_1139 : i32
      %select_n3A_1141 = arith.select %and3A_1138, %sub3A_1140, %div3A_1119 : i32
      %add3A_1142 = arith.constant 1 : i32
      %add3A_1143 = arith.addi %add3A_1142, %select_n3A_1141 : i32
      %jit3A_1144 = arith.constant 100 : i32
      %eq3A_1145 = arith.constant 0 : i32
      %eq3A_1146 = arith.cmpi eq, %jit3A_1144, %eq3A_1145 : i32
      %jit3A_1147 = arith.constant 1 : i32
      %select_n3A_1148 = arith.select %eq3A_1146, %jit3A_1147, %jit3A_1144 : i32
      %rem3A_1149 = arith.remsi %add3A_1117, %select_n3A_1148 : i32
      %ne3A_1150 = arith.constant 0 : i32
      %ne3A_1151 = arith.cmpi ne, %rem3A_1149, %ne3A_1150 : i32
      %lt3A_1152 = arith.constant 0 : i32
      %lt3A_1153 = arith.cmpi slt, %rem3A_1149, %lt3A_1152 : i32
      %lt3A_1154 = arith.constant 0 : i32
      %lt3A_1155 = arith.cmpi slt, %select_n3A_1148, %lt3A_1154 : i32
      %ne3A_1156 = arith.xori %lt3A_1153, %lt3A_1155 : i1
      %and3A_1157 = arith.andi %ne3A_1156, %ne3A_1151 : i1
      %add3A_1158 = arith.addi %rem3A_1149, %select_n3A_1148 : i32
      %select_n3A_1159 = arith.select %and3A_1157, %add3A_1158, %rem3A_1149 : i32
      %jit3A_1160 = arith.constant 4 : i32
      %div3A_1161 = arith.divsi %select_n3A_1159, %jit3A_1160 : i32
      %sign3A_1162 = arith.constant 0 : i32
      %sign3A_1163 = arith.cmpi sgt, %select_n3A_1159, %sign3A_1162 : i32
      %sign3A_1164 = arith.extui %sign3A_1163 : i1 to i32
      %sign3A_1165 = arith.constant 0 : i32
      %sign3A_1166 = arith.cmpi slt, %select_n3A_1159, %sign3A_1165 : i32
      %sign3A_1167 = arith.extui %sign3A_1166 : i1 to i32
      %sign3A_1168 = arith.subi %sign3A_1164, %sign3A_1167 : i32
      %sign3A_1169 = arith.constant 0 : i32
      %sign3A_1170 = arith.cmpi sgt, %jit3A_1160, %sign3A_1169 : i32
      %sign3A_1171 = arith.extui %sign3A_1170 : i1 to i32
      %sign3A_1172 = arith.constant 0 : i32
      %sign3A_1173 = arith.cmpi slt, %jit3A_1160, %sign3A_1172 : i32
      %sign3A_1174 = arith.extui %sign3A_1173 : i1 to i32
      %sign3A_1175 = arith.subi %sign3A_1171, %sign3A_1174 : i32
      %ne3A_1176 = arith.cmpi ne, %sign3A_1168, %sign3A_1175 : i32
      %rem3A_1177 = arith.remsi %select_n3A_1159, %jit3A_1160 : i32
      %ne3A_1178 = arith.constant 0 : i32
      %ne3A_1179 = arith.cmpi ne, %rem3A_1177, %ne3A_1178 : i32
      %and3A_1180 = arith.andi %ne3A_1176, %ne3A_1179 : i1
      %sub3A_1181 = arith.constant 1 : i32
      %sub3A_1182 = arith.subi %div3A_1161, %sub3A_1181 : i32
      %select_n3A_1183 = arith.select %and3A_1180, %sub3A_1182, %div3A_1161 : i32
      %mul3A_1184 = arith.constant 8 : i32
      %mul3A_1185 = arith.muli %select_n3A_1183, %mul3A_1184 : i32
      %multiple_of3A_1186 = tpu.assume_multiple %mul3A_1185, 8 : i32
      %jit3A_1187 = arith.constant 4 : i32
      %eq3A_1188 = arith.constant 0 : i32
      %eq3A_1189 = arith.cmpi eq, %jit3A_1187, %eq3A_1188 : i32
      %jit3A_1190 = arith.constant 1 : i32
      %select_n3A_1191 = arith.select %eq3A_1189, %jit3A_1190, %jit3A_1187 : i32
      %rem3A_1192 = arith.remsi %select_n3A_1159, %select_n3A_1191 : i32
      %ne3A_1193 = arith.constant 0 : i32
      %ne3A_1194 = arith.cmpi ne, %rem3A_1192, %ne3A_1193 : i32
      %lt3A_1195 = arith.constant 0 : i32
      %lt3A_1196 = arith.cmpi slt, %rem3A_1192, %lt3A_1195 : i32
      %lt3A_1197 = arith.constant 0 : i32
      %lt3A_1198 = arith.cmpi slt, %select_n3A_1191, %lt3A_1197 : i32
      %ne3A_1199 = arith.xori %lt3A_1196, %lt3A_1198 : i1
      %and3A_1200 = arith.andi %ne3A_1199, %ne3A_1194 : i1
      %add3A_1201 = arith.addi %rem3A_1192, %select_n3A_1191 : i32
      %select_n3A_1202 = arith.select %and3A_1200, %add3A_1201, %rem3A_1192 : i32
      %mul3A_1203 = arith.constant 1024 : i32
      %mul3A_1204 = arith.muli %select_n3A_1202, %mul3A_1203 : i32
      %multiple_of3A_1205 = tpu.assume_multiple %mul3A_1204, 1024 : i32
      %add3A_1206 = arith.constant 32 : i32
      %add3A_1207 = arith.addi %add3A_1143, %add3A_1206 : i32
      %sub3A_1208 = arith.constant 1 : i32
      %sub3A_1209 = arith.subi %add3A_1207, %sub3A_1208 : i32
      %dma_start3A_1210 = tpu.memref_slice %arg4[%sub3A_1209, %multiple_of3A_1186, %multiple_of3A_1205] : memref<58x200x4096xf32, #tpu.memory_space<hbm>> -> memref<1x8x1024xf32, #tpu.memory_space<hbm>>
      %dma_start3A_1211 = tpu.memref_squeeze %dma_start3A_1210 : memref<1x8x1024xf32, #tpu.memory_space<hbm>> -> memref<8x1024xf32, #tpu.memory_space<hbm>>
      %dma_start3A_1212 = tpu.memref_slice %arg4[%sub3A_1209, %multiple_of3A_1186, %multiple_of3A_1205] : memref<58x200x4096xf32, #tpu.memory_space<hbm>> -> memref<1x8x1024xf32, #tpu.memory_space<hbm>>
      %dma_start3A_1213 = tpu.memref_squeeze %dma_start3A_1212 : memref<1x8x1024xf32, #tpu.memory_space<hbm>> -> memref<8x1024xf32, #tpu.memory_space<hbm>>
      tpu.enqueue_dma source(%arg17 : memref<8x1024xf32, #tpu.memory_space<vmem>>) target(%dma_start3A_1213 : memref<8x1024xf32, #tpu.memory_space<hbm>>) target_semaphore(%arg26 : memref<!tpu.dma_semaphore, #tpu.memory_space<semaphore_mem>>)
    } else {
    }
    %gt3A_973 = arith.constant 78 : i32
    %gt3A_974 = arith.cmpi sgt, %sub3A_113, %gt3A_973 : i32
    %convert_element_type3A_975 = arith.extui %gt3A_974 : i1 to i32
    %cond3A_976 = arith.constant 0 : i32
    %cond3A_977 = arith.cmpi ne, %convert_element_type3A_975, %cond3A_976 : i32
    scf.if %cond3A_977 {
      %add3A_1108 = arith.constant 0 : i32
      %add3A_1109 = arith.addi %mul3A_18, %add3A_1108 : i32
      %multiple_of3A_1110 = arith.constant 0 : i32
      %multiple_of3A_1111 = tpu.assume_multiple %multiple_of3A_1110, 8 : i32
      %multiple_of3A_1112 = tpu.assume_multiple %mul3A_34, 1024 : i32
      %dma_wait3A_1113 = tpu.memref_slice %arg4[%add3A_1109, %multiple_of3A_1111, %multiple_of3A_1112] : memref<58x200x4096xf32, #tpu.memory_space<hbm>> -> memref<1x8x1024xf32, #tpu.memory_space<hbm>>
      %dma_wait3A_1114 = tpu.memref_squeeze %dma_wait3A_1113 : memref<1x8x1024xf32, #tpu.memory_space<hbm>> -> memref<8x1024xf32, #tpu.memory_space<hbm>>
      %dma_wait3A_1115 = tpu.memref_slice %arg4[%add3A_1109, %multiple_of3A_1111, %multiple_of3A_1112] : memref<58x200x4096xf32, #tpu.memory_space<hbm>> -> memref<1x8x1024xf32, #tpu.memory_space<hbm>>
      %dma_wait3A_1116 = tpu.memref_squeeze %dma_wait3A_1115 : memref<1x8x1024xf32, #tpu.memory_space<hbm>> -> memref<8x1024xf32, #tpu.memory_space<hbm>>
      tpu.wait_dma2 semaphore(%arg25 : memref<!tpu.dma_semaphore, #tpu.memory_space<semaphore_mem>>) src(%arg16 : memref<8x1024xf32, #tpu.memory_space<vmem>>) dst(%dma_wait3A_1116 : memref<8x1024xf32, #tpu.memory_space<hbm>>)
      %add3A_1117 = arith.constant 78 : i32
      %add3A_1118 = arith.addi %select_n3A_84, %add3A_1117 : i32
      %jit3A_1119 = arith.constant 100 : i32
      %div3A_1120 = arith.divsi %add3A_1118, %jit3A_1119 : i32
      %sign3A_1121 = arith.constant 0 : i32
      %sign3A_1122 = arith.cmpi sgt, %add3A_1118, %sign3A_1121 : i32
      %sign3A_1123 = arith.extui %sign3A_1122 : i1 to i32
      %sign3A_1124 = arith.constant 0 : i32
      %sign3A_1125 = arith.cmpi slt, %add3A_1118, %sign3A_1124 : i32
      %sign3A_1126 = arith.extui %sign3A_1125 : i1 to i32
      %sign3A_1127 = arith.subi %sign3A_1123, %sign3A_1126 : i32
      %sign3A_1128 = arith.constant 0 : i32
      %sign3A_1129 = arith.cmpi sgt, %jit3A_1119, %sign3A_1128 : i32
      %sign3A_1130 = arith.extui %sign3A_1129 : i1 to i32
      %sign3A_1131 = arith.constant 0 : i32
      %sign3A_1132 = arith.cmpi slt, %jit3A_1119, %sign3A_1131 : i32
      %sign3A_1133 = arith.extui %sign3A_1132 : i1 to i32
      %sign3A_1134 = arith.subi %sign3A_1130, %sign3A_1133 : i32
      %ne3A_1135 = arith.cmpi ne, %sign3A_1127, %sign3A_1134 : i32
      %rem3A_1136 = arith.remsi %add3A_1118, %jit3A_1119 : i32
      %ne3A_1137 = arith.constant 0 : i32
      %ne3A_1138 = arith.cmpi ne, %rem3A_1136, %ne3A_1137 : i32
      %and3A_1139 = arith.andi %ne3A_1135, %ne3A_1138 : i1
      %sub3A_1140 = arith.constant 1 : i32
      %sub3A_1141 = arith.subi %div3A_1120, %sub3A_1140 : i32
      %select_n3A_1142 = arith.select %and3A_1139, %sub3A_1141, %div3A_1120 : i32
      %add3A_1143 = arith.constant 1 : i32
      %add3A_1144 = arith.addi %add3A_1143, %select_n3A_1142 : i32
      %jit3A_1145 = arith.constant 100 : i32
      %eq3A_1146 = arith.constant 0 : i32
      %eq3A_1147 = arith.cmpi eq, %jit3A_1145, %eq3A_1146 : i32
      %jit3A_1148 = arith.constant 1 : i32
      %select_n3A_1149 = arith.select %eq3A_1147, %jit3A_1148, %jit3A_1145 : i32
      %rem3A_1150 = arith.remsi %add3A_1118, %select_n3A_1149 : i32
      %ne3A_1151 = arith.constant 0 : i32
      %ne3A_1152 = arith.cmpi ne, %rem3A_1150, %ne3A_1151 : i32
      %lt3A_1153 = arith.constant 0 : i32
      %lt3A_1154 = arith.cmpi slt, %rem3A_1150, %lt3A_1153 : i32
      %lt3A_1155 = arith.constant 0 : i32
      %lt3A_1156 = arith.cmpi slt, %select_n3A_1149, %lt3A_1155 : i32
      %ne3A_1157 = arith.xori %lt3A_1154, %lt3A_1156 : i1
      %and3A_1158 = arith.andi %ne3A_1157, %ne3A_1152 : i1
      %add3A_1159 = arith.addi %rem3A_1150, %select_n3A_1149 : i32
      %select_n3A_1160 = arith.select %and3A_1158, %add3A_1159, %rem3A_1150 : i32
      %jit3A_1161 = arith.constant 4 : i32
      %div3A_1162 = arith.divsi %select_n3A_1160, %jit3A_1161 : i32
      %sign3A_1163 = arith.constant 0 : i32
      %sign3A_1164 = arith.cmpi sgt, %select_n3A_1160, %sign3A_1163 : i32
      %sign3A_1165 = arith.extui %sign3A_1164 : i1 to i32
      %sign3A_1166 = arith.constant 0 : i32
      %sign3A_1167 = arith.cmpi slt, %select_n3A_1160, %sign3A_1166 : i32
      %sign3A_1168 = arith.extui %sign3A_1167 : i1 to i32
      %sign3A_1169 = arith.subi %sign3A_1165, %sign3A_1168 : i32
      %sign3A_1170 = arith.constant 0 : i32
      %sign3A_1171 = arith.cmpi sgt, %jit3A_1161, %sign3A_1170 : i32
      %sign3A_1172 = arith.extui %sign3A_1171 : i1 to i32
      %sign3A_1173 = arith.constant 0 : i32
      %sign3A_1174 = arith.cmpi slt, %jit3A_1161, %sign3A_1173 : i32
      %sign3A_1175 = arith.extui %sign3A_1174 : i1 to i32
      %sign3A_1176 = arith.subi %sign3A_1172, %sign3A_1175 : i32
      %ne3A_1177 = arith.cmpi ne, %sign3A_1169, %sign3A_1176 : i32
      %rem3A_1178 = arith.remsi %select_n3A_1160, %jit3A_1161 : i32
      %ne3A_1179 = arith.constant 0 : i32
      %ne3A_1180 = arith.cmpi ne, %rem3A_1178, %ne3A_1179 : i32
      %and3A_1181 = arith.andi %ne3A_1177, %ne3A_1180 : i1
      %sub3A_1182 = arith.constant 1 : i32
      %sub3A_1183 = arith.subi %div3A_1162, %sub3A_1182 : i32
      %select_n3A_1184 = arith.select %and3A_1181, %sub3A_1183, %div3A_1162 : i32
      %mul3A_1185 = arith.constant 8 : i32
      %mul3A_1186 = arith.muli %select_n3A_1184, %mul3A_1185 : i32
      %multiple_of3A_1187 = tpu.assume_multiple %mul3A_1186, 8 : i32
      %jit3A_1188 = arith.constant 4 : i32
      %eq3A_1189 = arith.constant 0 : i32
      %eq3A_1190 = arith.cmpi eq, %jit3A_1188, %eq3A_1189 : i32
      %jit3A_1191 = arith.constant 1 : i32
      %select_n3A_1192 = arith.select %eq3A_1190, %jit3A_1191, %jit3A_1188 : i32
      %rem3A_1193 = arith.remsi %select_n3A_1160, %select_n3A_1192 : i32
      %ne3A_1194 = arith.constant 0 : i32
      %ne3A_1195 = arith.cmpi ne, %rem3A_1193, %ne3A_1194 : i32
      %lt3A_1196 = arith.constant 0 : i32
      %lt3A_1197 = arith.cmpi slt, %rem3A_1193, %lt3A_1196 : i32
      %lt3A_1198 = arith.constant 0 : i32
      %lt3A_1199 = arith.cmpi slt, %select_n3A_1192, %lt3A_1198 : i32
      %ne3A_1200 = arith.xori %lt3A_1197, %lt3A_1199 : i1
      %and3A_1201 = arith.andi %ne3A_1200, %ne3A_1195 : i1
      %add3A_1202 = arith.addi %rem3A_1193, %select_n3A_1192 : i32
      %select_n3A_1203 = arith.select %and3A_1201, %add3A_1202, %rem3A_1193 : i32
      %mul3A_1204 = arith.constant 1024 : i32
      %mul3A_1205 = arith.muli %select_n3A_1203, %mul3A_1204 : i32
      %multiple_of3A_1206 = tpu.assume_multiple %mul3A_1205, 1024 : i32
      %add3A_1207 = arith.constant 32 : i32
      %add3A_1208 = arith.addi %add3A_1144, %add3A_1207 : i32
      %sub3A_1209 = arith.constant 1 : i32
      %sub3A_1210 = arith.subi %add3A_1208, %sub3A_1209 : i32
      %dma_start3A_1211 = tpu.memref_slice %arg2[%add3A_1144, %multiple_of3A_1187, %multiple_of3A_1206] : memref<27x200x4096xf32, #tpu.memory_space<hbm>> -> memref<1x8x1024xf32, #tpu.memory_space<hbm>>
      %dma_start3A_1212 = tpu.memref_squeeze %dma_start3A_1211 : memref<1x8x1024xf32, #tpu.memory_space<hbm>> -> memref<8x1024xf32, #tpu.memory_space<hbm>>
      %dma_start3A_1213 = tpu.memref_slice %arg2[%add3A_1144, %multiple_of3A_1187, %multiple_of3A_1206] : memref<27x200x4096xf32, #tpu.memory_space<hbm>> -> memref<1x8x1024xf32, #tpu.memory_space<hbm>>
      %dma_start3A_1214 = tpu.memref_squeeze %dma_start3A_1213 : memref<1x8x1024xf32, #tpu.memory_space<hbm>> -> memref<8x1024xf32, #tpu.memory_space<hbm>>
      tpu.enqueue_dma source(%dma_start3A_1214 : memref<8x1024xf32, #tpu.memory_space<hbm>>) target(%arg16 : memref<8x1024xf32, #tpu.memory_space<vmem>>) target_semaphore(%arg23 : memref<!tpu.dma_semaphore, #tpu.memory_space<semaphore_mem>>)
    } else {
    }
    %gt3A_978 = arith.constant 78 : i32
    %gt3A_979 = arith.cmpi sgt, %sub3A_113, %gt3A_978 : i32
    %convert_element_type3A_980 = arith.extui %gt3A_979 : i1 to i32
    %cond3A_981 = arith.constant 0 : i32
    %cond3A_982 = arith.cmpi ne, %convert_element_type3A_980, %cond3A_981 : i32
    scf.if %cond3A_982 {
      %multiple_of3A_1108 = arith.constant 0 : i32
      %multiple_of3A_1109 = tpu.assume_multiple %multiple_of3A_1108, 8 : i32
      %multiple_of3A_1110 = tpu.assume_multiple %mul3A_34, 1024 : i32
      %dma_wait3A_1111 = arith.constant 0 : i32
      %dma_wait3A_1112 = tpu.memref_slice %arg2[%dma_wait3A_1111, %multiple_of3A_1109, %multiple_of3A_1110] : memref<27x200x4096xf32, #tpu.memory_space<hbm>> -> memref<1x8x1024xf32, #tpu.memory_space<hbm>>
      %dma_wait3A_1113 = tpu.memref_squeeze %dma_wait3A_1112 : memref<1x8x1024xf32, #tpu.memory_space<hbm>> -> memref<8x1024xf32, #tpu.memory_space<hbm>>
      %dma_wait3A_1114 = tpu.memref_slice %arg2[%dma_wait3A_1111, %multiple_of3A_1109, %multiple_of3A_1110] : memref<27x200x4096xf32, #tpu.memory_space<hbm>> -> memref<1x8x1024xf32, #tpu.memory_space<hbm>>
      %dma_wait3A_1115 = tpu.memref_squeeze %dma_wait3A_1114 : memref<1x8x1024xf32, #tpu.memory_space<hbm>> -> memref<8x1024xf32, #tpu.memory_space<hbm>>
      tpu.wait_dma2 semaphore(%arg23 : memref<!tpu.dma_semaphore, #tpu.memory_space<semaphore_mem>>) src(%dma_wait3A_1115 : memref<8x1024xf32, #tpu.memory_space<hbm>>) dst(%arg16 : memref<8x1024xf32, #tpu.memory_space<vmem>>)
      %add3A_1116 = arith.constant 78 : i32
      %add3A_1117 = arith.addi %select_n3A_84, %add3A_1116 : i32
      %jit3A_1118 = arith.constant 100 : i32
      %div3A_1119 = arith.divsi %add3A_1117, %jit3A_1118 : i32
      %sign3A_1120 = arith.constant 0 : i32
      %sign3A_1121 = arith.cmpi sgt, %add3A_1117, %sign3A_1120 : i32
      %sign3A_1122 = arith.extui %sign3A_1121 : i1 to i32
      %sign3A_1123 = arith.constant 0 : i32
      %sign3A_1124 = arith.cmpi slt, %add3A_1117, %sign3A_1123 : i32
      %sign3A_1125 = arith.extui %sign3A_1124 : i1 to i32
      %sign3A_1126 = arith.subi %sign3A_1122, %sign3A_1125 : i32
      %sign3A_1127 = arith.constant 0 : i32
      %sign3A_1128 = arith.cmpi sgt, %jit3A_1118, %sign3A_1127 : i32
      %sign3A_1129 = arith.extui %sign3A_1128 : i1 to i32
      %sign3A_1130 = arith.constant 0 : i32
      %sign3A_1131 = arith.cmpi slt, %jit3A_1118, %sign3A_1130 : i32
      %sign3A_1132 = arith.extui %sign3A_1131 : i1 to i32
      %sign3A_1133 = arith.subi %sign3A_1129, %sign3A_1132 : i32
      %ne3A_1134 = arith.cmpi ne, %sign3A_1126, %sign3A_1133 : i32
      %rem3A_1135 = arith.remsi %add3A_1117, %jit3A_1118 : i32
      %ne3A_1136 = arith.constant 0 : i32
      %ne3A_1137 = arith.cmpi ne, %rem3A_1135, %ne3A_1136 : i32
      %and3A_1138 = arith.andi %ne3A_1134, %ne3A_1137 : i1
      %sub3A_1139 = arith.constant 1 : i32
      %sub3A_1140 = arith.subi %div3A_1119, %sub3A_1139 : i32
      %select_n3A_1141 = arith.select %and3A_1138, %sub3A_1140, %div3A_1119 : i32
      %add3A_1142 = arith.constant 1 : i32
      %add3A_1143 = arith.addi %add3A_1142, %select_n3A_1141 : i32
      %jit3A_1144 = arith.constant 100 : i32
      %eq3A_1145 = arith.constant 0 : i32
      %eq3A_1146 = arith.cmpi eq, %jit3A_1144, %eq3A_1145 : i32
      %jit3A_1147 = arith.constant 1 : i32
      %select_n3A_1148 = arith.select %eq3A_1146, %jit3A_1147, %jit3A_1144 : i32
      %rem3A_1149 = arith.remsi %add3A_1117, %select_n3A_1148 : i32
      %ne3A_1150 = arith.constant 0 : i32
      %ne3A_1151 = arith.cmpi ne, %rem3A_1149, %ne3A_1150 : i32
      %lt3A_1152 = arith.constant 0 : i32
      %lt3A_1153 = arith.cmpi slt, %rem3A_1149, %lt3A_1152 : i32
      %lt3A_1154 = arith.constant 0 : i32
      %lt3A_1155 = arith.cmpi slt, %select_n3A_1148, %lt3A_1154 : i32
      %ne3A_1156 = arith.xori %lt3A_1153, %lt3A_1155 : i1
      %and3A_1157 = arith.andi %ne3A_1156, %ne3A_1151 : i1
      %add3A_1158 = arith.addi %rem3A_1149, %select_n3A_1148 : i32
      %select_n3A_1159 = arith.select %and3A_1157, %add3A_1158, %rem3A_1149 : i32
      %jit3A_1160 = arith.constant 4 : i32
      %div3A_1161 = arith.divsi %select_n3A_1159, %jit3A_1160 : i32
      %sign3A_1162 = arith.constant 0 : i32
      %sign3A_1163 = arith.cmpi sgt, %select_n3A_1159, %sign3A_1162 : i32
      %sign3A_1164 = arith.extui %sign3A_1163 : i1 to i32
      %sign3A_1165 = arith.constant 0 : i32
      %sign3A_1166 = arith.cmpi slt, %select_n3A_1159, %sign3A_1165 : i32
      %sign3A_1167 = arith.extui %sign3A_1166 : i1 to i32
      %sign3A_1168 = arith.subi %sign3A_1164, %sign3A_1167 : i32
      %sign3A_1169 = arith.constant 0 : i32
      %sign3A_1170 = arith.cmpi sgt, %jit3A_1160, %sign3A_1169 : i32
      %sign3A_1171 = arith.extui %sign3A_1170 : i1 to i32
      %sign3A_1172 = arith.constant 0 : i32
      %sign3A_1173 = arith.cmpi slt, %jit3A_1160, %sign3A_1172 : i32
      %sign3A_1174 = arith.extui %sign3A_1173 : i1 to i32
      %sign3A_1175 = arith.subi %sign3A_1171, %sign3A_1174 : i32
      %ne3A_1176 = arith.cmpi ne, %sign3A_1168, %sign3A_1175 : i32
      %rem3A_1177 = arith.remsi %select_n3A_1159, %jit3A_1160 : i32
      %ne3A_1178 = arith.constant 0 : i32
      %ne3A_1179 = arith.cmpi ne, %rem3A_1177, %ne3A_1178 : i32
      %and3A_1180 = arith.andi %ne3A_1176, %ne3A_1179 : i1
      %sub3A_1181 = arith.constant 1 : i32
      %sub3A_1182 = arith.subi %div3A_1161, %sub3A_1181 : i32
      %select_n3A_1183 = arith.select %and3A_1180, %sub3A_1182, %div3A_1161 : i32
      %mul3A_1184 = arith.constant 8 : i32
      %mul3A_1185 = arith.muli %select_n3A_1183, %mul3A_1184 : i32
      %multiple_of3A_1186 = tpu.assume_multiple %mul3A_1185, 8 : i32
      %jit3A_1187 = arith.constant 4 : i32
      %eq3A_1188 = arith.constant 0 : i32
      %eq3A_1189 = arith.cmpi eq, %jit3A_1187, %eq3A_1188 : i32
      %jit3A_1190 = arith.constant 1 : i32
      %select_n3A_1191 = arith.select %eq3A_1189, %jit3A_1190, %jit3A_1187 : i32
      %rem3A_1192 = arith.remsi %select_n3A_1159, %select_n3A_1191 : i32
      %ne3A_1193 = arith.constant 0 : i32
      %ne3A_1194 = arith.cmpi ne, %rem3A_1192, %ne3A_1193 : i32
      %lt3A_1195 = arith.constant 0 : i32
      %lt3A_1196 = arith.cmpi slt, %rem3A_1192, %lt3A_1195 : i32
      %lt3A_1197 = arith.constant 0 : i32
      %lt3A_1198 = arith.cmpi slt, %select_n3A_1191, %lt3A_1197 : i32
      %ne3A_1199 = arith.xori %lt3A_1196, %lt3A_1198 : i1
      %and3A_1200 = arith.andi %ne3A_1199, %ne3A_1194 : i1
      %add3A_1201 = arith.addi %rem3A_1192, %select_n3A_1191 : i32
      %select_n3A_1202 = arith.select %and3A_1200, %add3A_1201, %rem3A_1192 : i32
      %mul3A_1203 = arith.constant 1024 : i32
      %mul3A_1204 = arith.muli %select_n3A_1202, %mul3A_1203 : i32
      %multiple_of3A_1205 = tpu.assume_multiple %mul3A_1204, 1024 : i32
      %add3A_1206 = arith.constant 32 : i32
      %add3A_1207 = arith.addi %add3A_1143, %add3A_1206 : i32
      %sub3A_1208 = arith.constant 1 : i32
      %sub3A_1209 = arith.subi %add3A_1207, %sub3A_1208 : i32
      %dma_start3A_1210 = tpu.memref_slice %arg4[%sub3A_1209, %multiple_of3A_1186, %multiple_of3A_1205] : memref<58x200x4096xf32, #tpu.memory_space<hbm>> -> memref<1x8x1024xf32, #tpu.memory_space<hbm>>
      %dma_start3A_1211 = tpu.memref_squeeze %dma_start3A_1210 : memref<1x8x1024xf32, #tpu.memory_space<hbm>> -> memref<8x1024xf32, #tpu.memory_space<hbm>>
      %dma_start3A_1212 = tpu.memref_slice %arg4[%sub3A_1209, %multiple_of3A_1186, %multiple_of3A_1205] : memref<58x200x4096xf32, #tpu.memory_space<hbm>> -> memref<1x8x1024xf32, #tpu.memory_space<hbm>>
      %dma_start3A_1213 = tpu.memref_squeeze %dma_start3A_1212 : memref<1x8x1024xf32, #tpu.memory_space<hbm>> -> memref<8x1024xf32, #tpu.memory_space<hbm>>
      tpu.enqueue_dma source(%arg16 : memref<8x1024xf32, #tpu.memory_space<vmem>>) target(%dma_start3A_1213 : memref<8x1024xf32, #tpu.memory_space<hbm>>) target_semaphore(%arg25 : memref<!tpu.dma_semaphore, #tpu.memory_space<semaphore_mem>>)
    } else {
    }
    %gt3A_983 = arith.constant 79 : i32
    %gt3A_984 = arith.cmpi sgt, %sub3A_113, %gt3A_983 : i32
    %convert_element_type3A_985 = arith.extui %gt3A_984 : i1 to i32
    %cond3A_986 = arith.constant 0 : i32
    %cond3A_987 = arith.cmpi ne, %convert_element_type3A_985, %cond3A_986 : i32
    scf.if %cond3A_987 {
      %add3A_1108 = arith.constant 0 : i32
      %add3A_1109 = arith.addi %mul3A_18, %add3A_1108 : i32
      %multiple_of3A_1110 = arith.constant 0 : i32
      %multiple_of3A_1111 = tpu.assume_multiple %multiple_of3A_1110, 8 : i32
      %multiple_of3A_1112 = tpu.assume_multiple %mul3A_34, 1024 : i32
      %dma_wait3A_1113 = tpu.memref_slice %arg4[%add3A_1109, %multiple_of3A_1111, %multiple_of3A_1112] : memref<58x200x4096xf32, #tpu.memory_space<hbm>> -> memref<1x8x1024xf32, #tpu.memory_space<hbm>>
      %dma_wait3A_1114 = tpu.memref_squeeze %dma_wait3A_1113 : memref<1x8x1024xf32, #tpu.memory_space<hbm>> -> memref<8x1024xf32, #tpu.memory_space<hbm>>
      %dma_wait3A_1115 = tpu.memref_slice %arg4[%add3A_1109, %multiple_of3A_1111, %multiple_of3A_1112] : memref<58x200x4096xf32, #tpu.memory_space<hbm>> -> memref<1x8x1024xf32, #tpu.memory_space<hbm>>
      %dma_wait3A_1116 = tpu.memref_squeeze %dma_wait3A_1115 : memref<1x8x1024xf32, #tpu.memory_space<hbm>> -> memref<8x1024xf32, #tpu.memory_space<hbm>>
      tpu.wait_dma2 semaphore(%arg26 : memref<!tpu.dma_semaphore, #tpu.memory_space<semaphore_mem>>) src(%arg17 : memref<8x1024xf32, #tpu.memory_space<vmem>>) dst(%dma_wait3A_1116 : memref<8x1024xf32, #tpu.memory_space<hbm>>)
      %add3A_1117 = arith.constant 79 : i32
      %add3A_1118 = arith.addi %select_n3A_84, %add3A_1117 : i32
      %jit3A_1119 = arith.constant 100 : i32
      %div3A_1120 = arith.divsi %add3A_1118, %jit3A_1119 : i32
      %sign3A_1121 = arith.constant 0 : i32
      %sign3A_1122 = arith.cmpi sgt, %add3A_1118, %sign3A_1121 : i32
      %sign3A_1123 = arith.extui %sign3A_1122 : i1 to i32
      %sign3A_1124 = arith.constant 0 : i32
      %sign3A_1125 = arith.cmpi slt, %add3A_1118, %sign3A_1124 : i32
      %sign3A_1126 = arith.extui %sign3A_1125 : i1 to i32
      %sign3A_1127 = arith.subi %sign3A_1123, %sign3A_1126 : i32
      %sign3A_1128 = arith.constant 0 : i32
      %sign3A_1129 = arith.cmpi sgt, %jit3A_1119, %sign3A_1128 : i32
      %sign3A_1130 = arith.extui %sign3A_1129 : i1 to i32
      %sign3A_1131 = arith.constant 0 : i32
      %sign3A_1132 = arith.cmpi slt, %jit3A_1119, %sign3A_1131 : i32
      %sign3A_1133 = arith.extui %sign3A_1132 : i1 to i32
      %sign3A_1134 = arith.subi %sign3A_1130, %sign3A_1133 : i32
      %ne3A_1135 = arith.cmpi ne, %sign3A_1127, %sign3A_1134 : i32
      %rem3A_1136 = arith.remsi %add3A_1118, %jit3A_1119 : i32
      %ne3A_1137 = arith.constant 0 : i32
      %ne3A_1138 = arith.cmpi ne, %rem3A_1136, %ne3A_1137 : i32
      %and3A_1139 = arith.andi %ne3A_1135, %ne3A_1138 : i1
      %sub3A_1140 = arith.constant 1 : i32
      %sub3A_1141 = arith.subi %div3A_1120, %sub3A_1140 : i32
      %select_n3A_1142 = arith.select %and3A_1139, %sub3A_1141, %div3A_1120 : i32
      %add3A_1143 = arith.constant 1 : i32
      %add3A_1144 = arith.addi %add3A_1143, %select_n3A_1142 : i32
      %jit3A_1145 = arith.constant 100 : i32
      %eq3A_1146 = arith.constant 0 : i32
      %eq3A_1147 = arith.cmpi eq, %jit3A_1145, %eq3A_1146 : i32
      %jit3A_1148 = arith.constant 1 : i32
      %select_n3A_1149 = arith.select %eq3A_1147, %jit3A_1148, %jit3A_1145 : i32
      %rem3A_1150 = arith.remsi %add3A_1118, %select_n3A_1149 : i32
      %ne3A_1151 = arith.constant 0 : i32
      %ne3A_1152 = arith.cmpi ne, %rem3A_1150, %ne3A_1151 : i32
      %lt3A_1153 = arith.constant 0 : i32
      %lt3A_1154 = arith.cmpi slt, %rem3A_1150, %lt3A_1153 : i32
      %lt3A_1155 = arith.constant 0 : i32
      %lt3A_1156 = arith.cmpi slt, %select_n3A_1149, %lt3A_1155 : i32
      %ne3A_1157 = arith.xori %lt3A_1154, %lt3A_1156 : i1
      %and3A_1158 = arith.andi %ne3A_1157, %ne3A_1152 : i1
      %add3A_1159 = arith.addi %rem3A_1150, %select_n3A_1149 : i32
      %select_n3A_1160 = arith.select %and3A_1158, %add3A_1159, %rem3A_1150 : i32
      %jit3A_1161 = arith.constant 4 : i32
      %div3A_1162 = arith.divsi %select_n3A_1160, %jit3A_1161 : i32
      %sign3A_1163 = arith.constant 0 : i32
      %sign3A_1164 = arith.cmpi sgt, %select_n3A_1160, %sign3A_1163 : i32
      %sign3A_1165 = arith.extui %sign3A_1164 : i1 to i32
      %sign3A_1166 = arith.constant 0 : i32
      %sign3A_1167 = arith.cmpi slt, %select_n3A_1160, %sign3A_1166 : i32
      %sign3A_1168 = arith.extui %sign3A_1167 : i1 to i32
      %sign3A_1169 = arith.subi %sign3A_1165, %sign3A_1168 : i32
      %sign3A_1170 = arith.constant 0 : i32
      %sign3A_1171 = arith.cmpi sgt, %jit3A_1161, %sign3A_1170 : i32
      %sign3A_1172 = arith.extui %sign3A_1171 : i1 to i32
      %sign3A_1173 = arith.constant 0 : i32
      %sign3A_1174 = arith.cmpi slt, %jit3A_1161, %sign3A_1173 : i32
      %sign3A_1175 = arith.extui %sign3A_1174 : i1 to i32
      %sign3A_1176 = arith.subi %sign3A_1172, %sign3A_1175 : i32
      %ne3A_1177 = arith.cmpi ne, %sign3A_1169, %sign3A_1176 : i32
      %rem3A_1178 = arith.remsi %select_n3A_1160, %jit3A_1161 : i32
      %ne3A_1179 = arith.constant 0 : i32
      %ne3A_1180 = arith.cmpi ne, %rem3A_1178, %ne3A_1179 : i32
      %and3A_1181 = arith.andi %ne3A_1177, %ne3A_1180 : i1
      %sub3A_1182 = arith.constant 1 : i32
      %sub3A_1183 = arith.subi %div3A_1162, %sub3A_1182 : i32
      %select_n3A_1184 = arith.select %and3A_1181, %sub3A_1183, %div3A_1162 : i32
      %mul3A_1185 = arith.constant 8 : i32
      %mul3A_1186 = arith.muli %select_n3A_1184, %mul3A_1185 : i32
      %multiple_of3A_1187 = tpu.assume_multiple %mul3A_1186, 8 : i32
      %jit3A_1188 = arith.constant 4 : i32
      %eq3A_1189 = arith.constant 0 : i32
      %eq3A_1190 = arith.cmpi eq, %jit3A_1188, %eq3A_1189 : i32
      %jit3A_1191 = arith.constant 1 : i32
      %select_n3A_1192 = arith.select %eq3A_1190, %jit3A_1191, %jit3A_1188 : i32
      %rem3A_1193 = arith.remsi %select_n3A_1160, %select_n3A_1192 : i32
      %ne3A_1194 = arith.constant 0 : i32
      %ne3A_1195 = arith.cmpi ne, %rem3A_1193, %ne3A_1194 : i32
      %lt3A_1196 = arith.constant 0 : i32
      %lt3A_1197 = arith.cmpi slt, %rem3A_1193, %lt3A_1196 : i32
      %lt3A_1198 = arith.constant 0 : i32
      %lt3A_1199 = arith.cmpi slt, %select_n3A_1192, %lt3A_1198 : i32
      %ne3A_1200 = arith.xori %lt3A_1197, %lt3A_1199 : i1
      %and3A_1201 = arith.andi %ne3A_1200, %ne3A_1195 : i1
      %add3A_1202 = arith.addi %rem3A_1193, %select_n3A_1192 : i32
      %select_n3A_1203 = arith.select %and3A_1201, %add3A_1202, %rem3A_1193 : i32
      %mul3A_1204 = arith.constant 1024 : i32
      %mul3A_1205 = arith.muli %select_n3A_1203, %mul3A_1204 : i32
      %multiple_of3A_1206 = tpu.assume_multiple %mul3A_1205, 1024 : i32
      %add3A_1207 = arith.constant 32 : i32
      %add3A_1208 = arith.addi %add3A_1144, %add3A_1207 : i32
      %sub3A_1209 = arith.constant 1 : i32
      %sub3A_1210 = arith.subi %add3A_1208, %sub3A_1209 : i32
      %dma_start3A_1211 = tpu.memref_slice %arg2[%add3A_1144, %multiple_of3A_1187, %multiple_of3A_1206] : memref<27x200x4096xf32, #tpu.memory_space<hbm>> -> memref<1x8x1024xf32, #tpu.memory_space<hbm>>
      %dma_start3A_1212 = tpu.memref_squeeze %dma_start3A_1211 : memref<1x8x1024xf32, #tpu.memory_space<hbm>> -> memref<8x1024xf32, #tpu.memory_space<hbm>>
      %dma_start3A_1213 = tpu.memref_slice %arg2[%add3A_1144, %multiple_of3A_1187, %multiple_of3A_1206] : memref<27x200x4096xf32, #tpu.memory_space<hbm>> -> memref<1x8x1024xf32, #tpu.memory_space<hbm>>
      %dma_start3A_1214 = tpu.memref_squeeze %dma_start3A_1213 : memref<1x8x1024xf32, #tpu.memory_space<hbm>> -> memref<8x1024xf32, #tpu.memory_space<hbm>>
      tpu.enqueue_dma source(%dma_start3A_1214 : memref<8x1024xf32, #tpu.memory_space<hbm>>) target(%arg17 : memref<8x1024xf32, #tpu.memory_space<vmem>>) target_semaphore(%arg24 : memref<!tpu.dma_semaphore, #tpu.memory_space<semaphore_mem>>)
    } else {
    }
    %gt3A_988 = arith.constant 79 : i32
    %gt3A_989 = arith.cmpi sgt, %sub3A_113, %gt3A_988 : i32
    %convert_element_type3A_990 = arith.extui %gt3A_989 : i1 to i32
    %cond3A_991 = arith.constant 0 : i32
    %cond3A_992 = arith.cmpi ne, %convert_element_type3A_990, %cond3A_991 : i32
    scf.if %cond3A_992 {
      %multiple_of3A_1108 = arith.constant 0 : i32
      %multiple_of3A_1109 = tpu.assume_multiple %multiple_of3A_1108, 8 : i32
      %multiple_of3A_1110 = tpu.assume_multiple %mul3A_34, 1024 : i32
      %dma_wait3A_1111 = arith.constant 0 : i32
      %dma_wait3A_1112 = tpu.memref_slice %arg2[%dma_wait3A_1111, %multiple_of3A_1109, %multiple_of3A_1110] : memref<27x200x4096xf32, #tpu.memory_space<hbm>> -> memref<1x8x1024xf32, #tpu.memory_space<hbm>>
      %dma_wait3A_1113 = tpu.memref_squeeze %dma_wait3A_1112 : memref<1x8x1024xf32, #tpu.memory_space<hbm>> -> memref<8x1024xf32, #tpu.memory_space<hbm>>
      %dma_wait3A_1114 = tpu.memref_slice %arg2[%dma_wait3A_1111, %multiple_of3A_1109, %multiple_of3A_1110] : memref<27x200x4096xf32, #tpu.memory_space<hbm>> -> memref<1x8x1024xf32, #tpu.memory_space<hbm>>
      %dma_wait3A_1115 = tpu.memref_squeeze %dma_wait3A_1114 : memref<1x8x1024xf32, #tpu.memory_space<hbm>> -> memref<8x1024xf32, #tpu.memory_space<hbm>>
      tpu.wait_dma2 semaphore(%arg24 : memref<!tpu.dma_semaphore, #tpu.memory_space<semaphore_mem>>) src(%dma_wait3A_1115 : memref<8x1024xf32, #tpu.memory_space<hbm>>) dst(%arg17 : memref<8x1024xf32, #tpu.memory_space<vmem>>)
      %add3A_1116 = arith.constant 79 : i32
      %add3A_1117 = arith.addi %select_n3A_84, %add3A_1116 : i32
      %jit3A_1118 = arith.constant 100 : i32
      %div3A_1119 = arith.divsi %add3A_1117, %jit3A_1118 : i32
      %sign3A_1120 = arith.constant 0 : i32
      %sign3A_1121 = arith.cmpi sgt, %add3A_1117, %sign3A_1120 : i32
      %sign3A_1122 = arith.extui %sign3A_1121 : i1 to i32
      %sign3A_1123 = arith.constant 0 : i32
      %sign3A_1124 = arith.cmpi slt, %add3A_1117, %sign3A_1123 : i32
      %sign3A_1125 = arith.extui %sign3A_1124 : i1 to i32
      %sign3A_1126 = arith.subi %sign3A_1122, %sign3A_1125 : i32
      %sign3A_1127 = arith.constant 0 : i32
      %sign3A_1128 = arith.cmpi sgt, %jit3A_1118, %sign3A_1127 : i32
      %sign3A_1129 = arith.extui %sign3A_1128 : i1 to i32
      %sign3A_1130 = arith.constant 0 : i32
      %sign3A_1131 = arith.cmpi slt, %jit3A_1118, %sign3A_1130 : i32
      %sign3A_1132 = arith.extui %sign3A_1131 : i1 to i32
      %sign3A_1133 = arith.subi %sign3A_1129, %sign3A_1132 : i32
      %ne3A_1134 = arith.cmpi ne, %sign3A_1126, %sign3A_1133 : i32
      %rem3A_1135 = arith.remsi %add3A_1117, %jit3A_1118 : i32
      %ne3A_1136 = arith.constant 0 : i32
      %ne3A_1137 = arith.cmpi ne, %rem3A_1135, %ne3A_1136 : i32
      %and3A_1138 = arith.andi %ne3A_1134, %ne3A_1137 : i1
      %sub3A_1139 = arith.constant 1 : i32
      %sub3A_1140 = arith.subi %div3A_1119, %sub3A_1139 : i32
      %select_n3A_1141 = arith.select %and3A_1138, %sub3A_1140, %div3A_1119 : i32
      %add3A_1142 = arith.constant 1 : i32
      %add3A_1143 = arith.addi %add3A_1142, %select_n3A_1141 : i32
      %jit3A_1144 = arith.constant 100 : i32
      %eq3A_1145 = arith.constant 0 : i32
      %eq3A_1146 = arith.cmpi eq, %jit3A_1144, %eq3A_1145 : i32
      %jit3A_1147 = arith.constant 1 : i32
      %select_n3A_1148 = arith.select %eq3A_1146, %jit3A_1147, %jit3A_1144 : i32
      %rem3A_1149 = arith.remsi %add3A_1117, %select_n3A_1148 : i32
      %ne3A_1150 = arith.constant 0 : i32
      %ne3A_1151 = arith.cmpi ne, %rem3A_1149, %ne3A_1150 : i32
      %lt3A_1152 = arith.constant 0 : i32
      %lt3A_1153 = arith.cmpi slt, %rem3A_1149, %lt3A_1152 : i32
      %lt3A_1154 = arith.constant 0 : i32
      %lt3A_1155 = arith.cmpi slt, %select_n3A_1148, %lt3A_1154 : i32
      %ne3A_1156 = arith.xori %lt3A_1153, %lt3A_1155 : i1
      %and3A_1157 = arith.andi %ne3A_1156, %ne3A_1151 : i1
      %add3A_1158 = arith.addi %rem3A_1149, %select_n3A_1148 : i32
      %select_n3A_1159 = arith.select %and3A_1157, %add3A_1158, %rem3A_1149 : i32
      %jit3A_1160 = arith.constant 4 : i32
      %div3A_1161 = arith.divsi %select_n3A_1159, %jit3A_1160 : i32
      %sign3A_1162 = arith.constant 0 : i32
      %sign3A_1163 = arith.cmpi sgt, %select_n3A_1159, %sign3A_1162 : i32
      %sign3A_1164 = arith.extui %sign3A_1163 : i1 to i32
      %sign3A_1165 = arith.constant 0 : i32
      %sign3A_1166 = arith.cmpi slt, %select_n3A_1159, %sign3A_1165 : i32
      %sign3A_1167 = arith.extui %sign3A_1166 : i1 to i32
      %sign3A_1168 = arith.subi %sign3A_1164, %sign3A_1167 : i32
      %sign3A_1169 = arith.constant 0 : i32
      %sign3A_1170 = arith.cmpi sgt, %jit3A_1160, %sign3A_1169 : i32
      %sign3A_1171 = arith.extui %sign3A_1170 : i1 to i32
      %sign3A_1172 = arith.constant 0 : i32
      %sign3A_1173 = arith.cmpi slt, %jit3A_1160, %sign3A_1172 : i32
      %sign3A_1174 = arith.extui %sign3A_1173 : i1 to i32
      %sign3A_1175 = arith.subi %sign3A_1171, %sign3A_1174 : i32
      %ne3A_1176 = arith.cmpi ne, %sign3A_1168, %sign3A_1175 : i32
      %rem3A_1177 = arith.remsi %select_n3A_1159, %jit3A_1160 : i32
      %ne3A_1178 = arith.constant 0 : i32
      %ne3A_1179 = arith.cmpi ne, %rem3A_1177, %ne3A_1178 : i32
      %and3A_1180 = arith.andi %ne3A_1176, %ne3A_1179 : i1
      %sub3A_1181 = arith.constant 1 : i32
      %sub3A_1182 = arith.subi %div3A_1161, %sub3A_1181 : i32
      %select_n3A_1183 = arith.select %and3A_1180, %sub3A_1182, %div3A_1161 : i32
      %mul3A_1184 = arith.constant 8 : i32
      %mul3A_1185 = arith.muli %select_n3A_1183, %mul3A_1184 : i32
      %multiple_of3A_1186 = tpu.assume_multiple %mul3A_1185, 8 : i32
      %jit3A_1187 = arith.constant 4 : i32
      %eq3A_1188 = arith.constant 0 : i32
      %eq3A_1189 = arith.cmpi eq, %jit3A_1187, %eq3A_1188 : i32
      %jit3A_1190 = arith.constant 1 : i32
      %select_n3A_1191 = arith.select %eq3A_1189, %jit3A_1190, %jit3A_1187 : i32
      %rem3A_1192 = arith.remsi %select_n3A_1159, %select_n3A_1191 : i32
      %ne3A_1193 = arith.constant 0 : i32
      %ne3A_1194 = arith.cmpi ne, %rem3A_1192, %ne3A_1193 : i32
      %lt3A_1195 = arith.constant 0 : i32
      %lt3A_1196 = arith.cmpi slt, %rem3A_1192, %lt3A_1195 : i32
      %lt3A_1197 = arith.constant 0 : i32
      %lt3A_1198 = arith.cmpi slt, %select_n3A_1191, %lt3A_1197 : i32
      %ne3A_1199 = arith.xori %lt3A_1196, %lt3A_1198 : i1
      %and3A_1200 = arith.andi %ne3A_1199, %ne3A_1194 : i1
      %add3A_1201 = arith.addi %rem3A_1192, %select_n3A_1191 : i32
      %select_n3A_1202 = arith.select %and3A_1200, %add3A_1201, %rem3A_1192 : i32
      %mul3A_1203 = arith.constant 1024 : i32
      %mul3A_1204 = arith.muli %select_n3A_1202, %mul3A_1203 : i32
      %multiple_of3A_1205 = tpu.assume_multiple %mul3A_1204, 1024 : i32
      %add3A_1206 = arith.constant 32 : i32
      %add3A_1207 = arith.addi %add3A_1143, %add3A_1206 : i32
      %sub3A_1208 = arith.constant 1 : i32
      %sub3A_1209 = arith.subi %add3A_1207, %sub3A_1208 : i32
      %dma_start3A_1210 = tpu.memref_slice %arg4[%sub3A_1209, %multiple_of3A_1186, %multiple_of3A_1205] : memref<58x200x4096xf32, #tpu.memory_space<hbm>> -> memref<1x8x1024xf32, #tpu.memory_space<hbm>>
      %dma_start3A_1211 = tpu.memref_squeeze %dma_start3A_1210 : memref<1x8x1024xf32, #tpu.memory_space<hbm>> -> memref<8x1024xf32, #tpu.memory_space<hbm>>
      %dma_start3A_1212 = tpu.memref_slice %arg4[%sub3A_1209, %multiple_of3A_1186, %multiple_of3A_1205] : memref<58x200x4096xf32, #tpu.memory_space<hbm>> -> memref<1x8x1024xf32, #tpu.memory_space<hbm>>
      %dma_start3A_1213 = tpu.memref_squeeze %dma_start3A_1212 : memref<1x8x1024xf32, #tpu.memory_space<hbm>> -> memref<8x1024xf32, #tpu.memory_space<hbm>>
      tpu.enqueue_dma source(%arg17 : memref<8x1024xf32, #tpu.memory_space<vmem>>) target(%dma_start3A_1213 : memref<8x1024xf32, #tpu.memory_space<hbm>>) target_semaphore(%arg26 : memref<!tpu.dma_semaphore, #tpu.memory_space<semaphore_mem>>)
    } else {
    }
    %gt3A_993 = arith.constant 80 : i32
    %gt3A_994 = arith.cmpi sgt, %sub3A_113, %gt3A_993 : i32
    %convert_element_type3A_995 = arith.extui %gt3A_994 : i1 to i32
    %cond3A_996 = arith.constant 0 : i32
    %cond3A_997 = arith.cmpi ne, %convert_element_type3A_995, %cond3A_996 : i32
    scf.if %cond3A_997 {
      %add3A_1108 = arith.constant 0 : i32
      %add3A_1109 = arith.addi %mul3A_18, %add3A_1108 : i32
      %multiple_of3A_1110 = arith.constant 0 : i32
      %multiple_of3A_1111 = tpu.assume_multiple %multiple_of3A_1110, 8 : i32
      %multiple_of3A_1112 = tpu.assume_multiple %mul3A_34, 1024 : i32
      %dma_wait3A_1113 = tpu.memref_slice %arg4[%add3A_1109, %multiple_of3A_1111, %multiple_of3A_1112] : memref<58x200x4096xf32, #tpu.memory_space<hbm>> -> memref<1x8x1024xf32, #tpu.memory_space<hbm>>
      %dma_wait3A_1114 = tpu.memref_squeeze %dma_wait3A_1113 : memref<1x8x1024xf32, #tpu.memory_space<hbm>> -> memref<8x1024xf32, #tpu.memory_space<hbm>>
      %dma_wait3A_1115 = tpu.memref_slice %arg4[%add3A_1109, %multiple_of3A_1111, %multiple_of3A_1112] : memref<58x200x4096xf32, #tpu.memory_space<hbm>> -> memref<1x8x1024xf32, #tpu.memory_space<hbm>>
      %dma_wait3A_1116 = tpu.memref_squeeze %dma_wait3A_1115 : memref<1x8x1024xf32, #tpu.memory_space<hbm>> -> memref<8x1024xf32, #tpu.memory_space<hbm>>
      tpu.wait_dma2 semaphore(%arg25 : memref<!tpu.dma_semaphore, #tpu.memory_space<semaphore_mem>>) src(%arg16 : memref<8x1024xf32, #tpu.memory_space<vmem>>) dst(%dma_wait3A_1116 : memref<8x1024xf32, #tpu.memory_space<hbm>>)
      %add3A_1117 = arith.constant 80 : i32
      %add3A_1118 = arith.addi %select_n3A_84, %add3A_1117 : i32
      %jit3A_1119 = arith.constant 100 : i32
      %div3A_1120 = arith.divsi %add3A_1118, %jit3A_1119 : i32
      %sign3A_1121 = arith.constant 0 : i32
      %sign3A_1122 = arith.cmpi sgt, %add3A_1118, %sign3A_1121 : i32
      %sign3A_1123 = arith.extui %sign3A_1122 : i1 to i32
      %sign3A_1124 = arith.constant 0 : i32
      %sign3A_1125 = arith.cmpi slt, %add3A_1118, %sign3A_1124 : i32
      %sign3A_1126 = arith.extui %sign3A_1125 : i1 to i32
      %sign3A_1127 = arith.subi %sign3A_1123, %sign3A_1126 : i32
      %sign3A_1128 = arith.constant 0 : i32
      %sign3A_1129 = arith.cmpi sgt, %jit3A_1119, %sign3A_1128 : i32
      %sign3A_1130 = arith.extui %sign3A_1129 : i1 to i32
      %sign3A_1131 = arith.constant 0 : i32
      %sign3A_1132 = arith.cmpi slt, %jit3A_1119, %sign3A_1131 : i32
      %sign3A_1133 = arith.extui %sign3A_1132 : i1 to i32
      %sign3A_1134 = arith.subi %sign3A_1130, %sign3A_1133 : i32
      %ne3A_1135 = arith.cmpi ne, %sign3A_1127, %sign3A_1134 : i32
      %rem3A_1136 = arith.remsi %add3A_1118, %jit3A_1119 : i32
      %ne3A_1137 = arith.constant 0 : i32
      %ne3A_1138 = arith.cmpi ne, %rem3A_1136, %ne3A_1137 : i32
      %and3A_1139 = arith.andi %ne3A_1135, %ne3A_1138 : i1
      %sub3A_1140 = arith.constant 1 : i32
      %sub3A_1141 = arith.subi %div3A_1120, %sub3A_1140 : i32
      %select_n3A_1142 = arith.select %and3A_1139, %sub3A_1141, %div3A_1120 : i32
      %add3A_1143 = arith.constant 1 : i32
      %add3A_1144 = arith.addi %add3A_1143, %select_n3A_1142 : i32
      %jit3A_1145 = arith.constant 100 : i32
      %eq3A_1146 = arith.constant 0 : i32
      %eq3A_1147 = arith.cmpi eq, %jit3A_1145, %eq3A_1146 : i32
      %jit3A_1148 = arith.constant 1 : i32
      %select_n3A_1149 = arith.select %eq3A_1147, %jit3A_1148, %jit3A_1145 : i32
      %rem3A_1150 = arith.remsi %add3A_1118, %select_n3A_1149 : i32
      %ne3A_1151 = arith.constant 0 : i32
      %ne3A_1152 = arith.cmpi ne, %rem3A_1150, %ne3A_1151 : i32
      %lt3A_1153 = arith.constant 0 : i32
      %lt3A_1154 = arith.cmpi slt, %rem3A_1150, %lt3A_1153 : i32
      %lt3A_1155 = arith.constant 0 : i32
      %lt3A_1156 = arith.cmpi slt, %select_n3A_1149, %lt3A_1155 : i32
      %ne3A_1157 = arith.xori %lt3A_1154, %lt3A_1156 : i1
      %and3A_1158 = arith.andi %ne3A_1157, %ne3A_1152 : i1
      %add3A_1159 = arith.addi %rem3A_1150, %select_n3A_1149 : i32
      %select_n3A_1160 = arith.select %and3A_1158, %add3A_1159, %rem3A_1150 : i32
      %jit3A_1161 = arith.constant 4 : i32
      %div3A_1162 = arith.divsi %select_n3A_1160, %jit3A_1161 : i32
      %sign3A_1163 = arith.constant 0 : i32
      %sign3A_1164 = arith.cmpi sgt, %select_n3A_1160, %sign3A_1163 : i32
      %sign3A_1165 = arith.extui %sign3A_1164 : i1 to i32
      %sign3A_1166 = arith.constant 0 : i32
      %sign3A_1167 = arith.cmpi slt, %select_n3A_1160, %sign3A_1166 : i32
      %sign3A_1168 = arith.extui %sign3A_1167 : i1 to i32
      %sign3A_1169 = arith.subi %sign3A_1165, %sign3A_1168 : i32
      %sign3A_1170 = arith.constant 0 : i32
      %sign3A_1171 = arith.cmpi sgt, %jit3A_1161, %sign3A_1170 : i32
      %sign3A_1172 = arith.extui %sign3A_1171 : i1 to i32
      %sign3A_1173 = arith.constant 0 : i32
      %sign3A_1174 = arith.cmpi slt, %jit3A_1161, %sign3A_1173 : i32
      %sign3A_1175 = arith.extui %sign3A_1174 : i1 to i32
      %sign3A_1176 = arith.subi %sign3A_1172, %sign3A_1175 : i32
      %ne3A_1177 = arith.cmpi ne, %sign3A_1169, %sign3A_1176 : i32
      %rem3A_1178 = arith.remsi %select_n3A_1160, %jit3A_1161 : i32
      %ne3A_1179 = arith.constant 0 : i32
      %ne3A_1180 = arith.cmpi ne, %rem3A_1178, %ne3A_1179 : i32
      %and3A_1181 = arith.andi %ne3A_1177, %ne3A_1180 : i1
      %sub3A_1182 = arith.constant 1 : i32
      %sub3A_1183 = arith.subi %div3A_1162, %sub3A_1182 : i32
      %select_n3A_1184 = arith.select %and3A_1181, %sub3A_1183, %div3A_1162 : i32
      %mul3A_1185 = arith.constant 8 : i32
      %mul3A_1186 = arith.muli %select_n3A_1184, %mul3A_1185 : i32
      %multiple_of3A_1187 = tpu.assume_multiple %mul3A_1186, 8 : i32
      %jit3A_1188 = arith.constant 4 : i32
      %eq3A_1189 = arith.constant 0 : i32
      %eq3A_1190 = arith.cmpi eq, %jit3A_1188, %eq3A_1189 : i32
      %jit3A_1191 = arith.constant 1 : i32
      %select_n3A_1192 = arith.select %eq3A_1190, %jit3A_1191, %jit3A_1188 : i32
      %rem3A_1193 = arith.remsi %select_n3A_1160, %select_n3A_1192 : i32
      %ne3A_1194 = arith.constant 0 : i32
      %ne3A_1195 = arith.cmpi ne, %rem3A_1193, %ne3A_1194 : i32
      %lt3A_1196 = arith.constant 0 : i32
      %lt3A_1197 = arith.cmpi slt, %rem3A_1193, %lt3A_1196 : i32
      %lt3A_1198 = arith.constant 0 : i32
      %lt3A_1199 = arith.cmpi slt, %select_n3A_1192, %lt3A_1198 : i32
      %ne3A_1200 = arith.xori %lt3A_1197, %lt3A_1199 : i1
      %and3A_1201 = arith.andi %ne3A_1200, %ne3A_1195 : i1
      %add3A_1202 = arith.addi %rem3A_1193, %select_n3A_1192 : i32
      %select_n3A_1203 = arith.select %and3A_1201, %add3A_1202, %rem3A_1193 : i32
      %mul3A_1204 = arith.constant 1024 : i32
      %mul3A_1205 = arith.muli %select_n3A_1203, %mul3A_1204 : i32
      %multiple_of3A_1206 = tpu.assume_multiple %mul3A_1205, 1024 : i32
      %add3A_1207 = arith.constant 32 : i32
      %add3A_1208 = arith.addi %add3A_1144, %add3A_1207 : i32
      %sub3A_1209 = arith.constant 1 : i32
      %sub3A_1210 = arith.subi %add3A_1208, %sub3A_1209 : i32
      %dma_start3A_1211 = tpu.memref_slice %arg2[%add3A_1144, %multiple_of3A_1187, %multiple_of3A_1206] : memref<27x200x4096xf32, #tpu.memory_space<hbm>> -> memref<1x8x1024xf32, #tpu.memory_space<hbm>>
      %dma_start3A_1212 = tpu.memref_squeeze %dma_start3A_1211 : memref<1x8x1024xf32, #tpu.memory_space<hbm>> -> memref<8x1024xf32, #tpu.memory_space<hbm>>
      %dma_start3A_1213 = tpu.memref_slice %arg2[%add3A_1144, %multiple_of3A_1187, %multiple_of3A_1206] : memref<27x200x4096xf32, #tpu.memory_space<hbm>> -> memref<1x8x1024xf32, #tpu.memory_space<hbm>>
      %dma_start3A_1214 = tpu.memref_squeeze %dma_start3A_1213 : memref<1x8x1024xf32, #tpu.memory_space<hbm>> -> memref<8x1024xf32, #tpu.memory_space<hbm>>
      tpu.enqueue_dma source(%dma_start3A_1214 : memref<8x1024xf32, #tpu.memory_space<hbm>>) target(%arg16 : memref<8x1024xf32, #tpu.memory_space<vmem>>) target_semaphore(%arg23 : memref<!tpu.dma_semaphore, #tpu.memory_space<semaphore_mem>>)
    } else {
    }
    %gt3A_998 = arith.constant 80 : i32
    %gt3A_999 = arith.cmpi sgt, %sub3A_113, %gt3A_998 : i32
    %convert_element_type3A_1000 = arith.extui %gt3A_999 : i1 to i32
    %cond3A_1001 = arith.constant 0 : i32
    %cond3A_1002 = arith.cmpi ne, %convert_element_type3A_1000, %cond3A_1001 : i32
    scf.if %cond3A_1002 {
      %multiple_of3A_1108 = arith.constant 0 : i32
      %multiple_of3A_1109 = tpu.assume_multiple %multiple_of3A_1108, 8 : i32
      %multiple_of3A_1110 = tpu.assume_multiple %mul3A_34, 1024 : i32
      %dma_wait3A_1111 = arith.constant 0 : i32
      %dma_wait3A_1112 = tpu.memref_slice %arg2[%dma_wait3A_1111, %multiple_of3A_1109, %multiple_of3A_1110] : memref<27x200x4096xf32, #tpu.memory_space<hbm>> -> memref<1x8x1024xf32, #tpu.memory_space<hbm>>
      %dma_wait3A_1113 = tpu.memref_squeeze %dma_wait3A_1112 : memref<1x8x1024xf32, #tpu.memory_space<hbm>> -> memref<8x1024xf32, #tpu.memory_space<hbm>>
      %dma_wait3A_1114 = tpu.memref_slice %arg2[%dma_wait3A_1111, %multiple_of3A_1109, %multiple_of3A_1110] : memref<27x200x4096xf32, #tpu.memory_space<hbm>> -> memref<1x8x1024xf32, #tpu.memory_space<hbm>>
      %dma_wait3A_1115 = tpu.memref_squeeze %dma_wait3A_1114 : memref<1x8x1024xf32, #tpu.memory_space<hbm>> -> memref<8x1024xf32, #tpu.memory_space<hbm>>
      tpu.wait_dma2 semaphore(%arg23 : memref<!tpu.dma_semaphore, #tpu.memory_space<semaphore_mem>>) src(%dma_wait3A_1115 : memref<8x1024xf32, #tpu.memory_space<hbm>>) dst(%arg16 : memref<8x1024xf32, #tpu.memory_space<vmem>>)
      %add3A_1116 = arith.constant 80 : i32
      %add3A_1117 = arith.addi %select_n3A_84, %add3A_1116 : i32
      %jit3A_1118 = arith.constant 100 : i32
      %div3A_1119 = arith.divsi %add3A_1117, %jit3A_1118 : i32
      %sign3A_1120 = arith.constant 0 : i32
      %sign3A_1121 = arith.cmpi sgt, %add3A_1117, %sign3A_1120 : i32
      %sign3A_1122 = arith.extui %sign3A_1121 : i1 to i32
      %sign3A_1123 = arith.constant 0 : i32
      %sign3A_1124 = arith.cmpi slt, %add3A_1117, %sign3A_1123 : i32
      %sign3A_1125 = arith.extui %sign3A_1124 : i1 to i32
      %sign3A_1126 = arith.subi %sign3A_1122, %sign3A_1125 : i32
      %sign3A_1127 = arith.constant 0 : i32
      %sign3A_1128 = arith.cmpi sgt, %jit3A_1118, %sign3A_1127 : i32
      %sign3A_1129 = arith.extui %sign3A_1128 : i1 to i32
      %sign3A_1130 = arith.constant 0 : i32
      %sign3A_1131 = arith.cmpi slt, %jit3A_1118, %sign3A_1130 : i32
      %sign3A_1132 = arith.extui %sign3A_1131 : i1 to i32
      %sign3A_1133 = arith.subi %sign3A_1129, %sign3A_1132 : i32
      %ne3A_1134 = arith.cmpi ne, %sign3A_1126, %sign3A_1133 : i32
      %rem3A_1135 = arith.remsi %add3A_1117, %jit3A_1118 : i32
      %ne3A_1136 = arith.constant 0 : i32
      %ne3A_1137 = arith.cmpi ne, %rem3A_1135, %ne3A_1136 : i32
      %and3A_1138 = arith.andi %ne3A_1134, %ne3A_1137 : i1
      %sub3A_1139 = arith.constant 1 : i32
      %sub3A_1140 = arith.subi %div3A_1119, %sub3A_1139 : i32
      %select_n3A_1141 = arith.select %and3A_1138, %sub3A_1140, %div3A_1119 : i32
      %add3A_1142 = arith.constant 1 : i32
      %add3A_1143 = arith.addi %add3A_1142, %select_n3A_1141 : i32
      %jit3A_1144 = arith.constant 100 : i32
      %eq3A_1145 = arith.constant 0 : i32
      %eq3A_1146 = arith.cmpi eq, %jit3A_1144, %eq3A_1145 : i32
      %jit3A_1147 = arith.constant 1 : i32
      %select_n3A_1148 = arith.select %eq3A_1146, %jit3A_1147, %jit3A_1144 : i32
      %rem3A_1149 = arith.remsi %add3A_1117, %select_n3A_1148 : i32
      %ne3A_1150 = arith.constant 0 : i32
      %ne3A_1151 = arith.cmpi ne, %rem3A_1149, %ne3A_1150 : i32
      %lt3A_1152 = arith.constant 0 : i32
      %lt3A_1153 = arith.cmpi slt, %rem3A_1149, %lt3A_1152 : i32
      %lt3A_1154 = arith.constant 0 : i32
      %lt3A_1155 = arith.cmpi slt, %select_n3A_1148, %lt3A_1154 : i32
      %ne3A_1156 = arith.xori %lt3A_1153, %lt3A_1155 : i1
      %and3A_1157 = arith.andi %ne3A_1156, %ne3A_1151 : i1
      %add3A_1158 = arith.addi %rem3A_1149, %select_n3A_1148 : i32
      %select_n3A_1159 = arith.select %and3A_1157, %add3A_1158, %rem3A_1149 : i32
      %jit3A_1160 = arith.constant 4 : i32
      %div3A_1161 = arith.divsi %select_n3A_1159, %jit3A_1160 : i32
      %sign3A_1162 = arith.constant 0 : i32
      %sign3A_1163 = arith.cmpi sgt, %select_n3A_1159, %sign3A_1162 : i32
      %sign3A_1164 = arith.extui %sign3A_1163 : i1 to i32
      %sign3A_1165 = arith.constant 0 : i32
      %sign3A_1166 = arith.cmpi slt, %select_n3A_1159, %sign3A_1165 : i32
      %sign3A_1167 = arith.extui %sign3A_1166 : i1 to i32
      %sign3A_1168 = arith.subi %sign3A_1164, %sign3A_1167 : i32
      %sign3A_1169 = arith.constant 0 : i32
      %sign3A_1170 = arith.cmpi sgt, %jit3A_1160, %sign3A_1169 : i32
      %sign3A_1171 = arith.extui %sign3A_1170 : i1 to i32
      %sign3A_1172 = arith.constant 0 : i32
      %sign3A_1173 = arith.cmpi slt, %jit3A_1160, %sign3A_1172 : i32
      %sign3A_1174 = arith.extui %sign3A_1173 : i1 to i32
      %sign3A_1175 = arith.subi %sign3A_1171, %sign3A_1174 : i32
      %ne3A_1176 = arith.cmpi ne, %sign3A_1168, %sign3A_1175 : i32
      %rem3A_1177 = arith.remsi %select_n3A_1159, %jit3A_1160 : i32
      %ne3A_1178 = arith.constant 0 : i32
      %ne3A_1179 = arith.cmpi ne, %rem3A_1177, %ne3A_1178 : i32
      %and3A_1180 = arith.andi %ne3A_1176, %ne3A_1179 : i1
      %sub3A_1181 = arith.constant 1 : i32
      %sub3A_1182 = arith.subi %div3A_1161, %sub3A_1181 : i32
      %select_n3A_1183 = arith.select %and3A_1180, %sub3A_1182, %div3A_1161 : i32
      %mul3A_1184 = arith.constant 8 : i32
      %mul3A_1185 = arith.muli %select_n3A_1183, %mul3A_1184 : i32
      %multiple_of3A_1186 = tpu.assume_multiple %mul3A_1185, 8 : i32
      %jit3A_1187 = arith.constant 4 : i32
      %eq3A_1188 = arith.constant 0 : i32
      %eq3A_1189 = arith.cmpi eq, %jit3A_1187, %eq3A_1188 : i32
      %jit3A_1190 = arith.constant 1 : i32
      %select_n3A_1191 = arith.select %eq3A_1189, %jit3A_1190, %jit3A_1187 : i32
      %rem3A_1192 = arith.remsi %select_n3A_1159, %select_n3A_1191 : i32
      %ne3A_1193 = arith.constant 0 : i32
      %ne3A_1194 = arith.cmpi ne, %rem3A_1192, %ne3A_1193 : i32
      %lt3A_1195 = arith.constant 0 : i32
      %lt3A_1196 = arith.cmpi slt, %rem3A_1192, %lt3A_1195 : i32
      %lt3A_1197 = arith.constant 0 : i32
      %lt3A_1198 = arith.cmpi slt, %select_n3A_1191, %lt3A_1197 : i32
      %ne3A_1199 = arith.xori %lt3A_1196, %lt3A_1198 : i1
      %and3A_1200 = arith.andi %ne3A_1199, %ne3A_1194 : i1
      %add3A_1201 = arith.addi %rem3A_1192, %select_n3A_1191 : i32
      %select_n3A_1202 = arith.select %and3A_1200, %add3A_1201, %rem3A_1192 : i32
      %mul3A_1203 = arith.constant 1024 : i32
      %mul3A_1204 = arith.muli %select_n3A_1202, %mul3A_1203 : i32
      %multiple_of3A_1205 = tpu.assume_multiple %mul3A_1204, 1024 : i32
      %add3A_1206 = arith.constant 32 : i32
      %add3A_1207 = arith.addi %add3A_1143, %add3A_1206 : i32
      %sub3A_1208 = arith.constant 1 : i32
      %sub3A_1209 = arith.subi %add3A_1207, %sub3A_1208 : i32
      %dma_start3A_1210 = tpu.memref_slice %arg4[%sub3A_1209, %multiple_of3A_1186, %multiple_of3A_1205] : memref<58x200x4096xf32, #tpu.memory_space<hbm>> -> memref<1x8x1024xf32, #tpu.memory_space<hbm>>
      %dma_start3A_1211 = tpu.memref_squeeze %dma_start3A_1210 : memref<1x8x1024xf32, #tpu.memory_space<hbm>> -> memref<8x1024xf32, #tpu.memory_space<hbm>>
      %dma_start3A_1212 = tpu.memref_slice %arg4[%sub3A_1209, %multiple_of3A_1186, %multiple_of3A_1205] : memref<58x200x4096xf32, #tpu.memory_space<hbm>> -> memref<1x8x1024xf32, #tpu.memory_space<hbm>>
      %dma_start3A_1213 = tpu.memref_squeeze %dma_start3A_1212 : memref<1x8x1024xf32, #tpu.memory_space<hbm>> -> memref<8x1024xf32, #tpu.memory_space<hbm>>
      tpu.enqueue_dma source(%arg16 : memref<8x1024xf32, #tpu.memory_space<vmem>>) target(%dma_start3A_1213 : memref<8x1024xf32, #tpu.memory_space<hbm>>) target_semaphore(%arg25 : memref<!tpu.dma_semaphore, #tpu.memory_space<semaphore_mem>>)
    } else {
    }
    %gt3A_1003 = arith.constant 81 : i32
    %gt3A_1004 = arith.cmpi sgt, %sub3A_113, %gt3A_1003 : i32
    %convert_element_type3A_1005 = arith.extui %gt3A_1004 : i1 to i32
    %cond3A_1006 = arith.constant 0 : i32
    %cond3A_1007 = arith.cmpi ne, %convert_element_type3A_1005, %cond3A_1006 : i32
    scf.if %cond3A_1007 {
      %add3A_1108 = arith.constant 0 : i32
      %add3A_1109 = arith.addi %mul3A_18, %add3A_1108 : i32
      %multiple_of3A_1110 = arith.constant 0 : i32
      %multiple_of3A_1111 = tpu.assume_multiple %multiple_of3A_1110, 8 : i32
      %multiple_of3A_1112 = tpu.assume_multiple %mul3A_34, 1024 : i32
      %dma_wait3A_1113 = tpu.memref_slice %arg4[%add3A_1109, %multiple_of3A_1111, %multiple_of3A_1112] : memref<58x200x4096xf32, #tpu.memory_space<hbm>> -> memref<1x8x1024xf32, #tpu.memory_space<hbm>>
      %dma_wait3A_1114 = tpu.memref_squeeze %dma_wait3A_1113 : memref<1x8x1024xf32, #tpu.memory_space<hbm>> -> memref<8x1024xf32, #tpu.memory_space<hbm>>
      %dma_wait3A_1115 = tpu.memref_slice %arg4[%add3A_1109, %multiple_of3A_1111, %multiple_of3A_1112] : memref<58x200x4096xf32, #tpu.memory_space<hbm>> -> memref<1x8x1024xf32, #tpu.memory_space<hbm>>
      %dma_wait3A_1116 = tpu.memref_squeeze %dma_wait3A_1115 : memref<1x8x1024xf32, #tpu.memory_space<hbm>> -> memref<8x1024xf32, #tpu.memory_space<hbm>>
      tpu.wait_dma2 semaphore(%arg26 : memref<!tpu.dma_semaphore, #tpu.memory_space<semaphore_mem>>) src(%arg17 : memref<8x1024xf32, #tpu.memory_space<vmem>>) dst(%dma_wait3A_1116 : memref<8x1024xf32, #tpu.memory_space<hbm>>)
      %add3A_1117 = arith.constant 81 : i32
      %add3A_1118 = arith.addi %select_n3A_84, %add3A_1117 : i32
      %jit3A_1119 = arith.constant 100 : i32
      %div3A_1120 = arith.divsi %add3A_1118, %jit3A_1119 : i32
      %sign3A_1121 = arith.constant 0 : i32
      %sign3A_1122 = arith.cmpi sgt, %add3A_1118, %sign3A_1121 : i32
      %sign3A_1123 = arith.extui %sign3A_1122 : i1 to i32
      %sign3A_1124 = arith.constant 0 : i32
      %sign3A_1125 = arith.cmpi slt, %add3A_1118, %sign3A_1124 : i32
      %sign3A_1126 = arith.extui %sign3A_1125 : i1 to i32
      %sign3A_1127 = arith.subi %sign3A_1123, %sign3A_1126 : i32
      %sign3A_1128 = arith.constant 0 : i32
      %sign3A_1129 = arith.cmpi sgt, %jit3A_1119, %sign3A_1128 : i32
      %sign3A_1130 = arith.extui %sign3A_1129 : i1 to i32
      %sign3A_1131 = arith.constant 0 : i32
      %sign3A_1132 = arith.cmpi slt, %jit3A_1119, %sign3A_1131 : i32
      %sign3A_1133 = arith.extui %sign3A_1132 : i1 to i32
      %sign3A_1134 = arith.subi %sign3A_1130, %sign3A_1133 : i32
      %ne3A_1135 = arith.cmpi ne, %sign3A_1127, %sign3A_1134 : i32
      %rem3A_1136 = arith.remsi %add3A_1118, %jit3A_1119 : i32
      %ne3A_1137 = arith.constant 0 : i32
      %ne3A_1138 = arith.cmpi ne, %rem3A_1136, %ne3A_1137 : i32
      %and3A_1139 = arith.andi %ne3A_1135, %ne3A_1138 : i1
      %sub3A_1140 = arith.constant 1 : i32
      %sub3A_1141 = arith.subi %div3A_1120, %sub3A_1140 : i32
      %select_n3A_1142 = arith.select %and3A_1139, %sub3A_1141, %div3A_1120 : i32
      %add3A_1143 = arith.constant 1 : i32
      %add3A_1144 = arith.addi %add3A_1143, %select_n3A_1142 : i32
      %jit3A_1145 = arith.constant 100 : i32
      %eq3A_1146 = arith.constant 0 : i32
      %eq3A_1147 = arith.cmpi eq, %jit3A_1145, %eq3A_1146 : i32
      %jit3A_1148 = arith.constant 1 : i32
      %select_n3A_1149 = arith.select %eq3A_1147, %jit3A_1148, %jit3A_1145 : i32
      %rem3A_1150 = arith.remsi %add3A_1118, %select_n3A_1149 : i32
      %ne3A_1151 = arith.constant 0 : i32
      %ne3A_1152 = arith.cmpi ne, %rem3A_1150, %ne3A_1151 : i32
      %lt3A_1153 = arith.constant 0 : i32
      %lt3A_1154 = arith.cmpi slt, %rem3A_1150, %lt3A_1153 : i32
      %lt3A_1155 = arith.constant 0 : i32
      %lt3A_1156 = arith.cmpi slt, %select_n3A_1149, %lt3A_1155 : i32
      %ne3A_1157 = arith.xori %lt3A_1154, %lt3A_1156 : i1
      %and3A_1158 = arith.andi %ne3A_1157, %ne3A_1152 : i1
      %add3A_1159 = arith.addi %rem3A_1150, %select_n3A_1149 : i32
      %select_n3A_1160 = arith.select %and3A_1158, %add3A_1159, %rem3A_1150 : i32
      %jit3A_1161 = arith.constant 4 : i32
      %div3A_1162 = arith.divsi %select_n3A_1160, %jit3A_1161 : i32
      %sign3A_1163 = arith.constant 0 : i32
      %sign3A_1164 = arith.cmpi sgt, %select_n3A_1160, %sign3A_1163 : i32
      %sign3A_1165 = arith.extui %sign3A_1164 : i1 to i32
      %sign3A_1166 = arith.constant 0 : i32
      %sign3A_1167 = arith.cmpi slt, %select_n3A_1160, %sign3A_1166 : i32
      %sign3A_1168 = arith.extui %sign3A_1167 : i1 to i32
      %sign3A_1169 = arith.subi %sign3A_1165, %sign3A_1168 : i32
      %sign3A_1170 = arith.constant 0 : i32
      %sign3A_1171 = arith.cmpi sgt, %jit3A_1161, %sign3A_1170 : i32
      %sign3A_1172 = arith.extui %sign3A_1171 : i1 to i32
      %sign3A_1173 = arith.constant 0 : i32
      %sign3A_1174 = arith.cmpi slt, %jit3A_1161, %sign3A_1173 : i32
      %sign3A_1175 = arith.extui %sign3A_1174 : i1 to i32
      %sign3A_1176 = arith.subi %sign3A_1172, %sign3A_1175 : i32
      %ne3A_1177 = arith.cmpi ne, %sign3A_1169, %sign3A_1176 : i32
      %rem3A_1178 = arith.remsi %select_n3A_1160, %jit3A_1161 : i32
      %ne3A_1179 = arith.constant 0 : i32
      %ne3A_1180 = arith.cmpi ne, %rem3A_1178, %ne3A_1179 : i32
      %and3A_1181 = arith.andi %ne3A_1177, %ne3A_1180 : i1
      %sub3A_1182 = arith.constant 1 : i32
      %sub3A_1183 = arith.subi %div3A_1162, %sub3A_1182 : i32
      %select_n3A_1184 = arith.select %and3A_1181, %sub3A_1183, %div3A_1162 : i32
      %mul3A_1185 = arith.constant 8 : i32
      %mul3A_1186 = arith.muli %select_n3A_1184, %mul3A_1185 : i32
      %multiple_of3A_1187 = tpu.assume_multiple %mul3A_1186, 8 : i32
      %jit3A_1188 = arith.constant 4 : i32
      %eq3A_1189 = arith.constant 0 : i32
      %eq3A_1190 = arith.cmpi eq, %jit3A_1188, %eq3A_1189 : i32
      %jit3A_1191 = arith.constant 1 : i32
      %select_n3A_1192 = arith.select %eq3A_1190, %jit3A_1191, %jit3A_1188 : i32
      %rem3A_1193 = arith.remsi %select_n3A_1160, %select_n3A_1192 : i32
      %ne3A_1194 = arith.constant 0 : i32
      %ne3A_1195 = arith.cmpi ne, %rem3A_1193, %ne3A_1194 : i32
      %lt3A_1196 = arith.constant 0 : i32
      %lt3A_1197 = arith.cmpi slt, %rem3A_1193, %lt3A_1196 : i32
      %lt3A_1198 = arith.constant 0 : i32
      %lt3A_1199 = arith.cmpi slt, %select_n3A_1192, %lt3A_1198 : i32
      %ne3A_1200 = arith.xori %lt3A_1197, %lt3A_1199 : i1
      %and3A_1201 = arith.andi %ne3A_1200, %ne3A_1195 : i1
      %add3A_1202 = arith.addi %rem3A_1193, %select_n3A_1192 : i32
      %select_n3A_1203 = arith.select %and3A_1201, %add3A_1202, %rem3A_1193 : i32
      %mul3A_1204 = arith.constant 1024 : i32
      %mul3A_1205 = arith.muli %select_n3A_1203, %mul3A_1204 : i32
      %multiple_of3A_1206 = tpu.assume_multiple %mul3A_1205, 1024 : i32
      %add3A_1207 = arith.constant 32 : i32
      %add3A_1208 = arith.addi %add3A_1144, %add3A_1207 : i32
      %sub3A_1209 = arith.constant 1 : i32
      %sub3A_1210 = arith.subi %add3A_1208, %sub3A_1209 : i32
      %dma_start3A_1211 = tpu.memref_slice %arg2[%add3A_1144, %multiple_of3A_1187, %multiple_of3A_1206] : memref<27x200x4096xf32, #tpu.memory_space<hbm>> -> memref<1x8x1024xf32, #tpu.memory_space<hbm>>
      %dma_start3A_1212 = tpu.memref_squeeze %dma_start3A_1211 : memref<1x8x1024xf32, #tpu.memory_space<hbm>> -> memref<8x1024xf32, #tpu.memory_space<hbm>>
      %dma_start3A_1213 = tpu.memref_slice %arg2[%add3A_1144, %multiple_of3A_1187, %multiple_of3A_1206] : memref<27x200x4096xf32, #tpu.memory_space<hbm>> -> memref<1x8x1024xf32, #tpu.memory_space<hbm>>
      %dma_start3A_1214 = tpu.memref_squeeze %dma_start3A_1213 : memref<1x8x1024xf32, #tpu.memory_space<hbm>> -> memref<8x1024xf32, #tpu.memory_space<hbm>>
      tpu.enqueue_dma source(%dma_start3A_1214 : memref<8x1024xf32, #tpu.memory_space<hbm>>) target(%arg17 : memref<8x1024xf32, #tpu.memory_space<vmem>>) target_semaphore(%arg24 : memref<!tpu.dma_semaphore, #tpu.memory_space<semaphore_mem>>)
    } else {
    }
    %gt3A_1008 = arith.constant 81 : i32
    %gt3A_1009 = arith.cmpi sgt, %sub3A_113, %gt3A_1008 : i32
    %convert_element_type3A_1010 = arith.extui %gt3A_1009 : i1 to i32
    %cond3A_1011 = arith.constant 0 : i32
    %cond3A_1012 = arith.cmpi ne, %convert_element_type3A_1010, %cond3A_1011 : i32
    scf.if %cond3A_1012 {
      %multiple_of3A_1108 = arith.constant 0 : i32
      %multiple_of3A_1109 = tpu.assume_multiple %multiple_of3A_1108, 8 : i32
      %multiple_of3A_1110 = tpu.assume_multiple %mul3A_34, 1024 : i32
      %dma_wait3A_1111 = arith.constant 0 : i32
      %dma_wait3A_1112 = tpu.memref_slice %arg2[%dma_wait3A_1111, %multiple_of3A_1109, %multiple_of3A_1110] : memref<27x200x4096xf32, #tpu.memory_space<hbm>> -> memref<1x8x1024xf32, #tpu.memory_space<hbm>>
      %dma_wait3A_1113 = tpu.memref_squeeze %dma_wait3A_1112 : memref<1x8x1024xf32, #tpu.memory_space<hbm>> -> memref<8x1024xf32, #tpu.memory_space<hbm>>
      %dma_wait3A_1114 = tpu.memref_slice %arg2[%dma_wait3A_1111, %multiple_of3A_1109, %multiple_of3A_1110] : memref<27x200x4096xf32, #tpu.memory_space<hbm>> -> memref<1x8x1024xf32, #tpu.memory_space<hbm>>
      %dma_wait3A_1115 = tpu.memref_squeeze %dma_wait3A_1114 : memref<1x8x1024xf32, #tpu.memory_space<hbm>> -> memref<8x1024xf32, #tpu.memory_space<hbm>>
      tpu.wait_dma2 semaphore(%arg24 : memref<!tpu.dma_semaphore, #tpu.memory_space<semaphore_mem>>) src(%dma_wait3A_1115 : memref<8x1024xf32, #tpu.memory_space<hbm>>) dst(%arg17 : memref<8x1024xf32, #tpu.memory_space<vmem>>)
      %add3A_1116 = arith.constant 81 : i32
      %add3A_1117 = arith.addi %select_n3A_84, %add3A_1116 : i32
      %jit3A_1118 = arith.constant 100 : i32
      %div3A_1119 = arith.divsi %add3A_1117, %jit3A_1118 : i32
      %sign3A_1120 = arith.constant 0 : i32
      %sign3A_1121 = arith.cmpi sgt, %add3A_1117, %sign3A_1120 : i32
      %sign3A_1122 = arith.extui %sign3A_1121 : i1 to i32
      %sign3A_1123 = arith.constant 0 : i32
      %sign3A_1124 = arith.cmpi slt, %add3A_1117, %sign3A_1123 : i32
      %sign3A_1125 = arith.extui %sign3A_1124 : i1 to i32
      %sign3A_1126 = arith.subi %sign3A_1122, %sign3A_1125 : i32
      %sign3A_1127 = arith.constant 0 : i32
      %sign3A_1128 = arith.cmpi sgt, %jit3A_1118, %sign3A_1127 : i32
      %sign3A_1129 = arith.extui %sign3A_1128 : i1 to i32
      %sign3A_1130 = arith.constant 0 : i32
      %sign3A_1131 = arith.cmpi slt, %jit3A_1118, %sign3A_1130 : i32
      %sign3A_1132 = arith.extui %sign3A_1131 : i1 to i32
      %sign3A_1133 = arith.subi %sign3A_1129, %sign3A_1132 : i32
      %ne3A_1134 = arith.cmpi ne, %sign3A_1126, %sign3A_1133 : i32
      %rem3A_1135 = arith.remsi %add3A_1117, %jit3A_1118 : i32
      %ne3A_1136 = arith.constant 0 : i32
      %ne3A_1137 = arith.cmpi ne, %rem3A_1135, %ne3A_1136 : i32
      %and3A_1138 = arith.andi %ne3A_1134, %ne3A_1137 : i1
      %sub3A_1139 = arith.constant 1 : i32
      %sub3A_1140 = arith.subi %div3A_1119, %sub3A_1139 : i32
      %select_n3A_1141 = arith.select %and3A_1138, %sub3A_1140, %div3A_1119 : i32
      %add3A_1142 = arith.constant 1 : i32
      %add3A_1143 = arith.addi %add3A_1142, %select_n3A_1141 : i32
      %jit3A_1144 = arith.constant 100 : i32
      %eq3A_1145 = arith.constant 0 : i32
      %eq3A_1146 = arith.cmpi eq, %jit3A_1144, %eq3A_1145 : i32
      %jit3A_1147 = arith.constant 1 : i32
      %select_n3A_1148 = arith.select %eq3A_1146, %jit3A_1147, %jit3A_1144 : i32
      %rem3A_1149 = arith.remsi %add3A_1117, %select_n3A_1148 : i32
      %ne3A_1150 = arith.constant 0 : i32
      %ne3A_1151 = arith.cmpi ne, %rem3A_1149, %ne3A_1150 : i32
      %lt3A_1152 = arith.constant 0 : i32
      %lt3A_1153 = arith.cmpi slt, %rem3A_1149, %lt3A_1152 : i32
      %lt3A_1154 = arith.constant 0 : i32
      %lt3A_1155 = arith.cmpi slt, %select_n3A_1148, %lt3A_1154 : i32
      %ne3A_1156 = arith.xori %lt3A_1153, %lt3A_1155 : i1
      %and3A_1157 = arith.andi %ne3A_1156, %ne3A_1151 : i1
      %add3A_1158 = arith.addi %rem3A_1149, %select_n3A_1148 : i32
      %select_n3A_1159 = arith.select %and3A_1157, %add3A_1158, %rem3A_1149 : i32
      %jit3A_1160 = arith.constant 4 : i32
      %div3A_1161 = arith.divsi %select_n3A_1159, %jit3A_1160 : i32
      %sign3A_1162 = arith.constant 0 : i32
      %sign3A_1163 = arith.cmpi sgt, %select_n3A_1159, %sign3A_1162 : i32
      %sign3A_1164 = arith.extui %sign3A_1163 : i1 to i32
      %sign3A_1165 = arith.constant 0 : i32
      %sign3A_1166 = arith.cmpi slt, %select_n3A_1159, %sign3A_1165 : i32
      %sign3A_1167 = arith.extui %sign3A_1166 : i1 to i32
      %sign3A_1168 = arith.subi %sign3A_1164, %sign3A_1167 : i32
      %sign3A_1169 = arith.constant 0 : i32
      %sign3A_1170 = arith.cmpi sgt, %jit3A_1160, %sign3A_1169 : i32
      %sign3A_1171 = arith.extui %sign3A_1170 : i1 to i32
      %sign3A_1172 = arith.constant 0 : i32
      %sign3A_1173 = arith.cmpi slt, %jit3A_1160, %sign3A_1172 : i32
      %sign3A_1174 = arith.extui %sign3A_1173 : i1 to i32
      %sign3A_1175 = arith.subi %sign3A_1171, %sign3A_1174 : i32
      %ne3A_1176 = arith.cmpi ne, %sign3A_1168, %sign3A_1175 : i32
      %rem3A_1177 = arith.remsi %select_n3A_1159, %jit3A_1160 : i32
      %ne3A_1178 = arith.constant 0 : i32
      %ne3A_1179 = arith.cmpi ne, %rem3A_1177, %ne3A_1178 : i32
      %and3A_1180 = arith.andi %ne3A_1176, %ne3A_1179 : i1
      %sub3A_1181 = arith.constant 1 : i32
      %sub3A_1182 = arith.subi %div3A_1161, %sub3A_1181 : i32
      %select_n3A_1183 = arith.select %and3A_1180, %sub3A_1182, %div3A_1161 : i32
      %mul3A_1184 = arith.constant 8 : i32
      %mul3A_1185 = arith.muli %select_n3A_1183, %mul3A_1184 : i32
      %multiple_of3A_1186 = tpu.assume_multiple %mul3A_1185, 8 : i32
      %jit3A_1187 = arith.constant 4 : i32
      %eq3A_1188 = arith.constant 0 : i32
      %eq3A_1189 = arith.cmpi eq, %jit3A_1187, %eq3A_1188 : i32
      %jit3A_1190 = arith.constant 1 : i32
      %select_n3A_1191 = arith.select %eq3A_1189, %jit3A_1190, %jit3A_1187 : i32
      %rem3A_1192 = arith.remsi %select_n3A_1159, %select_n3A_1191 : i32
      %ne3A_1193 = arith.constant 0 : i32
      %ne3A_1194 = arith.cmpi ne, %rem3A_1192, %ne3A_1193 : i32
      %lt3A_1195 = arith.constant 0 : i32
      %lt3A_1196 = arith.cmpi slt, %rem3A_1192, %lt3A_1195 : i32
      %lt3A_1197 = arith.constant 0 : i32
      %lt3A_1198 = arith.cmpi slt, %select_n3A_1191, %lt3A_1197 : i32
      %ne3A_1199 = arith.xori %lt3A_1196, %lt3A_1198 : i1
      %and3A_1200 = arith.andi %ne3A_1199, %ne3A_1194 : i1
      %add3A_1201 = arith.addi %rem3A_1192, %select_n3A_1191 : i32
      %select_n3A_1202 = arith.select %and3A_1200, %add3A_1201, %rem3A_1192 : i32
      %mul3A_1203 = arith.constant 1024 : i32
      %mul3A_1204 = arith.muli %select_n3A_1202, %mul3A_1203 : i32
      %multiple_of3A_1205 = tpu.assume_multiple %mul3A_1204, 1024 : i32
      %add3A_1206 = arith.constant 32 : i32
      %add3A_1207 = arith.addi %add3A_1143, %add3A_1206 : i32
      %sub3A_1208 = arith.constant 1 : i32
      %sub3A_1209 = arith.subi %add3A_1207, %sub3A_1208 : i32
      %dma_start3A_1210 = tpu.memref_slice %arg4[%sub3A_1209, %multiple_of3A_1186, %multiple_of3A_1205] : memref<58x200x4096xf32, #tpu.memory_space<hbm>> -> memref<1x8x1024xf32, #tpu.memory_space<hbm>>
      %dma_start3A_1211 = tpu.memref_squeeze %dma_start3A_1210 : memref<1x8x1024xf32, #tpu.memory_space<hbm>> -> memref<8x1024xf32, #tpu.memory_space<hbm>>
      %dma_start3A_1212 = tpu.memref_slice %arg4[%sub3A_1209, %multiple_of3A_1186, %multiple_of3A_1205] : memref<58x200x4096xf32, #tpu.memory_space<hbm>> -> memref<1x8x1024xf32, #tpu.memory_space<hbm>>
      %dma_start3A_1213 = tpu.memref_squeeze %dma_start3A_1212 : memref<1x8x1024xf32, #tpu.memory_space<hbm>> -> memref<8x1024xf32, #tpu.memory_space<hbm>>
      tpu.enqueue_dma source(%arg17 : memref<8x1024xf32, #tpu.memory_space<vmem>>) target(%dma_start3A_1213 : memref<8x1024xf32, #tpu.memory_space<hbm>>) target_semaphore(%arg26 : memref<!tpu.dma_semaphore, #tpu.memory_space<semaphore_mem>>)
    } else {
    }
    %gt3A_1013 = arith.constant 82 : i32
    %gt3A_1014 = arith.cmpi sgt, %sub3A_113, %gt3A_1013 : i32
    %convert_element_type3A_1015 = arith.extui %gt3A_1014 : i1 to i32
    %cond3A_1016 = arith.constant 0 : i32
    %cond3A_1017 = arith.cmpi ne, %convert_element_type3A_1015, %cond3A_1016 : i32
    scf.if %cond3A_1017 {
      %add3A_1108 = arith.constant 0 : i32
      %add3A_1109 = arith.addi %mul3A_18, %add3A_1108 : i32
      %multiple_of3A_1110 = arith.constant 0 : i32
      %multiple_of3A_1111 = tpu.assume_multiple %multiple_of3A_1110, 8 : i32
      %multiple_of3A_1112 = tpu.assume_multiple %mul3A_34, 1024 : i32
      %dma_wait3A_1113 = tpu.memref_slice %arg4[%add3A_1109, %multiple_of3A_1111, %multiple_of3A_1112] : memref<58x200x4096xf32, #tpu.memory_space<hbm>> -> memref<1x8x1024xf32, #tpu.memory_space<hbm>>
      %dma_wait3A_1114 = tpu.memref_squeeze %dma_wait3A_1113 : memref<1x8x1024xf32, #tpu.memory_space<hbm>> -> memref<8x1024xf32, #tpu.memory_space<hbm>>
      %dma_wait3A_1115 = tpu.memref_slice %arg4[%add3A_1109, %multiple_of3A_1111, %multiple_of3A_1112] : memref<58x200x4096xf32, #tpu.memory_space<hbm>> -> memref<1x8x1024xf32, #tpu.memory_space<hbm>>
      %dma_wait3A_1116 = tpu.memref_squeeze %dma_wait3A_1115 : memref<1x8x1024xf32, #tpu.memory_space<hbm>> -> memref<8x1024xf32, #tpu.memory_space<hbm>>
      tpu.wait_dma2 semaphore(%arg25 : memref<!tpu.dma_semaphore, #tpu.memory_space<semaphore_mem>>) src(%arg16 : memref<8x1024xf32, #tpu.memory_space<vmem>>) dst(%dma_wait3A_1116 : memref<8x1024xf32, #tpu.memory_space<hbm>>)
      %add3A_1117 = arith.constant 82 : i32
      %add3A_1118 = arith.addi %select_n3A_84, %add3A_1117 : i32
      %jit3A_1119 = arith.constant 100 : i32
      %div3A_1120 = arith.divsi %add3A_1118, %jit3A_1119 : i32
      %sign3A_1121 = arith.constant 0 : i32
      %sign3A_1122 = arith.cmpi sgt, %add3A_1118, %sign3A_1121 : i32
      %sign3A_1123 = arith.extui %sign3A_1122 : i1 to i32
      %sign3A_1124 = arith.constant 0 : i32
      %sign3A_1125 = arith.cmpi slt, %add3A_1118, %sign3A_1124 : i32
      %sign3A_1126 = arith.extui %sign3A_1125 : i1 to i32
      %sign3A_1127 = arith.subi %sign3A_1123, %sign3A_1126 : i32
      %sign3A_1128 = arith.constant 0 : i32
      %sign3A_1129 = arith.cmpi sgt, %jit3A_1119, %sign3A_1128 : i32
      %sign3A_1130 = arith.extui %sign3A_1129 : i1 to i32
      %sign3A_1131 = arith.constant 0 : i32
      %sign3A_1132 = arith.cmpi slt, %jit3A_1119, %sign3A_1131 : i32
      %sign3A_1133 = arith.extui %sign3A_1132 : i1 to i32
      %sign3A_1134 = arith.subi %sign3A_1130, %sign3A_1133 : i32
      %ne3A_1135 = arith.cmpi ne, %sign3A_1127, %sign3A_1134 : i32
      %rem3A_1136 = arith.remsi %add3A_1118, %jit3A_1119 : i32
      %ne3A_1137 = arith.constant 0 : i32
      %ne3A_1138 = arith.cmpi ne, %rem3A_1136, %ne3A_1137 : i32
      %and3A_1139 = arith.andi %ne3A_1135, %ne3A_1138 : i1
      %sub3A_1140 = arith.constant 1 : i32
      %sub3A_1141 = arith.subi %div3A_1120, %sub3A_1140 : i32
      %select_n3A_1142 = arith.select %and3A_1139, %sub3A_1141, %div3A_1120 : i32
      %add3A_1143 = arith.constant 1 : i32
      %add3A_1144 = arith.addi %add3A_1143, %select_n3A_1142 : i32
      %jit3A_1145 = arith.constant 100 : i32
      %eq3A_1146 = arith.constant 0 : i32
      %eq3A_1147 = arith.cmpi eq, %jit3A_1145, %eq3A_1146 : i32
      %jit3A_1148 = arith.constant 1 : i32
      %select_n3A_1149 = arith.select %eq3A_1147, %jit3A_1148, %jit3A_1145 : i32
      %rem3A_1150 = arith.remsi %add3A_1118, %select_n3A_1149 : i32
      %ne3A_1151 = arith.constant 0 : i32
      %ne3A_1152 = arith.cmpi ne, %rem3A_1150, %ne3A_1151 : i32
      %lt3A_1153 = arith.constant 0 : i32
      %lt3A_1154 = arith.cmpi slt, %rem3A_1150, %lt3A_1153 : i32
      %lt3A_1155 = arith.constant 0 : i32
      %lt3A_1156 = arith.cmpi slt, %select_n3A_1149, %lt3A_1155 : i32
      %ne3A_1157 = arith.xori %lt3A_1154, %lt3A_1156 : i1
      %and3A_1158 = arith.andi %ne3A_1157, %ne3A_1152 : i1
      %add3A_1159 = arith.addi %rem3A_1150, %select_n3A_1149 : i32
      %select_n3A_1160 = arith.select %and3A_1158, %add3A_1159, %rem3A_1150 : i32
      %jit3A_1161 = arith.constant 4 : i32
      %div3A_1162 = arith.divsi %select_n3A_1160, %jit3A_1161 : i32
      %sign3A_1163 = arith.constant 0 : i32
      %sign3A_1164 = arith.cmpi sgt, %select_n3A_1160, %sign3A_1163 : i32
      %sign3A_1165 = arith.extui %sign3A_1164 : i1 to i32
      %sign3A_1166 = arith.constant 0 : i32
      %sign3A_1167 = arith.cmpi slt, %select_n3A_1160, %sign3A_1166 : i32
      %sign3A_1168 = arith.extui %sign3A_1167 : i1 to i32
      %sign3A_1169 = arith.subi %sign3A_1165, %sign3A_1168 : i32
      %sign3A_1170 = arith.constant 0 : i32
      %sign3A_1171 = arith.cmpi sgt, %jit3A_1161, %sign3A_1170 : i32
      %sign3A_1172 = arith.extui %sign3A_1171 : i1 to i32
      %sign3A_1173 = arith.constant 0 : i32
      %sign3A_1174 = arith.cmpi slt, %jit3A_1161, %sign3A_1173 : i32
      %sign3A_1175 = arith.extui %sign3A_1174 : i1 to i32
      %sign3A_1176 = arith.subi %sign3A_1172, %sign3A_1175 : i32
      %ne3A_1177 = arith.cmpi ne, %sign3A_1169, %sign3A_1176 : i32
      %rem3A_1178 = arith.remsi %select_n3A_1160, %jit3A_1161 : i32
      %ne3A_1179 = arith.constant 0 : i32
      %ne3A_1180 = arith.cmpi ne, %rem3A_1178, %ne3A_1179 : i32
      %and3A_1181 = arith.andi %ne3A_1177, %ne3A_1180 : i1
      %sub3A_1182 = arith.constant 1 : i32
      %sub3A_1183 = arith.subi %div3A_1162, %sub3A_1182 : i32
      %select_n3A_1184 = arith.select %and3A_1181, %sub3A_1183, %div3A_1162 : i32
      %mul3A_1185 = arith.constant 8 : i32
      %mul3A_1186 = arith.muli %select_n3A_1184, %mul3A_1185 : i32
      %multiple_of3A_1187 = tpu.assume_multiple %mul3A_1186, 8 : i32
      %jit3A_1188 = arith.constant 4 : i32
      %eq3A_1189 = arith.constant 0 : i32
      %eq3A_1190 = arith.cmpi eq, %jit3A_1188, %eq3A_1189 : i32
      %jit3A_1191 = arith.constant 1 : i32
      %select_n3A_1192 = arith.select %eq3A_1190, %jit3A_1191, %jit3A_1188 : i32
      %rem3A_1193 = arith.remsi %select_n3A_1160, %select_n3A_1192 : i32
      %ne3A_1194 = arith.constant 0 : i32
      %ne3A_1195 = arith.cmpi ne, %rem3A_1193, %ne3A_1194 : i32
      %lt3A_1196 = arith.constant 0 : i32
      %lt3A_1197 = arith.cmpi slt, %rem3A_1193, %lt3A_1196 : i32
      %lt3A_1198 = arith.constant 0 : i32
      %lt3A_1199 = arith.cmpi slt, %select_n3A_1192, %lt3A_1198 : i32
      %ne3A_1200 = arith.xori %lt3A_1197, %lt3A_1199 : i1
      %and3A_1201 = arith.andi %ne3A_1200, %ne3A_1195 : i1
      %add3A_1202 = arith.addi %rem3A_1193, %select_n3A_1192 : i32
      %select_n3A_1203 = arith.select %and3A_1201, %add3A_1202, %rem3A_1193 : i32
      %mul3A_1204 = arith.constant 1024 : i32
      %mul3A_1205 = arith.muli %select_n3A_1203, %mul3A_1204 : i32
      %multiple_of3A_1206 = tpu.assume_multiple %mul3A_1205, 1024 : i32
      %add3A_1207 = arith.constant 32 : i32
      %add3A_1208 = arith.addi %add3A_1144, %add3A_1207 : i32
      %sub3A_1209 = arith.constant 1 : i32
      %sub3A_1210 = arith.subi %add3A_1208, %sub3A_1209 : i32
      %dma_start3A_1211 = tpu.memref_slice %arg2[%add3A_1144, %multiple_of3A_1187, %multiple_of3A_1206] : memref<27x200x4096xf32, #tpu.memory_space<hbm>> -> memref<1x8x1024xf32, #tpu.memory_space<hbm>>
      %dma_start3A_1212 = tpu.memref_squeeze %dma_start3A_1211 : memref<1x8x1024xf32, #tpu.memory_space<hbm>> -> memref<8x1024xf32, #tpu.memory_space<hbm>>
      %dma_start3A_1213 = tpu.memref_slice %arg2[%add3A_1144, %multiple_of3A_1187, %multiple_of3A_1206] : memref<27x200x4096xf32, #tpu.memory_space<hbm>> -> memref<1x8x1024xf32, #tpu.memory_space<hbm>>
      %dma_start3A_1214 = tpu.memref_squeeze %dma_start3A_1213 : memref<1x8x1024xf32, #tpu.memory_space<hbm>> -> memref<8x1024xf32, #tpu.memory_space<hbm>>
      tpu.enqueue_dma source(%dma_start3A_1214 : memref<8x1024xf32, #tpu.memory_space<hbm>>) target(%arg16 : memref<8x1024xf32, #tpu.memory_space<vmem>>) target_semaphore(%arg23 : memref<!tpu.dma_semaphore, #tpu.memory_space<semaphore_mem>>)
    } else {
    }
    %add3A_1018 = arith.constant 0 : i32
    %add3A_1019 = arith.addi %mul3A_18, %add3A_1018 : i32
    %multiple_of3A_1020 = arith.constant 0 : i32
    %multiple_of3A_1021 = tpu.assume_multiple %multiple_of3A_1020, 8 : i32
    %multiple_of3A_1022 = tpu.assume_multiple %mul3A_34, 1024 : i32
    %dma_wait3A_1023 = tpu.memref_slice %arg4[%add3A_1019, %multiple_of3A_1021, %multiple_of3A_1022] : memref<58x200x4096xf32, #tpu.memory_space<hbm>> -> memref<1x8x1024xf32, #tpu.memory_space<hbm>>
    %dma_wait3A_1024 = tpu.memref_squeeze %dma_wait3A_1023 : memref<1x8x1024xf32, #tpu.memory_space<hbm>> -> memref<8x1024xf32, #tpu.memory_space<hbm>>
    %dma_wait3A_1025 = tpu.memref_slice %arg4[%add3A_1019, %multiple_of3A_1021, %multiple_of3A_1022] : memref<58x200x4096xf32, #tpu.memory_space<hbm>> -> memref<1x8x1024xf32, #tpu.memory_space<hbm>>
    %dma_wait3A_1026 = tpu.memref_squeeze %dma_wait3A_1025 : memref<1x8x1024xf32, #tpu.memory_space<hbm>> -> memref<8x1024xf32, #tpu.memory_space<hbm>>
    tpu.wait_dma2 semaphore(%arg21 : memref<!tpu.dma_semaphore, #tpu.memory_space<semaphore_mem>>) src(%arg8 : memref<8x1024xf32, #tpu.memory_space<vmem>>) dst(%dma_wait3A_1026 : memref<8x1024xf32, #tpu.memory_space<hbm>>)
    %add3A_1027 = arith.constant 0 : i32
    %add3A_1028 = arith.addi %mul3A_18, %add3A_1027 : i32
    %multiple_of3A_1029 = arith.constant 0 : i32
    %multiple_of3A_1030 = tpu.assume_multiple %multiple_of3A_1029, 8 : i32
    %multiple_of3A_1031 = tpu.assume_multiple %mul3A_34, 1024 : i32
    %dma_wait3A_1032 = tpu.memref_slice %arg4[%add3A_1028, %multiple_of3A_1030, %multiple_of3A_1031] : memref<58x200x4096xf32, #tpu.memory_space<hbm>> -> memref<1x8x1024xf32, #tpu.memory_space<hbm>>
    %dma_wait3A_1033 = tpu.memref_squeeze %dma_wait3A_1032 : memref<1x8x1024xf32, #tpu.memory_space<hbm>> -> memref<8x1024xf32, #tpu.memory_space<hbm>>
    %dma_wait3A_1034 = tpu.memref_slice %arg4[%add3A_1028, %multiple_of3A_1030, %multiple_of3A_1031] : memref<58x200x4096xf32, #tpu.memory_space<hbm>> -> memref<1x8x1024xf32, #tpu.memory_space<hbm>>
    %dma_wait3A_1035 = tpu.memref_squeeze %dma_wait3A_1034 : memref<1x8x1024xf32, #tpu.memory_space<hbm>> -> memref<8x1024xf32, #tpu.memory_space<hbm>>
    tpu.wait_dma2 semaphore(%arg21 : memref<!tpu.dma_semaphore, #tpu.memory_space<semaphore_mem>>) src(%arg9 : memref<8x1024xf32, #tpu.memory_space<vmem>>) dst(%dma_wait3A_1035 : memref<8x1024xf32, #tpu.memory_space<hbm>>)
    %add3A_1036 = arith.constant 0 : i32
    %add3A_1037 = arith.addi %mul3A_18, %add3A_1036 : i32
    %multiple_of3A_1038 = arith.constant 0 : i32
    %multiple_of3A_1039 = tpu.assume_multiple %multiple_of3A_1038, 8 : i32
    %multiple_of3A_1040 = tpu.assume_multiple %mul3A_34, 1024 : i32
    %dma_wait3A_1041 = tpu.memref_slice %arg4[%add3A_1037, %multiple_of3A_1039, %multiple_of3A_1040] : memref<58x200x4096xf32, #tpu.memory_space<hbm>> -> memref<1x8x1024xf32, #tpu.memory_space<hbm>>
    %dma_wait3A_1042 = tpu.memref_squeeze %dma_wait3A_1041 : memref<1x8x1024xf32, #tpu.memory_space<hbm>> -> memref<8x1024xf32, #tpu.memory_space<hbm>>
    %dma_wait3A_1043 = tpu.memref_slice %arg4[%add3A_1037, %multiple_of3A_1039, %multiple_of3A_1040] : memref<58x200x4096xf32, #tpu.memory_space<hbm>> -> memref<1x8x1024xf32, #tpu.memory_space<hbm>>
    %dma_wait3A_1044 = tpu.memref_squeeze %dma_wait3A_1043 : memref<1x8x1024xf32, #tpu.memory_space<hbm>> -> memref<8x1024xf32, #tpu.memory_space<hbm>>
    tpu.wait_dma2 semaphore(%arg21 : memref<!tpu.dma_semaphore, #tpu.memory_space<semaphore_mem>>) src(%arg10 : memref<8x1024xf32, #tpu.memory_space<vmem>>) dst(%dma_wait3A_1044 : memref<8x1024xf32, #tpu.memory_space<hbm>>)
    %add3A_1045 = arith.constant 0 : i32
    %add3A_1046 = arith.addi %mul3A_18, %add3A_1045 : i32
    %multiple_of3A_1047 = arith.constant 0 : i32
    %multiple_of3A_1048 = tpu.assume_multiple %multiple_of3A_1047, 8 : i32
    %multiple_of3A_1049 = tpu.assume_multiple %mul3A_34, 1024 : i32
    %dma_wait3A_1050 = tpu.memref_slice %arg4[%add3A_1046, %multiple_of3A_1048, %multiple_of3A_1049] : memref<58x200x4096xf32, #tpu.memory_space<hbm>> -> memref<1x8x1024xf32, #tpu.memory_space<hbm>>
    %dma_wait3A_1051 = tpu.memref_squeeze %dma_wait3A_1050 : memref<1x8x1024xf32, #tpu.memory_space<hbm>> -> memref<8x1024xf32, #tpu.memory_space<hbm>>
    %dma_wait3A_1052 = tpu.memref_slice %arg4[%add3A_1046, %multiple_of3A_1048, %multiple_of3A_1049] : memref<58x200x4096xf32, #tpu.memory_space<hbm>> -> memref<1x8x1024xf32, #tpu.memory_space<hbm>>
    %dma_wait3A_1053 = tpu.memref_squeeze %dma_wait3A_1052 : memref<1x8x1024xf32, #tpu.memory_space<hbm>> -> memref<8x1024xf32, #tpu.memory_space<hbm>>
    tpu.wait_dma2 semaphore(%arg21 : memref<!tpu.dma_semaphore, #tpu.memory_space<semaphore_mem>>) src(%arg11 : memref<8x1024xf32, #tpu.memory_space<vmem>>) dst(%dma_wait3A_1053 : memref<8x1024xf32, #tpu.memory_space<hbm>>)
    %add3A_1054 = arith.constant 0 : i32
    %add3A_1055 = arith.addi %mul3A_18, %add3A_1054 : i32
    %multiple_of3A_1056 = arith.constant 0 : i32
    %multiple_of3A_1057 = tpu.assume_multiple %multiple_of3A_1056, 8 : i32
    %multiple_of3A_1058 = tpu.assume_multiple %mul3A_34, 1024 : i32
    %dma_wait3A_1059 = tpu.memref_slice %arg4[%add3A_1055, %multiple_of3A_1057, %multiple_of3A_1058] : memref<58x200x4096xf32, #tpu.memory_space<hbm>> -> memref<1x8x1024xf32, #tpu.memory_space<hbm>>
    %dma_wait3A_1060 = tpu.memref_squeeze %dma_wait3A_1059 : memref<1x8x1024xf32, #tpu.memory_space<hbm>> -> memref<8x1024xf32, #tpu.memory_space<hbm>>
    %dma_wait3A_1061 = tpu.memref_slice %arg4[%add3A_1055, %multiple_of3A_1057, %multiple_of3A_1058] : memref<58x200x4096xf32, #tpu.memory_space<hbm>> -> memref<1x8x1024xf32, #tpu.memory_space<hbm>>
    %dma_wait3A_1062 = tpu.memref_squeeze %dma_wait3A_1061 : memref<1x8x1024xf32, #tpu.memory_space<hbm>> -> memref<8x1024xf32, #tpu.memory_space<hbm>>
    tpu.wait_dma2 semaphore(%arg22 : memref<!tpu.dma_semaphore, #tpu.memory_space<semaphore_mem>>) src(%arg12 : memref<8x1024xf32, #tpu.memory_space<vmem>>) dst(%dma_wait3A_1062 : memref<8x1024xf32, #tpu.memory_space<hbm>>)
    %add3A_1063 = arith.constant 0 : i32
    %add3A_1064 = arith.addi %mul3A_18, %add3A_1063 : i32
    %multiple_of3A_1065 = arith.constant 0 : i32
    %multiple_of3A_1066 = tpu.assume_multiple %multiple_of3A_1065, 8 : i32
    %multiple_of3A_1067 = tpu.assume_multiple %mul3A_34, 1024 : i32
    %dma_wait3A_1068 = tpu.memref_slice %arg4[%add3A_1064, %multiple_of3A_1066, %multiple_of3A_1067] : memref<58x200x4096xf32, #tpu.memory_space<hbm>> -> memref<1x8x1024xf32, #tpu.memory_space<hbm>>
    %dma_wait3A_1069 = tpu.memref_squeeze %dma_wait3A_1068 : memref<1x8x1024xf32, #tpu.memory_space<hbm>> -> memref<8x1024xf32, #tpu.memory_space<hbm>>
    %dma_wait3A_1070 = tpu.memref_slice %arg4[%add3A_1064, %multiple_of3A_1066, %multiple_of3A_1067] : memref<58x200x4096xf32, #tpu.memory_space<hbm>> -> memref<1x8x1024xf32, #tpu.memory_space<hbm>>
    %dma_wait3A_1071 = tpu.memref_squeeze %dma_wait3A_1070 : memref<1x8x1024xf32, #tpu.memory_space<hbm>> -> memref<8x1024xf32, #tpu.memory_space<hbm>>
    tpu.wait_dma2 semaphore(%arg22 : memref<!tpu.dma_semaphore, #tpu.memory_space<semaphore_mem>>) src(%arg13 : memref<8x1024xf32, #tpu.memory_space<vmem>>) dst(%dma_wait3A_1071 : memref<8x1024xf32, #tpu.memory_space<hbm>>)
    %add3A_1072 = arith.constant 0 : i32
    %add3A_1073 = arith.addi %mul3A_18, %add3A_1072 : i32
    %multiple_of3A_1074 = arith.constant 0 : i32
    %multiple_of3A_1075 = tpu.assume_multiple %multiple_of3A_1074, 8 : i32
    %multiple_of3A_1076 = tpu.assume_multiple %mul3A_34, 1024 : i32
    %dma_wait3A_1077 = tpu.memref_slice %arg4[%add3A_1073, %multiple_of3A_1075, %multiple_of3A_1076] : memref<58x200x4096xf32, #tpu.memory_space<hbm>> -> memref<1x8x1024xf32, #tpu.memory_space<hbm>>
    %dma_wait3A_1078 = tpu.memref_squeeze %dma_wait3A_1077 : memref<1x8x1024xf32, #tpu.memory_space<hbm>> -> memref<8x1024xf32, #tpu.memory_space<hbm>>
    %dma_wait3A_1079 = tpu.memref_slice %arg4[%add3A_1073, %multiple_of3A_1075, %multiple_of3A_1076] : memref<58x200x4096xf32, #tpu.memory_space<hbm>> -> memref<1x8x1024xf32, #tpu.memory_space<hbm>>
    %dma_wait3A_1080 = tpu.memref_squeeze %dma_wait3A_1079 : memref<1x8x1024xf32, #tpu.memory_space<hbm>> -> memref<8x1024xf32, #tpu.memory_space<hbm>>
    tpu.wait_dma2 semaphore(%arg22 : memref<!tpu.dma_semaphore, #tpu.memory_space<semaphore_mem>>) src(%arg14 : memref<8x1024xf32, #tpu.memory_space<vmem>>) dst(%dma_wait3A_1080 : memref<8x1024xf32, #tpu.memory_space<hbm>>)
    %add3A_1081 = arith.constant 0 : i32
    %add3A_1082 = arith.addi %mul3A_18, %add3A_1081 : i32
    %multiple_of3A_1083 = arith.constant 0 : i32
    %multiple_of3A_1084 = tpu.assume_multiple %multiple_of3A_1083, 8 : i32
    %multiple_of3A_1085 = tpu.assume_multiple %mul3A_34, 1024 : i32
    %dma_wait3A_1086 = tpu.memref_slice %arg4[%add3A_1082, %multiple_of3A_1084, %multiple_of3A_1085] : memref<58x200x4096xf32, #tpu.memory_space<hbm>> -> memref<1x8x1024xf32, #tpu.memory_space<hbm>>
    %dma_wait3A_1087 = tpu.memref_squeeze %dma_wait3A_1086 : memref<1x8x1024xf32, #tpu.memory_space<hbm>> -> memref<8x1024xf32, #tpu.memory_space<hbm>>
    %dma_wait3A_1088 = tpu.memref_slice %arg4[%add3A_1082, %multiple_of3A_1084, %multiple_of3A_1085] : memref<58x200x4096xf32, #tpu.memory_space<hbm>> -> memref<1x8x1024xf32, #tpu.memory_space<hbm>>
    %dma_wait3A_1089 = tpu.memref_squeeze %dma_wait3A_1088 : memref<1x8x1024xf32, #tpu.memory_space<hbm>> -> memref<8x1024xf32, #tpu.memory_space<hbm>>
    tpu.wait_dma2 semaphore(%arg22 : memref<!tpu.dma_semaphore, #tpu.memory_space<semaphore_mem>>) src(%arg15 : memref<8x1024xf32, #tpu.memory_space<vmem>>) dst(%dma_wait3A_1089 : memref<8x1024xf32, #tpu.memory_space<hbm>>)
    %add3A_1090 = arith.constant 0 : i32
    %add3A_1091 = arith.addi %mul3A_18, %add3A_1090 : i32
    %multiple_of3A_1092 = arith.constant 0 : i32
    %multiple_of3A_1093 = tpu.assume_multiple %multiple_of3A_1092, 8 : i32
    %multiple_of3A_1094 = tpu.assume_multiple %mul3A_34, 1024 : i32
    %dma_wait3A_1095 = tpu.memref_slice %arg4[%add3A_1091, %multiple_of3A_1093, %multiple_of3A_1094] : memref<58x200x4096xf32, #tpu.memory_space<hbm>> -> memref<1x8x1024xf32, #tpu.memory_space<hbm>>
    %dma_wait3A_1096 = tpu.memref_squeeze %dma_wait3A_1095 : memref<1x8x1024xf32, #tpu.memory_space<hbm>> -> memref<8x1024xf32, #tpu.memory_space<hbm>>
    %dma_wait3A_1097 = tpu.memref_slice %arg4[%add3A_1091, %multiple_of3A_1093, %multiple_of3A_1094] : memref<58x200x4096xf32, #tpu.memory_space<hbm>> -> memref<1x8x1024xf32, #tpu.memory_space<hbm>>
    %dma_wait3A_1098 = tpu.memref_squeeze %dma_wait3A_1097 : memref<1x8x1024xf32, #tpu.memory_space<hbm>> -> memref<8x1024xf32, #tpu.memory_space<hbm>>
    tpu.wait_dma2 semaphore(%arg25 : memref<!tpu.dma_semaphore, #tpu.memory_space<semaphore_mem>>) src(%arg16 : memref<8x1024xf32, #tpu.memory_space<vmem>>) dst(%dma_wait3A_1098 : memref<8x1024xf32, #tpu.memory_space<hbm>>)
    %add3A_1099 = arith.constant 0 : i32
    %add3A_1100 = arith.addi %mul3A_18, %add3A_1099 : i32
    %multiple_of3A_1101 = arith.constant 0 : i32
    %multiple_of3A_1102 = tpu.assume_multiple %multiple_of3A_1101, 8 : i32
    %multiple_of3A_1103 = tpu.assume_multiple %mul3A_34, 1024 : i32
    %dma_wait3A_1104 = tpu.memref_slice %arg4[%add3A_1100, %multiple_of3A_1102, %multiple_of3A_1103] : memref<58x200x4096xf32, #tpu.memory_space<hbm>> -> memref<1x8x1024xf32, #tpu.memory_space<hbm>>
    %dma_wait3A_1105 = tpu.memref_squeeze %dma_wait3A_1104 : memref<1x8x1024xf32, #tpu.memory_space<hbm>> -> memref<8x1024xf32, #tpu.memory_space<hbm>>
    %dma_wait3A_1106 = tpu.memref_slice %arg4[%add3A_1100, %multiple_of3A_1102, %multiple_of3A_1103] : memref<58x200x4096xf32, #tpu.memory_space<hbm>> -> memref<1x8x1024xf32, #tpu.memory_space<hbm>>
    %dma_wait3A_1107 = tpu.memref_squeeze %dma_wait3A_1106 : memref<1x8x1024xf32, #tpu.memory_space<hbm>> -> memref<8x1024xf32, #tpu.memory_space<hbm>>
    tpu.wait_dma2 semaphore(%arg26 : memref<!tpu.dma_semaphore, #tpu.memory_space<semaphore_mem>>) src(%arg17 : memref<8x1024xf32, #tpu.memory_space<vmem>>) dst(%dma_wait3A_1107 : memref<8x1024xf32, #tpu.memory_space<hbm>>)
    return
  }
}

</mosaic_0001>

<sc_bundles>
// kernel: kernel.3.cloned.1.call-start
scs
__scs_entry_jumppad:
0x0: {  	(pc) =	sbr.rel $0x88, $3  }
0x1: {  	(tag) =	ssettag $0x0;
	lr =	simm.s32 $0x1  }
0x2: {  	[smem:$0x3F9F] =	sst lr;
	_ =	strace $0xD0000000  }
0x3: {  	_ = 	snop  }
0x4: {  	_ = 	snop  }
0x5: {  	_ = 	snop  }
0x6: {  	_ = 	snop  }
0x7: {  	_ = 	snop  }
__scs_overlays_trampoline_lowered:
0x8: {  	[smem:$0x3FAE] =	sst s0  }
0x9: {  	[smem:$0x3FAF] =	sst s1  }
0xa: {  	[smem:$0x3FB0] =	sst s2  }
0xb: {  	[smem:$0x3FB1] =	sst s3  }
0xc: {  	[smem:$0x3FB2] =	sst s4  }
0xd: {  	[smem:$0x3FB3] =	sst s5  }
0xe: {  	[smem:$0x3FB4] =	sst s6  }
0xf: {  	[smem:$0x3FB5] =	sst s7  }
0x10: {  	[smem:$0x3FB6] =	sst s8  }
0x11: {  	[smem:$0x3FB7] =	sst s9;
	s0 =	simm.s32 @!p0 $0x0  }
0x12: {  	s1 =	sld [smem:$0x3F9D];
	s0 =	simm.s32 @p0 $0x1  }
0x13: {  	[smem:$0x3FB8] =	sst s0;
	s0 =	simm.s32 @!p1 $0x0  }
0x14: {  	s2 =	sld [smem:$0x3F9C];
	s0 =	simm.s32 @p1 $0x1  }
0x15: {  	[smem:$0x3FB9] =	sst s0;
	s0 =	simm.s32 @!p2 $0x0  }
0x16: {  	s3 =	sld [smem:$0x3FDB];
	s0 =	simm.s32 @p2 $0x1  }
0x17: {  	s4 =	simm.s32 $0x1BF5;
	[smem:$0x3FBB] =	sst s0  }
0x18: {  	s0 =	sld [smem:$0x3F9E];
	_ =	swait.ge [sflag:s4], $0x0  }
0x19: {  	s7 =	sld [smem:$0x3F9F]  }
0x1a: {  	s8 =	sadd.s32 $0xFFFFE003, lr  }
0x1b: {  	s9 =	sadd.s32 $0xFFFFFEF7, lr;
	s5 =	simm.s32 $0xFFFFFFFF;
	p2 =	slt.u32 s8, $0xFFFFF086  }
0x1c: {  	p1 =	slt.u32 s9, $0xF7A;
	s5 =	simm.s32 @!p2 $0x0  }
0x1d: {  	s5 =	simm.s32 @p1 $0x1;
	p0 =	seq.s32 s7, s2  }
0x1e: {  	s7 =	smul.u32 @!p0 $0xF7A, s2;
	p2 =	seq.s32 @!p0 s5, $0x0  }
0x1f: {  	s9 =	smul.u32 $0xF7A, s1;
	s8 =	simm.s32 @!p0 $0x1BF5;
	p2 =	por !p2, p0  }
0x20: {  	[sflag:s8] =	ssyncset.s32 @!p0 $0xFFFFF086;
	s6 =	sadd.s32 @!p0 s3, s7;
	s7 =	simm.s32 @!p0 $0x108  }
0x21: {  	s3 =	sadd.s32 s3, s9;
	s6 =	sadd.s32 @!p0 $0x88, s6;
	s7 =	simm.s32 @p2 $0x1082  }
0x22: {  	[simem:s7], [sflag:s8] =	dma.local @!p0 [hbm:s6], $0xF7A  }
0x23: {  	s9 =	sor.u32 $0xD0000000, s2;
	s6 =	simm.s32 $0x108;
	_ =	swait.ge @!p0 [sflag:s8], $0x0  }
0x24: {  	s3 =	sadd.s32 $0x88, s3;
	s6 =	simm.s32 @!p1 $0x1082;
	[sflag:s4] =	ssyncset.s32 $0xFFFFF086  }
0x25: {  	[simem:s6], [sflag:s4] =	dma.local [hbm:s3], $0xF7A  }
0x26: {  	[smem:$0x3F9F] =	sst s1;
	(tag) =	ssettag s2;
	_ =	strace s9  }
0x27: {  	s1 =	sld [smem:$0x3FAF]  }
0x28: {  	s2 =	sld [smem:$0x3FB0]  }
0x29: {  	s4 =	sld [smem:$0x3FB2]  }
0x2a: {  	p0 =	seq.s32 s5, $0x0;
	s5 =	sld [smem:$0x3FB3]  }
0x2b: {  	s6 =	sld [smem:$0x3FB4]  }
0x2c: {  	s7 =	sld [smem:$0x3FB5]  }
0x2d: {  	s3 =	simm.s32 $0x108;
	s8 =	sld [smem:$0x3FB6]  }
0x2e: {  	s3 =	simm.s32 @!p0 $0x1082;
	s9 =	sld [smem:$0x3FB7]  }
0x2f: {  	lr =	sadd.s32 s0, s3;
	s0 =	sld [smem:$0x3FAE]  }
0x30: {  	s3 =	sld [smem:$0x3FB1]  }
0x31: {  	[smem:$0x3FBA] =	sst s10  }
0x32: {  	s10 =	sld [smem:$0x3FB8];
	_ =	sdelay $0x3  }
0x33: {  	p0 =	seq.s32 s10, $0x1;
	s10 =	sld [smem:$0x3FBA];
	_ =	sdelay $0x3  }
0x34: {  	[smem:$0x3FBA] =	sst s10  }
0x35: {  	s10 =	sld [smem:$0x3FB9];
	_ =	sdelay $0x3  }
0x36: {  	p1 =	seq.s32 s10, $0x1;
	s10 =	sld [smem:$0x3FBA];
	_ =	sdelay $0x3  }
0x37: {  	[smem:$0x3FBA] =	sst s10  }
0x38: {  	s10 =	sld [smem:$0x3FBB]  }
0x39: {  	_ = 	snop;
	(pc) =	sbr.ind lr, $3  }
0x3a: {  	_ = 	snop  }
0x3b: {  	_ = 	snop  }
0x3c: {  	p2 =	seq.s32 s10, $0x1;
	s10 =	sld [smem:$0x3FBA]  }
0x3d: {  	_ =	shalt  }
0x3e: {  	_ =	shalt  }
0x3f: {  	_ =	shalt  }
0x40: {  	_ =	shalt  }
0x41: {  	_ =	shalt  }
0x42: {  	_ =	shalt  }
0x43: {  	_ =	shalt  }
0x44: {  	_ =	shalt  }
0x45: {  	_ =	shalt  }
0x46: {  	_ =	shalt  }
0x47: {  	_ =	shalt  }
0x48: {  	_ =	shalt  }
0x49: {  	_ =	shalt  }
0x4a: {  	_ =	shalt  }
0x4b: {  	_ =	shalt  }
0x4c: {  	_ =	shalt  }
0x4d: {  	_ =	shalt  }
0x4e: {  	_ =	shalt  }
0x4f: {  	_ =	shalt  }
0x50: {  	_ =	shalt  }
0x51: {  	_ =	shalt  }
0x52: {  	_ =	shalt  }
0x53: {  	_ =	shalt  }
0x54: {  	_ =	shalt  }
0x55: {  	_ =	shalt  }
0x56: {  	_ =	shalt  }
0x57: {  	_ =	shalt  }
0x58: {  	_ =	shalt  }
0x59: {  	_ =	shalt  }
0x5a: {  	_ =	shalt  }
0x5b: {  	_ =	shalt  }
0x5c: {  	_ =	shalt  }
0x5d: {  	_ =	shalt  }
0x5e: {  	_ =	shalt  }
0x5f: {  	_ =	shalt  }
0x60: {  	_ =	shalt  }
0x61: {  	_ =	shalt  }
0x62: {  	_ =	shalt  }
0x63: {  	_ =	shalt  }
0x64: {  	_ =	shalt  }
0x65: {  	_ =	shalt  }
0x66: {  	_ =	shalt  }
0x67: {  	_ =	shalt  }
0x68: {  	_ =	shalt  }
0x69: {  	_ =	shalt  }
0x6a: {  	_ =	shalt  }
0x6b: {  	_ =	shalt  }
0x6c: {  	_ =	shalt  }
0x6d: {  	_ =	shalt  }
0x6e: {  	_ =	shalt  }
0x6f: {  	_ =	shalt  }
0x70: {  	_ =	shalt  }
0x71: {  	_ =	shalt  }
0x72: {  	_ =	shalt  }
0x73: {  	_ =	shalt  }
0x74: {  	_ =	shalt  }
0x75: {  	_ =	shalt  }
0x76: {  	_ =	shalt  }
0x77: {  	_ =	shalt  }
0x78: {  	_ =	shalt  }
0x79: {  	_ =	shalt  }
0x7a: {  	_ =	shalt  }
0x7b: {  	_ =	shalt  }
0x7c: {  	_ =	shalt  }
0x7d: {  	_ =	shalt  }
0x7e: {  	_ =	shalt  }
0x7f: {  	_ =	shalt  }
0x80: {  	_ =	shalt  }
0x81: {  	_ =	shalt  }
0x82: {  	_ =	shalt  }
0x83: {  	_ =	shalt  }
0x84: {  	_ =	shalt  }
0x85: {  	_ =	shalt  }
0x86: {  	_ =	shalt  }
0x87: {  	_ =	shalt  }
.Lfunc_end0:
.L_simem_size_0:
called_computation_lowered:
.L_overlay_start_0:
0x88: {  	s2 =	sld [smem:$0x3FD9]  }
0x89: {  	s3 =	sld [smem:$0x3FFE];
	_ =	sdelay $0x1  }
0x8a: {  	s1 =	srdreg.scid  }
0x8b: {  	s0 =	sand.u32 $0x1, s1  }
0x8c: {  	s17 =	sshll.u32 s0, $0xA;
	s2 =	sadd.s32 s3, s2  }
0x8d: {  	s2 =	sadd.s32 s2, s17  }
0x8e: {  	[smem:$0x3FC6] =	sst s2  }
0x8f: {  	_ = 	snop  }
0x90: {  	s2 =	sld [smem:$0x3FC9]  }
0x91: {  	s18 =	sld [smem:$0x3FD0];
	(tm) =	ssettm $0x1  }
0x92: {  	s4 =	sld [smem:$0x3FFB];
	_ =	sdelay $0x3  }
0x93: {  	_ =	strace s4  }
0x94: {  	s4 =	sld [smem:$0x3FFC];
	_ =	sdelay $0x3  }
0x95: {  	_ =	strace s4  }
0x96: {  	s4 =	sld [smem:$0x3FFD];
	_ =	sdelay $0x3  }
0x97: {  	_ =	strace s4  }
0x98: {  	_ =	strace $0x8FFFFFFF  }
0x99: {  	s19 =	sld [smem:$0x3FDB];
	_ =	sdelay $0x1  }
0x9a: {  	s5 =	simm.s32 $_scs_section_size  }
0x9b: {  	s6 =	simm.s32 $_size__tile_overlayer_lowered;
	s7 =	simm.s32 $_tile_overlayer_lowered  }
0x9c: {  	s22 =	simm.s32 $0x1BFF;
	s21 =	sshll.u32 s7, $0x1;
	s4 =	sadd.s32 s5, s19  }
0x9d: {  	s8 =	simm.s32 $0x0;
	s20 =	sshll.u32 s6, $0x1;
	s6 =	sadd.s32 s21, s4  }
0x9e: {  	[timem:s8], [sflag:s22] =	dma.local [hbm:s6], s20  }
0x9f: {  	_ =	swait.ge [sflag:s22], s20  }
0xa0: {  	s5 =	ssub.s32 $0x0, s20;
	[sflag:s22] =	ssyncset.done $0x0  }
0xa1: {  	[sflag:s22] =	ssyncadd.s32 s5;
	_ =	sdelay $0x1  }
0xa2: {  	s23 =	simm.s32 $0x1B8B  }
0xa3: {  	_ =	swait.ge [sflag:s23], $0x1  }
0xa4: {  	[sflag:s23] =	ssyncset.done $0x0  }
0xa5: {  	s25 =	simm.s32 $0x1B8E;
	s24 =	sld [smem:$0x3FFE];
	[sflag:s23] =	ssyncadd.s32 $0xFFFFFFFF  }
0xa6: {  	s26 =	simm.s32 $execute0_lowered;
	[smem:$0x3FD2] =	sst s25  }
0xa7: {  	s6 =	sshll.u32 s26, $0x1;
	_ =	strace $0x80000046;
	[dreg:$0x1] =	wrdreg $0xFFFFFFFF  }
0xa8: {  	s28 =	simm.s32 $_size_execute0_lowered;
	s4 =	sadd.s32 s4, s6;
	[dreg:$0x0] =	wrdreg $0x0  }
0xa9: {  	s6 =	sshll.u32 s28, $0x1;
	[dreg:$0x2] =	wrdreg s4  }
0xaa: {  	[dreg:$0x3] =	wrdreg s6  }
0xab: {  	[dreg:$0x4] =	wrdreg $0xC0  }
0xac: {  	_ =	task [dreg:s8], $0x5FFFF  }
0xad: {  	[dreg:$0x1] =	wrdreg $0xFFFFFFFF  }
0xae: {  	[dreg:$0x0] =	wrdreg $0x60  }
0xaf: {  	[dreg:$0x2] =	wrdreg s2  }
0xb0: {  	[dreg:$0x3] =	wrdreg s24  }
0xb1: {  	[dreg:$0x4] =	wrdreg s18  }
0xb2: {  	[dreg:$0x5] =	wrdreg $0x9  }
0xb3: {  	_ =	task.clear_ibuf [dreg:s8], $0x6FFFF;
	_ =	strace $0x90000046  }
0xb4: {  	s29 =	simm.s32 $0x9;
	_ =	strace $0x80000048  }
0xb5: {  	_ =	swait.ge [sflag:s29], $0x1  }
0xb6: {  	[sflag:s29] =	ssyncadd.s32 $0xFFFFFFFF  }
0xb7: {  	_ =	strace $0x90000048  }
0xb8: {  	_ =	sfence  }
0xb9: {  	s30 =	sld [smem:$0x0];
	_ =	sdelay $0x2  }
0xba: {  	s31 =	sshll.u32 s1, $0xD;
	s1 =	sshrl.u32 s1, $0x2  }
0xbb: {  	s3 =	sand.u32 $0x4000, s31;
	s1 =	sadd.s32 s1, s30  }
0xbc: {  	s0 =	sor.u32 s3, s0;
	s1 =	sshll.u32 s1, $0x11  }
0xbd: {  	s0 =	sor.u32 s1, s0  }
0xbe: {  	s0 =	sadd.s32 $0x8F2B, s0  }
0xbf: {  	[sflag:s0] =	ssyncadd.remote.s32 $0x1  }
0xc0: {  	_ =	sfence.sel $0xFFFF  }
0xc1: {  	[dreg:$0x0] =	wrdreg $0xFFFFFFFF;
	(pc) =	sbr.abs _section_cstart, $3  }
0xc2: {  	[dreg:$0x1] =	wrdreg $0xFFFFFFFF  }
0xc3: {  	_ =	task.clear_ibuf [dreg:s8], $0x2FFFF;
	_ =	strace $0x9FFFFFFF  }
0xc4: {  	(tm) =	ssettm $0x7FFFFFFF  }
0xc5: {  	_ =	shalt  }
tec
execute0_lowered:
.L_overlay_start_1:
0x0: {  	(tag) =	ssettag $0x1  }
0x1: {  	s2 =	rddreg [dreg:$0x0]  }
0x2: {  	s0 =	srdreg.scid;
	s11 =	rddreg [dreg:$0x1]  }
0x3: {  	s24 =	stileid.u32;
	s4 =	rddreg [dreg:$0x2]  }
0x4: {  	s5 =	simm.s32 $0x0;
	s0 =	sand.u32 $0x1, s0;
	s1 =	sshll.u32 s24, $0x1  }
0x5: {  	[smem:$0x7FF] =	sst s5;
	s11 =	sadd.s32 $0x400, s11;
	s10 =	sor.u32 s0, s1  }
0x6: {  	_ =	strace $0x80000047;
	s0 =	ssub.s32 $0x2, s0;
	s9 =	smul.u32 $0xA28, s10  }
0x7: {  	[dreg:$0x4] =	wrdreg s11;
	s12 =	sshrl.u32 s0, $0x1;
	s10 =	sand.u32 $0x3, s10  }
0x8: {  	s0 =	ssub.s32 s0, s12;
	s3 =	sshrl.u32 s9, $0x5;
	s8 =	smulhi.u32 $0x147AE2, s9  }
0x9: {  	s9 =	sadd.s32 $0xA28, s9;
	s0 =	smax.u32 s0, $0x1;
	s20 =	smul.u32 $0x51F, s3  }
0xa: {  	s6 =	sadd.s32 $0x48, s3;
	s13 =	sadd.s32 $0x49, s3;
	s23 =	sadd.s32 $0x4A, s3  }
0xb: {  	s30 =	sadd.s32 $0x4B, s3;
	s9 =	sshrl.u32 s9, $0x5;
	[smem:$0x7F9] =	sst s0  }
0xc: {  	s7 =	sand.u32 $0x1FFC, s6;
	s8 =	smul.u32 $0xC8000, s8;
	s16 =	sand.u32 $0x1FFC, s13  }
0xd: {  	s25 =	sand.u32 $0x1FFC, s23;
	s19 =	sand.u32 $0x1FFC, s30;
	s1 =	sshrl.u32 s20, $0x11  }
0xe: {  	s9 =	ssub.s32 s9, s3;
	s7 =	sshrl.u32 s7, $0x2;
	s1 =	smul.u32 $0x64, s1  }
0xf: {  	s21 =	sshrl.u32 s16, $0x2;
	s18 =	sshrl.u32 s25, $0x2;
	s7 =	smul.u32 $0x147B, s7  }
0x10: {  	p0 =	slt.s32 s9, $0x4C;
	p1 =	seq.s32 s9, $0x50;
	s12 =	smul.u32 $0x147B, s21  }
0x11: {  	s29 =	smul.u32 $0x147B, s18;
	p2 =	seq.s32 @!p0 s9, $0x4C;
	s7 =	sshrl.u32 s7, $0x11  }
0x12: {  	p3 =	slt.u32 @!p1 s9, $0x52;
	p2 =	por p0, p2;
	s15 =	smul.u32 $0x64, s7  }
0x13: {  	s1 =	ssub.s32 s3, s1;
	s12 =	sshrl.u32 s12, $0x11;
	s22 =	smul.u32 $0xC8000, s7  }
0x14: {  	p5 =	por p3, p1;
	s1 =	sand.u32 $0xFFFF, s1;
	s17 =	smul.u32 $0x64, s12  }
0x15: {  	p4 =	slt.u32 @!p2 s9, $0x4E;
	s12 =	smul.u32 $0xC8000, s12;
	s1 =	sshll.u32 s1, $0xD  }
0x16: {  	p4 =	por p2, p4;
	s14 =	sand.u32 $0xF8000, s1;
	s1 =	sand.u32 $0x6000, s1  }
0x17: {  	s6 =	ssub.s32 s6, s15;
	s13 =	ssub.s32 s13, s17;
	s17 =	sshrl.u32 s19, $0x2  }
0x18: {  	s8 =	sadd.s32 s14, s8;
	s6 =	sand.u32 $0xFFFF, s6;
	s13 =	sand.u32 $0xFFFF, s13  }
0x19: {  	s6 =	sshll.u32 s6, $0xD;
	s7 =	sor.u32 s1, s8;
	s8 =	sshrl.u32 s29, $0x11  }
0x1a: {  	s13 =	sshll.u32 s13, $0xD;
	s26 =	sand.u32 $0xF8000, s6;
	s6 =	sand.u32 $0x6000, s6  }
0x1b: {  	s18 =	smul.u32 $0x64, s8;
	s20 =	sand.u32 $0xF8000, s13;
	s13 =	sand.u32 $0x6000, s13  }
0x1c: {  	s8 =	smul.u32 $0xC8000, s8;
	s7 =	sadd.s32 $0xC8000, s7;
	s28 =	sadd.s32 s26, s22  }
0x1d: {  	s22 =	smul.u32 $0x147B, s17;
	s7 =	sshrl.u32 s7, $0x3;
	s1 =	sor.u32 s6, s28  }
0x1e: {  	s6 =	sadd.s32 s12, s20;
	s21 =	ssub.s32 s23, s18;
	s23 =	sadd.s32 $0x4C, s3  }
0x1f: {  	s7 =	sadd.s32 s2, s7;
	s12 =	sand.u32 $0xFFFF, s21;
	s15 =	sshrl.u32 s22, $0x11  }
0x20: {  	s19 =	sand.u32 $0x1FFC, s23;
	s6 =	sor.u32 s13, s6;
	[dreg:$0x6] =	wrdreg s7  }
0x21: {  	s1 =	sadd.s32 $0x1900000, s1;
	s12 =	sshll.u32 s12, $0xD;
	s26 =	smul.u32 $0x64, s15  }
0x22: {  	s28 =	sshrl.u32 s19, $0x2;
	s15 =	smul.u32 $0xC8000, s15;
	s19 =	sadd.s32 $0x4F, s3  }
0x23: {  	s1 =	sshrl.u32 s1, $0x3;
	s25 =	sand.u32 $0xF8000, s12;
	s12 =	sand.u32 $0x6000, s12  }
0x24: {  	s13 =	smul.u32 $0x147B, s28;
	s1 =	sadd.s32 s4, s1;
	s8 =	sadd.s32 s8, s25  }
0x25: {  	s14 =	ssub.s32 s30, s26;
	s30 =	sadd.s32 $0x4D, s3;
	s8 =	sor.u32 s12, s8  }
0x26: {  	s29 =	sand.u32 $0xFFFF, s14;
	s13 =	sshrl.u32 s13, $0x11;
	s20 =	sand.u32 $0x1FFC, s30  }
0x27: {  	s12 =	sshll.u32 s29, $0xD;
	s21 =	smul.u32 $0x64, s13;
	s17 =	sshrl.u32 s20, $0x2  }
0x28: {  	s22 =	sand.u32 $0x6000, s12;
	s12 =	sand.u32 $0xF8000, s12;
	s17 =	smul.u32 $0x147B, s17  }
0x29: {  	s13 =	smul.u32 $0xC8000, s13;
	s12 =	sadd.s32 s15, s12;
	s23 =	ssub.s32 s23, s21  }
0x2a: {  	s15 =	sand.u32 $0xFFFF, s23;
	s25 =	sshrl.u32 s17, $0x11;
	s17 =	sadd.s32 $0x4E, s3  }
0x2b: {  	s12 =	sor.u32 s22, s12;
	s26 =	smul.u32 $0x64, s25;
	s20 =	sand.u32 $0x1FFC, s17  }
0x2c: {  	s22 =	sand.u32 $0x1FFC, s19;
	s16 =	smul.u32 $0xC8000, s25;
	s20 =	sshrl.u32 s20, $0x2  }
0x2d: {  	s15 =	sshll.u32 s15, $0xD;
	s25 =	sshrl.u32 s22, $0x2;
	s29 =	smul.u32 $0x147B, s20  }
0x2e: {  	s28 =	sand.u32 $0xF8000, s15;
	s15 =	sand.u32 $0x6000, s15;
	s14 =	ssub.s32 s30, s26  }
0x2f: {  	s13 =	sadd.s32 s13, s28;
	s14 =	sand.u32 $0xFFFF, s14;
	s18 =	sshrl.u32 s29, $0x11  }
0x30: {  	s13 =	sor.u32 s15, s13;
	s14 =	sshll.u32 s14, $0xD;
	s21 =	smul.u32 $0x64, s18  }
0x31: {  	s30 =	sand.u32 $0xF8000, s14;
	s26 =	smul.u32 $0xC8000, s18;
	s18 =	sadd.s32 $0x50, s3  }
0x32: {  	s23 =	sadd.s32 s16, s30;
	s16 =	smul.u32 $0x147B, s25;
	s30 =	sand.u32 $0x1FFC, s18  }
0x33: {  	s14 =	sand.u32 $0x6000, s14;
	s17 =	ssub.s32 s17, s21;
	s22 =	sshrl.u32 s30, $0x2  }
0x34: {  	s17 =	sand.u32 $0xFFFF, s17;
	s16 =	sshrl.u32 s16, $0x11;
	s25 =	smul.u32 $0x147B, s22  }
0x35: {  	s14 =	sor.u32 s14, s23;
	s17 =	sshll.u32 s17, $0xD;
	s29 =	smul.u32 $0x64, s16  }
0x36: {  	s16 =	smul.u32 $0xC8000, s16;
	s28 =	sand.u32 $0xF8000, s17;
	s17 =	sand.u32 $0x6000, s17  }
0x37: {  	s15 =	sadd.s32 s26, s28;
	s23 =	ssub.s32 s19, s29;
	s26 =	sadd.s32 $0x51, s3  }
0x38: {  	s19 =	sshrl.u32 s25, $0x11;
	s15 =	sor.u32 s17, s15;
	s28 =	sand.u32 $0x1FFC, s26  }
0x39: {  	s17 =	sand.u32 $0xFFFF, s23;
	s23 =	smul.u32 $0x64, s19;
	s21 =	sshrl.u32 s28, $0x2  }
0x3a: {  	[dreg:$0xd] =	wrdreg s1;
	s17 =	sshll.u32 s17, $0xD;
	s21 =	smul.u32 $0x147B, s21  }
0x3b: {  	s22 =	sshrl.u32 s24, $0x1;
	s19 =	smul.u32 $0xC8000, s19;
	s29 =	sand.u32 $0xF8000, s17  }
0x3c: {  	s18 =	ssub.s32 s18, s23;
	s30 =	sadd.s32 s16, s29;
	s16 =	sshrl.u32 s21, $0x11  }
0x3d: {  	s17 =	sand.u32 $0x6000, s17;
	s18 =	sand.u32 $0xFFFF, s18;
	s23 =	smul.u32 $0x64, s16  }
0x3e: {  	s18 =	sshll.u32 s18, $0xD;
	s17 =	sor.u32 s17, s30;
	s21 =	sadd.s32 $0x52, s3  }
0x3f: {  	s24 =	sand.u32 $0xF8000, s18;
	s25 =	ssub.s32 s26, s23;
	s26 =	sand.u32 $0x1FFC, s21  }
0x40: {  	s18 =	sand.u32 $0x6000, s18;
	s16 =	smul.u32 $0xC8000, s16;
	s20 =	sshrl.u32 s26, $0x2  }
0x41: {  	s11 =	sadd.s32 s19, s24;
	s19 =	sand.u32 $0xFFFF, s25;
	s30 =	smul.u32 $0x147B, s20  }
0x42: {  	s24 =	smul.u32 $0xFA0, s22;
	s28 =	sshll.u32 s19, $0xD;
	s19 =	sor.u32 s18, s11  }
0x43: {  	s29 =	sand.u32 $0xF8000, s28;
	s18 =	sshrl.u32 s30, $0x11;
	s30 =	smul.u32 $0x320000, s22  }
0x44: {  	s20 =	sand.u32 $0x6000, s28;
	s11 =	sadd.s32 s16, s29;
	s23 =	smul.u32 $0x64, s18  }
0x45: {  	s16 =	sadd.s32 $0xB50003E8, s24;
	s25 =	smul.u32 $0xC8000, s18;
	s18 =	simm.s32 @!p5 $0x0  }
0x46: {  	s22 =	sshll.u32 s10, $0xA;
	s20 =	sor.u32 s20, s11;
	s18 =	simm.s32 @p5 $0x1  }
0x47: {  	p5 =	seq.s32 @!p5 s9, $0x52;
	s11 =	ssub.s32 s21, s23;
	[smem:$0x7F7] =	sst s18  }
0x48: {  	p3 =	por @!p1 p5, p3;
	s18 =	sor.u32 $0xB5000000, s24;
	s23 =	sshll.u32 s10, $0xD  }
0x49: {  	s10 =	sadd.s32 s2, s22;
	s11 =	sand.u32 $0xFFFF, s11;
	s21 =	simm.s32 @!p3 $0x0  }
0x4a: {  	[dreg:$0x5] =	wrdreg s10;
	s11 =	sshll.u32 s11, $0xD;
	s21 =	simm.s32 @p3 $0x1  }
0x4b: {  	p3 =	seq.s32 @!p4 s9, $0x4E;
	s26 =	sand.u32 $0xF8000, s11;
	[smem:$0x7FB] =	sst s21  }
0x4c: {  	p5 =	por p4, p3;
	s29 =	sand.u32 $0x6000, s11;
	s28 =	sadd.s32 s26, s25  }
0x4d: {  	p6 =	slt.u32 @!p5 s9, $0x50;
	s9 =	sor.u32 s23, s30;
	s25 =	sor.u32 $0x18000, s23  }
0x4e: {  	s21 =	sor.u32 s29, s28;
	s28 =	sadd.s32 $0xB50007D0, s24;
	s29 =	sadd.s32 $0xB5000BB8, s24  }
0x4f: {  	s24 =	sor.u32 $0x10000, s23;
	[dreg:$0x8] =	wrdreg s25;
	s26 =	sadd.s32 $0xC0000, s9  }
0x50: {  	s30 =	sadd.s32 $0x188000, s9;
	s11 =	sadd.s32 $0x250000, s9;
	s25 =	sadd.s32 $0x318000, s9  }
0x51: {  	p3 =	por p5, p6;
	s31 =	sadd.s32 $0xC8000, s9;
	[dreg:$0x7] =	wrdreg s24  }
0x52: {  	s7 =	sshrl.u32 s26, $0x3;
	s22 =	sshrl.u32 s30, $0x3;
	s24 =	sshrl.u32 s11, $0x3  }
0x53: {  	s26 =	sadd.s32 $0xC8000, s6;
	s11 =	sadd.s32 $0xC8000, s8;
	s7 =	sadd.s32 s4, s7  }
0x54: {  	s0 =	simm.s32 @!p3 $0x0;
	s22 =	sadd.s32 s4, s22;
	[dreg:$0x9] =	wrdreg s7  }
0x55: {  	s30 =	sshrl.u32 s26, $0x3;
	s0 =	simm.s32 @p3 $0x1;
	[dreg:$0xa] =	wrdreg s22  }
0x56: {  	s26 =	sadd.s32 $0x1900000, s12;
	s7 =	sadd.s32 s4, s24;
	[smem:$0x7FA] =	sst s0  }
0x57: {  	s1 =	sadd.s32 s2, s30;
	s22 =	sadd.s32 $0x1900000, s8;
	[dreg:$0xb] =	wrdreg s7  }
0x58: {  	s30 =	sadd.s32 $0xC8000, s13;
	s7 =	sshrl.u32 s25, $0x3;
	[dreg:$0xe] =	wrdreg s1  }
0x59: {  	s24 =	sshrl.u32 s22, $0x3;
	s25 =	sadd.s32 $0xC8000, s12;
	s12 =	sadd.s32 $0x1900000, s13  }
0x5a: {  	s13 =	sadd.s32 $0xC8000, s14;
	s22 =	sadd.s32 $0x1900000, s14;
	s7 =	sadd.s32 s4, s7  }
0x5b: {  	s14 =	sadd.s32 $0x1900000, s19;
	[dreg:$0xc] =	wrdreg s7;
	s7 =	sadd.s32 $0x1900000, s6  }
0x5c: {  	s6 =	sshrl.u32 s11, $0x3;
	s11 =	sshrl.u32 s30, $0x3;
	s30 =	sadd.s32 $0xC8000, s17  }
0x5d: {  	s1 =	sshrl.u32 s7, $0x3;
	s23 =	sadd.s32 s2, s6;
	s6 =	sshrl.u32 s26, $0x3  }
0x5e: {  	s26 =	sadd.s32 $0x1900000, s15;
	s7 =	simm.s32 $0x7;
	s1 =	sadd.s32 s4, s1  }
0x5f: {  	[dreg:$0x10] =	wrdreg s23;
	s8 =	sadd.s32 s4, s6;
	s6 =	sshrl.u32 s13, $0x3  }
0x60: {  	s13 =	sadd.s32 $0xC8000, s19;
	s19 =	sadd.s32 $0xC8000, s20;
	[dreg:$0xf] =	wrdreg s1  }
0x61: {  	s1 =	sadd.s32 s4, s24;
	[dreg:$0x13] =	wrdreg s8;
	s23 =	sadd.s32 s2, s6  }
0x62: {  	s24 =	sshrl.u32 s22, $0x3;
	s6 =	sshrl.u32 s26, $0x3;
	s26 =	sld [smem:$0x7FB]  }
0x63: {  	s22 =	sadd.s32 $0x1900000, s20;
	[dreg:$0x11] =	wrdreg s1;
	s1 =	sshrl.u32 s25, $0x3  }
0x64: {  	[dreg:$0x16] =	wrdreg s23;
	s25 =	sadd.s32 $0xC8000, s15;
	s8 =	sadd.s32 s4, s6  }
0x65: {  	s6 =	sshrl.u32 s13, $0x3;
	s23 =	sadd.s32 $0xC8000, s21;
	s13 =	sadd.s32 $0x1, s3  }
0x66: {  	s1 =	sadd.s32 s2, s1;
	[dreg:$0x19] =	wrdreg s8;
	s15 =	sadd.s32 s2, s6  }
0x67: {  	s6 =	sshrl.u32 s22, $0x3;
	s8 =	sadd.s32 $0x2, s3;
	s22 =	simm.s32 $0x6  }
0x68: {  	[dreg:$0x12] =	wrdreg s1;
	s1 =	sadd.s32 s2, s11;
	s11 =	sshrl.u32 s30, $0x3  }
0x69: {  	[dreg:$0x1c] =	wrdreg s15;
	p6 =	seq.s32 s26, $0x1;
	s30 =	sadd.s32 $0x1000, s10  }
0x6a: {  	s15 =	simm.s32 $0x1BD00;
	s26 =	simm.s32 $0x3;
	[dreg:$0x14] =	wrdreg s1  }
0x6b: {  	s1 =	sshrl.u32 s12, $0x3;
	s12 =	sadd.s32 $0x1900000, s17;
	s17 =	sshrl.u32 s14, $0x3  }
0x6c: {  	p3 =	por p6, p1;
	[smem:$0x7FD] =	sst s30;
	s1 =	sadd.s32 s4, s1  }
0x6d: {  	s14 =	simm.s32 $0x0;
	[dreg:$0x15] =	wrdreg s1;
	s1 =	sadd.s32 s4, s24  }
0x6e: {  	s24 =	sadd.s32 s4, s6;
	[dreg:$0x17] =	wrdreg s1;
	s1 =	sshrl.u32 s25, $0x3  }
0x6f: {  	s0 =	simm.s32 @!p3 $0x0;
	[dreg:$0x1f] =	wrdreg s24;
	s1 =	sadd.s32 s2, s1  }
0x70: {  	s0 =	simm.s32 @p3 $0x1;
	[dreg:$0x18] =	wrdreg s1;
	s1 =	sadd.s32 s2, s11  }
0x71: {  	s6 =	sadd.s32 $0x258000, s9;
	[dreg:$0x1a] =	wrdreg s1;
	s1 =	sshrl.u32 s12, $0x3  }
0x72: {  	s25 =	sshrl.u32 s23, $0x3;
	[smem:$0x7FC] =	sst s0;
	s1 =	sadd.s32 s4, s1  }
.Ltmp0:
0x73: {  	[dreg:$0x1b] =	wrdreg s1;
	s1 =	sadd.s32 s4, s17;
	(pc) =	sbr.rel .LBB2_1-.Ltmp0, $4  }
0x74: {  	s23 =	simm.s32 $0x1DD00;
	[dreg:$0x1d] =	wrdreg s1;
	s1 =	sshrl.u32 s19, $0x3  }
0x75: {  	s24 =	simm.s32 $0x8;
	s12 =	sadd.s32 $0x3, s3;
	s1 =	sadd.s32 s2, s1  }
0x76: {  	v1 =	vmov s16;
	s17 =	simm.s32 $0x2;
	[dreg:$0x1e] =	wrdreg s1;
	s1 =	sadd.s32 s2, s25  }
0x77: {  	v0 =	vmov s18;
	v2 =	vmov s28;
	v3 =	vmov s29;
	s25 =	simm.s32 $0x9;
	[smem:$0x7F8] =	sst s1;
	s1 =	sadd.s32 $0x190000, s9  }
.LBB2_11:
0x78: {  	_ =	swait.ge [sflag:s28], $0x2000  }
0x79: {  	[sflag:s28] =	ssyncset.done $0x0  }
0x7a: {  	[sflag:s28] =	ssyncadd.s32 $0xFFFFE000  }
0x7b: {  	_ =	swait.ge [sflag:s28], $0x2000  }
0x7c: {  	[sflag:s28] =	ssyncset.done $0x0  }
0x7d: {  	[sflag:s28] =	ssyncadd.s32 $0xFFFFE000  }
0x7e: {  	_ =	swait.ge [sflag:s28], $0x2000  }
0x7f: {  	[sflag:s28] =	ssyncset.done $0x0  }
0x80: {  	[sflag:s28] =	ssyncadd.s32 $0xFFFFE000  }
0x81: {  	_ =	swait.ge [sflag:s28], $0x2000  }
0x82: {  	[sflag:s28] =	ssyncset.done $0x0  }
0x83: {  	s0 =	simm.s32 $0x5;
	[sflag:s28] =	ssyncadd.s32 $0xFFFFE000  }
0x84: {  	_ =	swait.ge [sflag:s0], $0x2000  }
0x85: {  	[sflag:s0] =	ssyncset.done $0x0  }
0x86: {  	[sflag:s0] =	ssyncadd.s32 $0xFFFFE000  }
0x87: {  	_ =	swait.ge [sflag:s0], $0x2000  }
0x88: {  	[sflag:s0] =	ssyncset.done $0x0  }
0x89: {  	[sflag:s0] =	ssyncadd.s32 $0xFFFFE000  }
0x8a: {  	_ =	swait.ge [sflag:s0], $0x2000  }
0x8b: {  	[sflag:s0] =	ssyncset.done $0x0  }
0x8c: {  	[sflag:s0] =	ssyncadd.s32 $0xFFFFE000  }
0x8d: {  	_ =	swait.ge [sflag:s0], $0x2000  }
0x8e: {  	[sflag:s0] =	ssyncset.done $0x0  }
0x8f: {  	[sflag:s0] =	ssyncadd.s32 $0xFFFFE000  }
0x90: {  	_ =	swait.ge [sflag:s24], $0x2000  }
0x91: {  	[sflag:s24] =	ssyncset.done $0x0  }
0x92: {  	[sflag:s24] =	ssyncadd.s32 $0xFFFFE000  }
0x93: {  	_ =	swait.ge [sflag:s25], $0x2000  }
0x94: {  	s30 =	sld [smem:$0x7F9];
	_ =	sdelay $0x1  }
0x95: {  	s14 =	sadd.s32 $0x1, s14  }
0x96: {  	p3 =	sne.s32 s14, s30  }
.Ltmp1:
0x97: {  	_ = 	snop;
	(pc) =	sbr.rel @!p3 .LBB2_12-.Ltmp1, $3  }
0x98: {  	_ =	sdelay $0x1  }
0x99: {  	[sflag:s25] =	ssyncset.done $0x0  }
0x9a: {  	[sflag:s25] =	ssyncadd.s32 $0xFFFFE000  }
.LBB2_1:
0x9b: {  	s0 =	rddreg [dreg:$0x4]  }
0x9c: {  	s20 =	rddreg [dreg:$0x5]  }
0x9d: {  	[tilespmem:s5], [sflag:$0x1] =	stream.linear.gather [hbm4b:s0+s5], $0x7D00, $0x38;
	[tilespmem:$0x1FD00] =	vst v63  }
0x9e: {  	s10 =	simm.s32 $0x7D00;
	s21 =	sld [smem:$0x7FD]  }
0x9f: {  	[tilespmem:s10], [sflag:$0x2] =	stream.linear.gather [hbm4b:s20+s5], $0x2000, $0x38;
	[tilespmem:$0x1FD00] =	vst v63  }
0xa0: {  	[smem:$0x7F6] =	sst s14;
	s28 =	simm.s32 $0x9D00  }
0xa1: {  	[tilespmem:s28], [sflag:$0x3] =	stream.linear.gather [hbm4b:s21+s5], $0x2000, $0x38;
	[tilespmem:$0x1FD00] =	vst v63  }
0xa2: {  	s29 =	rddreg [dreg:$0x6];
	s30 =	simm.s32 $0x1  }
0xa3: {  	[tilespmem:s15], [sflag:$0x6] =	stream.linear.gather [hbm4b:s29+s5], $0x2000, $0x38;
	[tilespmem:$0x1FD00] =	vst v63  }
0xa4: {  	_ =	swait.ge [sflag:s30], $0x7D00  }
0xa5: {  	[sflag:s30] =	ssyncset.done $0x0  }
0xa6: {  	s16 =	simm.s32 $0x0;
	[sflag:s30] =	ssyncadd.s32 $0xFFFF8300  }
.LBB2_2:
0xa7: {  	_ =	swait.ge [sflag:s17], $0x2000  }
0xa8: {  	p6 =	seq.s32 s16, $0x0;
	[sflag:s17] =	ssyncset.done $0x0  }
0xa9: {  	s0 =	simm.s32 @!p6 $0x4;
	[sflag:s17] =	ssyncadd.s32 $0xFFFFE000  }
0xaa: {  	_ =	swait.ge @!p6 [sflag:s0], $0x2000  }
0xab: {  	[sflag:s0] =	ssyncset.done @!p6 $0x0  }
0xac: {  	[sflag:s0] =	ssyncadd.s32 @!p6 $0xFFFFE000  }
0xad: {  	_ =	swait.ge @!p6 [sflag:s0], $0x2000  }
0xae: {  	[sflag:s0] =	ssyncset.done @!p6 $0x0  }
0xaf: {  	[sflag:s0] =	ssyncadd.s32 @!p6 $0xFFFFE000  }
0xb0: {  	_ =	swait.ge @!p6 [sflag:s0], $0x2000  }
0xb1: {  	[sflag:s0] =	ssyncset.done @!p6 $0x0  }
0xb2: {  	s14 =	simm.s32 $0x0;
	[sflag:s0] =	ssyncadd.s32 @!p6 $0xFFFFE000  }
0xb3: {  	s18 =	sand.u32 $0x1C00, s14;
	s19 =	sand.u32 $0x380, s14;
	_ =	swait.ge @!p6 [sflag:s0], $0x2000  }
0xb4: {  	s14 =	sand.u32 $0x40, s14;
	s18 =	sor.u32 s19, s18;
	[sflag:s0] =	ssyncset.done @!p6 $0x0  }
0xb5: {  	[sflag:s0] =	ssyncadd.s32 @!p6 $0xFFFFE000;
	s0 =	sor.u32 s14, s18  }
0xb6: {  	v4 =	vld [tilespmem:s0+$0x7D10]  }
0xb7: {  	v5 =	vld [tilespmem:s0+$0x7D20];
	_ =	sdelay $0x2  }
0xb8: {  	v6 =	vld [tilespmem:s0+$0x7D00]  }
0xb9: {  	v4 =	vmul.f32 $2.550000000e+02, v4  }
0xba: {  	v5 =	vmul.f32 $2.550000000e+02, v5  }
0xbb: {  	v7 =	vadd.f32 $8.388608000e+06, v4  }
0xbc: {  	s21 =	simm.s32 $0x200;
	s10 =	simm.s32 $0x8;
	v8 =	vadd.f32 $8.388608000e+06, v5  }
0xbd: {  	s11 =	simm.s32 $0x40;
	s14 =	sand.u32 $0x1C00, s21;
	s18 =	sand.u32 $0x380, s10;
	v6 =	vmul.f32 $2.550000000e+02, v6;
	v4 =	vadd.s32 v7, v0  }
0xbe: {  	s19 =	sand.u32 $0x40, s11;
	s14 =	sor.u32 s18, s14;
	v5 =	vadd.s32 v8, v0  }
0xbf: {  	v9 =	vld [tilespmem:s0+$0x7D30];
	s28 =	sor.u32 s19, s14;
	v10 =	vadd.f32 $8.388608000e+06, v6  }
0xc0: {  	v11 =	vld [tilespmem:s28+$0x7D00]  }
0xc1: {  	v13 =	vld [tilespmem:s28+$0x7D10];
	v6 =	vadd.s32 v10, v0  }
0xc2: {  	v4 =	vld.idx.msk [tilespmem:v4+s5+$0x0], $0xffff  }
0xc3: {  	v12 =	vadd.s32 v7, v1;
	v5 =	vld.idx.msk [tilespmem:v5+s5+$0x0], $0xffff  }
0xc4: {  	v15 =	vld [tilespmem:s28+$0x7D20];
	v9 =	vmul.f32 $2.550000000e+02, v9;
	v14 =	vadd.s32 v8, v1;
	_ =	sdelay $0x1  }
0xc5: {  	v9 =	vadd.f32 $8.388608000e+06, v9;
	v6 =	vld.idx.msk [tilespmem:v6+s5+$0x0], $0xffff  }
0xc6: {  	v16 =	vadd.s32 v10, v1;
	[tilespmem:s0+$0xBD10] =	vst v4;
	v4 =	vmul.f32 $2.550000000e+02, v11  }
0xc7: {  	[tilespmem:s0+$0xBD20] =	vst v5;
	v5 =	vmul.f32 $2.550000000e+02, v13;
	v11 =	vld.idx.msk [tilespmem:v12+s5+$0x0], $0xffff;
	v12 =	vadd.s32 v9, v0  }
0xc8: {  	v13 =	vld.idx.msk [tilespmem:v14+s5+$0x0], $0xffff;
	v14 =	vmul.f32 $2.550000000e+02, v15;
	v15 =	vadd.s32 v7, v2;
	v4 =	vadd.f32 $8.388608000e+06, v4  }
0xc9: {  	v17 =	vadd.s32 v8, v2;
	v18 =	vadd.f32 $8.388608000e+06, v5  }
0xca: {  	v19 =	vld [tilespmem:s28+$0x7D30];
	[tilespmem:s0+$0xBD00] =	vst v6;
	v5 =	vadd.f32 $8.388608000e+06, v14;
	v6 =	vadd.s32 v4, v0  }
0xcb: {  	v14 =	vld.idx.msk [tilespmem:v16+s5+$0x0], $0xffff;
	v16 =	vadd.s32 v18, v0  }
0xcc: {  	v20 =	vadd.s32 v5, v0;
	v12 =	vld.idx.msk [tilespmem:v12+s5+$0x0], $0xffff;
	[tilespmem:s0+$0xDD10] =	vst v11  }
0xcd: {  	[tilespmem:s0+$0xDD20] =	vst v13;
	v13 =	vadd.s32 v9, v1;
	v11 =	vld.idx.msk [tilespmem:v15+s5+$0x0], $0xffff  }
0xce: {  	v15 =	vadd.s32 v10, v2;
	v17 =	vld.idx.msk [tilespmem:v17+s5+$0x0], $0xffff  }
0xcf: {  	v21 =	vld.idx.msk [tilespmem:v6+s5+$0x0], $0xffff  }
0xd0: {  	s20 =	simm.s32 $0x10;
	s19 =	simm.s32 $0x400;
	v6 =	vadd.s32 v7, v3;
	v7 =	vld.idx.msk [tilespmem:v16+s5+$0x0], $0xffff  }
0xd1: {  	s18 =	sand.u32 $0x380, s20;
	s14 =	simm.s32 $0x80;
	s21 =	sand.u32 $0x1C00, s19;
	v16 =	vld.idx.msk [tilespmem:v20+s5+$0x0], $0xffff;
	[tilespmem:s0+$0xBD30] =	vst v12  }
0xd2: {  	s20 =	sand.u32 $0x40, s14;
	s18 =	sor.u32 s18, s21;
	[tilespmem:s0+$0xDD00] =	vst v14;
	v12 =	vld.idx.msk [tilespmem:v13+s5+$0x0], $0xffff  }
0xd3: {  	s30 =	sor.u32 s20, s18;
	v13 =	vld.idx.msk [tilespmem:v15+s5+$0x0], $0xffff  }
0xd4: {  	v22 =	vadd.s32 v5, v1;
	[tilespmem:s0+$0xFD10] =	vst v11;
	v15 =	vld [tilespmem:s30+$0x7D00]  }
0xd5: {  	v20 =	vadd.s32 v18, v1;
	v11 =	vld.idx.msk [tilespmem:v6+s5+$0x0], $0xffff  }
0xd6: {  	v14 =	vadd.s32 v9, v2;
	[tilespmem:s0+$0xFD20] =	vst v17;
	v6 =	vmul.f32 $2.550000000e+02, v19;
	v19 =	vld [tilespmem:s30+$0x7D10]  }
0xd7: {  	v23 =	vld [tilespmem:s30+$0x7D20];
	v24 =	vadd.s32 v8, v3;
	[tilespmem:s28+$0xBD10] =	vst v7  }
0xd8: {  	v25 =	vld [tilespmem:s30+$0x7D30];
	v26 =	vadd.s32 v10, v3;
	[tilespmem:s28+$0xBD20] =	vst v16  }
0xd9: {  	v6 =	vadd.f32 $8.388608000e+06, v6;
	v17 =	vld.idx.msk [tilespmem:v22+s5+$0x0], $0xffff;
	[tilespmem:s0+$0xDD30] =	vst v12;
	v12 =	vadd.s32 v4, v1  }
0xda: {  	v60 =	vadd.s32 v5, v2;
	v7 =	vmul.f32 $2.550000000e+02, v15;
	v15 =	vld.idx.msk [tilespmem:v20+s5+$0x0], $0xffff  }
0xdb: {  	[tilespmem:s28+$0xBD00] =	vst v21;
	v14 =	vld.idx.msk [tilespmem:v14+s5+$0x0], $0xffff;
	v16 =	vadd.s32 v6, v0;
	v10 =	vmul.f32 $2.550000000e+02, v19  }
0xdc: {  	v9 =	vadd.s32 v9, v3;
	v59 =	vld.idx.msk [tilespmem:v24+s5+$0x0], $0xffff;
	[tilespmem:s0+$0xFD00] =	vst v13;
	v8 =	vadd.f32 $8.388608000e+06, v7;
	v19 =	vmul.f32 $2.550000000e+02, v23  }
0xdd: {  	v20 =	vadd.s32 v18, v2;
	v61 =	vld.idx.msk [tilespmem:v26+s5+$0x0], $0xffff;
	[tilespmem:s0+$0x11D10] =	vst v11;
	v7 =	vadd.f32 $8.388608000e+06, v10  }
0xde: {  	v11 =	vadd.s32 v8, v0;
	v10 =	vadd.f32 $8.388608000e+06, v19;
	[tilespmem:s28+$0xDD20] =	vst v17;
	v12 =	vld.idx.msk [tilespmem:v12+s5+$0x0], $0xffff  }
0xdf: {  	[tilespmem:s28+$0xDD10] =	vst v15;
	v15 =	vld.idx.msk [tilespmem:v60+s5+$0x0], $0xffff;
	v13 =	vadd.s32 v7, v0  }
0xe0: {  	v62 =	vld.idx.msk [tilespmem:v16+s5+$0x0], $0xffff;
	[tilespmem:s0+$0xFD30] =	vst v14;
	v63 =	vadd.s32 v10, v0  }
0xe1: {  	v19 =	vadd.s32 v6, v1;
	v16 =	vld.idx.msk [tilespmem:v9+s5+$0x0], $0xffff  }
0xe2: {  	[tilespmem:s0+$0x11D20] =	vst v59;
	v17 =	vadd.s32 v4, v2;
	v14 =	vld.idx.msk [tilespmem:v20+s5+$0x0], $0xffff  }
0xe3: {  	v18 =	vadd.s32 v18, v3;
	[tilespmem:s0+$0x11D00] =	vst v61;
	v9 =	vmul.f32 $2.550000000e+02, v25;
	v11 =	vld.idx.msk [tilespmem:v11+s5+$0x0], $0xffff  }
0xe4: {  	s29 =	sshll.u32 s16, $0x1;
	[tilespmem:s28+$0xDD00] =	vst v12;
	v13 =	vld.idx.msk [tilespmem:v13+s5+$0x0], $0xffff  }
0xe5: {  	s19 =	simm.s32 $0x600;
	s18 =	simm.s32 $0x8;
	s20 =	simm.s32 $0x18;
	v9 =	vadd.f32 $8.388608000e+06, v9;
	v12 =	vld.idx.msk [tilespmem:v63+s5+$0x0], $0xffff;
	[tilespmem:s28+$0xBD30] =	vst v62  }
.LBB2_3:
0xe6: {  	s21 =	sand.u32 $0x1C00, s19;
	s10 =	sand.u32 $0x380, s20;
	s14 =	sadd.s32 $0x40, s14;
	v19 =	vld.idx.msk [tilespmem:v19+s5+$0x0], $0xffff;
	[tilespmem:s0+$0x11D30] =	vst v16  }
0xe7: {  	s18 =	sadd.s32 $0x4, s18;
	s0 =	sand.u32 $0x40, s14;
	s10 =	sor.u32 s10, s21;
	v16 =	vld.idx.msk [tilespmem:v17+s5+$0x0], $0xffff;
	[tilespmem:s28+$0xFD10] =	vst v14  }
0xe8: {  	p3 =	slt.u32 s18, $0x1FC;
	s10 =	sor.u32 s0, s10;
	v14 =	vld.idx.msk [tilespmem:v18+s5+$0x0], $0xffff;
	[tilespmem:s28+$0xFD20] =	vst v15;
	v15 =	vadd.s32 v6, v2;
	s0 =	smov.u32 s28  }
0xe9: {  	v18 =	vadd.s32 v7, v1;
	s28 =	smov.u32 s30;
	v17 =	vld [tilespmem:s10+$0x7D00];
	s30 =	smov.u32 s10  }
0xea: {  	v21 =	vadd.s32 v10, v1;
	v20 =	vld [tilespmem:s30+$0x7D10]  }
0xeb: {  	v23 =	vadd.s32 v5, v3;
	v5 =	vmov v10;
	v22 =	vld [tilespmem:s30+$0x7D20]  }
0xec: {  	v24 =	vadd.s32 v8, v1;
	v10 =	vld [tilespmem:s30+$0x7D30];
	[tilespmem:s0+$0xDD30] =	vst v19  }
0xed: {  	[tilespmem:s28+$0xBD10] =	vst v13;
	v13 =	vadd.s32 v4, v3;
	v15 =	vld.idx.msk [tilespmem:v15+s5+$0x0], $0xffff;
	v4 =	vmov v8  }
0xee: {  	v8 =	vmul.f32 $2.550000000e+02, v17;
	v17 =	vld.idx.msk [tilespmem:v18+s5+$0x0], $0xffff;
	[tilespmem:s28+$0xBD20] =	vst v12;
	v12 =	vadd.s32 v9, v0  }
0xef: {  	v18 =	vmul.f32 $2.550000000e+02, v20;
	v19 =	vld.idx.msk [tilespmem:v21+s5+$0x0], $0xffff;
	[tilespmem:s0+$0x11D10] =	vst v14;
	v14 =	vadd.s32 v6, v3;
	v6 =	vmov v9  }
0xf0: {  	v8 =	vadd.f32 $8.388608000e+06, v8;
	v9 =	vmul.f32 $2.550000000e+02, v22;
	[tilespmem:s28+$0xBD00] =	vst v11;
	v11 =	vadd.s32 v7, v2;
	v20 =	vld.idx.msk [tilespmem:v23+s5+$0x0], $0xffff  }
0xf1: {  	v23 =	vadd.s32 v5, v2;
	v21 =	vadd.f32 $8.388608000e+06, v18;
	v18 =	vmul.f32 $2.550000000e+02, v10;
	v22 =	vld.idx.msk [tilespmem:v24+s5+$0x0], $0xffff;
	[tilespmem:s0+$0xFD00] =	vst v16  }
0xf2: {  	v24 =	vadd.s32 v8, v0;
	v10 =	vadd.f32 $8.388608000e+06, v9;
	v25 =	vld.idx.msk [tilespmem:v13+s5+$0x0], $0xffff  }
0xf3: {  	v13 =	vadd.s32 v21, v0;
	v9 =	vadd.f32 $8.388608000e+06, v18;
	v26 =	vld.idx.msk [tilespmem:v12+s5+$0x0], $0xffff;
	[tilespmem:s0+$0xFD30] =	vst v15  }
0xf4: {  	v12 =	vadd.s32 v10, v0;
	[tilespmem:s28+$0xDD10] =	vst v17;
	v16 =	vld.idx.msk [tilespmem:v14+s5+$0x0], $0xffff  }
.Ltmp2:
0xf5: {  	v14 =	vld.idx.msk [tilespmem:v11+s5+$0x0], $0xffff;
	[tilespmem:s28+$0xDD20] =	vst v19;
	v19 =	vadd.s32 v6, v1;
	(pc) =	sbr.rel @p3 .LBB2_3-.Ltmp2, $4  }
0xf6: {  	v17 =	vadd.s32 v4, v2;
	v15 =	vld.idx.msk [tilespmem:v23+s5+$0x0], $0xffff;
	[tilespmem:s0+$0x11D20] =	vst v20  }
0xf7: {  	v18 =	vadd.s32 v7, v3;
	v7 =	vmov v21;
	v11 =	vld.idx.msk [tilespmem:v24+s5+$0x0], $0xffff;
	[tilespmem:s28+$0xDD00] =	vst v22  }
0xf8: {  	v13 =	vld.idx.msk [tilespmem:v13+s5+$0x0], $0xffff;
	[tilespmem:s0+$0x11D00] =	vst v25  }
0xf9: {  	s19 =	sadd.s32 $0x200, s19;
	s20 =	sadd.s32 $0x8, s20;
	v12 =	vld.idx.msk [tilespmem:v12+s5+$0x0], $0xffff;
	[tilespmem:s28+$0xBD30] =	vst v26  }
0xfa: {  	_ =	sdelay $0x2  }
0xfb: {  	v20 =	vadd.s32 v9, v0  }
0xfc: {  	v19 =	vld.idx.msk [tilespmem:v19+s5+$0x0], $0xffff;
	_ =	sdelay $0x1  }
0xfd: {  	[tilespmem:s0+$0x11D30] =	vst v16;
	v16 =	vadd.s32 v7, v1  }
0xfe: {  	[tilespmem:s28+$0xFD10] =	vst v14;
	v14 =	vadd.s32 v10, v1  }
0xff: {  	[tilespmem:s28+$0xFD20] =	vst v15;
	v15 =	vadd.s32 v8, v1;
	v20 =	vld.idx.msk [tilespmem:v20+s5+$0x0], $0xffff  }
0x100: {  	v18 =	vld.idx.msk [tilespmem:v18+s5+$0x0], $0xffff;
	[tilespmem:s28+$0xDD30] =	vst v19;
	v19 =	vadd.s32 v9, v1  }
0x101: {  	v17 =	vld.idx.msk [tilespmem:v17+s5+$0x0], $0xffff;
	v5 =	vadd.s32 v5, v3;
	[tilespmem:s30+$0xBD10] =	vst v13  }
0x102: {  	v21 =	vadd.s32 v6, v2;
	[tilespmem:s30+$0xBD20] =	vst v12;
	v13 =	vld.idx.msk [tilespmem:v16+s5+$0x0], $0xffff  }
0x103: {  	[tilespmem:s30+$0xBD00] =	vst v11;
	v11 =	vadd.s32 v7, v2;
	v12 =	vld.idx.msk [tilespmem:v14+s5+$0x0], $0xffff  }
0x104: {  	v14 =	vld.idx.msk [tilespmem:v15+s5+$0x0], $0xffff;
	v15 =	vadd.s32 v10, v2;
	[tilespmem:s30+$0xBD30] =	vst v20  }
0x105: {  	v16 =	vadd.s32 v8, v2;
	[tilespmem:s28+$0x11D10] =	vst v18;
	v18 =	vld.idx.msk [tilespmem:v19+s5+$0x0], $0xffff  }
0x106: {  	[tilespmem:s28+$0xFD00] =	vst v17;
	v17 =	vadd.s32 v9, v2;
	v5 =	vld.idx.msk [tilespmem:v5+s5+$0x0], $0xffff  }
0x107: {  	v4 =	vadd.s32 v4, v3;
	[tilespmem:s30+$0xDD10] =	vst v13;
	v19 =	vld.idx.msk [tilespmem:v21+s5+$0x0], $0xffff  }
0x108: {  	v6 =	vadd.s32 v6, v3;
	[tilespmem:s30+$0xDD20] =	vst v12;
	v11 =	vld.idx.msk [tilespmem:v11+s5+$0x0], $0xffff  }
0x109: {  	v7 =	vadd.s32 v7, v3;
	v12 =	vld.idx.msk [tilespmem:v15+s5+$0x0], $0xffff;
	[tilespmem:s30+$0xDD00] =	vst v14  }
0x10a: {  	v10 =	vadd.s32 v10, v3;
	v13 =	vld.idx.msk [tilespmem:v16+s5+$0x0], $0xffff;
	[tilespmem:s30+$0xDD30] =	vst v18  }
0x10b: {  	v8 =	vadd.s32 v8, v3;
	[tilespmem:s28+$0x11D20] =	vst v5;
	v14 =	vld.idx.msk [tilespmem:v17+s5+$0x0], $0xffff  }
0x10c: {  	v4 =	vld.idx.msk [tilespmem:v4+s5+$0x0], $0xffff;
	v5 =	vadd.s32 v9, v3;
	[tilespmem:s28+$0xFD30] =	vst v19  }
0x10d: {  	[tilespmem:s30+$0xFD10] =	vst v11;
	v6 =	vld.idx.msk [tilespmem:v6+s5+$0x0], $0xffff  }
0x10e: {  	[tilespmem:s30+$0xFD20] =	vst v12;
	v7 =	vld.idx.msk [tilespmem:v7+s5+$0x0], $0xffff  }
0x10f: {  	v9 =	vld.idx.msk [tilespmem:v10+s5+$0x0], $0xffff;
	[tilespmem:s30+$0xFD00] =	vst v13  }
0x110: {  	v8 =	vld.idx.msk [tilespmem:v8+s5+$0x0], $0xffff;
	[tilespmem:s30+$0xFD30] =	vst v14  }
0x111: {  	[tilespmem:s28+$0x11D00] =	vst v4;
	v4 =	vld.idx.msk [tilespmem:v5+s5+$0x0], $0xffff  }
0x112: {  	[tilespmem:s28+$0x11D30] =	vst v6  }
0x113: {  	[tilespmem:s30+$0x11D10] =	vst v7;
	s28 =	sshll.u32 s16, $0x10  }
0x114: {  	[tilespmem:s30+$0x11D20] =	vst v9;
	s21 =	sadd.s32 s9, s28  }
0x115: {  	[tilespmem:s30+$0x11D00] =	vst v8;
	s0 =	sshrl.u32 s21, $0x3  }
0x116: {  	s10 =	simm.s32 $0xBD00;
	s0 =	sadd.s32 s4, s0;
	[tilespmem:s30+$0x11D30] =	vst v4  }
0x117: {  	[hbm4b:s0+s5] =	stream.linear.scatter [tilespmem:s10], [sflag:$0x4], $0x2000, $0x38;
	[tilespmem:$0x1FD00] =	vst v63  }
0x118: {  	s10 =	sadd.s32 s31, s28  }
0x119: {  	s0 =	sshrl.u32 s10, $0x3  }
0x11a: {  	s11 =	simm.s32 $0xDD00;
	s14 =	sadd.s32 s1, s28;
	s0 =	sadd.s32 s4, s0  }
0x11b: {  	[hbm4b:s0+s5] =	stream.linear.scatter [tilespmem:s11], [sflag:$0x4], $0x2000, $0x38;
	[tilespmem:$0x1FD00] =	vst v63  }
0x11c: {  	s0 =	sshrl.u32 s14, $0x3  }
0x11d: {  	s18 =	simm.s32 $0xFD00;
	s19 =	sadd.s32 s6, s28;
	s0 =	sadd.s32 s4, s0  }
0x11e: {  	[hbm4b:s0+s5] =	stream.linear.scatter [tilespmem:s18], [sflag:$0x4], $0x2000, $0x38;
	[tilespmem:$0x1FD00] =	vst v63  }
0x11f: {  	s0 =	sshrl.u32 s19, $0x3  }
0x120: {  	s20 =	sadd.s32 s4, s0;
	s0 =	smul.u32 $0x6, s16;
	_ =	sdelay $0x1  }
0x121: {  	s19 =	rddreg [dreg:$0x7];
	s21 =	sadd.s32 s3, s0  }
0x122: {  	s11 =	simm.s32 $0x11D00;
	s18 =	sadd.s32 s19, s28;
	s14 =	smulhi.u32 $0x51EB851F, s21  }
0x123: {  	[hbm4b:s20+s5] =	stream.linear.scatter [tilespmem:s11], [sflag:$0x4], $0x2000, $0x38;
	[tilespmem:$0x1FD00] =	vst v63  }
0x124: {  	s18 =	sshrl.u32 s18, $0x3;
	s14 =	sshrl.u32 s14, $0x5  }
0x125: {  	s20 =	simm.s32 $0x7D00;
	s18 =	sadd.s32 s2, s18;
	s19 =	smul.u32 $0x64, s14  }
0x126: {  	[tilespmem:s20], [sflag:$0x2] =	stream.linear.gather [hbm4b:s18+s5], $0x2000, $0x38;
	[tilespmem:$0x1FD00] =	vst v63  }
0x127: {  	s10 =	ssub.s32 s21, s19  }
0x128: {  	s14 =	smul.u32 $0xC8000, s14;
	s10 =	sshll.u32 s10, $0xD  }
0x129: {  	s11 =	sadd.s32 s0, s3;
	s21 =	sand.u32 $0xF8000, s10  }
0x12a: {  	s20 =	sadd.s32 $0x1, s11;
	s10 =	sand.u32 $0x6000, s10;
	s14 =	sadd.s32 s21, s14  }
0x12b: {  	s21 =	smulhi.u32 $0x51EB851F, s20;
	s10 =	sor.u32 s10, s14  }
0x12c: {  	_ =	swait.ge [sflag:s22], $0x2000;
	s10 =	sadd.s32 $0x1900000, s10  }
0x12d: {  	[sflag:s22] =	ssyncset.done $0x0;
	s14 =	sshrl.u32 s21, $0x5;
	s10 =	sshrl.u32 s10, $0x3  }
0x12e: {  	[sflag:s22] =	ssyncadd.s32 $0xFFFFE000;
	s11 =	smul.u32 $0x64, s14;
	s10 =	sadd.s32 s4, s10  }
0x12f: {  	[hbm4b:s10+s5] =	stream.linear.scatter [tilespmem:s15], [sflag:$0x8], $0x2000, $0x38;
	[tilespmem:$0x1FD00] =	vst v63  }
0x130: {  	s18 =	ssub.s32 s20, s11  }
0x131: {  	s14 =	smul.u32 $0xC8000, s14;
	s10 =	sshll.u32 s18, $0xD  }
0x132: {  	s19 =	sand.u32 $0xF8000, s10  }
0x133: {  	s10 =	sand.u32 $0x6000, s10;
	s14 =	sadd.s32 s14, s19  }
0x134: {  	s20 =	sadd.s32 s0, s8;
	s18 =	simm.s32 @!p6 $0x9;
	s10 =	sor.u32 s10, s14  }
0x135: {  	s21 =	smulhi.u32 $0x51EB851F, s20;
	_ =	swait.ge @!p6 [sflag:s18], $0x2000;
	s14 =	sadd.s32 $0xC8000, s10  }
0x136: {  	[sflag:s18] =	ssyncset.done @!p6 $0x0;
	s14 =	sshrl.u32 s14, $0x3  }
0x137: {  	[sflag:s18] =	ssyncadd.s32 @!p6 $0xFFFFE000;
	s18 =	sshrl.u32 s21, $0x5;
	s14 =	sadd.s32 s2, s14  }
0x138: {  	[tilespmem:s23], [sflag:$0x7] =	stream.linear.gather [hbm4b:s14+s5], $0x2000, $0x38;
	[tilespmem:$0x1FD00] =	vst v63  }
0x139: {  	s10 =	sadd.s32 $0x1900000, s10;
	s11 =	smul.u32 $0x64, s18;
	_ =	swait.ge [sflag:s7], $0x2000  }
0x13a: {  	s10 =	sshrl.u32 s10, $0x3;
	[sflag:s7] =	ssyncset.done $0x0  }
0x13b: {  	s10 =	sadd.s32 s4, s10;
	s14 =	ssub.s32 s20, s11;
	[sflag:s7] =	ssyncadd.s32 $0xFFFFE000  }
0x13c: {  	[hbm4b:s10+s5] =	stream.linear.scatter [tilespmem:s23], [sflag:$0x9], $0x2000, $0x38;
	[tilespmem:$0x1FD00] =	vst v63  }
0x13d: {  	s19 =	smul.u32 $0xC8000, s18;
	s10 =	sshll.u32 s14, $0xD  }
0x13e: {  	s20 =	sand.u32 $0xF8000, s10  }
0x13f: {  	s10 =	sand.u32 $0x6000, s10;
	s14 =	sadd.s32 s19, s20  }
0x140: {  	s10 =	sor.u32 s10, s14  }
0x141: {  	_ =	swait.ge [sflag:s24], $0x2000;
	s14 =	sadd.s32 $0xC8000, s10  }
0x142: {  	s0 =	sadd.s32 s0, s12;
	[sflag:s24] =	ssyncset.done $0x0;
	s14 =	sshrl.u32 s14, $0x3  }
0x143: {  	s21 =	smulhi.u32 $0x51EB851F, s0;
	[sflag:s24] =	ssyncadd.s32 $0xFFFFE000;
	s14 =	sadd.s32 s2, s14  }
0x144: {  	[tilespmem:s15], [sflag:$0x6] =	stream.linear.gather [hbm4b:s14+s5], $0x2000, $0x38;
	[tilespmem:$0x1FD00] =	vst v63  }
0x145: {  	s14 =	sshrl.u32 s21, $0x5  }
0x146: {  	s10 =	sadd.s32 $0x1900000, s10;
	_ =	swait.ge [sflag:s22], $0x2000;
	s11 =	smul.u32 $0x64, s14  }
0x147: {  	s10 =	sshrl.u32 s10, $0x3;
	[sflag:s22] =	ssyncset.done $0x0  }
0x148: {  	s10 =	sadd.s32 s4, s10;
	[sflag:s22] =	ssyncadd.s32 $0xFFFFE000;
	s0 =	ssub.s32 s0, s11  }
0x149: {  	[hbm4b:s10+s5] =	stream.linear.scatter [tilespmem:s15], [sflag:$0x8], $0x2000, $0x38;
	[tilespmem:$0x1FD00] =	vst v63  }
0x14a: {  	s14 =	smul.u32 $0xC8000, s14;
	s0 =	sshll.u32 s0, $0xD  }
0x14b: {  	s18 =	sand.u32 $0xF8000, s0  }
0x14c: {  	s0 =	sand.u32 $0x6000, s0;
	s10 =	sadd.s32 s18, s14  }
0x14d: {  	s0 =	sor.u32 s0, s10  }
0x14e: {  	_ =	swait.ge [sflag:s25], $0x2000;
	s0 =	sadd.s32 $0xC8000, s0  }
0x14f: {  	[sflag:s25] =	ssyncset.done $0x0;
	s0 =	sshrl.u32 s0, $0x3  }
0x150: {  	[sflag:s25] =	ssyncadd.s32 $0xFFFFE000;
	s0 =	sadd.s32 s2, s0  }
0x151: {  	[tilespmem:s23], [sflag:$0x7] =	stream.linear.gather [hbm4b:s0+s5], $0x2000, $0x38;
	[tilespmem:$0x1FD00] =	vst v63  }
0x152: {  	_ =	swait.ge [sflag:s26], $0x2000  }
0x153: {  	[sflag:s26] =	ssyncset.done $0x0  }
0x154: {  	s0 =	simm.s32 @!p6 $0x5;
	[sflag:s26] =	ssyncadd.s32 $0xFFFFE000  }
0x155: {  	_ =	swait.ge @!p6 [sflag:s0], $0x2000  }
0x156: {  	[sflag:s0] =	ssyncset.done @!p6 $0x0  }
0x157: {  	[sflag:s0] =	ssyncadd.s32 @!p6 $0xFFFFE000  }
0x158: {  	_ =	swait.ge @!p6 [sflag:s0], $0x2000  }
0x159: {  	[sflag:s0] =	ssyncset.done @!p6 $0x0  }
0x15a: {  	[sflag:s0] =	ssyncadd.s32 @!p6 $0xFFFFE000  }
0x15b: {  	_ =	swait.ge @!p6 [sflag:s0], $0x2000  }
0x15c: {  	[sflag:s0] =	ssyncset.done @!p6 $0x0  }
0x15d: {  	s19 =	simm.s32 $0x0;
	[sflag:s0] =	ssyncadd.s32 @!p6 $0xFFFFE000  }
0x15e: {  	s20 =	sand.u32 $0x1C00, s19;
	s21 =	sand.u32 $0x380, s19;
	_ =	swait.ge @!p6 [sflag:s0], $0x2000  }
0x15f: {  	s14 =	sor.u32 s21, s20;
	s10 =	sand.u32 $0x40, s19;
	[sflag:s0] =	ssyncset.done @!p6 $0x0  }
0x160: {  	s30 =	sor.u32 s10, s14;
	[sflag:s0] =	ssyncadd.s32 @!p6 $0xFFFFE000  }
0x161: {  	v4 =	vld [tilespmem:s30+$0x9D10]  }
0x162: {  	v5 =	vld [tilespmem:s30+$0x9D20];
	_ =	sdelay $0x2  }
0x163: {  	v6 =	vld [tilespmem:s30+$0x9D00]  }
0x164: {  	v4 =	vmul.f32 $2.550000000e+02, v4  }
0x165: {  	v5 =	vmul.f32 $2.550000000e+02, v5  }
0x166: {  	v7 =	vadd.f32 $8.388608000e+06, v4  }
0x167: {  	s11 =	simm.s32 $0x200;
	s14 =	simm.s32 $0x8;
	v8 =	vadd.f32 $8.388608000e+06, v5  }
0x168: {  	s18 =	simm.s32 $0x40;
	s10 =	sand.u32 $0x380, s14;
	s0 =	sand.u32 $0x1C00, s11;
	v6 =	vmul.f32 $2.550000000e+02, v6;
	v4 =	vadd.s32 v7, v0  }
0x169: {  	s14 =	sand.u32 $0x40, s18;
	s0 =	sor.u32 s10, s0;
	v5 =	vadd.s32 v8, v0  }
0x16a: {  	v9 =	vld [tilespmem:s30+$0x9D30];
	s0 =	sor.u32 s14, s0;
	v10 =	vadd.f32 $8.388608000e+06, v6  }
0x16b: {  	v11 =	vld [tilespmem:s0+$0x9D00]  }
0x16c: {  	v13 =	vld [tilespmem:s0+$0x9D10];
	v6 =	vadd.s32 v10, v0  }
0x16d: {  	v4 =	vld.idx.msk [tilespmem:v4+s5+$0x0], $0xffff  }
0x16e: {  	v12 =	vadd.s32 v7, v1;
	v5 =	vld.idx.msk [tilespmem:v5+s5+$0x0], $0xffff  }
0x16f: {  	v15 =	vld [tilespmem:s0+$0x9D20];
	v9 =	vmul.f32 $2.550000000e+02, v9;
	v14 =	vadd.s32 v8, v1;
	_ =	sdelay $0x1  }
0x170: {  	v9 =	vadd.f32 $8.388608000e+06, v9;
	v6 =	vld.idx.msk [tilespmem:v6+s5+$0x0], $0xffff  }
0x171: {  	v16 =	vadd.s32 v10, v1;
	[tilespmem:s30+$0x13D10] =	vst v4;
	v4 =	vmul.f32 $2.550000000e+02, v11  }
0x172: {  	[tilespmem:s30+$0x13D20] =	vst v5;
	v5 =	vmul.f32 $2.550000000e+02, v13;
	v11 =	vld.idx.msk [tilespmem:v12+s5+$0x0], $0xffff;
	v12 =	vadd.s32 v9, v0  }
0x173: {  	v13 =	vld.idx.msk [tilespmem:v14+s5+$0x0], $0xffff;
	v14 =	vmul.f32 $2.550000000e+02, v15;
	v15 =	vadd.s32 v7, v2;
	v4 =	vadd.f32 $8.388608000e+06, v4  }
0x174: {  	v17 =	vadd.s32 v8, v2;
	v18 =	vadd.f32 $8.388608000e+06, v5  }
0x175: {  	v19 =	vld [tilespmem:s0+$0x9D30];
	[tilespmem:s30+$0x13D00] =	vst v6;
	v5 =	vadd.f32 $8.388608000e+06, v14;
	v6 =	vadd.s32 v4, v0  }
0x176: {  	v14 =	vld.idx.msk [tilespmem:v16+s5+$0x0], $0xffff;
	v16 =	vadd.s32 v18, v0  }
0x177: {  	v20 =	vadd.s32 v5, v0;
	v12 =	vld.idx.msk [tilespmem:v12+s5+$0x0], $0xffff;
	[tilespmem:s30+$0x15D10] =	vst v11  }
0x178: {  	[tilespmem:s30+$0x15D20] =	vst v13;
	v13 =	vadd.s32 v9, v1;
	v11 =	vld.idx.msk [tilespmem:v15+s5+$0x0], $0xffff  }
0x179: {  	v15 =	vadd.s32 v10, v2;
	v17 =	vld.idx.msk [tilespmem:v17+s5+$0x0], $0xffff  }
0x17a: {  	v58 =	vld.idx.msk [tilespmem:v6+s5+$0x0], $0xffff  }
0x17b: {  	s20 =	simm.s32 $0x10;
	s19 =	simm.s32 $0x400;
	v6 =	vadd.s32 v7, v3;
	v7 =	vld.idx.msk [tilespmem:v16+s5+$0x0], $0xffff  }
0x17c: {  	s18 =	simm.s32 $0x80;
	s10 =	sand.u32 $0x1C00, s19;
	s14 =	sand.u32 $0x380, s20;
	v16 =	vld.idx.msk [tilespmem:v20+s5+$0x0], $0xffff;
	[tilespmem:s30+$0x13D30] =	vst v12  }
0x17d: {  	s21 =	sand.u32 $0x40, s18;
	s10 =	sor.u32 s14, s10;
	[tilespmem:s30+$0x15D00] =	vst v14;
	v12 =	vld.idx.msk [tilespmem:v13+s5+$0x0], $0xffff  }
0x17e: {  	s14 =	sor.u32 s21, s10;
	v13 =	vld.idx.msk [tilespmem:v15+s5+$0x0], $0xffff  }
0x17f: {  	v22 =	vadd.s32 v5, v1;
	[tilespmem:s30+$0x17D10] =	vst v11;
	v15 =	vld [tilespmem:s14+$0x9D00]  }
0x180: {  	v20 =	vadd.s32 v18, v1;
	v11 =	vld.idx.msk [tilespmem:v6+s5+$0x0], $0xffff  }
0x181: {  	v14 =	vadd.s32 v9, v2;
	[tilespmem:s30+$0x17D20] =	vst v17;
	v6 =	vmul.f32 $2.550000000e+02, v19;
	v19 =	vld [tilespmem:s14+$0x9D10]  }
0x182: {  	v23 =	vld [tilespmem:s14+$0x9D20];
	v24 =	vadd.s32 v8, v3;
	[tilespmem:s0+$0x13D10] =	vst v7  }
0x183: {  	v25 =	vld [tilespmem:s14+$0x9D30];
	v26 =	vadd.s32 v10, v3;
	[tilespmem:s0+$0x13D20] =	vst v16  }
0x184: {  	v6 =	vadd.f32 $8.388608000e+06, v6;
	v17 =	vld.idx.msk [tilespmem:v22+s5+$0x0], $0xffff;
	[tilespmem:s30+$0x15D30] =	vst v12;
	v12 =	vadd.s32 v4, v1  }
0x185: {  	v60 =	vadd.s32 v5, v2;
	v7 =	vmul.f32 $2.550000000e+02, v15;
	v15 =	vld.idx.msk [tilespmem:v20+s5+$0x0], $0xffff  }
0x186: {  	[tilespmem:s0+$0x13D00] =	vst v58;
	v14 =	vld.idx.msk [tilespmem:v14+s5+$0x0], $0xffff;
	v16 =	vadd.s32 v6, v0;
	v10 =	vmul.f32 $2.550000000e+02, v19  }
0x187: {  	v9 =	vadd.s32 v9, v3;
	v59 =	vld.idx.msk [tilespmem:v24+s5+$0x0], $0xffff;
	[tilespmem:s30+$0x17D00] =	vst v13;
	v8 =	vadd.f32 $8.388608000e+06, v7;
	v19 =	vmul.f32 $2.550000000e+02, v23  }
0x188: {  	v20 =	vadd.s32 v18, v2;
	v61 =	vld.idx.msk [tilespmem:v26+s5+$0x0], $0xffff;
	[tilespmem:s30+$0x19D10] =	vst v11;
	v7 =	vadd.f32 $8.388608000e+06, v10  }
0x189: {  	v11 =	vadd.s32 v8, v0;
	v10 =	vadd.f32 $8.388608000e+06, v19;
	[tilespmem:s0+$0x15D20] =	vst v17;
	v12 =	vld.idx.msk [tilespmem:v12+s5+$0x0], $0xffff  }
0x18a: {  	[tilespmem:s0+$0x15D10] =	vst v15;
	v15 =	vld.idx.msk [tilespmem:v60+s5+$0x0], $0xffff;
	v13 =	vadd.s32 v7, v0  }
0x18b: {  	v62 =	vld.idx.msk [tilespmem:v16+s5+$0x0], $0xffff;
	[tilespmem:s30+$0x17D30] =	vst v14;
	v63 =	vadd.s32 v10, v0  }
0x18c: {  	v19 =	vadd.s32 v6, v1;
	v16 =	vld.idx.msk [tilespmem:v9+s5+$0x0], $0xffff  }
0x18d: {  	[tilespmem:s30+$0x19D20] =	vst v59;
	v17 =	vadd.s32 v4, v2;
	v14 =	vld.idx.msk [tilespmem:v20+s5+$0x0], $0xffff  }
0x18e: {  	v18 =	vadd.s32 v18, v3;
	[tilespmem:s30+$0x19D00] =	vst v61;
	v9 =	vmul.f32 $2.550000000e+02, v25;
	v11 =	vld.idx.msk [tilespmem:v11+s5+$0x0], $0xffff  }
0x18f: {  	s29 =	sor.u32 $0x1, s29;
	[tilespmem:s0+$0x15D00] =	vst v12;
	v13 =	vld.idx.msk [tilespmem:v13+s5+$0x0], $0xffff  }
0x190: {  	s19 =	simm.s32 $0x8;
	s20 =	simm.s32 $0x600;
	s21 =	simm.s32 $0x18;
	v9 =	vadd.f32 $8.388608000e+06, v9;
	v12 =	vld.idx.msk [tilespmem:v63+s5+$0x0], $0xffff;
	[tilespmem:s0+$0x13D30] =	vst v62  }
.LBB2_5:
0x191: {  	s10 =	sand.u32 $0x1C00, s20;
	s11 =	sand.u32 $0x380, s21;
	s18 =	sadd.s32 $0x40, s18;
	v19 =	vld.idx.msk [tilespmem:v19+s5+$0x0], $0xffff;
	[tilespmem:s30+$0x19D30] =	vst v16  }
0x192: {  	s19 =	sadd.s32 $0x4, s19;
	s30 =	sand.u32 $0x40, s18;
	s10 =	sor.u32 s11, s10;
	v16 =	vld.idx.msk [tilespmem:v17+s5+$0x0], $0xffff;
	[tilespmem:s0+$0x17D10] =	vst v14  }
0x193: {  	p3 =	slt.u32 s19, $0x1FC;
	s10 =	sor.u32 s30, s10;
	v14 =	vld.idx.msk [tilespmem:v18+s5+$0x0], $0xffff;
	[tilespmem:s0+$0x17D20] =	vst v15;
	v15 =	vadd.s32 v6, v2;
	s30 =	smov.u32 s0  }
0x194: {  	v18 =	vadd.s32 v7, v1;
	s0 =	smov.u32 s14;
	v17 =	vld [tilespmem:s10+$0x9D00];
	s14 =	smov.u32 s10  }
0x195: {  	v21 =	vadd.s32 v10, v1;
	v20 =	vld [tilespmem:s14+$0x9D10]  }
0x196: {  	v23 =	vadd.s32 v5, v3;
	v5 =	vmov v10;
	v22 =	vld [tilespmem:s14+$0x9D20]  }
0x197: {  	v24 =	vadd.s32 v8, v1;
	v10 =	vld [tilespmem:s14+$0x9D30];
	[tilespmem:s30+$0x15D30] =	vst v19  }
0x198: {  	[tilespmem:s0+$0x13D10] =	vst v13;
	v13 =	vadd.s32 v4, v3;
	v15 =	vld.idx.msk [tilespmem:v15+s5+$0x0], $0xffff;
	v4 =	vmov v8  }
0x199: {  	v8 =	vmul.f32 $2.550000000e+02, v17;
	v17 =	vld.idx.msk [tilespmem:v18+s5+$0x0], $0xffff;
	[tilespmem:s0+$0x13D20] =	vst v12;
	v12 =	vadd.s32 v9, v0  }
0x19a: {  	v18 =	vmul.f32 $2.550000000e+02, v20;
	v19 =	vld.idx.msk [tilespmem:v21+s5+$0x0], $0xffff;
	[tilespmem:s30+$0x19D10] =	vst v14;
	v14 =	vadd.s32 v6, v3;
	v6 =	vmov v9  }
0x19b: {  	v8 =	vadd.f32 $8.388608000e+06, v8;
	v9 =	vmul.f32 $2.550000000e+02, v22;
	[tilespmem:s0+$0x13D00] =	vst v11;
	v11 =	vadd.s32 v7, v2;
	v20 =	vld.idx.msk [tilespmem:v23+s5+$0x0], $0xffff  }
0x19c: {  	v23 =	vadd.s32 v5, v2;
	v21 =	vadd.f32 $8.388608000e+06, v18;
	v18 =	vmul.f32 $2.550000000e+02, v10;
	v22 =	vld.idx.msk [tilespmem:v24+s5+$0x0], $0xffff;
	[tilespmem:s30+$0x17D00] =	vst v16  }
0x19d: {  	v24 =	vadd.s32 v8, v0;
	v10 =	vadd.f32 $8.388608000e+06, v9;
	v25 =	vld.idx.msk [tilespmem:v13+s5+$0x0], $0xffff  }
0x19e: {  	v13 =	vadd.s32 v21, v0;
	v9 =	vadd.f32 $8.388608000e+06, v18;
	v26 =	vld.idx.msk [tilespmem:v12+s5+$0x0], $0xffff;
	[tilespmem:s30+$0x17D30] =	vst v15  }
0x19f: {  	v12 =	vadd.s32 v10, v0;
	[tilespmem:s0+$0x15D10] =	vst v17;
	v16 =	vld.idx.msk [tilespmem:v14+s5+$0x0], $0xffff  }
.Ltmp3:
0x1a0: {  	v14 =	vld.idx.msk [tilespmem:v11+s5+$0x0], $0xffff;
	[tilespmem:s0+$0x15D20] =	vst v19;
	v19 =	vadd.s32 v6, v1;
	(pc) =	sbr.rel @p3 .LBB2_5-.Ltmp3, $4  }
0x1a1: {  	v17 =	vadd.s32 v4, v2;
	v15 =	vld.idx.msk [tilespmem:v23+s5+$0x0], $0xffff;
	[tilespmem:s30+$0x19D20] =	vst v20  }
0x1a2: {  	v18 =	vadd.s32 v7, v3;
	v7 =	vmov v21;
	v11 =	vld.idx.msk [tilespmem:v24+s5+$0x0], $0xffff;
	[tilespmem:s0+$0x15D00] =	vst v22  }
0x1a3: {  	v13 =	vld.idx.msk [tilespmem:v13+s5+$0x0], $0xffff;
	[tilespmem:s30+$0x19D00] =	vst v25  }
0x1a4: {  	s20 =	sadd.s32 $0x200, s20;
	s21 =	sadd.s32 $0x8, s21;
	v12 =	vld.idx.msk [tilespmem:v12+s5+$0x0], $0xffff;
	[tilespmem:s0+$0x13D30] =	vst v26  }
0x1a5: {  	v20 =	vadd.s32 v9, v0;
	_ =	sdelay $0x2  }
0x1a6: {  	[tilespmem:s30+$0x19D30] =	vst v16;
	v48 =	vadd.s32 v7, v1  }
0x1a7: {  	v19 =	vld.idx.msk [tilespmem:v19+s5+$0x0], $0xffff;
	[tilespmem:s0+$0x17D10] =	vst v14;
	v49 =	vadd.s32 v10, v1  }
0x1a8: {  	v50 =	vadd.s32 v8, v1;
	[tilespmem:s0+$0x17D20] =	vst v15;
	v20 =	vld.idx.msk [tilespmem:v20+s5+$0x0], $0xffff  }
0x1a9: {  	v51 =	vadd.s32 v9, v1;
	v17 =	vld.idx.msk [tilespmem:v17+s5+$0x0], $0xffff;
	[tilespmem:s14+$0x13D00] =	vst v11  }
0x1aa: {  	v5 =	vadd.s32 v5, v3;
	v18 =	vld.idx.msk [tilespmem:v18+s5+$0x0], $0xffff;
	[tilespmem:s14+$0x13D10] =	vst v13  }
0x1ab: {  	v52 =	vadd.s32 v6, v2;
	[tilespmem:s14+$0x13D20] =	vst v12;
	v16 =	vld.idx.msk [tilespmem:v48+s5+$0x0], $0xffff  }
0x1ac: {  	v53 =	vadd.s32 v7, v2;
	[tilespmem:s0+$0x15D30] =	vst v19;
	v12 =	vld.idx.msk [tilespmem:v49+s5+$0x0], $0xffff  }
0x1ad: {  	v55 =	vadd.s32 v10, v2;
	v54 =	vld.idx.msk [tilespmem:v50+s5+$0x0], $0xffff;
	[tilespmem:s14+$0x13D30] =	vst v20  }
0x1ae: {  	v56 =	vadd.s32 v8, v2;
	[tilespmem:s0+$0x17D00] =	vst v17;
	v19 =	vld.idx.msk [tilespmem:v51+s5+$0x0], $0xffff  }
0x1af: {  	v57 =	vadd.s32 v9, v2;
	v5 =	vld.idx.msk [tilespmem:v5+s5+$0x0], $0xffff;
	[tilespmem:s0+$0x19D10] =	vst v18  }
0x1b0: {  	v4 =	vadd.s32 v4, v3;
	v13 =	vld.idx.msk [tilespmem:v52+s5+$0x0], $0xffff;
	[tilespmem:s14+$0x15D10] =	vst v16  }
0x1b1: {  	v58 =	vadd.s32 v6, v3;
	[tilespmem:s14+$0x15D20] =	vst v12;
	v11 =	vld.idx.msk [tilespmem:v53+s5+$0x0], $0xffff  }
0x1b2: {  	v59 =	vadd.s32 v7, v3;
	[tilespmem:s14+$0x15D00] =	vst v54;
	v12 =	vld.idx.msk [tilespmem:v55+s5+$0x0], $0xffff  }
0x1b3: {  	v60 =	vadd.s32 v10, v3;
	v14 =	vld.idx.msk [tilespmem:v56+s5+$0x0], $0xffff;
	[tilespmem:s14+$0x15D30] =	vst v19  }
0x1b4: {  	v61 =	vadd.s32 v8, v3;
	[tilespmem:s0+$0x19D20] =	vst v5;
	v62 =	vld.idx.msk [tilespmem:v57+s5+$0x0], $0xffff  }
0x1b5: {  	v4 =	vld.idx.msk [tilespmem:v4+s5+$0x0], $0xffff;
	v5 =	vadd.s32 v9, v3;
	[tilespmem:s0+$0x17D30] =	vst v13  }
0x1b6: {  	v6 =	vld.idx.msk [tilespmem:v58+s5+$0x0], $0xffff;
	[tilespmem:s14+$0x17D10] =	vst v11  }
0x1b7: {  	[tilespmem:s14+$0x17D20] =	vst v12;
	v7 =	vld.idx.msk [tilespmem:v59+s5+$0x0], $0xffff  }
0x1b8: {  	[tilespmem:s14+$0x17D00] =	vst v14;
	v63 =	vld.idx.msk [tilespmem:v60+s5+$0x0], $0xffff  }
0x1b9: {  	v8 =	vld.idx.msk [tilespmem:v61+s5+$0x0], $0xffff;
	[tilespmem:s14+$0x17D30] =	vst v62  }
0x1ba: {  	[tilespmem:s0+$0x19D00] =	vst v4;
	v4 =	vld.idx.msk [tilespmem:v5+s5+$0x0], $0xffff  }
0x1bb: {  	[tilespmem:s0+$0x19D30] =	vst v6  }
0x1bc: {  	s30 =	sshll.u32 s29, $0xF;
	[tilespmem:s14+$0x19D10] =	vst v7  }
0x1bd: {  	s10 =	sadd.s32 s9, s30;
	[tilespmem:s14+$0x19D20] =	vst v63  }
0x1be: {  	s10 =	sshrl.u32 s10, $0x3;
	[tilespmem:s14+$0x19D00] =	vst v8  }
0x1bf: {  	s11 =	simm.s32 $0x13D00;
	s10 =	sadd.s32 s4, s10;
	[tilespmem:s14+$0x19D30] =	vst v4;
	s14 =	sadd.s32 s31, s30  }
0x1c0: {  	[hbm4b:s10+s5] =	stream.linear.scatter [tilespmem:s11], [sflag:$0x5], $0x2000, $0x38;
	[tilespmem:$0x1FD00] =	vst v63  }
0x1c1: {  	s18 =	simm.s32 $0x15D00;
	s10 =	sshrl.u32 s14, $0x3  }
0x1c2: {  	s19 =	sadd.s32 s1, s30;
	s0 =	sadd.s32 s6, s30;
	s10 =	sadd.s32 s4, s10  }
0x1c3: {  	[hbm4b:s10+s5] =	stream.linear.scatter [tilespmem:s18], [sflag:$0x5], $0x2000, $0x38;
	[tilespmem:$0x1FD00] =	vst v63  }
0x1c4: {  	s20 =	simm.s32 $0x17D00;
	s0 =	sshrl.u32 s0, $0x3;
	s10 =	sshrl.u32 s19, $0x3  }
0x1c5: {  	s21 =	sadd.s32 s4, s0;
	s0 =	smul.u32 $0x3, s29;
	s10 =	sadd.s32 s4, s10  }
0x1c6: {  	[hbm4b:s10+s5] =	stream.linear.scatter [tilespmem:s20], [sflag:$0x5], $0x2000, $0x38;
	[tilespmem:$0x1FD00] =	vst v63  }
0x1c7: {  	s29 =	simm.s32 $0x19D00;
	s30 =	sadd.s32 s3, s0  }
0x1c8: {  	[hbm4b:s21+s5] =	stream.linear.scatter [tilespmem:s29], [sflag:$0x5], $0x2000, $0x38;
	[tilespmem:$0x1FD00] =	vst v63  }
0x1c9: {  	p3 =	seq.s32 s16, $0xB;
	s11 =	rddreg [dreg:$0x8];
	s21 =	smulhi.u32 $0x51EB851F, s30  }
0x1ca: {  	s11 =	sadd.s32 @!p3 s11, s28  }
0x1cb: {  	s11 =	sshrl.u32 @!p3 s11, $0x3;
	s18 =	simm.s32 @!p3 $0x0;
	s14 =	sshrl.u32 s21, $0x5  }
0x1cc: {  	s19 =	simm.s32 @!p3 $0x9D00;
	s11 =	sadd.s32 @!p3 s2, s11;
	s20 =	smul.u32 $0x64, s14  }
0x1cd: {  	[tilespmem:s19], [sflag:$0x3] =	stream.linear.gather @!p3 [hbm4b:s11+s18], $0x2000, $0x38;
	[tilespmem:$0x1FD00] =	vst v63  }
0x1ce: {  	s10 =	ssub.s32 s30, s20  }
0x1cf: {  	s28 =	smul.u32 $0xC8000, s14;
	s30 =	sadd.s32 s0, s13;
	s10 =	sshll.u32 s10, $0xD  }
0x1d0: {  	s18 =	smulhi.u32 $0x51EB851F, s30;
	s29 =	sand.u32 $0xF8000, s10  }
0x1d1: {  	s10 =	sand.u32 $0x6000, s10;
	s11 =	sadd.s32 s29, s28  }
0x1d2: {  	s10 =	sor.u32 s10, s11;
	s11 =	sshrl.u32 s18, $0x5  }
0x1d3: {  	_ =	swait.ge [sflag:s7], $0x2000;
	s10 =	sadd.s32 $0x1900000, s10;
	s19 =	smul.u32 $0x64, s11  }
0x1d4: {  	[sflag:s7] =	ssyncset.done $0x0;
	s10 =	sshrl.u32 s10, $0x3  }
0x1d5: {  	[sflag:s7] =	ssyncadd.s32 $0xFFFFE000;
	s10 =	sadd.s32 s4, s10;
	s20 =	ssub.s32 s30, s19  }
0x1d6: {  	[hbm4b:s10+s5] =	stream.linear.scatter [tilespmem:s23], [sflag:$0x9], $0x2000, $0x38;
	[tilespmem:$0x1FD00] =	vst v63  }
0x1d7: {  	s11 =	smul.u32 $0xC8000, s11;
	s10 =	sshll.u32 s20, $0xD  }
0x1d8: {  	s21 =	sand.u32 $0xF8000, s10  }
0x1d9: {  	s10 =	sand.u32 $0x6000, s10;
	s11 =	sadd.s32 s11, s21  }
0x1da: {  	s28 =	sadd.s32 s0, s8;
	s10 =	sor.u32 s10, s11  }
0x1db: {  	s29 =	smulhi.u32 $0x51EB851F, s28;
	_ =	swait.ge [sflag:s24], $0x2000;
	s11 =	sadd.s32 $0xC8000, s10  }
0x1dc: {  	[sflag:s24] =	ssyncset.done $0x0;
	s11 =	sshrl.u32 s11, $0x3  }
0x1dd: {  	s14 =	sshrl.u32 s29, $0x5;
	[sflag:s24] =	ssyncadd.s32 $0xFFFFE000;
	s11 =	sadd.s32 s2, s11  }
0x1de: {  	[tilespmem:s15], [sflag:$0x6] =	stream.linear.gather [hbm4b:s11+s5], $0x2000, $0x38;
	[tilespmem:$0x1FD00] =	vst v63  }
0x1df: {  	s30 =	smul.u32 $0x64, s14;
	s10 =	sadd.s32 $0x1900000, s10;
	_ =	swait.ge [sflag:s22], $0x2000  }
0x1e0: {  	s10 =	sshrl.u32 s10, $0x3;
	[sflag:s22] =	ssyncset.done $0x0  }
0x1e1: {  	s18 =	ssub.s32 s28, s30;
	s10 =	sadd.s32 s4, s10;
	[sflag:s22] =	ssyncadd.s32 $0xFFFFE000  }
0x1e2: {  	[hbm4b:s10+s5] =	stream.linear.scatter [tilespmem:s15], [sflag:$0x8], $0x2000, $0x38;
	[tilespmem:$0x1FD00] =	vst v63  }
0x1e3: {  	s19 =	smul.u32 $0xC8000, s14;
	s10 =	sshll.u32 s18, $0xD  }
0x1e4: {  	s20 =	sand.u32 $0xF8000, s10  }
0x1e5: {  	s10 =	sand.u32 $0x6000, s10;
	s11 =	sadd.s32 s19, s20  }
0x1e6: {  	s10 =	sor.u32 s10, s11  }
0x1e7: {  	_ =	swait.ge [sflag:s25], $0x2000;
	s11 =	sadd.s32 $0xC8000, s10  }
0x1e8: {  	s0 =	sadd.s32 s0, s12;
	[sflag:s25] =	ssyncset.done $0x0;
	s11 =	sshrl.u32 s11, $0x3  }
0x1e9: {  	s21 =	smulhi.u32 $0x51EB851F, s0;
	[sflag:s25] =	ssyncadd.s32 $0xFFFFE000;
	s11 =	sadd.s32 s2, s11  }
0x1ea: {  	[tilespmem:s23], [sflag:$0x7] =	stream.linear.gather [hbm4b:s11+s5], $0x2000, $0x38;
	[tilespmem:$0x1FD00] =	vst v63  }
0x1eb: {  	s11 =	sshrl.u32 s21, $0x5  }
0x1ec: {  	s10 =	sadd.s32 $0x1900000, s10;
	_ =	swait.ge [sflag:s7], $0x2000;
	s28 =	smul.u32 $0x64, s11  }
0x1ed: {  	s10 =	sshrl.u32 s10, $0x3;
	[sflag:s7] =	ssyncset.done $0x0  }
0x1ee: {  	s10 =	sadd.s32 s4, s10;
	[sflag:s7] =	ssyncadd.s32 $0xFFFFE000;
	s0 =	ssub.s32 s0, s28  }
0x1ef: {  	[hbm4b:s10+s5] =	stream.linear.scatter [tilespmem:s23], [sflag:$0x9], $0x2000, $0x38;
	[tilespmem:$0x1FD00] =	vst v63  }
0x1f0: {  	s29 =	smul.u32 $0xC8000, s11;
	s0 =	sshll.u32 s0, $0xD  }
0x1f1: {  	s16 =	sadd.s32 $0x1, s16;
	s30 =	sand.u32 $0xF8000, s0  }
0x1f2: {  	p3 =	sne.s32 s16, $0xC;
	s0 =	sand.u32 $0x6000, s0;
	s10 =	sadd.s32 s30, s29  }
.Ltmp4:
0x1f3: {  	s0 =	sor.u32 s0, s10;
	(pc) =	sbr.rel @p3 .LBB2_2-.Ltmp4, $4  }
0x1f4: {  	_ =	swait.ge [sflag:s24], $0x2000;
	s0 =	sadd.s32 $0xC8000, s0  }
0x1f5: {  	[sflag:s24] =	ssyncset.done $0x0;
	s0 =	sshrl.u32 s0, $0x3  }
0x1f6: {  	[sflag:s24] =	ssyncadd.s32 $0xFFFFE000;
	s0 =	sadd.s32 s2, s0  }
0x1f7: {  	[tilespmem:s15], [sflag:$0x6] =	stream.linear.gather [hbm4b:s0+s5], $0x2000, $0x38;
	[tilespmem:$0x1FD00] =	vst v63  }
0x1f8: {  	_ =	swait.ge [sflag:s17], $0x2000  }
0x1f9: {  	[sflag:s17] =	ssyncset.done $0x0  }
0x1fa: {  	s28 =	simm.s32 $0x4;
	[sflag:s17] =	ssyncadd.s32 $0xFFFFE000  }
0x1fb: {  	_ =	swait.ge [sflag:s28], $0x2000  }
0x1fc: {  	[sflag:s28] =	ssyncset.done $0x0  }
0x1fd: {  	[sflag:s28] =	ssyncadd.s32 $0xFFFFE000  }
0x1fe: {  	_ =	swait.ge [sflag:s28], $0x2000  }
0x1ff: {  	[sflag:s28] =	ssyncset.done $0x0  }
0x200: {  	[sflag:s28] =	ssyncadd.s32 $0xFFFFE000  }
0x201: {  	_ =	swait.ge [sflag:s28], $0x2000  }
0x202: {  	[sflag:s28] =	ssyncset.done $0x0  }
0x203: {  	s0 =	simm.s32 $0x0;
	[sflag:s28] =	ssyncadd.s32 $0xFFFFE000  }
0x204: {  	s10 =	sand.u32 $0x1C00, s0;
	s11 =	sand.u32 $0x380, s0;
	_ =	swait.ge [sflag:s28], $0x2000  }
0x205: {  	s0 =	sand.u32 $0x40, s0;
	s10 =	sor.u32 s11, s10;
	[sflag:s28] =	ssyncset.done $0x0  }
0x206: {  	s14 =	sor.u32 s0, s10;
	[sflag:s28] =	ssyncadd.s32 $0xFFFFE000  }
0x207: {  	v4 =	vld [tilespmem:s14+$0x7D10]  }
0x208: {  	v5 =	vld [tilespmem:s14+$0x7D20];
	_ =	sdelay $0x2  }
0x209: {  	v6 =	vld [tilespmem:s14+$0x7D00]  }
0x20a: {  	v4 =	vmul.f32 $2.550000000e+02, v4  }
0x20b: {  	v5 =	vmul.f32 $2.550000000e+02, v5  }
0x20c: {  	v7 =	vadd.f32 $8.388608000e+06, v4  }
0x20d: {  	s19 =	simm.s32 $0x200;
	s20 =	simm.s32 $0x8;
	v8 =	vadd.f32 $8.388608000e+06, v5  }
0x20e: {  	s21 =	simm.s32 $0x40;
	s0 =	sand.u32 $0x1C00, s19;
	s10 =	sand.u32 $0x380, s20;
	v6 =	vmul.f32 $2.550000000e+02, v6;
	v4 =	vadd.s32 v7, v0  }
0x20f: {  	s11 =	sand.u32 $0x40, s21;
	s0 =	sor.u32 s10, s0;
	v5 =	vadd.s32 v8, v0  }
0x210: {  	s0 =	sor.u32 s11, s0;
	v9 =	vld [tilespmem:s14+$0x7D30];
	v10 =	vadd.f32 $8.388608000e+06, v6  }
0x211: {  	v11 =	vld [tilespmem:s0+$0x7D00]  }
0x212: {  	v13 =	vld [tilespmem:s0+$0x7D10];
	v6 =	vadd.s32 v10, v0  }
0x213: {  	v4 =	vld.idx.msk [tilespmem:v4+s5+$0x0], $0xffff  }
0x214: {  	v12 =	vadd.s32 v7, v1;
	v5 =	vld.idx.msk [tilespmem:v5+s5+$0x0], $0xffff  }
0x215: {  	v15 =	vld [tilespmem:s0+$0x7D20];
	v9 =	vmul.f32 $2.550000000e+02, v9;
	v14 =	vadd.s32 v8, v1;
	_ =	sdelay $0x1  }
0x216: {  	v9 =	vadd.f32 $8.388608000e+06, v9;
	v6 =	vld.idx.msk [tilespmem:v6+s5+$0x0], $0xffff  }
0x217: {  	v16 =	vadd.s32 v10, v1;
	[tilespmem:s14+$0xBD10] =	vst v4;
	v4 =	vmul.f32 $2.550000000e+02, v11  }
0x218: {  	[tilespmem:s14+$0xBD20] =	vst v5;
	v5 =	vmul.f32 $2.550000000e+02, v13;
	v11 =	vld.idx.msk [tilespmem:v12+s5+$0x0], $0xffff;
	v12 =	vadd.s32 v9, v0  }
0x219: {  	v13 =	vld.idx.msk [tilespmem:v14+s5+$0x0], $0xffff;
	v14 =	vmul.f32 $2.550000000e+02, v15;
	v15 =	vadd.s32 v7, v2;
	v4 =	vadd.f32 $8.388608000e+06, v4  }
0x21a: {  	v17 =	vadd.s32 v8, v2;
	v18 =	vadd.f32 $8.388608000e+06, v5  }
0x21b: {  	v19 =	vld [tilespmem:s0+$0x7D30];
	[tilespmem:s14+$0xBD00] =	vst v6;
	v5 =	vadd.f32 $8.388608000e+06, v14;
	v6 =	vadd.s32 v4, v0  }
0x21c: {  	v14 =	vld.idx.msk [tilespmem:v16+s5+$0x0], $0xffff;
	v16 =	vadd.s32 v18, v0  }
0x21d: {  	v20 =	vadd.s32 v5, v0;
	v12 =	vld.idx.msk [tilespmem:v12+s5+$0x0], $0xffff;
	[tilespmem:s14+$0xDD10] =	vst v11  }
0x21e: {  	[tilespmem:s14+$0xDD20] =	vst v13;
	v13 =	vadd.s32 v9, v1;
	v11 =	vld.idx.msk [tilespmem:v15+s5+$0x0], $0xffff  }
0x21f: {  	v15 =	vadd.s32 v10, v2;
	v17 =	vld.idx.msk [tilespmem:v17+s5+$0x0], $0xffff  }
0x220: {  	v21 =	vld.idx.msk [tilespmem:v6+s5+$0x0], $0xffff  }
0x221: {  	s29 =	simm.s32 $0x400;
	s30 =	simm.s32 $0x10;
	v6 =	vadd.s32 v7, v3;
	v7 =	vld.idx.msk [tilespmem:v16+s5+$0x0], $0xffff  }
0x222: {  	s18 =	simm.s32 $0x80;
	s10 =	sand.u32 $0x1C00, s29;
	s11 =	sand.u32 $0x380, s30;
	v16 =	vld.idx.msk [tilespmem:v20+s5+$0x0], $0xffff;
	[tilespmem:s14+$0xBD30] =	vst v12  }
0x223: {  	s16 =	sand.u32 $0x40, s18;
	s10 =	sor.u32 s11, s10;
	[tilespmem:s14+$0xDD00] =	vst v14;
	v12 =	vld.idx.msk [tilespmem:v13+s5+$0x0], $0xffff  }
0x224: {  	s16 =	sor.u32 s16, s10;
	v13 =	vld.idx.msk [tilespmem:v15+s5+$0x0], $0xffff  }
0x225: {  	v22 =	vadd.s32 v5, v1;
	[tilespmem:s14+$0xFD10] =	vst v11;
	v15 =	vld [tilespmem:s16+$0x7D00]  }
0x226: {  	v20 =	vadd.s32 v18, v1;
	v11 =	vld.idx.msk [tilespmem:v6+s5+$0x0], $0xffff  }
0x227: {  	v14 =	vadd.s32 v9, v2;
	[tilespmem:s14+$0xFD20] =	vst v17;
	v6 =	vmul.f32 $2.550000000e+02, v19;
	v19 =	vld [tilespmem:s16+$0x7D10]  }
0x228: {  	v23 =	vld [tilespmem:s16+$0x7D20];
	v24 =	vadd.s32 v8, v3;
	[tilespmem:s0+$0xBD10] =	vst v7  }
0x229: {  	v25 =	vld [tilespmem:s16+$0x7D30];
	v26 =	vadd.s32 v10, v3;
	[tilespmem:s0+$0xBD20] =	vst v16  }
0x22a: {  	v6 =	vadd.f32 $8.388608000e+06, v6;
	v17 =	vld.idx.msk [tilespmem:v22+s5+$0x0], $0xffff;
	[tilespmem:s14+$0xDD30] =	vst v12;
	v12 =	vadd.s32 v4, v1  }
0x22b: {  	v60 =	vadd.s32 v5, v2;
	v7 =	vmul.f32 $2.550000000e+02, v15;
	v15 =	vld.idx.msk [tilespmem:v20+s5+$0x0], $0xffff  }
0x22c: {  	[tilespmem:s0+$0xBD00] =	vst v21;
	v14 =	vld.idx.msk [tilespmem:v14+s5+$0x0], $0xffff;
	v16 =	vadd.s32 v6, v0;
	v10 =	vmul.f32 $2.550000000e+02, v19  }
0x22d: {  	v9 =	vadd.s32 v9, v3;
	v59 =	vld.idx.msk [tilespmem:v24+s5+$0x0], $0xffff;
	[tilespmem:s14+$0xFD00] =	vst v13;
	v8 =	vadd.f32 $8.388608000e+06, v7;
	v19 =	vmul.f32 $2.550000000e+02, v23  }
0x22e: {  	v20 =	vadd.s32 v18, v2;
	v61 =	vld.idx.msk [tilespmem:v26+s5+$0x0], $0xffff;
	[tilespmem:s14+$0x11D10] =	vst v11;
	v7 =	vadd.f32 $8.388608000e+06, v10  }
0x22f: {  	v11 =	vadd.s32 v8, v0;
	v10 =	vadd.f32 $8.388608000e+06, v19;
	[tilespmem:s0+$0xDD20] =	vst v17;
	v12 =	vld.idx.msk [tilespmem:v12+s5+$0x0], $0xffff  }
0x230: {  	[tilespmem:s0+$0xDD10] =	vst v15;
	v15 =	vld.idx.msk [tilespmem:v60+s5+$0x0], $0xffff;
	v13 =	vadd.s32 v7, v0  }
0x231: {  	v62 =	vld.idx.msk [tilespmem:v16+s5+$0x0], $0xffff;
	[tilespmem:s14+$0xFD30] =	vst v14;
	v63 =	vadd.s32 v10, v0  }
0x232: {  	v19 =	vadd.s32 v6, v1;
	v16 =	vld.idx.msk [tilespmem:v9+s5+$0x0], $0xffff  }
0x233: {  	[tilespmem:s14+$0x11D20] =	vst v59;
	v17 =	vadd.s32 v4, v2;
	v14 =	vld.idx.msk [tilespmem:v20+s5+$0x0], $0xffff  }
0x234: {  	v18 =	vadd.s32 v18, v3;
	[tilespmem:s14+$0x11D00] =	vst v61;
	v9 =	vmul.f32 $2.550000000e+02, v25;
	v11 =	vld.idx.msk [tilespmem:v11+s5+$0x0], $0xffff  }
0x235: {  	[tilespmem:s0+$0xDD00] =	vst v12;
	v13 =	vld.idx.msk [tilespmem:v13+s5+$0x0], $0xffff  }
0x236: {  	s21 =	simm.s32 $0x18;
	s19 =	simm.s32 $0x8;
	s20 =	simm.s32 $0x600;
	v9 =	vadd.f32 $8.388608000e+06, v9;
	v12 =	vld.idx.msk [tilespmem:v63+s5+$0x0], $0xffff;
	[tilespmem:s0+$0xBD30] =	vst v62  }
.LBB2_8:
0x237: {  	s10 =	sand.u32 $0x1C00, s20;
	s11 =	sand.u32 $0x380, s21;
	s18 =	sadd.s32 $0x40, s18;
	v19 =	vld.idx.msk [tilespmem:v19+s5+$0x0], $0xffff;
	[tilespmem:s14+$0x11D30] =	vst v16  }
0x238: {  	s19 =	sadd.s32 $0x4, s19;
	s14 =	sand.u32 $0x40, s18;
	s10 =	sor.u32 s11, s10;
	v16 =	vld.idx.msk [tilespmem:v17+s5+$0x0], $0xffff;
	[tilespmem:s0+$0xFD10] =	vst v14  }
0x239: {  	p3 =	slt.u32 s19, $0x1FC;
	s10 =	sor.u32 s14, s10;
	v14 =	vld.idx.msk [tilespmem:v18+s5+$0x0], $0xffff;
	[tilespmem:s0+$0xFD20] =	vst v15;
	v15 =	vadd.s32 v6, v2;
	s14 =	smov.u32 s0  }
0x23a: {  	v18 =	vadd.s32 v7, v1;
	s0 =	smov.u32 s16;
	v17 =	vld [tilespmem:s10+$0x7D00];
	s16 =	smov.u32 s10  }
0x23b: {  	v21 =	vadd.s32 v10, v1;
	v20 =	vld [tilespmem:s16+$0x7D10]  }
0x23c: {  	v23 =	vadd.s32 v5, v3;
	v5 =	vmov v10;
	v22 =	vld [tilespmem:s16+$0x7D20]  }
0x23d: {  	v24 =	vadd.s32 v8, v1;
	v10 =	vld [tilespmem:s16+$0x7D30];
	[tilespmem:s14+$0xDD30] =	vst v19  }
0x23e: {  	[tilespmem:s0+$0xBD10] =	vst v13;
	v13 =	vadd.s32 v4, v3;
	v15 =	vld.idx.msk [tilespmem:v15+s5+$0x0], $0xffff;
	v4 =	vmov v8  }
0x23f: {  	v8 =	vmul.f32 $2.550000000e+02, v17;
	v17 =	vld.idx.msk [tilespmem:v18+s5+$0x0], $0xffff;
	[tilespmem:s0+$0xBD20] =	vst v12;
	v12 =	vadd.s32 v9, v0  }
0x240: {  	v18 =	vmul.f32 $2.550000000e+02, v20;
	v19 =	vld.idx.msk [tilespmem:v21+s5+$0x0], $0xffff;
	[tilespmem:s14+$0x11D10] =	vst v14;
	v14 =	vadd.s32 v6, v3;
	v6 =	vmov v9  }
0x241: {  	v8 =	vadd.f32 $8.388608000e+06, v8;
	v9 =	vmul.f32 $2.550000000e+02, v22;
	[tilespmem:s0+$0xBD00] =	vst v11;
	v11 =	vadd.s32 v7, v2;
	v20 =	vld.idx.msk [tilespmem:v23+s5+$0x0], $0xffff  }
0x242: {  	v23 =	vadd.s32 v5, v2;
	v21 =	vadd.f32 $8.388608000e+06, v18;
	v18 =	vmul.f32 $2.550000000e+02, v10;
	v22 =	vld.idx.msk [tilespmem:v24+s5+$0x0], $0xffff;
	[tilespmem:s14+$0xFD00] =	vst v16  }
0x243: {  	v24 =	vadd.s32 v8, v0;
	v10 =	vadd.f32 $8.388608000e+06, v9;
	v25 =	vld.idx.msk [tilespmem:v13+s5+$0x0], $0xffff  }
0x244: {  	v13 =	vadd.s32 v21, v0;
	v9 =	vadd.f32 $8.388608000e+06, v18;
	v26 =	vld.idx.msk [tilespmem:v12+s5+$0x0], $0xffff;
	[tilespmem:s14+$0xFD30] =	vst v15  }
0x245: {  	v12 =	vadd.s32 v10, v0;
	[tilespmem:s0+$0xDD10] =	vst v17;
	v16 =	vld.idx.msk [tilespmem:v14+s5+$0x0], $0xffff  }
.Ltmp5:
0x246: {  	v14 =	vld.idx.msk [tilespmem:v11+s5+$0x0], $0xffff;
	[tilespmem:s0+$0xDD20] =	vst v19;
	v19 =	vadd.s32 v6, v1;
	(pc) =	sbr.rel @p3 .LBB2_8-.Ltmp5, $4  }
0x247: {  	v17 =	vadd.s32 v4, v2;
	v15 =	vld.idx.msk [tilespmem:v23+s5+$0x0], $0xffff;
	[tilespmem:s14+$0x11D20] =	vst v20  }
0x248: {  	v18 =	vadd.s32 v7, v3;
	v7 =	vmov v21;
	v11 =	vld.idx.msk [tilespmem:v24+s5+$0x0], $0xffff;
	[tilespmem:s0+$0xDD00] =	vst v22  }
0x249: {  	v13 =	vld.idx.msk [tilespmem:v13+s5+$0x0], $0xffff;
	[tilespmem:s14+$0x11D00] =	vst v25  }
0x24a: {  	s20 =	sadd.s32 $0x200, s20;
	s21 =	sadd.s32 $0x8, s21;
	v12 =	vld.idx.msk [tilespmem:v12+s5+$0x0], $0xffff;
	[tilespmem:s0+$0xBD30] =	vst v26  }
0x24b: {  	v20 =	vadd.s32 v9, v0;
	_ =	sdelay $0x2  }
0x24c: {  	[tilespmem:s14+$0x11D30] =	vst v16;
	v48 =	vadd.s32 v7, v1  }
0x24d: {  	v19 =	vld.idx.msk [tilespmem:v19+s5+$0x0], $0xffff;
	[tilespmem:s0+$0xFD10] =	vst v14;
	v49 =	vadd.s32 v10, v1  }
0x24e: {  	v50 =	vadd.s32 v8, v1;
	[tilespmem:s0+$0xFD20] =	vst v15;
	v20 =	vld.idx.msk [tilespmem:v20+s5+$0x0], $0xffff  }
0x24f: {  	v51 =	vadd.s32 v9, v1;
	v17 =	vld.idx.msk [tilespmem:v17+s5+$0x0], $0xffff;
	[tilespmem:s16+$0xBD00] =	vst v11  }
0x250: {  	v5 =	vadd.s32 v5, v3;
	v18 =	vld.idx.msk [tilespmem:v18+s5+$0x0], $0xffff;
	[tilespmem:s16+$0xBD10] =	vst v13  }
0x251: {  	v52 =	vadd.s32 v6, v2;
	[tilespmem:s16+$0xBD20] =	vst v12;
	v16 =	vld.idx.msk [tilespmem:v48+s5+$0x0], $0xffff  }
0x252: {  	v53 =	vadd.s32 v7, v2;
	[tilespmem:s0+$0xDD30] =	vst v19;
	v12 =	vld.idx.msk [tilespmem:v49+s5+$0x0], $0xffff  }
0x253: {  	v55 =	vadd.s32 v10, v2;
	v54 =	vld.idx.msk [tilespmem:v50+s5+$0x0], $0xffff;
	[tilespmem:s16+$0xBD30] =	vst v20  }
0x254: {  	v56 =	vadd.s32 v8, v2;
	[tilespmem:s0+$0xFD00] =	vst v17;
	v19 =	vld.idx.msk [tilespmem:v51+s5+$0x0], $0xffff  }
0x255: {  	v57 =	vadd.s32 v9, v2;
	v5 =	vld.idx.msk [tilespmem:v5+s5+$0x0], $0xffff;
	[tilespmem:s0+$0x11D10] =	vst v18  }
0x256: {  	v4 =	vadd.s32 v4, v3;
	v13 =	vld.idx.msk [tilespmem:v52+s5+$0x0], $0xffff;
	[tilespmem:s16+$0xDD10] =	vst v16  }
0x257: {  	v58 =	vadd.s32 v6, v3;
	[tilespmem:s16+$0xDD20] =	vst v12;
	v11 =	vld.idx.msk [tilespmem:v53+s5+$0x0], $0xffff  }
0x258: {  	v59 =	vadd.s32 v7, v3;
	[tilespmem:s16+$0xDD00] =	vst v54;
	v12 =	vld.idx.msk [tilespmem:v55+s5+$0x0], $0xffff  }
0x259: {  	v60 =	vadd.s32 v10, v3;
	v14 =	vld.idx.msk [tilespmem:v56+s5+$0x0], $0xffff;
	[tilespmem:s16+$0xDD30] =	vst v19  }
0x25a: {  	v61 =	vadd.s32 v8, v3;
	[tilespmem:s0+$0x11D20] =	vst v5;
	v62 =	vld.idx.msk [tilespmem:v57+s5+$0x0], $0xffff  }
0x25b: {  	v4 =	vld.idx.msk [tilespmem:v4+s5+$0x0], $0xffff;
	v5 =	vadd.s32 v9, v3;
	[tilespmem:s0+$0xFD30] =	vst v13  }
0x25c: {  	v6 =	vld.idx.msk [tilespmem:v58+s5+$0x0], $0xffff;
	[tilespmem:s16+$0xFD10] =	vst v11  }
0x25d: {  	[tilespmem:s16+$0xFD20] =	vst v12;
	v7 =	vld.idx.msk [tilespmem:v59+s5+$0x0], $0xffff  }
0x25e: {  	[tilespmem:s16+$0xFD00] =	vst v14;
	v63 =	vld.idx.msk [tilespmem:v60+s5+$0x0], $0xffff  }
0x25f: {  	v8 =	vld.idx.msk [tilespmem:v61+s5+$0x0], $0xffff;
	[tilespmem:s16+$0xFD30] =	vst v62  }
0x260: {  	[tilespmem:s0+$0x11D00] =	vst v4;
	v4 =	vld.idx.msk [tilespmem:v5+s5+$0x0], $0xffff  }
0x261: {  	[tilespmem:s0+$0x11D30] =	vst v6  }
0x262: {  	[tilespmem:s16+$0x11D10] =	vst v7  }
0x263: {  	[tilespmem:s16+$0x11D20] =	vst v63  }
0x264: {  	[tilespmem:s16+$0x11D00] =	vst v8  }
0x265: {  	[tilespmem:s16+$0x11D30] =	vst v4  }
0x266: {  	s10 =	simm.s32 $0xBD00;
	s0 =	rddreg [dreg:$0x9]  }
0x267: {  	[hbm4b:s0+s5] =	stream.linear.scatter [tilespmem:s10], [sflag:$0x4], $0x2000, $0x38;
	[tilespmem:$0x1FD00] =	vst v63  }
0x268: {  	s21 =	simm.s32 $0xDD00;
	s20 =	rddreg [dreg:$0xa]  }
0x269: {  	[hbm4b:s20+s5] =	stream.linear.scatter [tilespmem:s21], [sflag:$0x4], $0x2000, $0x38;
	[tilespmem:$0x1FD00] =	vst v63  }
0x26a: {  	s30 =	simm.s32 $0xFD00;
	s29 =	rddreg [dreg:$0xb]  }
0x26b: {  	[hbm4b:s29+s5] =	stream.linear.scatter [tilespmem:s30], [sflag:$0x4], $0x2000, $0x38;
	[tilespmem:$0x1FD00] =	vst v63  }
0x26c: {  	s14 =	simm.s32 $0x11D00;
	s11 =	rddreg [dreg:$0xc]  }
0x26d: {  	[hbm4b:s11+s5] =	stream.linear.scatter [tilespmem:s14], [sflag:$0x4], $0x2000, $0x38;
	[tilespmem:$0x1FD00] =	vst v63  }
0x26e: {  	_ =	swait.ge [sflag:s22], $0x2000  }
0x26f: {  	[sflag:s22] =	ssyncset.done $0x0  }
0x270: {  	s16 =	rddreg [dreg:$0xd];
	[sflag:s22] =	ssyncadd.s32 $0xFFFFE000  }
0x271: {  	[hbm4b:s16+s5] =	stream.linear.scatter [tilespmem:s15], [sflag:$0x8], $0x2000, $0x38;
	[tilespmem:$0x1FD00] =	vst v63  }
0x272: {  	_ =	swait.ge [sflag:s25], $0x2000  }
0x273: {  	[sflag:s25] =	ssyncset.done $0x0  }
0x274: {  	s18 =	rddreg [dreg:$0xe];
	[sflag:s25] =	ssyncadd.s32 $0xFFFFE000  }
0x275: {  	[tilespmem:s23], [sflag:$0x7] =	stream.linear.gather [hbm4b:s18+s5], $0x2000, $0x38;
	[tilespmem:$0x1FD00] =	vst v63  }
0x276: {  	_ =	swait.ge [sflag:s7], $0x2000  }
0x277: {  	[sflag:s7] =	ssyncset.done $0x0  }
0x278: {  	s19 =	rddreg [dreg:$0xf];
	[sflag:s7] =	ssyncadd.s32 $0xFFFFE000  }
0x279: {  	[hbm4b:s19+s5] =	stream.linear.scatter [tilespmem:s23], [sflag:$0x9], $0x2000, $0x38;
	[tilespmem:$0x1FD00] =	vst v63  }
0x27a: {  	_ =	swait.ge [sflag:s24], $0x2000  }
0x27b: {  	[sflag:s24] =	ssyncset.done $0x0  }
0x27c: {  	s20 =	rddreg [dreg:$0x10];
	[sflag:s24] =	ssyncadd.s32 $0xFFFFE000  }
0x27d: {  	[tilespmem:s15], [sflag:$0x6] =	stream.linear.gather [hbm4b:s20+s5], $0x2000, $0x38;
	[tilespmem:$0x1FD00] =	vst v63  }
0x27e: {  	_ =	swait.ge [sflag:s22], $0x2000  }
0x27f: {  	[sflag:s22] =	ssyncset.done $0x0  }
0x280: {  	s21 =	rddreg [dreg:$0x11];
	[sflag:s22] =	ssyncadd.s32 $0xFFFFE000  }
0x281: {  	[hbm4b:s21+s5] =	stream.linear.scatter [tilespmem:s15], [sflag:$0x8], $0x2000, $0x38;
	[tilespmem:$0x1FD00] =	vst v63  }
0x282: {  	_ =	swait.ge [sflag:s25], $0x2000  }
0x283: {  	[sflag:s25] =	ssyncset.done $0x0  }
0x284: {  	s0 =	simm.s32 @!p0 $0x7;
	s29 =	rddreg [dreg:$0x12];
	[sflag:s25] =	ssyncadd.s32 $0xFFFFE000  }
0x285: {  	[tilespmem:s23], [sflag:$0x7] =	stream.linear.gather [hbm4b:s29+s5], $0x2000, $0x38;
	[tilespmem:$0x1FD00] =	vst v63  }
0x286: {  	_ =	swait.ge @!p0 [sflag:s0], $0x2000  }
0x287: {  	s10 =	simm.s32 @!p0 $0x1DD00;
	[sflag:s0] =	ssyncset.done @!p0 $0x0  }
0x288: {  	s11 =	rddreg [dreg:$0x13];
	[sflag:s0] =	ssyncadd.s32 @!p0 $0xFFFFE000;
	s0 =	simm.s32 @!p0 $0x0  }
0x289: {  	[hbm4b:s11+s0] =	stream.linear.scatter @!p0 [tilespmem:s10], [sflag:$0x9], $0x2000, $0x38;
	[tilespmem:$0x1FD00] =	vst v63  }
0x28a: {  	s0 =	simm.s32 @!p2 $0x8  }
0x28b: {  	_ =	swait.ge @!p2 [sflag:s0], $0x2000  }
0x28c: {  	s10 =	simm.s32 @!p2 $0x1BD00;
	[sflag:s0] =	ssyncset.done @!p2 $0x0  }
0x28d: {  	s11 =	rddreg [dreg:$0x14];
	[sflag:s0] =	ssyncadd.s32 @!p2 $0xFFFFE000;
	s0 =	simm.s32 @!p2 $0x0  }
0x28e: {  	[tilespmem:s10], [sflag:$0x6] =	stream.linear.gather @!p2 [hbm4b:s11+s0], $0x2000, $0x38;
	[tilespmem:$0x1FD00] =	vst v63  }
0x28f: {  	s11 =	simm.s32 @!p2 $0x6  }
0x290: {  	_ =	swait.ge @!p2 [sflag:s11], $0x2000  }
0x291: {  	[sflag:s11] =	ssyncset.done @!p2 $0x0  }
0x292: {  	[sflag:s11] =	ssyncadd.s32 @!p2 $0xFFFFE000;
	s11 =	rddreg [dreg:$0x15]  }
0x293: {  	[hbm4b:s11+s0] =	stream.linear.scatter @!p2 [tilespmem:s10], [sflag:$0x8], $0x2000, $0x38;
	[tilespmem:$0x1FD00] =	vst v63  }
0x294: {  	s0 =	simm.s32 @!p4 $0x9  }
0x295: {  	_ =	swait.ge @!p4 [sflag:s0], $0x2000  }
0x296: {  	s10 =	simm.s32 @!p4 $0x1DD00;
	[sflag:s0] =	ssyncset.done @!p4 $0x0  }
0x297: {  	s11 =	rddreg [dreg:$0x16];
	[sflag:s0] =	ssyncadd.s32 @!p4 $0xFFFFE000;
	s0 =	simm.s32 @!p4 $0x0  }
0x298: {  	[tilespmem:s10], [sflag:$0x7] =	stream.linear.gather @!p4 [hbm4b:s11+s0], $0x2000, $0x38;
	[tilespmem:$0x1FD00] =	vst v63  }
0x299: {  	s11 =	simm.s32 @!p4 $0x7  }
0x29a: {  	_ =	swait.ge @!p4 [sflag:s11], $0x2000  }
0x29b: {  	[sflag:s11] =	ssyncset.done @!p4 $0x0  }
0x29c: {  	[sflag:s11] =	ssyncadd.s32 @!p4 $0xFFFFE000;
	s11 =	rddreg [dreg:$0x17]  }
0x29d: {  	[hbm4b:s11+s0] =	stream.linear.scatter @!p4 [tilespmem:s10], [sflag:$0x9], $0x2000, $0x38;
	[tilespmem:$0x1FD00] =	vst v63  }
0x29e: {  	s0 =	simm.s32 @!p5 $0x8  }
0x29f: {  	_ =	swait.ge @!p5 [sflag:s0], $0x2000  }
0x2a0: {  	s10 =	simm.s32 @!p5 $0x1BD00;
	[sflag:s0] =	ssyncset.done @!p5 $0x0  }
0x2a1: {  	s11 =	rddreg [dreg:$0x18];
	[sflag:s0] =	ssyncadd.s32 @!p5 $0xFFFFE000;
	s0 =	simm.s32 @!p5 $0x0  }
0x2a2: {  	[tilespmem:s10], [sflag:$0x6] =	stream.linear.gather @!p5 [hbm4b:s11+s0], $0x2000, $0x38;
	[tilespmem:$0x1FD00] =	vst v63  }
0x2a3: {  	s11 =	simm.s32 @!p5 $0x6  }
0x2a4: {  	_ =	swait.ge @!p5 [sflag:s11], $0x2000  }
0x2a5: {  	s30 =	sld [smem:$0x7FA];
	_ =	sdelay $0x2  }
0x2a6: {  	p3 =	seq.s32 s30, $0x1  }
.Ltmp6:
0x2a7: {  	_ = 	snop;
	(pc) =	sbr.rel @p3 .LBB2_11-.Ltmp6, $4  }
0x2a8: {  	_ = 	snop  }
0x2a9: {  	[sflag:s11] =	ssyncset.done @!p5 $0x0;
	s14 =	sld [smem:$0x7F6]  }
0x2aa: {  	[sflag:s11] =	ssyncadd.s32 @!p5 $0xFFFFE000;
	s11 =	rddreg [dreg:$0x19]  }
0x2ab: {  	[hbm4b:s11+s0] =	stream.linear.scatter @!p5 [tilespmem:s10], [sflag:$0x8], $0x2000, $0x38;
	[tilespmem:$0x1FD00] =	vst v63  }
0x2ac: {  	_ =	swait.ge [sflag:s25], $0x2000  }
0x2ad: {  	[sflag:s25] =	ssyncset.done $0x0  }
0x2ae: {  	s0 =	rddreg [dreg:$0x1a];
	[sflag:s25] =	ssyncadd.s32 $0xFFFFE000  }
0x2af: {  	[tilespmem:s23], [sflag:$0x7] =	stream.linear.gather [hbm4b:s0+s5], $0x2000, $0x38;
	[tilespmem:$0x1FD00] =	vst v63  }
0x2b0: {  	_ =	swait.ge [sflag:s7], $0x2000  }
0x2b1: {  	[sflag:s7] =	ssyncset.done $0x0  }
0x2b2: {  	s0 =	simm.s32 @!p1 $0x8;
	s21 =	rddreg [dreg:$0x1b];
	[sflag:s7] =	ssyncadd.s32 $0xFFFFE000  }
0x2b3: {  	[hbm4b:s21+s5] =	stream.linear.scatter [tilespmem:s23], [sflag:$0x9], $0x2000, $0x38;
	[tilespmem:$0x1FD00] =	vst v63  }
0x2b4: {  	_ =	swait.ge @!p1 [sflag:s0], $0x2000  }
0x2b5: {  	s10 =	simm.s32 @!p1 $0x1BD00;
	[sflag:s0] =	ssyncset.done @!p1 $0x0  }
0x2b6: {  	s11 =	rddreg [dreg:$0x1c];
	[sflag:s0] =	ssyncadd.s32 @!p1 $0xFFFFE000;
	s0 =	simm.s32 @!p1 $0x0  }
0x2b7: {  	[tilespmem:s10], [sflag:$0x6] =	stream.linear.gather @!p1 [hbm4b:s11+s0], $0x2000, $0x38;
	[tilespmem:$0x1FD00] =	vst v63  }
0x2b8: {  	s11 =	simm.s32 @!p1 $0x6  }
0x2b9: {  	_ =	swait.ge @!p1 [sflag:s11], $0x2000  }
0x2ba: {  	[sflag:s11] =	ssyncset.done @!p1 $0x0;
	s29 =	sld [smem:$0x7F7]  }
0x2bb: {  	[sflag:s11] =	ssyncadd.s32 @!p1 $0xFFFFE000;
	s11 =	rddreg [dreg:$0x1d]  }
0x2bc: {  	[hbm4b:s11+s0] =	stream.linear.scatter @!p1 [tilespmem:s10], [sflag:$0x8], $0x2000, $0x38;
	[tilespmem:$0x1FD00] =	vst v63  }
0x2bd: {  	p3 =	seq.s32 s29, $0x1  }
0x2be: {  	s0 =	simm.s32 @!p3 $0x9  }
0x2bf: {  	_ =	swait.ge @!p3 [sflag:s0], $0x2000  }
0x2c0: {  	s10 =	simm.s32 @!p3 $0x1DD00;
	[sflag:s0] =	ssyncset.done @!p3 $0x0  }
0x2c1: {  	s11 =	rddreg [dreg:$0x1e];
	[sflag:s0] =	ssyncadd.s32 @!p3 $0xFFFFE000;
	s0 =	simm.s32 @!p3 $0x0  }
0x2c2: {  	[tilespmem:s10], [sflag:$0x7] =	stream.linear.gather @!p3 [hbm4b:s11+s0], $0x2000, $0x38;
	[tilespmem:$0x1FD00] =	vst v63  }
0x2c3: {  	s11 =	simm.s32 @!p3 $0x7  }
0x2c4: {  	_ =	swait.ge @!p3 [sflag:s11], $0x2000  }
0x2c5: {  	[sflag:s11] =	ssyncset.done @!p3 $0x0;
	s30 =	sld [smem:$0x7FC]  }
0x2c6: {  	[sflag:s11] =	ssyncadd.s32 @!p3 $0xFFFFE000;
	s11 =	rddreg [dreg:$0x1f]  }
0x2c7: {  	[hbm4b:s11+s0] =	stream.linear.scatter @!p3 [tilespmem:s10], [sflag:$0x9], $0x2000, $0x38;
	[tilespmem:$0x1FD00] =	vst v63  }
0x2c8: {  	p3 =	seq.s32 s30, $0x1  }
0x2c9: {  	s0 =	simm.s32 @!p3 $0x8  }
.Ltmp7:
0x2ca: {  	_ =	swait.ge @!p3 [sflag:s0], $0x2000;
	(pc) =	sbr.rel .LBB2_11-.Ltmp7, $4  }
0x2cb: {  	s11 =	sld [smem:$0x7F8]  }
0x2cc: {  	[sflag:s0] =	ssyncset.done @!p3 $0x0  }
0x2cd: {  	s10 =	simm.s32 @!p3 $0x1BD00;
	[sflag:s0] =	ssyncadd.s32 @!p3 $0xFFFFE000;
	s0 =	simm.s32 @!p3 $0x0  }
0x2ce: {  	[tilespmem:s10], [sflag:$0x6] =	stream.linear.gather @!p3 [hbm4b:s11+s0], $0x2000, $0x38;
	[tilespmem:$0x1FD00] =	vst v63  }
.LBB2_12:
0x2cf: {  	_ =	sfence.sel $0x180000  }
0x2d0: {  	[bflag:$0x0] =	sbarrier.arrive $0xFFFF  }
0x2d1: {  	_ =	strace $0x90000047  }
0x2d2: {  	s0 =	stileid.u32;
	[bflag:$0x2] =	sbarrier.arrive $0xFFFF  }
0x2d3: {  	p0 =	sne.s32 s0, $0x0;
	s0 =	rddreg [dreg:$0x3]  }
0x2d4: {  	s0 =	sadd.s32 @!p0 $0x100000, s0  }
0x2d5: {  	[sflag:s0] =	ssyncadd.tile.s32 @!p0 $0x1;
	_ =	shalt  }
.Lfunc_end2:
_tile_overlayer_lowered:
.L_overlay_start_2:
0x2d6: {  	(tag) =	ssettag $0x2  }
0x2d7: {  	s0 =	rddreg [dreg:$0x0];
	s2 =	stileid.u32  }
0x2d8: {  	s1 =	rddreg [dreg:$0x1];
	p0 =	sne.s32 s2, $0x0  }
0x2d9: {  	s3 =	rddreg [dreg:$0x2];
	[bflag:$0x3] =	sbarrier.arrive $0xFFFF;
	s2 =	simm.s32 @!p0 $0x1C0A  }
0x2da: {  	[timem:s3], [sflag:s2] =	dma.local @!p0 [hbm:s0], s1  }
0x2db: {  	s0 =	simm.s32 @!p0 $0xA  }
0x2dc: {  	_ =	swait.ge @!p0 [sflag:s0], s1  }
0x2dd: {  	s1 =	ssub.s32 @!p0 $0x0, s1;
	[sflag:s0] =	ssyncset.done @!p0 $0x0  }
0x2de: {  	[sflag:s0] =	ssyncadd.s32 @!p0 s1  }
0x2df: {  	[bflag:$0x3] =	sbarrier.arrive $0xFFFF  }
0x2e0: {  	_ =	shalt  }

</sc_bundles>
